<compile_context>
chip_gen: v7x
topology: tpu7x:2x2x1
jax: 0.10.2.dev20260603
libtpu: 0.0.44.dev20260713+nightly
codegen_flags: <defaults>
</compile_context>

<pallas_src>
import functools

import jax
import jax.numpy as jnp
from jax import lax
from jax.experimental import pallas as pl
from jax.experimental.pallas import tpu as pltpu
from jax.experimental.pallas import tpu_sc as plsc

N, E, D, H = 10000, 320000, 128, 16
NC, NS = 2, 16
NW = NC * NS
EV = E // NW
GROUP = 400
G = EV // GROUP
NBUF = 4
NSLOT = 2 * NBUF
GLOOP = 24
NPAD = 10112
ZR = NPAD // NS


N8 = N // 8
NPAD8 = NPAD // 8


def _blockdiag8(w_ref, k):
    return jnp.concatenate(
        [jnp.pad(w_ref[...], ((0, 0), (16 * j, 112 - 16 * j)))
         for j in range(8)], axis=0)


def _mm1_body(x_ref, w_ref, o_ref):
    o_ref[...] = jnp.dot(x_ref[...], _blockdiag8(w_ref, D),
                         preferred_element_type=jnp.float32,
                         precision=jax.lax.Precision.HIGHEST)


def _mlp2_body(y_ref, p_ref, w2_ref, b1_ref, b2_ref, eps_ref, o_ref):
    b1t = jnp.concatenate([b1_ref[...]] * 8, axis=1)
    b2t = jnp.concatenate([b2_ref[...]] * 8, axis=1)
    h = ((1.0 + eps_ref[...]) * y_ref[...]
         + p_ref[0, :N8] + p_ref[1, :N8] + b1t)
    h = jnp.maximum(h, 0.0)
    h = jnp.dot(h, _blockdiag8(w2_ref, H), preferred_element_type=jnp.float32,
                precision=jax.lax.Precision.HIGHEST) + b2t
    o_ref[...] = jnp.maximum(h, 0.0)


@functools.partial(
    pl.kernel,
    mesh=plsc.VectorSubcoreMesh(core_axis_name="c", subcore_axis_name="s"),
    out_type=jax.ShapeDtypeStruct((NC, NPAD8, 8 * H), jnp.float32),
    compiler_params=pltpu.CompilerParams(use_tc_tiling_on_sc=False),
    scratch_types=[
        pltpu.VMEM((G, GROUP), jnp.int32),
        pltpu.VMEM((G, GROUP), jnp.int32),
        pltpu.VMEM((NSLOT, GROUP, H), jnp.float32),
        pltpu.VMEM((125, 8 * H), jnp.float32),
        pltpu.VMEM((1000, H), jnp.float32),
        pltpu.VMEM_SHARED((NPAD, H), jnp.float32),
        pltpu.VMEM_SHARED((N, H), jnp.float32),
        pltpu.SemaphoreType.DMA((NSLOT,)),
        pltpu.SemaphoreType.DMA((NSLOT,)),
        pltpu.SemaphoreType.DMA,
    ],
)
def _sc_scatter(y_hbm, ei_hbm, zero_hbm, out_hbm,
                src_v, dst_v, rows_v, t128_v, t16_v, agg_sh, y_sh,
                sem_g, sem_s, sem_i):
    cid = lax.axis_index("c")
    sid = lax.axis_index("s")
    wid = sid * NC + cid
    ebase = wid * EV
    for g in range(G):
        pltpu.async_copy(ei_hbm.at[0, pl.ds(ebase + g * GROUP, GROUP)],
                         src_v.at[g], sem_i)
        pltpu.async_copy(ei_hbm.at[1, pl.ds(ebase + g * GROUP, GROUP)],
                         dst_v.at[g], sem_i)
    pltpu.sync_copy(zero_hbm.at[pl.ds(sid * ZR, ZR)],
                    agg_sh.at[pl.ds(sid * ZR, ZR)])

    @pl.when(sid < 10)
    def _():
        pltpu.sync_copy(y_hbm.at[pl.ds(sid * 125, 125)], t128_v)

        def repack(r5, carry):
            for i in range(5):
                for j in range(8):
                    r = 5 * r5 + i
                    t16_v[8 * r + j, :] = t128_v[r, 16 * j:16 * (j + 1)]
            return carry

        lax.fori_loop(0, 25, repack, 0)
        pltpu.sync_copy(t16_v, y_sh.at[pl.ds(sid * 1000, 1000)])

    for g in range(G):
        pltpu.make_async_copy(ei_hbm.at[0, pl.ds(ebase + g * GROUP, GROUP)],
                              src_v.at[g], sem_i).wait()
        pltpu.make_async_copy(ei_hbm.at[1, pl.ds(ebase + g * GROUP, GROUP)],
                              dst_v.at[g], sem_i).wait()
    plsc.subcore_barrier()

    def body(it, carry):
        for p in range(2):
            base = (2 * it + p) * NBUF
            for b in range(NBUF):
                slot = p * NBUF + b

                @pl.when(it > 0)
                def _():
                    pltpu.make_async_copy(
                        rows_v.at[slot], agg_sh.at[dst_v.at[base + b]],
                        sem_s.at[slot]).wait()

                pltpu.async_copy(y_sh.at[src_v.at[base + b]],
                                 rows_v.at[slot], sem_g.at[slot])
            for b in range(NBUF):
                slot = p * NBUF + b
                pltpu.make_async_copy(y_sh.at[src_v.at[base + b]],
                                      rows_v.at[slot], sem_g.at[slot]).wait()
                pltpu.async_copy(rows_v.at[slot],
                                 agg_sh.at[dst_v.at[base + b]],
                                 sem_s.at[slot], add=True)
        return carry

    lax.fori_loop(0, GLOOP // (2 * NBUF), body, 0)
    for slot in range(NSLOT):
        g_last = GLOOP - NSLOT + slot
        pltpu.make_async_copy(rows_v.at[slot], agg_sh.at[dst_v.at[g_last]],
                              sem_s.at[slot]).wait()
    pltpu.async_copy(y_sh.at[src_v.at[GLOOP]], rows_v.at[0],
                     sem_g.at[0]).wait()
    pltpu.sync_copy(rows_v.at[0], agg_sh.at[dst_v.at[GLOOP]], add=True)
    plsc.subcore_barrier()
    pltpu.sync_copy(agg_sh.at[pl.ds(sid * ZR, ZR)], t16_v.at[pl.ds(0, ZR)])

    def repack_out(r, carry):
        for j in range(8):
            t128_v[r, 16 * j:16 * (j + 1)] = t16_v[8 * r + j, :]
        return carry

    lax.fori_loop(0, ZR // 8, repack_out, 0)
    pltpu.sync_copy(t128_v.at[pl.ds(0, ZR // 8)],
                    out_hbm.at[cid, pl.ds(sid * (ZR // 8), ZR // 8)])


def kernel(x, edge_index, W1, b1, W2, b2, eps):
    x8 = x.reshape(N8, 8 * D)
    y8 = pl.pallas_call(
        _mm1_body,
        out_shape=jax.ShapeDtypeStruct((N8, 8 * H), jnp.float32),
    )(x8, W1)

    zeros = jnp.zeros((NPAD, H), jnp.float32)
    parts = _sc_scatter(y8, edge_index, zeros)

    out8 = pl.pallas_call(
        _mlp2_body,
        out_shape=jax.ShapeDtypeStruct((N8, 8 * H), jnp.float32),
    )(y8, parts, W2, b1.reshape(1, H), b2.reshape(1, H), eps.reshape(1, 1))
    return out8.reshape(N, H)

# --- scband reference (transcript-rebuilt; emitter-appended) ---
"""Pipeline reference for scband-sub-complex-low-conv-6227702579780 (READ-ONLY COPY).

The authoritative reference and input builder live on the scoring server;
editing this copy changes nothing except your own understanding.
"""

import jax, jax.numpy as jnp
import numpy as np

N, E, D, H = 10000, 320000, 128, 16

def setup_inputs(seed: int = 0) -> dict:
    key = jax.random.key(seed)
    ks = jax.random.split(key, 6)
    x = jax.random.normal(ks[0], (N, D), dtype=jnp.float32)
    edge_index = jax.random.randint(ks[1], (2, E), 0, N, dtype=jnp.int32)
    W1 = jax.random.normal(ks[2], (D, H), dtype=jnp.float32) * (1.0 / np.sqrt(D))
    b1 = jnp.zeros((H,), dtype=jnp.float32)
    W2 = jax.random.normal(ks[3], (H, H), dtype=jnp.float32) * (1.0 / np.sqrt(H))
    b2 = jnp.zeros((H,), dtype=jnp.float32)
    eps = jnp.zeros((), dtype=jnp.float32)  # GINConv train_eps initial value
    return {"x": x, "edge_index": edge_index, "W1": W1, "b1": b1, "W2": W2, "b2": b2, "eps": eps}

def reference(x, edge_index, W1, b1, W2, b2, eps):
    # GINConv: out = MLP((1 + eps) * x_i + sum_{j in N(i)} x_j)
    src = edge_index[0]
    dst = edge_index[1]
    # gather source-node features, scatter-add into destination nodes
    agg = jnp.zeros_like(x).at[dst].add(x[src])
    h = (1.0 + eps) * x + agg
    # MLP: Linear(D, H) -> ReLU -> Linear(H, H) -> ReLU (no batch norm)
    h = jax.nn.relu(h @ W1 + b1)
    h = jax.nn.relu(h @ W2 + b2)
    return h

if __name__ == "__main__":
    import jax
    _d = setup_inputs()
    print(jax.jit(kernel)(*tuple(_d.values())))

</pallas_src>

<mosaic_0001>
#map = affine_map<(d0, d1) -> (0, 0)>
#map1 = affine_map<(d0, d1) -> (0, 0, 0)>
module attributes {stable_mosaic.version = 14 : i64} {
  func.func @_sc_scatter(%arg0: i32, %arg1: i32, %arg2: memref<1250x128xf32, #tpu.memory_space<hbm>>, %arg3: memref<2x320000xi32, #tpu.memory_space<hbm>>, %arg4: memref<10112x16xf32, #tpu.memory_space<hbm>>, %arg5: memref<2x1264x128xf32, #tpu.memory_space<hbm>>, %arg6: memref<25x400xi32, #tpu.memory_space<vmem>>, %arg7: memref<25x400xi32, #tpu.memory_space<vmem>>, %arg8: memref<8x400x16xf32, #tpu.memory_space<vmem>>, %arg9: memref<125x128xf32, #tpu.memory_space<vmem>>, %arg10: memref<1000x16xf32, #tpu.memory_space<vmem>>, %arg11: memref<10112x16xf32, #tpu.memory_space<vmem_shared>>, %arg12: memref<10000x16xf32, #tpu.memory_space<vmem_shared>>, %arg13: memref<8x!tpu.dma_semaphore, #tpu.memory_space<semaphore_mem>>, %arg14: memref<8x!tpu.dma_semaphore, #tpu.memory_space<semaphore_mem>>, %arg15: memref<!tpu.dma_semaphore, #tpu.memory_space<semaphore_mem>>) attributes {dimension_semantics = [#tpu.dimension_semantics<core_parallel>, #tpu.dimension_semantics<subcore_parallel>], iteration_bounds = array<i64: 2, 16>, scalar_prefetch = 0 : i64, scratch_operands = 10 : i64, tpu.core_type = #tpu.core_type<sc_vector_subcore>, window_params = [{transform_indices = #map}, {transform_indices = #map}, {transform_indices = #map}, {transform_indices = #map1}]} {
    %mul3A = arith.constant 2 : i32
    %mul3A_0 = arith.muli %arg1, %mul3A : i32
    %add3A = arith.addi %mul3A_0, %arg0 : i32
    %mul3A_1 = arith.constant 10000 : i32
    %mul3A_2 = arith.muli %add3A, %mul3A_1 : i32
    %add3A_3 = arith.constant 0 : i32
    %add3A_4 = arith.addi %mul3A_2, %add3A_3 : i32
    %dma_start3A = arith.constant 0 : i32
    %dma_start3A_5 = arith.constant 0 : i32
    %dma_start3A_6 = arith.constant 0 : i32
    %dma_start3A_7 = tpu.memref_slice %arg6[%dma_start3A_5, %dma_start3A_6] : memref<25x400xi32, #tpu.memory_space<vmem>> -> memref<1x400xi32, #tpu.memory_space<vmem>>
    %dma_start3A_8 = tpu.memref_squeeze %dma_start3A_7 : memref<1x400xi32, #tpu.memory_space<vmem>> -> memref<400xi32, #tpu.memory_space<vmem>>
    %dma_start3A_9 = tpu.memref_slice %arg3[%dma_start3A, %add3A_4] : memref<2x320000xi32, #tpu.memory_space<hbm>> -> memref<1x400xi32, #tpu.memory_space<hbm>>
    %dma_start3A_10 = tpu.memref_squeeze %dma_start3A_9 : memref<1x400xi32, #tpu.memory_space<hbm>> -> memref<400xi32, #tpu.memory_space<hbm>>
    %dma_start3A_11 = arith.constant 0 : i32
    %dma_start3A_12 = tpu.memref_slice %arg6[%dma_start3A_5, %dma_start3A_11] : memref<25x400xi32, #tpu.memory_space<vmem>> -> memref<1x400xi32, #tpu.memory_space<vmem>>
    %dma_start3A_13 = tpu.memref_squeeze %dma_start3A_12 : memref<1x400xi32, #tpu.memory_space<vmem>> -> memref<400xi32, #tpu.memory_space<vmem>>
    %dma_start3A_14 = tpu.memref_slice %arg3[%dma_start3A, %add3A_4] : memref<2x320000xi32, #tpu.memory_space<hbm>> -> memref<1x400xi32, #tpu.memory_space<hbm>>
    %dma_start3A_15 = tpu.memref_squeeze %dma_start3A_14 : memref<1x400xi32, #tpu.memory_space<hbm>> -> memref<400xi32, #tpu.memory_space<hbm>>
    tpu.enqueue_dma source(%dma_start3A_15 : memref<400xi32, #tpu.memory_space<hbm>>) target(%dma_start3A_13 : memref<400xi32, #tpu.memory_space<vmem>>) target_semaphore(%arg15 : memref<!tpu.dma_semaphore, #tpu.memory_space<semaphore_mem>>)
    %add3A_16 = arith.constant 0 : i32
    %add3A_17 = arith.addi %mul3A_2, %add3A_16 : i32
    %dma_start3A_18 = arith.constant 1 : i32
    %dma_start3A_19 = arith.constant 0 : i32
    %dma_start3A_20 = arith.constant 0 : i32
    %dma_start3A_21 = tpu.memref_slice %arg7[%dma_start3A_19, %dma_start3A_20] : memref<25x400xi32, #tpu.memory_space<vmem>> -> memref<1x400xi32, #tpu.memory_space<vmem>>
    %dma_start3A_22 = tpu.memref_squeeze %dma_start3A_21 : memref<1x400xi32, #tpu.memory_space<vmem>> -> memref<400xi32, #tpu.memory_space<vmem>>
    %dma_start3A_23 = tpu.memref_slice %arg3[%dma_start3A_18, %add3A_17] : memref<2x320000xi32, #tpu.memory_space<hbm>> -> memref<1x400xi32, #tpu.memory_space<hbm>>
    %dma_start3A_24 = tpu.memref_squeeze %dma_start3A_23 : memref<1x400xi32, #tpu.memory_space<hbm>> -> memref<400xi32, #tpu.memory_space<hbm>>
    %dma_start3A_25 = arith.constant 0 : i32
    %dma_start3A_26 = tpu.memref_slice %arg7[%dma_start3A_19, %dma_start3A_25] : memref<25x400xi32, #tpu.memory_space<vmem>> -> memref<1x400xi32, #tpu.memory_space<vmem>>
    %dma_start3A_27 = tpu.memref_squeeze %dma_start3A_26 : memref<1x400xi32, #tpu.memory_space<vmem>> -> memref<400xi32, #tpu.memory_space<vmem>>
    %dma_start3A_28 = tpu.memref_slice %arg3[%dma_start3A_18, %add3A_17] : memref<2x320000xi32, #tpu.memory_space<hbm>> -> memref<1x400xi32, #tpu.memory_space<hbm>>
    %dma_start3A_29 = tpu.memref_squeeze %dma_start3A_28 : memref<1x400xi32, #tpu.memory_space<hbm>> -> memref<400xi32, #tpu.memory_space<hbm>>
    tpu.enqueue_dma source(%dma_start3A_29 : memref<400xi32, #tpu.memory_space<hbm>>) target(%dma_start3A_27 : memref<400xi32, #tpu.memory_space<vmem>>) target_semaphore(%arg15 : memref<!tpu.dma_semaphore, #tpu.memory_space<semaphore_mem>>)
    %add3A_30 = arith.constant 400 : i32
    %add3A_31 = arith.addi %mul3A_2, %add3A_30 : i32
    %dma_start3A_32 = arith.constant 0 : i32
    %dma_start3A_33 = arith.constant 1 : i32
    %dma_start3A_34 = arith.constant 0 : i32
    %dma_start3A_35 = tpu.memref_slice %arg6[%dma_start3A_33, %dma_start3A_34] : memref<25x400xi32, #tpu.memory_space<vmem>> -> memref<1x400xi32, #tpu.memory_space<vmem>>
    %dma_start3A_36 = tpu.memref_squeeze %dma_start3A_35 : memref<1x400xi32, #tpu.memory_space<vmem>> -> memref<400xi32, #tpu.memory_space<vmem>>
    %dma_start3A_37 = tpu.memref_slice %arg3[%dma_start3A_32, %add3A_31] : memref<2x320000xi32, #tpu.memory_space<hbm>> -> memref<1x400xi32, #tpu.memory_space<hbm>>
    %dma_start3A_38 = tpu.memref_squeeze %dma_start3A_37 : memref<1x400xi32, #tpu.memory_space<hbm>> -> memref<400xi32, #tpu.memory_space<hbm>>
    %dma_start3A_39 = arith.constant 0 : i32
    %dma_start3A_40 = tpu.memref_slice %arg6[%dma_start3A_33, %dma_start3A_39] : memref<25x400xi32, #tpu.memory_space<vmem>> -> memref<1x400xi32, #tpu.memory_space<vmem>>
    %dma_start3A_41 = tpu.memref_squeeze %dma_start3A_40 : memref<1x400xi32, #tpu.memory_space<vmem>> -> memref<400xi32, #tpu.memory_space<vmem>>
    %dma_start3A_42 = tpu.memref_slice %arg3[%dma_start3A_32, %add3A_31] : memref<2x320000xi32, #tpu.memory_space<hbm>> -> memref<1x400xi32, #tpu.memory_space<hbm>>
    %dma_start3A_43 = tpu.memref_squeeze %dma_start3A_42 : memref<1x400xi32, #tpu.memory_space<hbm>> -> memref<400xi32, #tpu.memory_space<hbm>>
    tpu.enqueue_dma source(%dma_start3A_43 : memref<400xi32, #tpu.memory_space<hbm>>) target(%dma_start3A_41 : memref<400xi32, #tpu.memory_space<vmem>>) target_semaphore(%arg15 : memref<!tpu.dma_semaphore, #tpu.memory_space<semaphore_mem>>)
    %add3A_44 = arith.constant 400 : i32
    %add3A_45 = arith.addi %mul3A_2, %add3A_44 : i32
    %dma_start3A_46 = arith.constant 1 : i32
    %dma_start3A_47 = arith.constant 1 : i32
    %dma_start3A_48 = arith.constant 0 : i32
    %dma_start3A_49 = tpu.memref_slice %arg7[%dma_start3A_47, %dma_start3A_48] : memref<25x400xi32, #tpu.memory_space<vmem>> -> memref<1x400xi32, #tpu.memory_space<vmem>>
    %dma_start3A_50 = tpu.memref_squeeze %dma_start3A_49 : memref<1x400xi32, #tpu.memory_space<vmem>> -> memref<400xi32, #tpu.memory_space<vmem>>
    %dma_start3A_51 = tpu.memref_slice %arg3[%dma_start3A_46, %add3A_45] : memref<2x320000xi32, #tpu.memory_space<hbm>> -> memref<1x400xi32, #tpu.memory_space<hbm>>
    %dma_start3A_52 = tpu.memref_squeeze %dma_start3A_51 : memref<1x400xi32, #tpu.memory_space<hbm>> -> memref<400xi32, #tpu.memory_space<hbm>>
    %dma_start3A_53 = arith.constant 0 : i32
    %dma_start3A_54 = tpu.memref_slice %arg7[%dma_start3A_47, %dma_start3A_53] : memref<25x400xi32, #tpu.memory_space<vmem>> -> memref<1x400xi32, #tpu.memory_space<vmem>>
    %dma_start3A_55 = tpu.memref_squeeze %dma_start3A_54 : memref<1x400xi32, #tpu.memory_space<vmem>> -> memref<400xi32, #tpu.memory_space<vmem>>
    %dma_start3A_56 = tpu.memref_slice %arg3[%dma_start3A_46, %add3A_45] : memref<2x320000xi32, #tpu.memory_space<hbm>> -> memref<1x400xi32, #tpu.memory_space<hbm>>
    %dma_start3A_57 = tpu.memref_squeeze %dma_start3A_56 : memref<1x400xi32, #tpu.memory_space<hbm>> -> memref<400xi32, #tpu.memory_space<hbm>>
    tpu.enqueue_dma source(%dma_start3A_57 : memref<400xi32, #tpu.memory_space<hbm>>) target(%dma_start3A_55 : memref<400xi32, #tpu.memory_space<vmem>>) target_semaphore(%arg15 : memref<!tpu.dma_semaphore, #tpu.memory_space<semaphore_mem>>)
    %add3A_58 = arith.constant 800 : i32
    %add3A_59 = arith.addi %mul3A_2, %add3A_58 : i32
    %dma_start3A_60 = arith.constant 0 : i32
    %dma_start3A_61 = arith.constant 2 : i32
    %dma_start3A_62 = arith.constant 0 : i32
    %dma_start3A_63 = tpu.memref_slice %arg6[%dma_start3A_61, %dma_start3A_62] : memref<25x400xi32, #tpu.memory_space<vmem>> -> memref<1x400xi32, #tpu.memory_space<vmem>>
    %dma_start3A_64 = tpu.memref_squeeze %dma_start3A_63 : memref<1x400xi32, #tpu.memory_space<vmem>> -> memref<400xi32, #tpu.memory_space<vmem>>
    %dma_start3A_65 = tpu.memref_slice %arg3[%dma_start3A_60, %add3A_59] : memref<2x320000xi32, #tpu.memory_space<hbm>> -> memref<1x400xi32, #tpu.memory_space<hbm>>
    %dma_start3A_66 = tpu.memref_squeeze %dma_start3A_65 : memref<1x400xi32, #tpu.memory_space<hbm>> -> memref<400xi32, #tpu.memory_space<hbm>>
    %dma_start3A_67 = arith.constant 0 : i32
    %dma_start3A_68 = tpu.memref_slice %arg6[%dma_start3A_61, %dma_start3A_67] : memref<25x400xi32, #tpu.memory_space<vmem>> -> memref<1x400xi32, #tpu.memory_space<vmem>>
    %dma_start3A_69 = tpu.memref_squeeze %dma_start3A_68 : memref<1x400xi32, #tpu.memory_space<vmem>> -> memref<400xi32, #tpu.memory_space<vmem>>
    %dma_start3A_70 = tpu.memref_slice %arg3[%dma_start3A_60, %add3A_59] : memref<2x320000xi32, #tpu.memory_space<hbm>> -> memref<1x400xi32, #tpu.memory_space<hbm>>
    %dma_start3A_71 = tpu.memref_squeeze %dma_start3A_70 : memref<1x400xi32, #tpu.memory_space<hbm>> -> memref<400xi32, #tpu.memory_space<hbm>>
    tpu.enqueue_dma source(%dma_start3A_71 : memref<400xi32, #tpu.memory_space<hbm>>) target(%dma_start3A_69 : memref<400xi32, #tpu.memory_space<vmem>>) target_semaphore(%arg15 : memref<!tpu.dma_semaphore, #tpu.memory_space<semaphore_mem>>)
    %add3A_72 = arith.constant 800 : i32
    %add3A_73 = arith.addi %mul3A_2, %add3A_72 : i32
    %dma_start3A_74 = arith.constant 1 : i32
    %dma_start3A_75 = arith.constant 2 : i32
    %dma_start3A_76 = arith.constant 0 : i32
    %dma_start3A_77 = tpu.memref_slice %arg7[%dma_start3A_75, %dma_start3A_76] : memref<25x400xi32, #tpu.memory_space<vmem>> -> memref<1x400xi32, #tpu.memory_space<vmem>>
    %dma_start3A_78 = tpu.memref_squeeze %dma_start3A_77 : memref<1x400xi32, #tpu.memory_space<vmem>> -> memref<400xi32, #tpu.memory_space<vmem>>
    %dma_start3A_79 = tpu.memref_slice %arg3[%dma_start3A_74, %add3A_73] : memref<2x320000xi32, #tpu.memory_space<hbm>> -> memref<1x400xi32, #tpu.memory_space<hbm>>
    %dma_start3A_80 = tpu.memref_squeeze %dma_start3A_79 : memref<1x400xi32, #tpu.memory_space<hbm>> -> memref<400xi32, #tpu.memory_space<hbm>>
    %dma_start3A_81 = arith.constant 0 : i32
    %dma_start3A_82 = tpu.memref_slice %arg7[%dma_start3A_75, %dma_start3A_81] : memref<25x400xi32, #tpu.memory_space<vmem>> -> memref<1x400xi32, #tpu.memory_space<vmem>>
    %dma_start3A_83 = tpu.memref_squeeze %dma_start3A_82 : memref<1x400xi32, #tpu.memory_space<vmem>> -> memref<400xi32, #tpu.memory_space<vmem>>
    %dma_start3A_84 = tpu.memref_slice %arg3[%dma_start3A_74, %add3A_73] : memref<2x320000xi32, #tpu.memory_space<hbm>> -> memref<1x400xi32, #tpu.memory_space<hbm>>
    %dma_start3A_85 = tpu.memref_squeeze %dma_start3A_84 : memref<1x400xi32, #tpu.memory_space<hbm>> -> memref<400xi32, #tpu.memory_space<hbm>>
    tpu.enqueue_dma source(%dma_start3A_85 : memref<400xi32, #tpu.memory_space<hbm>>) target(%dma_start3A_83 : memref<400xi32, #tpu.memory_space<vmem>>) target_semaphore(%arg15 : memref<!tpu.dma_semaphore, #tpu.memory_space<semaphore_mem>>)
    %add3A_86 = arith.constant 1200 : i32
    %add3A_87 = arith.addi %mul3A_2, %add3A_86 : i32
    %dma_start3A_88 = arith.constant 0 : i32
    %dma_start3A_89 = arith.constant 3 : i32
    %dma_start3A_90 = arith.constant 0 : i32
    %dma_start3A_91 = tpu.memref_slice %arg6[%dma_start3A_89, %dma_start3A_90] : memref<25x400xi32, #tpu.memory_space<vmem>> -> memref<1x400xi32, #tpu.memory_space<vmem>>
    %dma_start3A_92 = tpu.memref_squeeze %dma_start3A_91 : memref<1x400xi32, #tpu.memory_space<vmem>> -> memref<400xi32, #tpu.memory_space<vmem>>
    %dma_start3A_93 = tpu.memref_slice %arg3[%dma_start3A_88, %add3A_87] : memref<2x320000xi32, #tpu.memory_space<hbm>> -> memref<1x400xi32, #tpu.memory_space<hbm>>
    %dma_start3A_94 = tpu.memref_squeeze %dma_start3A_93 : memref<1x400xi32, #tpu.memory_space<hbm>> -> memref<400xi32, #tpu.memory_space<hbm>>
    %dma_start3A_95 = arith.constant 0 : i32
    %dma_start3A_96 = tpu.memref_slice %arg6[%dma_start3A_89, %dma_start3A_95] : memref<25x400xi32, #tpu.memory_space<vmem>> -> memref<1x400xi32, #tpu.memory_space<vmem>>
    %dma_start3A_97 = tpu.memref_squeeze %dma_start3A_96 : memref<1x400xi32, #tpu.memory_space<vmem>> -> memref<400xi32, #tpu.memory_space<vmem>>
    %dma_start3A_98 = tpu.memref_slice %arg3[%dma_start3A_88, %add3A_87] : memref<2x320000xi32, #tpu.memory_space<hbm>> -> memref<1x400xi32, #tpu.memory_space<hbm>>
    %dma_start3A_99 = tpu.memref_squeeze %dma_start3A_98 : memref<1x400xi32, #tpu.memory_space<hbm>> -> memref<400xi32, #tpu.memory_space<hbm>>
    tpu.enqueue_dma source(%dma_start3A_99 : memref<400xi32, #tpu.memory_space<hbm>>) target(%dma_start3A_97 : memref<400xi32, #tpu.memory_space<vmem>>) target_semaphore(%arg15 : memref<!tpu.dma_semaphore, #tpu.memory_space<semaphore_mem>>)
    %add3A_100 = arith.constant 1200 : i32
    %add3A_101 = arith.addi %mul3A_2, %add3A_100 : i32
    %dma_start3A_102 = arith.constant 1 : i32
    %dma_start3A_103 = arith.constant 3 : i32
    %dma_start3A_104 = arith.constant 0 : i32
    %dma_start3A_105 = tpu.memref_slice %arg7[%dma_start3A_103, %dma_start3A_104] : memref<25x400xi32, #tpu.memory_space<vmem>> -> memref<1x400xi32, #tpu.memory_space<vmem>>
    %dma_start3A_106 = tpu.memref_squeeze %dma_start3A_105 : memref<1x400xi32, #tpu.memory_space<vmem>> -> memref<400xi32, #tpu.memory_space<vmem>>
    %dma_start3A_107 = tpu.memref_slice %arg3[%dma_start3A_102, %add3A_101] : memref<2x320000xi32, #tpu.memory_space<hbm>> -> memref<1x400xi32, #tpu.memory_space<hbm>>
    %dma_start3A_108 = tpu.memref_squeeze %dma_start3A_107 : memref<1x400xi32, #tpu.memory_space<hbm>> -> memref<400xi32, #tpu.memory_space<hbm>>
    %dma_start3A_109 = arith.constant 0 : i32
    %dma_start3A_110 = tpu.memref_slice %arg7[%dma_start3A_103, %dma_start3A_109] : memref<25x400xi32, #tpu.memory_space<vmem>> -> memref<1x400xi32, #tpu.memory_space<vmem>>
    %dma_start3A_111 = tpu.memref_squeeze %dma_start3A_110 : memref<1x400xi32, #tpu.memory_space<vmem>> -> memref<400xi32, #tpu.memory_space<vmem>>
    %dma_start3A_112 = tpu.memref_slice %arg3[%dma_start3A_102, %add3A_101] : memref<2x320000xi32, #tpu.memory_space<hbm>> -> memref<1x400xi32, #tpu.memory_space<hbm>>
    %dma_start3A_113 = tpu.memref_squeeze %dma_start3A_112 : memref<1x400xi32, #tpu.memory_space<hbm>> -> memref<400xi32, #tpu.memory_space<hbm>>
    tpu.enqueue_dma source(%dma_start3A_113 : memref<400xi32, #tpu.memory_space<hbm>>) target(%dma_start3A_111 : memref<400xi32, #tpu.memory_space<vmem>>) target_semaphore(%arg15 : memref<!tpu.dma_semaphore, #tpu.memory_space<semaphore_mem>>)
    %add3A_114 = arith.constant 1600 : i32
    %add3A_115 = arith.addi %mul3A_2, %add3A_114 : i32
    %dma_start3A_116 = arith.constant 0 : i32
    %dma_start3A_117 = arith.constant 4 : i32
    %dma_start3A_118 = arith.constant 0 : i32
    %dma_start3A_119 = tpu.memref_slice %arg6[%dma_start3A_117, %dma_start3A_118] : memref<25x400xi32, #tpu.memory_space<vmem>> -> memref<1x400xi32, #tpu.memory_space<vmem>>
    %dma_start3A_120 = tpu.memref_squeeze %dma_start3A_119 : memref<1x400xi32, #tpu.memory_space<vmem>> -> memref<400xi32, #tpu.memory_space<vmem>>
    %dma_start3A_121 = tpu.memref_slice %arg3[%dma_start3A_116, %add3A_115] : memref<2x320000xi32, #tpu.memory_space<hbm>> -> memref<1x400xi32, #tpu.memory_space<hbm>>
    %dma_start3A_122 = tpu.memref_squeeze %dma_start3A_121 : memref<1x400xi32, #tpu.memory_space<hbm>> -> memref<400xi32, #tpu.memory_space<hbm>>
    %dma_start3A_123 = arith.constant 0 : i32
    %dma_start3A_124 = tpu.memref_slice %arg6[%dma_start3A_117, %dma_start3A_123] : memref<25x400xi32, #tpu.memory_space<vmem>> -> memref<1x400xi32, #tpu.memory_space<vmem>>
    %dma_start3A_125 = tpu.memref_squeeze %dma_start3A_124 : memref<1x400xi32, #tpu.memory_space<vmem>> -> memref<400xi32, #tpu.memory_space<vmem>>
    %dma_start3A_126 = tpu.memref_slice %arg3[%dma_start3A_116, %add3A_115] : memref<2x320000xi32, #tpu.memory_space<hbm>> -> memref<1x400xi32, #tpu.memory_space<hbm>>
    %dma_start3A_127 = tpu.memref_squeeze %dma_start3A_126 : memref<1x400xi32, #tpu.memory_space<hbm>> -> memref<400xi32, #tpu.memory_space<hbm>>
    tpu.enqueue_dma source(%dma_start3A_127 : memref<400xi32, #tpu.memory_space<hbm>>) target(%dma_start3A_125 : memref<400xi32, #tpu.memory_space<vmem>>) target_semaphore(%arg15 : memref<!tpu.dma_semaphore, #tpu.memory_space<semaphore_mem>>)
    %add3A_128 = arith.constant 1600 : i32
    %add3A_129 = arith.addi %mul3A_2, %add3A_128 : i32
    %dma_start3A_130 = arith.constant 1 : i32
    %dma_start3A_131 = arith.constant 4 : i32
    %dma_start3A_132 = arith.constant 0 : i32
    %dma_start3A_133 = tpu.memref_slice %arg7[%dma_start3A_131, %dma_start3A_132] : memref<25x400xi32, #tpu.memory_space<vmem>> -> memref<1x400xi32, #tpu.memory_space<vmem>>
    %dma_start3A_134 = tpu.memref_squeeze %dma_start3A_133 : memref<1x400xi32, #tpu.memory_space<vmem>> -> memref<400xi32, #tpu.memory_space<vmem>>
    %dma_start3A_135 = tpu.memref_slice %arg3[%dma_start3A_130, %add3A_129] : memref<2x320000xi32, #tpu.memory_space<hbm>> -> memref<1x400xi32, #tpu.memory_space<hbm>>
    %dma_start3A_136 = tpu.memref_squeeze %dma_start3A_135 : memref<1x400xi32, #tpu.memory_space<hbm>> -> memref<400xi32, #tpu.memory_space<hbm>>
    %dma_start3A_137 = arith.constant 0 : i32
    %dma_start3A_138 = tpu.memref_slice %arg7[%dma_start3A_131, %dma_start3A_137] : memref<25x400xi32, #tpu.memory_space<vmem>> -> memref<1x400xi32, #tpu.memory_space<vmem>>
    %dma_start3A_139 = tpu.memref_squeeze %dma_start3A_138 : memref<1x400xi32, #tpu.memory_space<vmem>> -> memref<400xi32, #tpu.memory_space<vmem>>
    %dma_start3A_140 = tpu.memref_slice %arg3[%dma_start3A_130, %add3A_129] : memref<2x320000xi32, #tpu.memory_space<hbm>> -> memref<1x400xi32, #tpu.memory_space<hbm>>
    %dma_start3A_141 = tpu.memref_squeeze %dma_start3A_140 : memref<1x400xi32, #tpu.memory_space<hbm>> -> memref<400xi32, #tpu.memory_space<hbm>>
    tpu.enqueue_dma source(%dma_start3A_141 : memref<400xi32, #tpu.memory_space<hbm>>) target(%dma_start3A_139 : memref<400xi32, #tpu.memory_space<vmem>>) target_semaphore(%arg15 : memref<!tpu.dma_semaphore, #tpu.memory_space<semaphore_mem>>)
    %add3A_142 = arith.constant 2000 : i32
    %add3A_143 = arith.addi %mul3A_2, %add3A_142 : i32
    %dma_start3A_144 = arith.constant 0 : i32
    %dma_start3A_145 = arith.constant 5 : i32
    %dma_start3A_146 = arith.constant 0 : i32
    %dma_start3A_147 = tpu.memref_slice %arg6[%dma_start3A_145, %dma_start3A_146] : memref<25x400xi32, #tpu.memory_space<vmem>> -> memref<1x400xi32, #tpu.memory_space<vmem>>
    %dma_start3A_148 = tpu.memref_squeeze %dma_start3A_147 : memref<1x400xi32, #tpu.memory_space<vmem>> -> memref<400xi32, #tpu.memory_space<vmem>>
    %dma_start3A_149 = tpu.memref_slice %arg3[%dma_start3A_144, %add3A_143] : memref<2x320000xi32, #tpu.memory_space<hbm>> -> memref<1x400xi32, #tpu.memory_space<hbm>>
    %dma_start3A_150 = tpu.memref_squeeze %dma_start3A_149 : memref<1x400xi32, #tpu.memory_space<hbm>> -> memref<400xi32, #tpu.memory_space<hbm>>
    %dma_start3A_151 = arith.constant 0 : i32
    %dma_start3A_152 = tpu.memref_slice %arg6[%dma_start3A_145, %dma_start3A_151] : memref<25x400xi32, #tpu.memory_space<vmem>> -> memref<1x400xi32, #tpu.memory_space<vmem>>
    %dma_start3A_153 = tpu.memref_squeeze %dma_start3A_152 : memref<1x400xi32, #tpu.memory_space<vmem>> -> memref<400xi32, #tpu.memory_space<vmem>>
    %dma_start3A_154 = tpu.memref_slice %arg3[%dma_start3A_144, %add3A_143] : memref<2x320000xi32, #tpu.memory_space<hbm>> -> memref<1x400xi32, #tpu.memory_space<hbm>>
    %dma_start3A_155 = tpu.memref_squeeze %dma_start3A_154 : memref<1x400xi32, #tpu.memory_space<hbm>> -> memref<400xi32, #tpu.memory_space<hbm>>
    tpu.enqueue_dma source(%dma_start3A_155 : memref<400xi32, #tpu.memory_space<hbm>>) target(%dma_start3A_153 : memref<400xi32, #tpu.memory_space<vmem>>) target_semaphore(%arg15 : memref<!tpu.dma_semaphore, #tpu.memory_space<semaphore_mem>>)
    %add3A_156 = arith.constant 2000 : i32
    %add3A_157 = arith.addi %mul3A_2, %add3A_156 : i32
    %dma_start3A_158 = arith.constant 1 : i32
    %dma_start3A_159 = arith.constant 5 : i32
    %dma_start3A_160 = arith.constant 0 : i32
    %dma_start3A_161 = tpu.memref_slice %arg7[%dma_start3A_159, %dma_start3A_160] : memref<25x400xi32, #tpu.memory_space<vmem>> -> memref<1x400xi32, #tpu.memory_space<vmem>>
    %dma_start3A_162 = tpu.memref_squeeze %dma_start3A_161 : memref<1x400xi32, #tpu.memory_space<vmem>> -> memref<400xi32, #tpu.memory_space<vmem>>
    %dma_start3A_163 = tpu.memref_slice %arg3[%dma_start3A_158, %add3A_157] : memref<2x320000xi32, #tpu.memory_space<hbm>> -> memref<1x400xi32, #tpu.memory_space<hbm>>
    %dma_start3A_164 = tpu.memref_squeeze %dma_start3A_163 : memref<1x400xi32, #tpu.memory_space<hbm>> -> memref<400xi32, #tpu.memory_space<hbm>>
    %dma_start3A_165 = arith.constant 0 : i32
    %dma_start3A_166 = tpu.memref_slice %arg7[%dma_start3A_159, %dma_start3A_165] : memref<25x400xi32, #tpu.memory_space<vmem>> -> memref<1x400xi32, #tpu.memory_space<vmem>>
    %dma_start3A_167 = tpu.memref_squeeze %dma_start3A_166 : memref<1x400xi32, #tpu.memory_space<vmem>> -> memref<400xi32, #tpu.memory_space<vmem>>
    %dma_start3A_168 = tpu.memref_slice %arg3[%dma_start3A_158, %add3A_157] : memref<2x320000xi32, #tpu.memory_space<hbm>> -> memref<1x400xi32, #tpu.memory_space<hbm>>
    %dma_start3A_169 = tpu.memref_squeeze %dma_start3A_168 : memref<1x400xi32, #tpu.memory_space<hbm>> -> memref<400xi32, #tpu.memory_space<hbm>>
    tpu.enqueue_dma source(%dma_start3A_169 : memref<400xi32, #tpu.memory_space<hbm>>) target(%dma_start3A_167 : memref<400xi32, #tpu.memory_space<vmem>>) target_semaphore(%arg15 : memref<!tpu.dma_semaphore, #tpu.memory_space<semaphore_mem>>)
    %add3A_170 = arith.constant 2400 : i32
    %add3A_171 = arith.addi %mul3A_2, %add3A_170 : i32
    %dma_start3A_172 = arith.constant 0 : i32
    %dma_start3A_173 = arith.constant 6 : i32
    %dma_start3A_174 = arith.constant 0 : i32
    %dma_start3A_175 = tpu.memref_slice %arg6[%dma_start3A_173, %dma_start3A_174] : memref<25x400xi32, #tpu.memory_space<vmem>> -> memref<1x400xi32, #tpu.memory_space<vmem>>
    %dma_start3A_176 = tpu.memref_squeeze %dma_start3A_175 : memref<1x400xi32, #tpu.memory_space<vmem>> -> memref<400xi32, #tpu.memory_space<vmem>>
    %dma_start3A_177 = tpu.memref_slice %arg3[%dma_start3A_172, %add3A_171] : memref<2x320000xi32, #tpu.memory_space<hbm>> -> memref<1x400xi32, #tpu.memory_space<hbm>>
    %dma_start3A_178 = tpu.memref_squeeze %dma_start3A_177 : memref<1x400xi32, #tpu.memory_space<hbm>> -> memref<400xi32, #tpu.memory_space<hbm>>
    %dma_start3A_179 = arith.constant 0 : i32
    %dma_start3A_180 = tpu.memref_slice %arg6[%dma_start3A_173, %dma_start3A_179] : memref<25x400xi32, #tpu.memory_space<vmem>> -> memref<1x400xi32, #tpu.memory_space<vmem>>
    %dma_start3A_181 = tpu.memref_squeeze %dma_start3A_180 : memref<1x400xi32, #tpu.memory_space<vmem>> -> memref<400xi32, #tpu.memory_space<vmem>>
    %dma_start3A_182 = tpu.memref_slice %arg3[%dma_start3A_172, %add3A_171] : memref<2x320000xi32, #tpu.memory_space<hbm>> -> memref<1x400xi32, #tpu.memory_space<hbm>>
    %dma_start3A_183 = tpu.memref_squeeze %dma_start3A_182 : memref<1x400xi32, #tpu.memory_space<hbm>> -> memref<400xi32, #tpu.memory_space<hbm>>
    tpu.enqueue_dma source(%dma_start3A_183 : memref<400xi32, #tpu.memory_space<hbm>>) target(%dma_start3A_181 : memref<400xi32, #tpu.memory_space<vmem>>) target_semaphore(%arg15 : memref<!tpu.dma_semaphore, #tpu.memory_space<semaphore_mem>>)
    %add3A_184 = arith.constant 2400 : i32
    %add3A_185 = arith.addi %mul3A_2, %add3A_184 : i32
    %dma_start3A_186 = arith.constant 1 : i32
    %dma_start3A_187 = arith.constant 6 : i32
    %dma_start3A_188 = arith.constant 0 : i32
    %dma_start3A_189 = tpu.memref_slice %arg7[%dma_start3A_187, %dma_start3A_188] : memref<25x400xi32, #tpu.memory_space<vmem>> -> memref<1x400xi32, #tpu.memory_space<vmem>>
    %dma_start3A_190 = tpu.memref_squeeze %dma_start3A_189 : memref<1x400xi32, #tpu.memory_space<vmem>> -> memref<400xi32, #tpu.memory_space<vmem>>
    %dma_start3A_191 = tpu.memref_slice %arg3[%dma_start3A_186, %add3A_185] : memref<2x320000xi32, #tpu.memory_space<hbm>> -> memref<1x400xi32, #tpu.memory_space<hbm>>
    %dma_start3A_192 = tpu.memref_squeeze %dma_start3A_191 : memref<1x400xi32, #tpu.memory_space<hbm>> -> memref<400xi32, #tpu.memory_space<hbm>>
    %dma_start3A_193 = arith.constant 0 : i32
    %dma_start3A_194 = tpu.memref_slice %arg7[%dma_start3A_187, %dma_start3A_193] : memref<25x400xi32, #tpu.memory_space<vmem>> -> memref<1x400xi32, #tpu.memory_space<vmem>>
    %dma_start3A_195 = tpu.memref_squeeze %dma_start3A_194 : memref<1x400xi32, #tpu.memory_space<vmem>> -> memref<400xi32, #tpu.memory_space<vmem>>
    %dma_start3A_196 = tpu.memref_slice %arg3[%dma_start3A_186, %add3A_185] : memref<2x320000xi32, #tpu.memory_space<hbm>> -> memref<1x400xi32, #tpu.memory_space<hbm>>
    %dma_start3A_197 = tpu.memref_squeeze %dma_start3A_196 : memref<1x400xi32, #tpu.memory_space<hbm>> -> memref<400xi32, #tpu.memory_space<hbm>>
    tpu.enqueue_dma source(%dma_start3A_197 : memref<400xi32, #tpu.memory_space<hbm>>) target(%dma_start3A_195 : memref<400xi32, #tpu.memory_space<vmem>>) target_semaphore(%arg15 : memref<!tpu.dma_semaphore, #tpu.memory_space<semaphore_mem>>)
    %add3A_198 = arith.constant 2800 : i32
    %add3A_199 = arith.addi %mul3A_2, %add3A_198 : i32
    %dma_start3A_200 = arith.constant 0 : i32
    %dma_start3A_201 = arith.constant 7 : i32
    %dma_start3A_202 = arith.constant 0 : i32
    %dma_start3A_203 = tpu.memref_slice %arg6[%dma_start3A_201, %dma_start3A_202] : memref<25x400xi32, #tpu.memory_space<vmem>> -> memref<1x400xi32, #tpu.memory_space<vmem>>
    %dma_start3A_204 = tpu.memref_squeeze %dma_start3A_203 : memref<1x400xi32, #tpu.memory_space<vmem>> -> memref<400xi32, #tpu.memory_space<vmem>>
    %dma_start3A_205 = tpu.memref_slice %arg3[%dma_start3A_200, %add3A_199] : memref<2x320000xi32, #tpu.memory_space<hbm>> -> memref<1x400xi32, #tpu.memory_space<hbm>>
    %dma_start3A_206 = tpu.memref_squeeze %dma_start3A_205 : memref<1x400xi32, #tpu.memory_space<hbm>> -> memref<400xi32, #tpu.memory_space<hbm>>
    %dma_start3A_207 = arith.constant 0 : i32
    %dma_start3A_208 = tpu.memref_slice %arg6[%dma_start3A_201, %dma_start3A_207] : memref<25x400xi32, #tpu.memory_space<vmem>> -> memref<1x400xi32, #tpu.memory_space<vmem>>
    %dma_start3A_209 = tpu.memref_squeeze %dma_start3A_208 : memref<1x400xi32, #tpu.memory_space<vmem>> -> memref<400xi32, #tpu.memory_space<vmem>>
    %dma_start3A_210 = tpu.memref_slice %arg3[%dma_start3A_200, %add3A_199] : memref<2x320000xi32, #tpu.memory_space<hbm>> -> memref<1x400xi32, #tpu.memory_space<hbm>>
    %dma_start3A_211 = tpu.memref_squeeze %dma_start3A_210 : memref<1x400xi32, #tpu.memory_space<hbm>> -> memref<400xi32, #tpu.memory_space<hbm>>
    tpu.enqueue_dma source(%dma_start3A_211 : memref<400xi32, #tpu.memory_space<hbm>>) target(%dma_start3A_209 : memref<400xi32, #tpu.memory_space<vmem>>) target_semaphore(%arg15 : memref<!tpu.dma_semaphore, #tpu.memory_space<semaphore_mem>>)
    %add3A_212 = arith.constant 2800 : i32
    %add3A_213 = arith.addi %mul3A_2, %add3A_212 : i32
    %dma_start3A_214 = arith.constant 1 : i32
    %dma_start3A_215 = arith.constant 7 : i32
    %dma_start3A_216 = arith.constant 0 : i32
    %dma_start3A_217 = tpu.memref_slice %arg7[%dma_start3A_215, %dma_start3A_216] : memref<25x400xi32, #tpu.memory_space<vmem>> -> memref<1x400xi32, #tpu.memory_space<vmem>>
    %dma_start3A_218 = tpu.memref_squeeze %dma_start3A_217 : memref<1x400xi32, #tpu.memory_space<vmem>> -> memref<400xi32, #tpu.memory_space<vmem>>
    %dma_start3A_219 = tpu.memref_slice %arg3[%dma_start3A_214, %add3A_213] : memref<2x320000xi32, #tpu.memory_space<hbm>> -> memref<1x400xi32, #tpu.memory_space<hbm>>
    %dma_start3A_220 = tpu.memref_squeeze %dma_start3A_219 : memref<1x400xi32, #tpu.memory_space<hbm>> -> memref<400xi32, #tpu.memory_space<hbm>>
    %dma_start3A_221 = arith.constant 0 : i32
    %dma_start3A_222 = tpu.memref_slice %arg7[%dma_start3A_215, %dma_start3A_221] : memref<25x400xi32, #tpu.memory_space<vmem>> -> memref<1x400xi32, #tpu.memory_space<vmem>>
    %dma_start3A_223 = tpu.memref_squeeze %dma_start3A_222 : memref<1x400xi32, #tpu.memory_space<vmem>> -> memref<400xi32, #tpu.memory_space<vmem>>
    %dma_start3A_224 = tpu.memref_slice %arg3[%dma_start3A_214, %add3A_213] : memref<2x320000xi32, #tpu.memory_space<hbm>> -> memref<1x400xi32, #tpu.memory_space<hbm>>
    %dma_start3A_225 = tpu.memref_squeeze %dma_start3A_224 : memref<1x400xi32, #tpu.memory_space<hbm>> -> memref<400xi32, #tpu.memory_space<hbm>>
    tpu.enqueue_dma source(%dma_start3A_225 : memref<400xi32, #tpu.memory_space<hbm>>) target(%dma_start3A_223 : memref<400xi32, #tpu.memory_space<vmem>>) target_semaphore(%arg15 : memref<!tpu.dma_semaphore, #tpu.memory_space<semaphore_mem>>)
    %add3A_226 = arith.constant 3200 : i32
    %add3A_227 = arith.addi %mul3A_2, %add3A_226 : i32
    %dma_start3A_228 = arith.constant 0 : i32
    %dma_start3A_229 = arith.constant 8 : i32
    %dma_start3A_230 = arith.constant 0 : i32
    %dma_start3A_231 = tpu.memref_slice %arg6[%dma_start3A_229, %dma_start3A_230] : memref<25x400xi32, #tpu.memory_space<vmem>> -> memref<1x400xi32, #tpu.memory_space<vmem>>
    %dma_start3A_232 = tpu.memref_squeeze %dma_start3A_231 : memref<1x400xi32, #tpu.memory_space<vmem>> -> memref<400xi32, #tpu.memory_space<vmem>>
    %dma_start3A_233 = tpu.memref_slice %arg3[%dma_start3A_228, %add3A_227] : memref<2x320000xi32, #tpu.memory_space<hbm>> -> memref<1x400xi32, #tpu.memory_space<hbm>>
    %dma_start3A_234 = tpu.memref_squeeze %dma_start3A_233 : memref<1x400xi32, #tpu.memory_space<hbm>> -> memref<400xi32, #tpu.memory_space<hbm>>
    %dma_start3A_235 = arith.constant 0 : i32
    %dma_start3A_236 = tpu.memref_slice %arg6[%dma_start3A_229, %dma_start3A_235] : memref<25x400xi32, #tpu.memory_space<vmem>> -> memref<1x400xi32, #tpu.memory_space<vmem>>
    %dma_start3A_237 = tpu.memref_squeeze %dma_start3A_236 : memref<1x400xi32, #tpu.memory_space<vmem>> -> memref<400xi32, #tpu.memory_space<vmem>>
    %dma_start3A_238 = tpu.memref_slice %arg3[%dma_start3A_228, %add3A_227] : memref<2x320000xi32, #tpu.memory_space<hbm>> -> memref<1x400xi32, #tpu.memory_space<hbm>>
    %dma_start3A_239 = tpu.memref_squeeze %dma_start3A_238 : memref<1x400xi32, #tpu.memory_space<hbm>> -> memref<400xi32, #tpu.memory_space<hbm>>
    tpu.enqueue_dma source(%dma_start3A_239 : memref<400xi32, #tpu.memory_space<hbm>>) target(%dma_start3A_237 : memref<400xi32, #tpu.memory_space<vmem>>) target_semaphore(%arg15 : memref<!tpu.dma_semaphore, #tpu.memory_space<semaphore_mem>>)
    %add3A_240 = arith.constant 3200 : i32
    %add3A_241 = arith.addi %mul3A_2, %add3A_240 : i32
    %dma_start3A_242 = arith.constant 1 : i32
    %dma_start3A_243 = arith.constant 8 : i32
    %dma_start3A_244 = arith.constant 0 : i32
    %dma_start3A_245 = tpu.memref_slice %arg7[%dma_start3A_243, %dma_start3A_244] : memref<25x400xi32, #tpu.memory_space<vmem>> -> memref<1x400xi32, #tpu.memory_space<vmem>>
    %dma_start3A_246 = tpu.memref_squeeze %dma_start3A_245 : memref<1x400xi32, #tpu.memory_space<vmem>> -> memref<400xi32, #tpu.memory_space<vmem>>
    %dma_start3A_247 = tpu.memref_slice %arg3[%dma_start3A_242, %add3A_241] : memref<2x320000xi32, #tpu.memory_space<hbm>> -> memref<1x400xi32, #tpu.memory_space<hbm>>
    %dma_start3A_248 = tpu.memref_squeeze %dma_start3A_247 : memref<1x400xi32, #tpu.memory_space<hbm>> -> memref<400xi32, #tpu.memory_space<hbm>>
    %dma_start3A_249 = arith.constant 0 : i32
    %dma_start3A_250 = tpu.memref_slice %arg7[%dma_start3A_243, %dma_start3A_249] : memref<25x400xi32, #tpu.memory_space<vmem>> -> memref<1x400xi32, #tpu.memory_space<vmem>>
    %dma_start3A_251 = tpu.memref_squeeze %dma_start3A_250 : memref<1x400xi32, #tpu.memory_space<vmem>> -> memref<400xi32, #tpu.memory_space<vmem>>
    %dma_start3A_252 = tpu.memref_slice %arg3[%dma_start3A_242, %add3A_241] : memref<2x320000xi32, #tpu.memory_space<hbm>> -> memref<1x400xi32, #tpu.memory_space<hbm>>
    %dma_start3A_253 = tpu.memref_squeeze %dma_start3A_252 : memref<1x400xi32, #tpu.memory_space<hbm>> -> memref<400xi32, #tpu.memory_space<hbm>>
    tpu.enqueue_dma source(%dma_start3A_253 : memref<400xi32, #tpu.memory_space<hbm>>) target(%dma_start3A_251 : memref<400xi32, #tpu.memory_space<vmem>>) target_semaphore(%arg15 : memref<!tpu.dma_semaphore, #tpu.memory_space<semaphore_mem>>)
    %add3A_254 = arith.constant 3600 : i32
    %add3A_255 = arith.addi %mul3A_2, %add3A_254 : i32
    %dma_start3A_256 = arith.constant 0 : i32
    %dma_start3A_257 = arith.constant 9 : i32
    %dma_start3A_258 = arith.constant 0 : i32
    %dma_start3A_259 = tpu.memref_slice %arg6[%dma_start3A_257, %dma_start3A_258] : memref<25x400xi32, #tpu.memory_space<vmem>> -> memref<1x400xi32, #tpu.memory_space<vmem>>
    %dma_start3A_260 = tpu.memref_squeeze %dma_start3A_259 : memref<1x400xi32, #tpu.memory_space<vmem>> -> memref<400xi32, #tpu.memory_space<vmem>>
    %dma_start3A_261 = tpu.memref_slice %arg3[%dma_start3A_256, %add3A_255] : memref<2x320000xi32, #tpu.memory_space<hbm>> -> memref<1x400xi32, #tpu.memory_space<hbm>>
    %dma_start3A_262 = tpu.memref_squeeze %dma_start3A_261 : memref<1x400xi32, #tpu.memory_space<hbm>> -> memref<400xi32, #tpu.memory_space<hbm>>
    %dma_start3A_263 = arith.constant 0 : i32
    %dma_start3A_264 = tpu.memref_slice %arg6[%dma_start3A_257, %dma_start3A_263] : memref<25x400xi32, #tpu.memory_space<vmem>> -> memref<1x400xi32, #tpu.memory_space<vmem>>
    %dma_start3A_265 = tpu.memref_squeeze %dma_start3A_264 : memref<1x400xi32, #tpu.memory_space<vmem>> -> memref<400xi32, #tpu.memory_space<vmem>>
    %dma_start3A_266 = tpu.memref_slice %arg3[%dma_start3A_256, %add3A_255] : memref<2x320000xi32, #tpu.memory_space<hbm>> -> memref<1x400xi32, #tpu.memory_space<hbm>>
    %dma_start3A_267 = tpu.memref_squeeze %dma_start3A_266 : memref<1x400xi32, #tpu.memory_space<hbm>> -> memref<400xi32, #tpu.memory_space<hbm>>
    tpu.enqueue_dma source(%dma_start3A_267 : memref<400xi32, #tpu.memory_space<hbm>>) target(%dma_start3A_265 : memref<400xi32, #tpu.memory_space<vmem>>) target_semaphore(%arg15 : memref<!tpu.dma_semaphore, #tpu.memory_space<semaphore_mem>>)
    %add3A_268 = arith.constant 3600 : i32
    %add3A_269 = arith.addi %mul3A_2, %add3A_268 : i32
    %dma_start3A_270 = arith.constant 1 : i32
    %dma_start3A_271 = arith.constant 9 : i32
    %dma_start3A_272 = arith.constant 0 : i32
    %dma_start3A_273 = tpu.memref_slice %arg7[%dma_start3A_271, %dma_start3A_272] : memref<25x400xi32, #tpu.memory_space<vmem>> -> memref<1x400xi32, #tpu.memory_space<vmem>>
    %dma_start3A_274 = tpu.memref_squeeze %dma_start3A_273 : memref<1x400xi32, #tpu.memory_space<vmem>> -> memref<400xi32, #tpu.memory_space<vmem>>
    %dma_start3A_275 = tpu.memref_slice %arg3[%dma_start3A_270, %add3A_269] : memref<2x320000xi32, #tpu.memory_space<hbm>> -> memref<1x400xi32, #tpu.memory_space<hbm>>
    %dma_start3A_276 = tpu.memref_squeeze %dma_start3A_275 : memref<1x400xi32, #tpu.memory_space<hbm>> -> memref<400xi32, #tpu.memory_space<hbm>>
    %dma_start3A_277 = arith.constant 0 : i32
    %dma_start3A_278 = tpu.memref_slice %arg7[%dma_start3A_271, %dma_start3A_277] : memref<25x400xi32, #tpu.memory_space<vmem>> -> memref<1x400xi32, #tpu.memory_space<vmem>>
    %dma_start3A_279 = tpu.memref_squeeze %dma_start3A_278 : memref<1x400xi32, #tpu.memory_space<vmem>> -> memref<400xi32, #tpu.memory_space<vmem>>
    %dma_start3A_280 = tpu.memref_slice %arg3[%dma_start3A_270, %add3A_269] : memref<2x320000xi32, #tpu.memory_space<hbm>> -> memref<1x400xi32, #tpu.memory_space<hbm>>
    %dma_start3A_281 = tpu.memref_squeeze %dma_start3A_280 : memref<1x400xi32, #tpu.memory_space<hbm>> -> memref<400xi32, #tpu.memory_space<hbm>>
    tpu.enqueue_dma source(%dma_start3A_281 : memref<400xi32, #tpu.memory_space<hbm>>) target(%dma_start3A_279 : memref<400xi32, #tpu.memory_space<vmem>>) target_semaphore(%arg15 : memref<!tpu.dma_semaphore, #tpu.memory_space<semaphore_mem>>)
    %add3A_282 = arith.constant 4000 : i32
    %add3A_283 = arith.addi %mul3A_2, %add3A_282 : i32
    %dma_start3A_284 = arith.constant 0 : i32
    %dma_start3A_285 = arith.constant 10 : i32
    %dma_start3A_286 = arith.constant 0 : i32
    %dma_start3A_287 = tpu.memref_slice %arg6[%dma_start3A_285, %dma_start3A_286] : memref<25x400xi32, #tpu.memory_space<vmem>> -> memref<1x400xi32, #tpu.memory_space<vmem>>
    %dma_start3A_288 = tpu.memref_squeeze %dma_start3A_287 : memref<1x400xi32, #tpu.memory_space<vmem>> -> memref<400xi32, #tpu.memory_space<vmem>>
    %dma_start3A_289 = tpu.memref_slice %arg3[%dma_start3A_284, %add3A_283] : memref<2x320000xi32, #tpu.memory_space<hbm>> -> memref<1x400xi32, #tpu.memory_space<hbm>>
    %dma_start3A_290 = tpu.memref_squeeze %dma_start3A_289 : memref<1x400xi32, #tpu.memory_space<hbm>> -> memref<400xi32, #tpu.memory_space<hbm>>
    %dma_start3A_291 = arith.constant 0 : i32
    %dma_start3A_292 = tpu.memref_slice %arg6[%dma_start3A_285, %dma_start3A_291] : memref<25x400xi32, #tpu.memory_space<vmem>> -> memref<1x400xi32, #tpu.memory_space<vmem>>
    %dma_start3A_293 = tpu.memref_squeeze %dma_start3A_292 : memref<1x400xi32, #tpu.memory_space<vmem>> -> memref<400xi32, #tpu.memory_space<vmem>>
    %dma_start3A_294 = tpu.memref_slice %arg3[%dma_start3A_284, %add3A_283] : memref<2x320000xi32, #tpu.memory_space<hbm>> -> memref<1x400xi32, #tpu.memory_space<hbm>>
    %dma_start3A_295 = tpu.memref_squeeze %dma_start3A_294 : memref<1x400xi32, #tpu.memory_space<hbm>> -> memref<400xi32, #tpu.memory_space<hbm>>
    tpu.enqueue_dma source(%dma_start3A_295 : memref<400xi32, #tpu.memory_space<hbm>>) target(%dma_start3A_293 : memref<400xi32, #tpu.memory_space<vmem>>) target_semaphore(%arg15 : memref<!tpu.dma_semaphore, #tpu.memory_space<semaphore_mem>>)
    %add3A_296 = arith.constant 4000 : i32
    %add3A_297 = arith.addi %mul3A_2, %add3A_296 : i32
    %dma_start3A_298 = arith.constant 1 : i32
    %dma_start3A_299 = arith.constant 10 : i32
    %dma_start3A_300 = arith.constant 0 : i32
    %dma_start3A_301 = tpu.memref_slice %arg7[%dma_start3A_299, %dma_start3A_300] : memref<25x400xi32, #tpu.memory_space<vmem>> -> memref<1x400xi32, #tpu.memory_space<vmem>>
    %dma_start3A_302 = tpu.memref_squeeze %dma_start3A_301 : memref<1x400xi32, #tpu.memory_space<vmem>> -> memref<400xi32, #tpu.memory_space<vmem>>
    %dma_start3A_303 = tpu.memref_slice %arg3[%dma_start3A_298, %add3A_297] : memref<2x320000xi32, #tpu.memory_space<hbm>> -> memref<1x400xi32, #tpu.memory_space<hbm>>
    %dma_start3A_304 = tpu.memref_squeeze %dma_start3A_303 : memref<1x400xi32, #tpu.memory_space<hbm>> -> memref<400xi32, #tpu.memory_space<hbm>>
    %dma_start3A_305 = arith.constant 0 : i32
    %dma_start3A_306 = tpu.memref_slice %arg7[%dma_start3A_299, %dma_start3A_305] : memref<25x400xi32, #tpu.memory_space<vmem>> -> memref<1x400xi32, #tpu.memory_space<vmem>>
    %dma_start3A_307 = tpu.memref_squeeze %dma_start3A_306 : memref<1x400xi32, #tpu.memory_space<vmem>> -> memref<400xi32, #tpu.memory_space<vmem>>
    %dma_start3A_308 = tpu.memref_slice %arg3[%dma_start3A_298, %add3A_297] : memref<2x320000xi32, #tpu.memory_space<hbm>> -> memref<1x400xi32, #tpu.memory_space<hbm>>
    %dma_start3A_309 = tpu.memref_squeeze %dma_start3A_308 : memref<1x400xi32, #tpu.memory_space<hbm>> -> memref<400xi32, #tpu.memory_space<hbm>>
    tpu.enqueue_dma source(%dma_start3A_309 : memref<400xi32, #tpu.memory_space<hbm>>) target(%dma_start3A_307 : memref<400xi32, #tpu.memory_space<vmem>>) target_semaphore(%arg15 : memref<!tpu.dma_semaphore, #tpu.memory_space<semaphore_mem>>)
    %add3A_310 = arith.constant 4400 : i32
    %add3A_311 = arith.addi %mul3A_2, %add3A_310 : i32
    %dma_start3A_312 = arith.constant 0 : i32
    %dma_start3A_313 = arith.constant 11 : i32
    %dma_start3A_314 = arith.constant 0 : i32
    %dma_start3A_315 = tpu.memref_slice %arg6[%dma_start3A_313, %dma_start3A_314] : memref<25x400xi32, #tpu.memory_space<vmem>> -> memref<1x400xi32, #tpu.memory_space<vmem>>
    %dma_start3A_316 = tpu.memref_squeeze %dma_start3A_315 : memref<1x400xi32, #tpu.memory_space<vmem>> -> memref<400xi32, #tpu.memory_space<vmem>>
    %dma_start3A_317 = tpu.memref_slice %arg3[%dma_start3A_312, %add3A_311] : memref<2x320000xi32, #tpu.memory_space<hbm>> -> memref<1x400xi32, #tpu.memory_space<hbm>>
    %dma_start3A_318 = tpu.memref_squeeze %dma_start3A_317 : memref<1x400xi32, #tpu.memory_space<hbm>> -> memref<400xi32, #tpu.memory_space<hbm>>
    %dma_start3A_319 = arith.constant 0 : i32
    %dma_start3A_320 = tpu.memref_slice %arg6[%dma_start3A_313, %dma_start3A_319] : memref<25x400xi32, #tpu.memory_space<vmem>> -> memref<1x400xi32, #tpu.memory_space<vmem>>
    %dma_start3A_321 = tpu.memref_squeeze %dma_start3A_320 : memref<1x400xi32, #tpu.memory_space<vmem>> -> memref<400xi32, #tpu.memory_space<vmem>>
    %dma_start3A_322 = tpu.memref_slice %arg3[%dma_start3A_312, %add3A_311] : memref<2x320000xi32, #tpu.memory_space<hbm>> -> memref<1x400xi32, #tpu.memory_space<hbm>>
    %dma_start3A_323 = tpu.memref_squeeze %dma_start3A_322 : memref<1x400xi32, #tpu.memory_space<hbm>> -> memref<400xi32, #tpu.memory_space<hbm>>
    tpu.enqueue_dma source(%dma_start3A_323 : memref<400xi32, #tpu.memory_space<hbm>>) target(%dma_start3A_321 : memref<400xi32, #tpu.memory_space<vmem>>) target_semaphore(%arg15 : memref<!tpu.dma_semaphore, #tpu.memory_space<semaphore_mem>>)
    %add3A_324 = arith.constant 4400 : i32
    %add3A_325 = arith.addi %mul3A_2, %add3A_324 : i32
    %dma_start3A_326 = arith.constant 1 : i32
    %dma_start3A_327 = arith.constant 11 : i32
    %dma_start3A_328 = arith.constant 0 : i32
    %dma_start3A_329 = tpu.memref_slice %arg7[%dma_start3A_327, %dma_start3A_328] : memref<25x400xi32, #tpu.memory_space<vmem>> -> memref<1x400xi32, #tpu.memory_space<vmem>>
    %dma_start3A_330 = tpu.memref_squeeze %dma_start3A_329 : memref<1x400xi32, #tpu.memory_space<vmem>> -> memref<400xi32, #tpu.memory_space<vmem>>
    %dma_start3A_331 = tpu.memref_slice %arg3[%dma_start3A_326, %add3A_325] : memref<2x320000xi32, #tpu.memory_space<hbm>> -> memref<1x400xi32, #tpu.memory_space<hbm>>
    %dma_start3A_332 = tpu.memref_squeeze %dma_start3A_331 : memref<1x400xi32, #tpu.memory_space<hbm>> -> memref<400xi32, #tpu.memory_space<hbm>>
    %dma_start3A_333 = arith.constant 0 : i32
    %dma_start3A_334 = tpu.memref_slice %arg7[%dma_start3A_327, %dma_start3A_333] : memref<25x400xi32, #tpu.memory_space<vmem>> -> memref<1x400xi32, #tpu.memory_space<vmem>>
    %dma_start3A_335 = tpu.memref_squeeze %dma_start3A_334 : memref<1x400xi32, #tpu.memory_space<vmem>> -> memref<400xi32, #tpu.memory_space<vmem>>
    %dma_start3A_336 = tpu.memref_slice %arg3[%dma_start3A_326, %add3A_325] : memref<2x320000xi32, #tpu.memory_space<hbm>> -> memref<1x400xi32, #tpu.memory_space<hbm>>
    %dma_start3A_337 = tpu.memref_squeeze %dma_start3A_336 : memref<1x400xi32, #tpu.memory_space<hbm>> -> memref<400xi32, #tpu.memory_space<hbm>>
    tpu.enqueue_dma source(%dma_start3A_337 : memref<400xi32, #tpu.memory_space<hbm>>) target(%dma_start3A_335 : memref<400xi32, #tpu.memory_space<vmem>>) target_semaphore(%arg15 : memref<!tpu.dma_semaphore, #tpu.memory_space<semaphore_mem>>)
    %add3A_338 = arith.constant 4800 : i32
    %add3A_339 = arith.addi %mul3A_2, %add3A_338 : i32
    %dma_start3A_340 = arith.constant 0 : i32
    %dma_start3A_341 = arith.constant 12 : i32
    %dma_start3A_342 = arith.constant 0 : i32
    %dma_start3A_343 = tpu.memref_slice %arg6[%dma_start3A_341, %dma_start3A_342] : memref<25x400xi32, #tpu.memory_space<vmem>> -> memref<1x400xi32, #tpu.memory_space<vmem>>
    %dma_start3A_344 = tpu.memref_squeeze %dma_start3A_343 : memref<1x400xi32, #tpu.memory_space<vmem>> -> memref<400xi32, #tpu.memory_space<vmem>>
    %dma_start3A_345 = tpu.memref_slice %arg3[%dma_start3A_340, %add3A_339] : memref<2x320000xi32, #tpu.memory_space<hbm>> -> memref<1x400xi32, #tpu.memory_space<hbm>>
    %dma_start3A_346 = tpu.memref_squeeze %dma_start3A_345 : memref<1x400xi32, #tpu.memory_space<hbm>> -> memref<400xi32, #tpu.memory_space<hbm>>
    %dma_start3A_347 = arith.constant 0 : i32
    %dma_start3A_348 = tpu.memref_slice %arg6[%dma_start3A_341, %dma_start3A_347] : memref<25x400xi32, #tpu.memory_space<vmem>> -> memref<1x400xi32, #tpu.memory_space<vmem>>
    %dma_start3A_349 = tpu.memref_squeeze %dma_start3A_348 : memref<1x400xi32, #tpu.memory_space<vmem>> -> memref<400xi32, #tpu.memory_space<vmem>>
    %dma_start3A_350 = tpu.memref_slice %arg3[%dma_start3A_340, %add3A_339] : memref<2x320000xi32, #tpu.memory_space<hbm>> -> memref<1x400xi32, #tpu.memory_space<hbm>>
    %dma_start3A_351 = tpu.memref_squeeze %dma_start3A_350 : memref<1x400xi32, #tpu.memory_space<hbm>> -> memref<400xi32, #tpu.memory_space<hbm>>
    tpu.enqueue_dma source(%dma_start3A_351 : memref<400xi32, #tpu.memory_space<hbm>>) target(%dma_start3A_349 : memref<400xi32, #tpu.memory_space<vmem>>) target_semaphore(%arg15 : memref<!tpu.dma_semaphore, #tpu.memory_space<semaphore_mem>>)
    %add3A_352 = arith.constant 4800 : i32
    %add3A_353 = arith.addi %mul3A_2, %add3A_352 : i32
    %dma_start3A_354 = arith.constant 1 : i32
    %dma_start3A_355 = arith.constant 12 : i32
    %dma_start3A_356 = arith.constant 0 : i32
    %dma_start3A_357 = tpu.memref_slice %arg7[%dma_start3A_355, %dma_start3A_356] : memref<25x400xi32, #tpu.memory_space<vmem>> -> memref<1x400xi32, #tpu.memory_space<vmem>>
    %dma_start3A_358 = tpu.memref_squeeze %dma_start3A_357 : memref<1x400xi32, #tpu.memory_space<vmem>> -> memref<400xi32, #tpu.memory_space<vmem>>
    %dma_start3A_359 = tpu.memref_slice %arg3[%dma_start3A_354, %add3A_353] : memref<2x320000xi32, #tpu.memory_space<hbm>> -> memref<1x400xi32, #tpu.memory_space<hbm>>
    %dma_start3A_360 = tpu.memref_squeeze %dma_start3A_359 : memref<1x400xi32, #tpu.memory_space<hbm>> -> memref<400xi32, #tpu.memory_space<hbm>>
    %dma_start3A_361 = arith.constant 0 : i32
    %dma_start3A_362 = tpu.memref_slice %arg7[%dma_start3A_355, %dma_start3A_361] : memref<25x400xi32, #tpu.memory_space<vmem>> -> memref<1x400xi32, #tpu.memory_space<vmem>>
    %dma_start3A_363 = tpu.memref_squeeze %dma_start3A_362 : memref<1x400xi32, #tpu.memory_space<vmem>> -> memref<400xi32, #tpu.memory_space<vmem>>
    %dma_start3A_364 = tpu.memref_slice %arg3[%dma_start3A_354, %add3A_353] : memref<2x320000xi32, #tpu.memory_space<hbm>> -> memref<1x400xi32, #tpu.memory_space<hbm>>
    %dma_start3A_365 = tpu.memref_squeeze %dma_start3A_364 : memref<1x400xi32, #tpu.memory_space<hbm>> -> memref<400xi32, #tpu.memory_space<hbm>>
    tpu.enqueue_dma source(%dma_start3A_365 : memref<400xi32, #tpu.memory_space<hbm>>) target(%dma_start3A_363 : memref<400xi32, #tpu.memory_space<vmem>>) target_semaphore(%arg15 : memref<!tpu.dma_semaphore, #tpu.memory_space<semaphore_mem>>)
    %add3A_366 = arith.constant 5200 : i32
    %add3A_367 = arith.addi %mul3A_2, %add3A_366 : i32
    %dma_start3A_368 = arith.constant 0 : i32
    %dma_start3A_369 = arith.constant 13 : i32
    %dma_start3A_370 = arith.constant 0 : i32
    %dma_start3A_371 = tpu.memref_slice %arg6[%dma_start3A_369, %dma_start3A_370] : memref<25x400xi32, #tpu.memory_space<vmem>> -> memref<1x400xi32, #tpu.memory_space<vmem>>
    %dma_start3A_372 = tpu.memref_squeeze %dma_start3A_371 : memref<1x400xi32, #tpu.memory_space<vmem>> -> memref<400xi32, #tpu.memory_space<vmem>>
    %dma_start3A_373 = tpu.memref_slice %arg3[%dma_start3A_368, %add3A_367] : memref<2x320000xi32, #tpu.memory_space<hbm>> -> memref<1x400xi32, #tpu.memory_space<hbm>>
    %dma_start3A_374 = tpu.memref_squeeze %dma_start3A_373 : memref<1x400xi32, #tpu.memory_space<hbm>> -> memref<400xi32, #tpu.memory_space<hbm>>
    %dma_start3A_375 = arith.constant 0 : i32
    %dma_start3A_376 = tpu.memref_slice %arg6[%dma_start3A_369, %dma_start3A_375] : memref<25x400xi32, #tpu.memory_space<vmem>> -> memref<1x400xi32, #tpu.memory_space<vmem>>
    %dma_start3A_377 = tpu.memref_squeeze %dma_start3A_376 : memref<1x400xi32, #tpu.memory_space<vmem>> -> memref<400xi32, #tpu.memory_space<vmem>>
    %dma_start3A_378 = tpu.memref_slice %arg3[%dma_start3A_368, %add3A_367] : memref<2x320000xi32, #tpu.memory_space<hbm>> -> memref<1x400xi32, #tpu.memory_space<hbm>>
    %dma_start3A_379 = tpu.memref_squeeze %dma_start3A_378 : memref<1x400xi32, #tpu.memory_space<hbm>> -> memref<400xi32, #tpu.memory_space<hbm>>
    tpu.enqueue_dma source(%dma_start3A_379 : memref<400xi32, #tpu.memory_space<hbm>>) target(%dma_start3A_377 : memref<400xi32, #tpu.memory_space<vmem>>) target_semaphore(%arg15 : memref<!tpu.dma_semaphore, #tpu.memory_space<semaphore_mem>>)
    %add3A_380 = arith.constant 5200 : i32
    %add3A_381 = arith.addi %mul3A_2, %add3A_380 : i32
    %dma_start3A_382 = arith.constant 1 : i32
    %dma_start3A_383 = arith.constant 13 : i32
    %dma_start3A_384 = arith.constant 0 : i32
    %dma_start3A_385 = tpu.memref_slice %arg7[%dma_start3A_383, %dma_start3A_384] : memref<25x400xi32, #tpu.memory_space<vmem>> -> memref<1x400xi32, #tpu.memory_space<vmem>>
    %dma_start3A_386 = tpu.memref_squeeze %dma_start3A_385 : memref<1x400xi32, #tpu.memory_space<vmem>> -> memref<400xi32, #tpu.memory_space<vmem>>
    %dma_start3A_387 = tpu.memref_slice %arg3[%dma_start3A_382, %add3A_381] : memref<2x320000xi32, #tpu.memory_space<hbm>> -> memref<1x400xi32, #tpu.memory_space<hbm>>
    %dma_start3A_388 = tpu.memref_squeeze %dma_start3A_387 : memref<1x400xi32, #tpu.memory_space<hbm>> -> memref<400xi32, #tpu.memory_space<hbm>>
    %dma_start3A_389 = arith.constant 0 : i32
    %dma_start3A_390 = tpu.memref_slice %arg7[%dma_start3A_383, %dma_start3A_389] : memref<25x400xi32, #tpu.memory_space<vmem>> -> memref<1x400xi32, #tpu.memory_space<vmem>>
    %dma_start3A_391 = tpu.memref_squeeze %dma_start3A_390 : memref<1x400xi32, #tpu.memory_space<vmem>> -> memref<400xi32, #tpu.memory_space<vmem>>
    %dma_start3A_392 = tpu.memref_slice %arg3[%dma_start3A_382, %add3A_381] : memref<2x320000xi32, #tpu.memory_space<hbm>> -> memref<1x400xi32, #tpu.memory_space<hbm>>
    %dma_start3A_393 = tpu.memref_squeeze %dma_start3A_392 : memref<1x400xi32, #tpu.memory_space<hbm>> -> memref<400xi32, #tpu.memory_space<hbm>>
    tpu.enqueue_dma source(%dma_start3A_393 : memref<400xi32, #tpu.memory_space<hbm>>) target(%dma_start3A_391 : memref<400xi32, #tpu.memory_space<vmem>>) target_semaphore(%arg15 : memref<!tpu.dma_semaphore, #tpu.memory_space<semaphore_mem>>)
    %add3A_394 = arith.constant 5600 : i32
    %add3A_395 = arith.addi %mul3A_2, %add3A_394 : i32
    %dma_start3A_396 = arith.constant 0 : i32
    %dma_start3A_397 = arith.constant 14 : i32
    %dma_start3A_398 = arith.constant 0 : i32
    %dma_start3A_399 = tpu.memref_slice %arg6[%dma_start3A_397, %dma_start3A_398] : memref<25x400xi32, #tpu.memory_space<vmem>> -> memref<1x400xi32, #tpu.memory_space<vmem>>
    %dma_start3A_400 = tpu.memref_squeeze %dma_start3A_399 : memref<1x400xi32, #tpu.memory_space<vmem>> -> memref<400xi32, #tpu.memory_space<vmem>>
    %dma_start3A_401 = tpu.memref_slice %arg3[%dma_start3A_396, %add3A_395] : memref<2x320000xi32, #tpu.memory_space<hbm>> -> memref<1x400xi32, #tpu.memory_space<hbm>>
    %dma_start3A_402 = tpu.memref_squeeze %dma_start3A_401 : memref<1x400xi32, #tpu.memory_space<hbm>> -> memref<400xi32, #tpu.memory_space<hbm>>
    %dma_start3A_403 = arith.constant 0 : i32
    %dma_start3A_404 = tpu.memref_slice %arg6[%dma_start3A_397, %dma_start3A_403] : memref<25x400xi32, #tpu.memory_space<vmem>> -> memref<1x400xi32, #tpu.memory_space<vmem>>
    %dma_start3A_405 = tpu.memref_squeeze %dma_start3A_404 : memref<1x400xi32, #tpu.memory_space<vmem>> -> memref<400xi32, #tpu.memory_space<vmem>>
    %dma_start3A_406 = tpu.memref_slice %arg3[%dma_start3A_396, %add3A_395] : memref<2x320000xi32, #tpu.memory_space<hbm>> -> memref<1x400xi32, #tpu.memory_space<hbm>>
    %dma_start3A_407 = tpu.memref_squeeze %dma_start3A_406 : memref<1x400xi32, #tpu.memory_space<hbm>> -> memref<400xi32, #tpu.memory_space<hbm>>
    tpu.enqueue_dma source(%dma_start3A_407 : memref<400xi32, #tpu.memory_space<hbm>>) target(%dma_start3A_405 : memref<400xi32, #tpu.memory_space<vmem>>) target_semaphore(%arg15 : memref<!tpu.dma_semaphore, #tpu.memory_space<semaphore_mem>>)
    %add3A_408 = arith.constant 5600 : i32
    %add3A_409 = arith.addi %mul3A_2, %add3A_408 : i32
    %dma_start3A_410 = arith.constant 1 : i32
    %dma_start3A_411 = arith.constant 14 : i32
    %dma_start3A_412 = arith.constant 0 : i32
    %dma_start3A_413 = tpu.memref_slice %arg7[%dma_start3A_411, %dma_start3A_412] : memref<25x400xi32, #tpu.memory_space<vmem>> -> memref<1x400xi32, #tpu.memory_space<vmem>>
    %dma_start3A_414 = tpu.memref_squeeze %dma_start3A_413 : memref<1x400xi32, #tpu.memory_space<vmem>> -> memref<400xi32, #tpu.memory_space<vmem>>
    %dma_start3A_415 = tpu.memref_slice %arg3[%dma_start3A_410, %add3A_409] : memref<2x320000xi32, #tpu.memory_space<hbm>> -> memref<1x400xi32, #tpu.memory_space<hbm>>
    %dma_start3A_416 = tpu.memref_squeeze %dma_start3A_415 : memref<1x400xi32, #tpu.memory_space<hbm>> -> memref<400xi32, #tpu.memory_space<hbm>>
    %dma_start3A_417 = arith.constant 0 : i32
    %dma_start3A_418 = tpu.memref_slice %arg7[%dma_start3A_411, %dma_start3A_417] : memref<25x400xi32, #tpu.memory_space<vmem>> -> memref<1x400xi32, #tpu.memory_space<vmem>>
    %dma_start3A_419 = tpu.memref_squeeze %dma_start3A_418 : memref<1x400xi32, #tpu.memory_space<vmem>> -> memref<400xi32, #tpu.memory_space<vmem>>
    %dma_start3A_420 = tpu.memref_slice %arg3[%dma_start3A_410, %add3A_409] : memref<2x320000xi32, #tpu.memory_space<hbm>> -> memref<1x400xi32, #tpu.memory_space<hbm>>
    %dma_start3A_421 = tpu.memref_squeeze %dma_start3A_420 : memref<1x400xi32, #tpu.memory_space<hbm>> -> memref<400xi32, #tpu.memory_space<hbm>>
    tpu.enqueue_dma source(%dma_start3A_421 : memref<400xi32, #tpu.memory_space<hbm>>) target(%dma_start3A_419 : memref<400xi32, #tpu.memory_space<vmem>>) target_semaphore(%arg15 : memref<!tpu.dma_semaphore, #tpu.memory_space<semaphore_mem>>)
    %add3A_422 = arith.constant 6000 : i32
    %add3A_423 = arith.addi %mul3A_2, %add3A_422 : i32
    %dma_start3A_424 = arith.constant 0 : i32
    %dma_start3A_425 = arith.constant 15 : i32
    %dma_start3A_426 = arith.constant 0 : i32
    %dma_start3A_427 = tpu.memref_slice %arg6[%dma_start3A_425, %dma_start3A_426] : memref<25x400xi32, #tpu.memory_space<vmem>> -> memref<1x400xi32, #tpu.memory_space<vmem>>
    %dma_start3A_428 = tpu.memref_squeeze %dma_start3A_427 : memref<1x400xi32, #tpu.memory_space<vmem>> -> memref<400xi32, #tpu.memory_space<vmem>>
    %dma_start3A_429 = tpu.memref_slice %arg3[%dma_start3A_424, %add3A_423] : memref<2x320000xi32, #tpu.memory_space<hbm>> -> memref<1x400xi32, #tpu.memory_space<hbm>>
    %dma_start3A_430 = tpu.memref_squeeze %dma_start3A_429 : memref<1x400xi32, #tpu.memory_space<hbm>> -> memref<400xi32, #tpu.memory_space<hbm>>
    %dma_start3A_431 = arith.constant 0 : i32
    %dma_start3A_432 = tpu.memref_slice %arg6[%dma_start3A_425, %dma_start3A_431] : memref<25x400xi32, #tpu.memory_space<vmem>> -> memref<1x400xi32, #tpu.memory_space<vmem>>
    %dma_start3A_433 = tpu.memref_squeeze %dma_start3A_432 : memref<1x400xi32, #tpu.memory_space<vmem>> -> memref<400xi32, #tpu.memory_space<vmem>>
    %dma_start3A_434 = tpu.memref_slice %arg3[%dma_start3A_424, %add3A_423] : memref<2x320000xi32, #tpu.memory_space<hbm>> -> memref<1x400xi32, #tpu.memory_space<hbm>>
    %dma_start3A_435 = tpu.memref_squeeze %dma_start3A_434 : memref<1x400xi32, #tpu.memory_space<hbm>> -> memref<400xi32, #tpu.memory_space<hbm>>
    tpu.enqueue_dma source(%dma_start3A_435 : memref<400xi32, #tpu.memory_space<hbm>>) target(%dma_start3A_433 : memref<400xi32, #tpu.memory_space<vmem>>) target_semaphore(%arg15 : memref<!tpu.dma_semaphore, #tpu.memory_space<semaphore_mem>>)
    %add3A_436 = arith.constant 6000 : i32
    %add3A_437 = arith.addi %mul3A_2, %add3A_436 : i32
    %dma_start3A_438 = arith.constant 1 : i32
    %dma_start3A_439 = arith.constant 15 : i32
    %dma_start3A_440 = arith.constant 0 : i32
    %dma_start3A_441 = tpu.memref_slice %arg7[%dma_start3A_439, %dma_start3A_440] : memref<25x400xi32, #tpu.memory_space<vmem>> -> memref<1x400xi32, #tpu.memory_space<vmem>>
    %dma_start3A_442 = tpu.memref_squeeze %dma_start3A_441 : memref<1x400xi32, #tpu.memory_space<vmem>> -> memref<400xi32, #tpu.memory_space<vmem>>
    %dma_start3A_443 = tpu.memref_slice %arg3[%dma_start3A_438, %add3A_437] : memref<2x320000xi32, #tpu.memory_space<hbm>> -> memref<1x400xi32, #tpu.memory_space<hbm>>
    %dma_start3A_444 = tpu.memref_squeeze %dma_start3A_443 : memref<1x400xi32, #tpu.memory_space<hbm>> -> memref<400xi32, #tpu.memory_space<hbm>>
    %dma_start3A_445 = arith.constant 0 : i32
    %dma_start3A_446 = tpu.memref_slice %arg7[%dma_start3A_439, %dma_start3A_445] : memref<25x400xi32, #tpu.memory_space<vmem>> -> memref<1x400xi32, #tpu.memory_space<vmem>>
    %dma_start3A_447 = tpu.memref_squeeze %dma_start3A_446 : memref<1x400xi32, #tpu.memory_space<vmem>> -> memref<400xi32, #tpu.memory_space<vmem>>
    %dma_start3A_448 = tpu.memref_slice %arg3[%dma_start3A_438, %add3A_437] : memref<2x320000xi32, #tpu.memory_space<hbm>> -> memref<1x400xi32, #tpu.memory_space<hbm>>
    %dma_start3A_449 = tpu.memref_squeeze %dma_start3A_448 : memref<1x400xi32, #tpu.memory_space<hbm>> -> memref<400xi32, #tpu.memory_space<hbm>>
    tpu.enqueue_dma source(%dma_start3A_449 : memref<400xi32, #tpu.memory_space<hbm>>) target(%dma_start3A_447 : memref<400xi32, #tpu.memory_space<vmem>>) target_semaphore(%arg15 : memref<!tpu.dma_semaphore, #tpu.memory_space<semaphore_mem>>)
    %add3A_450 = arith.constant 6400 : i32
    %add3A_451 = arith.addi %mul3A_2, %add3A_450 : i32
    %dma_start3A_452 = arith.constant 0 : i32
    %dma_start3A_453 = arith.constant 16 : i32
    %dma_start3A_454 = arith.constant 0 : i32
    %dma_start3A_455 = tpu.memref_slice %arg6[%dma_start3A_453, %dma_start3A_454] : memref<25x400xi32, #tpu.memory_space<vmem>> -> memref<1x400xi32, #tpu.memory_space<vmem>>
    %dma_start3A_456 = tpu.memref_squeeze %dma_start3A_455 : memref<1x400xi32, #tpu.memory_space<vmem>> -> memref<400xi32, #tpu.memory_space<vmem>>
    %dma_start3A_457 = tpu.memref_slice %arg3[%dma_start3A_452, %add3A_451] : memref<2x320000xi32, #tpu.memory_space<hbm>> -> memref<1x400xi32, #tpu.memory_space<hbm>>
    %dma_start3A_458 = tpu.memref_squeeze %dma_start3A_457 : memref<1x400xi32, #tpu.memory_space<hbm>> -> memref<400xi32, #tpu.memory_space<hbm>>
    %dma_start3A_459 = arith.constant 0 : i32
    %dma_start3A_460 = tpu.memref_slice %arg6[%dma_start3A_453, %dma_start3A_459] : memref<25x400xi32, #tpu.memory_space<vmem>> -> memref<1x400xi32, #tpu.memory_space<vmem>>
    %dma_start3A_461 = tpu.memref_squeeze %dma_start3A_460 : memref<1x400xi32, #tpu.memory_space<vmem>> -> memref<400xi32, #tpu.memory_space<vmem>>
    %dma_start3A_462 = tpu.memref_slice %arg3[%dma_start3A_452, %add3A_451] : memref<2x320000xi32, #tpu.memory_space<hbm>> -> memref<1x400xi32, #tpu.memory_space<hbm>>
    %dma_start3A_463 = tpu.memref_squeeze %dma_start3A_462 : memref<1x400xi32, #tpu.memory_space<hbm>> -> memref<400xi32, #tpu.memory_space<hbm>>
    tpu.enqueue_dma source(%dma_start3A_463 : memref<400xi32, #tpu.memory_space<hbm>>) target(%dma_start3A_461 : memref<400xi32, #tpu.memory_space<vmem>>) target_semaphore(%arg15 : memref<!tpu.dma_semaphore, #tpu.memory_space<semaphore_mem>>)
    %add3A_464 = arith.constant 6400 : i32
    %add3A_465 = arith.addi %mul3A_2, %add3A_464 : i32
    %dma_start3A_466 = arith.constant 1 : i32
    %dma_start3A_467 = arith.constant 16 : i32
    %dma_start3A_468 = arith.constant 0 : i32
    %dma_start3A_469 = tpu.memref_slice %arg7[%dma_start3A_467, %dma_start3A_468] : memref<25x400xi32, #tpu.memory_space<vmem>> -> memref<1x400xi32, #tpu.memory_space<vmem>>
    %dma_start3A_470 = tpu.memref_squeeze %dma_start3A_469 : memref<1x400xi32, #tpu.memory_space<vmem>> -> memref<400xi32, #tpu.memory_space<vmem>>
    %dma_start3A_471 = tpu.memref_slice %arg3[%dma_start3A_466, %add3A_465] : memref<2x320000xi32, #tpu.memory_space<hbm>> -> memref<1x400xi32, #tpu.memory_space<hbm>>
    %dma_start3A_472 = tpu.memref_squeeze %dma_start3A_471 : memref<1x400xi32, #tpu.memory_space<hbm>> -> memref<400xi32, #tpu.memory_space<hbm>>
    %dma_start3A_473 = arith.constant 0 : i32
    %dma_start3A_474 = tpu.memref_slice %arg7[%dma_start3A_467, %dma_start3A_473] : memref<25x400xi32, #tpu.memory_space<vmem>> -> memref<1x400xi32, #tpu.memory_space<vmem>>
    %dma_start3A_475 = tpu.memref_squeeze %dma_start3A_474 : memref<1x400xi32, #tpu.memory_space<vmem>> -> memref<400xi32, #tpu.memory_space<vmem>>
    %dma_start3A_476 = tpu.memref_slice %arg3[%dma_start3A_466, %add3A_465] : memref<2x320000xi32, #tpu.memory_space<hbm>> -> memref<1x400xi32, #tpu.memory_space<hbm>>
    %dma_start3A_477 = tpu.memref_squeeze %dma_start3A_476 : memref<1x400xi32, #tpu.memory_space<hbm>> -> memref<400xi32, #tpu.memory_space<hbm>>
    tpu.enqueue_dma source(%dma_start3A_477 : memref<400xi32, #tpu.memory_space<hbm>>) target(%dma_start3A_475 : memref<400xi32, #tpu.memory_space<vmem>>) target_semaphore(%arg15 : memref<!tpu.dma_semaphore, #tpu.memory_space<semaphore_mem>>)
    %add3A_478 = arith.constant 6800 : i32
    %add3A_479 = arith.addi %mul3A_2, %add3A_478 : i32
    %dma_start3A_480 = arith.constant 0 : i32
    %dma_start3A_481 = arith.constant 17 : i32
    %dma_start3A_482 = arith.constant 0 : i32
    %dma_start3A_483 = tpu.memref_slice %arg6[%dma_start3A_481, %dma_start3A_482] : memref<25x400xi32, #tpu.memory_space<vmem>> -> memref<1x400xi32, #tpu.memory_space<vmem>>
    %dma_start3A_484 = tpu.memref_squeeze %dma_start3A_483 : memref<1x400xi32, #tpu.memory_space<vmem>> -> memref<400xi32, #tpu.memory_space<vmem>>
    %dma_start3A_485 = tpu.memref_slice %arg3[%dma_start3A_480, %add3A_479] : memref<2x320000xi32, #tpu.memory_space<hbm>> -> memref<1x400xi32, #tpu.memory_space<hbm>>
    %dma_start3A_486 = tpu.memref_squeeze %dma_start3A_485 : memref<1x400xi32, #tpu.memory_space<hbm>> -> memref<400xi32, #tpu.memory_space<hbm>>
    %dma_start3A_487 = arith.constant 0 : i32
    %dma_start3A_488 = tpu.memref_slice %arg6[%dma_start3A_481, %dma_start3A_487] : memref<25x400xi32, #tpu.memory_space<vmem>> -> memref<1x400xi32, #tpu.memory_space<vmem>>
    %dma_start3A_489 = tpu.memref_squeeze %dma_start3A_488 : memref<1x400xi32, #tpu.memory_space<vmem>> -> memref<400xi32, #tpu.memory_space<vmem>>
    %dma_start3A_490 = tpu.memref_slice %arg3[%dma_start3A_480, %add3A_479] : memref<2x320000xi32, #tpu.memory_space<hbm>> -> memref<1x400xi32, #tpu.memory_space<hbm>>
    %dma_start3A_491 = tpu.memref_squeeze %dma_start3A_490 : memref<1x400xi32, #tpu.memory_space<hbm>> -> memref<400xi32, #tpu.memory_space<hbm>>
    tpu.enqueue_dma source(%dma_start3A_491 : memref<400xi32, #tpu.memory_space<hbm>>) target(%dma_start3A_489 : memref<400xi32, #tpu.memory_space<vmem>>) target_semaphore(%arg15 : memref<!tpu.dma_semaphore, #tpu.memory_space<semaphore_mem>>)
    %add3A_492 = arith.constant 6800 : i32
    %add3A_493 = arith.addi %mul3A_2, %add3A_492 : i32
    %dma_start3A_494 = arith.constant 1 : i32
    %dma_start3A_495 = arith.constant 17 : i32
    %dma_start3A_496 = arith.constant 0 : i32
    %dma_start3A_497 = tpu.memref_slice %arg7[%dma_start3A_495, %dma_start3A_496] : memref<25x400xi32, #tpu.memory_space<vmem>> -> memref<1x400xi32, #tpu.memory_space<vmem>>
    %dma_start3A_498 = tpu.memref_squeeze %dma_start3A_497 : memref<1x400xi32, #tpu.memory_space<vmem>> -> memref<400xi32, #tpu.memory_space<vmem>>
    %dma_start3A_499 = tpu.memref_slice %arg3[%dma_start3A_494, %add3A_493] : memref<2x320000xi32, #tpu.memory_space<hbm>> -> memref<1x400xi32, #tpu.memory_space<hbm>>
    %dma_start3A_500 = tpu.memref_squeeze %dma_start3A_499 : memref<1x400xi32, #tpu.memory_space<hbm>> -> memref<400xi32, #tpu.memory_space<hbm>>
    %dma_start3A_501 = arith.constant 0 : i32
    %dma_start3A_502 = tpu.memref_slice %arg7[%dma_start3A_495, %dma_start3A_501] : memref<25x400xi32, #tpu.memory_space<vmem>> -> memref<1x400xi32, #tpu.memory_space<vmem>>
    %dma_start3A_503 = tpu.memref_squeeze %dma_start3A_502 : memref<1x400xi32, #tpu.memory_space<vmem>> -> memref<400xi32, #tpu.memory_space<vmem>>
    %dma_start3A_504 = tpu.memref_slice %arg3[%dma_start3A_494, %add3A_493] : memref<2x320000xi32, #tpu.memory_space<hbm>> -> memref<1x400xi32, #tpu.memory_space<hbm>>
    %dma_start3A_505 = tpu.memref_squeeze %dma_start3A_504 : memref<1x400xi32, #tpu.memory_space<hbm>> -> memref<400xi32, #tpu.memory_space<hbm>>
    tpu.enqueue_dma source(%dma_start3A_505 : memref<400xi32, #tpu.memory_space<hbm>>) target(%dma_start3A_503 : memref<400xi32, #tpu.memory_space<vmem>>) target_semaphore(%arg15 : memref<!tpu.dma_semaphore, #tpu.memory_space<semaphore_mem>>)
    %add3A_506 = arith.constant 7200 : i32
    %add3A_507 = arith.addi %mul3A_2, %add3A_506 : i32
    %dma_start3A_508 = arith.constant 0 : i32
    %dma_start3A_509 = arith.constant 18 : i32
    %dma_start3A_510 = arith.constant 0 : i32
    %dma_start3A_511 = tpu.memref_slice %arg6[%dma_start3A_509, %dma_start3A_510] : memref<25x400xi32, #tpu.memory_space<vmem>> -> memref<1x400xi32, #tpu.memory_space<vmem>>
    %dma_start3A_512 = tpu.memref_squeeze %dma_start3A_511 : memref<1x400xi32, #tpu.memory_space<vmem>> -> memref<400xi32, #tpu.memory_space<vmem>>
    %dma_start3A_513 = tpu.memref_slice %arg3[%dma_start3A_508, %add3A_507] : memref<2x320000xi32, #tpu.memory_space<hbm>> -> memref<1x400xi32, #tpu.memory_space<hbm>>
    %dma_start3A_514 = tpu.memref_squeeze %dma_start3A_513 : memref<1x400xi32, #tpu.memory_space<hbm>> -> memref<400xi32, #tpu.memory_space<hbm>>
    %dma_start3A_515 = arith.constant 0 : i32
    %dma_start3A_516 = tpu.memref_slice %arg6[%dma_start3A_509, %dma_start3A_515] : memref<25x400xi32, #tpu.memory_space<vmem>> -> memref<1x400xi32, #tpu.memory_space<vmem>>
    %dma_start3A_517 = tpu.memref_squeeze %dma_start3A_516 : memref<1x400xi32, #tpu.memory_space<vmem>> -> memref<400xi32, #tpu.memory_space<vmem>>
    %dma_start3A_518 = tpu.memref_slice %arg3[%dma_start3A_508, %add3A_507] : memref<2x320000xi32, #tpu.memory_space<hbm>> -> memref<1x400xi32, #tpu.memory_space<hbm>>
    %dma_start3A_519 = tpu.memref_squeeze %dma_start3A_518 : memref<1x400xi32, #tpu.memory_space<hbm>> -> memref<400xi32, #tpu.memory_space<hbm>>
    tpu.enqueue_dma source(%dma_start3A_519 : memref<400xi32, #tpu.memory_space<hbm>>) target(%dma_start3A_517 : memref<400xi32, #tpu.memory_space<vmem>>) target_semaphore(%arg15 : memref<!tpu.dma_semaphore, #tpu.memory_space<semaphore_mem>>)
    %add3A_520 = arith.constant 7200 : i32
    %add3A_521 = arith.addi %mul3A_2, %add3A_520 : i32
    %dma_start3A_522 = arith.constant 1 : i32
    %dma_start3A_523 = arith.constant 18 : i32
    %dma_start3A_524 = arith.constant 0 : i32
    %dma_start3A_525 = tpu.memref_slice %arg7[%dma_start3A_523, %dma_start3A_524] : memref<25x400xi32, #tpu.memory_space<vmem>> -> memref<1x400xi32, #tpu.memory_space<vmem>>
    %dma_start3A_526 = tpu.memref_squeeze %dma_start3A_525 : memref<1x400xi32, #tpu.memory_space<vmem>> -> memref<400xi32, #tpu.memory_space<vmem>>
    %dma_start3A_527 = tpu.memref_slice %arg3[%dma_start3A_522, %add3A_521] : memref<2x320000xi32, #tpu.memory_space<hbm>> -> memref<1x400xi32, #tpu.memory_space<hbm>>
    %dma_start3A_528 = tpu.memref_squeeze %dma_start3A_527 : memref<1x400xi32, #tpu.memory_space<hbm>> -> memref<400xi32, #tpu.memory_space<hbm>>
    %dma_start3A_529 = arith.constant 0 : i32
    %dma_start3A_530 = tpu.memref_slice %arg7[%dma_start3A_523, %dma_start3A_529] : memref<25x400xi32, #tpu.memory_space<vmem>> -> memref<1x400xi32, #tpu.memory_space<vmem>>
    %dma_start3A_531 = tpu.memref_squeeze %dma_start3A_530 : memref<1x400xi32, #tpu.memory_space<vmem>> -> memref<400xi32, #tpu.memory_space<vmem>>
    %dma_start3A_532 = tpu.memref_slice %arg3[%dma_start3A_522, %add3A_521] : memref<2x320000xi32, #tpu.memory_space<hbm>> -> memref<1x400xi32, #tpu.memory_space<hbm>>
    %dma_start3A_533 = tpu.memref_squeeze %dma_start3A_532 : memref<1x400xi32, #tpu.memory_space<hbm>> -> memref<400xi32, #tpu.memory_space<hbm>>
    tpu.enqueue_dma source(%dma_start3A_533 : memref<400xi32, #tpu.memory_space<hbm>>) target(%dma_start3A_531 : memref<400xi32, #tpu.memory_space<vmem>>) target_semaphore(%arg15 : memref<!tpu.dma_semaphore, #tpu.memory_space<semaphore_mem>>)
    %add3A_534 = arith.constant 7600 : i32
    %add3A_535 = arith.addi %mul3A_2, %add3A_534 : i32
    %dma_start3A_536 = arith.constant 0 : i32
    %dma_start3A_537 = arith.constant 19 : i32
    %dma_start3A_538 = arith.constant 0 : i32
    %dma_start3A_539 = tpu.memref_slice %arg6[%dma_start3A_537, %dma_start3A_538] : memref<25x400xi32, #tpu.memory_space<vmem>> -> memref<1x400xi32, #tpu.memory_space<vmem>>
    %dma_start3A_540 = tpu.memref_squeeze %dma_start3A_539 : memref<1x400xi32, #tpu.memory_space<vmem>> -> memref<400xi32, #tpu.memory_space<vmem>>
    %dma_start3A_541 = tpu.memref_slice %arg3[%dma_start3A_536, %add3A_535] : memref<2x320000xi32, #tpu.memory_space<hbm>> -> memref<1x400xi32, #tpu.memory_space<hbm>>
    %dma_start3A_542 = tpu.memref_squeeze %dma_start3A_541 : memref<1x400xi32, #tpu.memory_space<hbm>> -> memref<400xi32, #tpu.memory_space<hbm>>
    %dma_start3A_543 = arith.constant 0 : i32
    %dma_start3A_544 = tpu.memref_slice %arg6[%dma_start3A_537, %dma_start3A_543] : memref<25x400xi32, #tpu.memory_space<vmem>> -> memref<1x400xi32, #tpu.memory_space<vmem>>
    %dma_start3A_545 = tpu.memref_squeeze %dma_start3A_544 : memref<1x400xi32, #tpu.memory_space<vmem>> -> memref<400xi32, #tpu.memory_space<vmem>>
    %dma_start3A_546 = tpu.memref_slice %arg3[%dma_start3A_536, %add3A_535] : memref<2x320000xi32, #tpu.memory_space<hbm>> -> memref<1x400xi32, #tpu.memory_space<hbm>>
    %dma_start3A_547 = tpu.memref_squeeze %dma_start3A_546 : memref<1x400xi32, #tpu.memory_space<hbm>> -> memref<400xi32, #tpu.memory_space<hbm>>
    tpu.enqueue_dma source(%dma_start3A_547 : memref<400xi32, #tpu.memory_space<hbm>>) target(%dma_start3A_545 : memref<400xi32, #tpu.memory_space<vmem>>) target_semaphore(%arg15 : memref<!tpu.dma_semaphore, #tpu.memory_space<semaphore_mem>>)
    %add3A_548 = arith.constant 7600 : i32
    %add3A_549 = arith.addi %mul3A_2, %add3A_548 : i32
    %dma_start3A_550 = arith.constant 1 : i32
    %dma_start3A_551 = arith.constant 19 : i32
    %dma_start3A_552 = arith.constant 0 : i32
    %dma_start3A_553 = tpu.memref_slice %arg7[%dma_start3A_551, %dma_start3A_552] : memref<25x400xi32, #tpu.memory_space<vmem>> -> memref<1x400xi32, #tpu.memory_space<vmem>>
    %dma_start3A_554 = tpu.memref_squeeze %dma_start3A_553 : memref<1x400xi32, #tpu.memory_space<vmem>> -> memref<400xi32, #tpu.memory_space<vmem>>
    %dma_start3A_555 = tpu.memref_slice %arg3[%dma_start3A_550, %add3A_549] : memref<2x320000xi32, #tpu.memory_space<hbm>> -> memref<1x400xi32, #tpu.memory_space<hbm>>
    %dma_start3A_556 = tpu.memref_squeeze %dma_start3A_555 : memref<1x400xi32, #tpu.memory_space<hbm>> -> memref<400xi32, #tpu.memory_space<hbm>>
    %dma_start3A_557 = arith.constant 0 : i32
    %dma_start3A_558 = tpu.memref_slice %arg7[%dma_start3A_551, %dma_start3A_557] : memref<25x400xi32, #tpu.memory_space<vmem>> -> memref<1x400xi32, #tpu.memory_space<vmem>>
    %dma_start3A_559 = tpu.memref_squeeze %dma_start3A_558 : memref<1x400xi32, #tpu.memory_space<vmem>> -> memref<400xi32, #tpu.memory_space<vmem>>
    %dma_start3A_560 = tpu.memref_slice %arg3[%dma_start3A_550, %add3A_549] : memref<2x320000xi32, #tpu.memory_space<hbm>> -> memref<1x400xi32, #tpu.memory_space<hbm>>
    %dma_start3A_561 = tpu.memref_squeeze %dma_start3A_560 : memref<1x400xi32, #tpu.memory_space<hbm>> -> memref<400xi32, #tpu.memory_space<hbm>>
    tpu.enqueue_dma source(%dma_start3A_561 : memref<400xi32, #tpu.memory_space<hbm>>) target(%dma_start3A_559 : memref<400xi32, #tpu.memory_space<vmem>>) target_semaphore(%arg15 : memref<!tpu.dma_semaphore, #tpu.memory_space<semaphore_mem>>)
    %add3A_562 = arith.constant 8000 : i32
    %add3A_563 = arith.addi %mul3A_2, %add3A_562 : i32
    %dma_start3A_564 = arith.constant 0 : i32
    %dma_start3A_565 = arith.constant 20 : i32
    %dma_start3A_566 = arith.constant 0 : i32
    %dma_start3A_567 = tpu.memref_slice %arg6[%dma_start3A_565, %dma_start3A_566] : memref<25x400xi32, #tpu.memory_space<vmem>> -> memref<1x400xi32, #tpu.memory_space<vmem>>
    %dma_start3A_568 = tpu.memref_squeeze %dma_start3A_567 : memref<1x400xi32, #tpu.memory_space<vmem>> -> memref<400xi32, #tpu.memory_space<vmem>>
    %dma_start3A_569 = tpu.memref_slice %arg3[%dma_start3A_564, %add3A_563] : memref<2x320000xi32, #tpu.memory_space<hbm>> -> memref<1x400xi32, #tpu.memory_space<hbm>>
    %dma_start3A_570 = tpu.memref_squeeze %dma_start3A_569 : memref<1x400xi32, #tpu.memory_space<hbm>> -> memref<400xi32, #tpu.memory_space<hbm>>
    %dma_start3A_571 = arith.constant 0 : i32
    %dma_start3A_572 = tpu.memref_slice %arg6[%dma_start3A_565, %dma_start3A_571] : memref<25x400xi32, #tpu.memory_space<vmem>> -> memref<1x400xi32, #tpu.memory_space<vmem>>
    %dma_start3A_573 = tpu.memref_squeeze %dma_start3A_572 : memref<1x400xi32, #tpu.memory_space<vmem>> -> memref<400xi32, #tpu.memory_space<vmem>>
    %dma_start3A_574 = tpu.memref_slice %arg3[%dma_start3A_564, %add3A_563] : memref<2x320000xi32, #tpu.memory_space<hbm>> -> memref<1x400xi32, #tpu.memory_space<hbm>>
    %dma_start3A_575 = tpu.memref_squeeze %dma_start3A_574 : memref<1x400xi32, #tpu.memory_space<hbm>> -> memref<400xi32, #tpu.memory_space<hbm>>
    tpu.enqueue_dma source(%dma_start3A_575 : memref<400xi32, #tpu.memory_space<hbm>>) target(%dma_start3A_573 : memref<400xi32, #tpu.memory_space<vmem>>) target_semaphore(%arg15 : memref<!tpu.dma_semaphore, #tpu.memory_space<semaphore_mem>>)
    %add3A_576 = arith.constant 8000 : i32
    %add3A_577 = arith.addi %mul3A_2, %add3A_576 : i32
    %dma_start3A_578 = arith.constant 1 : i32
    %dma_start3A_579 = arith.constant 20 : i32
    %dma_start3A_580 = arith.constant 0 : i32
    %dma_start3A_581 = tpu.memref_slice %arg7[%dma_start3A_579, %dma_start3A_580] : memref<25x400xi32, #tpu.memory_space<vmem>> -> memref<1x400xi32, #tpu.memory_space<vmem>>
    %dma_start3A_582 = tpu.memref_squeeze %dma_start3A_581 : memref<1x400xi32, #tpu.memory_space<vmem>> -> memref<400xi32, #tpu.memory_space<vmem>>
    %dma_start3A_583 = tpu.memref_slice %arg3[%dma_start3A_578, %add3A_577] : memref<2x320000xi32, #tpu.memory_space<hbm>> -> memref<1x400xi32, #tpu.memory_space<hbm>>
    %dma_start3A_584 = tpu.memref_squeeze %dma_start3A_583 : memref<1x400xi32, #tpu.memory_space<hbm>> -> memref<400xi32, #tpu.memory_space<hbm>>
    %dma_start3A_585 = arith.constant 0 : i32
    %dma_start3A_586 = tpu.memref_slice %arg7[%dma_start3A_579, %dma_start3A_585] : memref<25x400xi32, #tpu.memory_space<vmem>> -> memref<1x400xi32, #tpu.memory_space<vmem>>
    %dma_start3A_587 = tpu.memref_squeeze %dma_start3A_586 : memref<1x400xi32, #tpu.memory_space<vmem>> -> memref<400xi32, #tpu.memory_space<vmem>>
    %dma_start3A_588 = tpu.memref_slice %arg3[%dma_start3A_578, %add3A_577] : memref<2x320000xi32, #tpu.memory_space<hbm>> -> memref<1x400xi32, #tpu.memory_space<hbm>>
    %dma_start3A_589 = tpu.memref_squeeze %dma_start3A_588 : memref<1x400xi32, #tpu.memory_space<hbm>> -> memref<400xi32, #tpu.memory_space<hbm>>
    tpu.enqueue_dma source(%dma_start3A_589 : memref<400xi32, #tpu.memory_space<hbm>>) target(%dma_start3A_587 : memref<400xi32, #tpu.memory_space<vmem>>) target_semaphore(%arg15 : memref<!tpu.dma_semaphore, #tpu.memory_space<semaphore_mem>>)
    %add3A_590 = arith.constant 8400 : i32
    %add3A_591 = arith.addi %mul3A_2, %add3A_590 : i32
    %dma_start3A_592 = arith.constant 0 : i32
    %dma_start3A_593 = arith.constant 21 : i32
    %dma_start3A_594 = arith.constant 0 : i32
    %dma_start3A_595 = tpu.memref_slice %arg6[%dma_start3A_593, %dma_start3A_594] : memref<25x400xi32, #tpu.memory_space<vmem>> -> memref<1x400xi32, #tpu.memory_space<vmem>>
    %dma_start3A_596 = tpu.memref_squeeze %dma_start3A_595 : memref<1x400xi32, #tpu.memory_space<vmem>> -> memref<400xi32, #tpu.memory_space<vmem>>
    %dma_start3A_597 = tpu.memref_slice %arg3[%dma_start3A_592, %add3A_591] : memref<2x320000xi32, #tpu.memory_space<hbm>> -> memref<1x400xi32, #tpu.memory_space<hbm>>
    %dma_start3A_598 = tpu.memref_squeeze %dma_start3A_597 : memref<1x400xi32, #tpu.memory_space<hbm>> -> memref<400xi32, #tpu.memory_space<hbm>>
    %dma_start3A_599 = arith.constant 0 : i32
    %dma_start3A_600 = tpu.memref_slice %arg6[%dma_start3A_593, %dma_start3A_599] : memref<25x400xi32, #tpu.memory_space<vmem>> -> memref<1x400xi32, #tpu.memory_space<vmem>>
    %dma_start3A_601 = tpu.memref_squeeze %dma_start3A_600 : memref<1x400xi32, #tpu.memory_space<vmem>> -> memref<400xi32, #tpu.memory_space<vmem>>
    %dma_start3A_602 = tpu.memref_slice %arg3[%dma_start3A_592, %add3A_591] : memref<2x320000xi32, #tpu.memory_space<hbm>> -> memref<1x400xi32, #tpu.memory_space<hbm>>
    %dma_start3A_603 = tpu.memref_squeeze %dma_start3A_602 : memref<1x400xi32, #tpu.memory_space<hbm>> -> memref<400xi32, #tpu.memory_space<hbm>>
    tpu.enqueue_dma source(%dma_start3A_603 : memref<400xi32, #tpu.memory_space<hbm>>) target(%dma_start3A_601 : memref<400xi32, #tpu.memory_space<vmem>>) target_semaphore(%arg15 : memref<!tpu.dma_semaphore, #tpu.memory_space<semaphore_mem>>)
    %add3A_604 = arith.constant 8400 : i32
    %add3A_605 = arith.addi %mul3A_2, %add3A_604 : i32
    %dma_start3A_606 = arith.constant 1 : i32
    %dma_start3A_607 = arith.constant 21 : i32
    %dma_start3A_608 = arith.constant 0 : i32
    %dma_start3A_609 = tpu.memref_slice %arg7[%dma_start3A_607, %dma_start3A_608] : memref<25x400xi32, #tpu.memory_space<vmem>> -> memref<1x400xi32, #tpu.memory_space<vmem>>
    %dma_start3A_610 = tpu.memref_squeeze %dma_start3A_609 : memref<1x400xi32, #tpu.memory_space<vmem>> -> memref<400xi32, #tpu.memory_space<vmem>>
    %dma_start3A_611 = tpu.memref_slice %arg3[%dma_start3A_606, %add3A_605] : memref<2x320000xi32, #tpu.memory_space<hbm>> -> memref<1x400xi32, #tpu.memory_space<hbm>>
    %dma_start3A_612 = tpu.memref_squeeze %dma_start3A_611 : memref<1x400xi32, #tpu.memory_space<hbm>> -> memref<400xi32, #tpu.memory_space<hbm>>
    %dma_start3A_613 = arith.constant 0 : i32
    %dma_start3A_614 = tpu.memref_slice %arg7[%dma_start3A_607, %dma_start3A_613] : memref<25x400xi32, #tpu.memory_space<vmem>> -> memref<1x400xi32, #tpu.memory_space<vmem>>
    %dma_start3A_615 = tpu.memref_squeeze %dma_start3A_614 : memref<1x400xi32, #tpu.memory_space<vmem>> -> memref<400xi32, #tpu.memory_space<vmem>>
    %dma_start3A_616 = tpu.memref_slice %arg3[%dma_start3A_606, %add3A_605] : memref<2x320000xi32, #tpu.memory_space<hbm>> -> memref<1x400xi32, #tpu.memory_space<hbm>>
    %dma_start3A_617 = tpu.memref_squeeze %dma_start3A_616 : memref<1x400xi32, #tpu.memory_space<hbm>> -> memref<400xi32, #tpu.memory_space<hbm>>
    tpu.enqueue_dma source(%dma_start3A_617 : memref<400xi32, #tpu.memory_space<hbm>>) target(%dma_start3A_615 : memref<400xi32, #tpu.memory_space<vmem>>) target_semaphore(%arg15 : memref<!tpu.dma_semaphore, #tpu.memory_space<semaphore_mem>>)
    %add3A_618 = arith.constant 8800 : i32
    %add3A_619 = arith.addi %mul3A_2, %add3A_618 : i32
    %dma_start3A_620 = arith.constant 0 : i32
    %dma_start3A_621 = arith.constant 22 : i32
    %dma_start3A_622 = arith.constant 0 : i32
    %dma_start3A_623 = tpu.memref_slice %arg6[%dma_start3A_621, %dma_start3A_622] : memref<25x400xi32, #tpu.memory_space<vmem>> -> memref<1x400xi32, #tpu.memory_space<vmem>>
    %dma_start3A_624 = tpu.memref_squeeze %dma_start3A_623 : memref<1x400xi32, #tpu.memory_space<vmem>> -> memref<400xi32, #tpu.memory_space<vmem>>
    %dma_start3A_625 = tpu.memref_slice %arg3[%dma_start3A_620, %add3A_619] : memref<2x320000xi32, #tpu.memory_space<hbm>> -> memref<1x400xi32, #tpu.memory_space<hbm>>
    %dma_start3A_626 = tpu.memref_squeeze %dma_start3A_625 : memref<1x400xi32, #tpu.memory_space<hbm>> -> memref<400xi32, #tpu.memory_space<hbm>>
    %dma_start3A_627 = arith.constant 0 : i32
    %dma_start3A_628 = tpu.memref_slice %arg6[%dma_start3A_621, %dma_start3A_627] : memref<25x400xi32, #tpu.memory_space<vmem>> -> memref<1x400xi32, #tpu.memory_space<vmem>>
    %dma_start3A_629 = tpu.memref_squeeze %dma_start3A_628 : memref<1x400xi32, #tpu.memory_space<vmem>> -> memref<400xi32, #tpu.memory_space<vmem>>
    %dma_start3A_630 = tpu.memref_slice %arg3[%dma_start3A_620, %add3A_619] : memref<2x320000xi32, #tpu.memory_space<hbm>> -> memref<1x400xi32, #tpu.memory_space<hbm>>
    %dma_start3A_631 = tpu.memref_squeeze %dma_start3A_630 : memref<1x400xi32, #tpu.memory_space<hbm>> -> memref<400xi32, #tpu.memory_space<hbm>>
    tpu.enqueue_dma source(%dma_start3A_631 : memref<400xi32, #tpu.memory_space<hbm>>) target(%dma_start3A_629 : memref<400xi32, #tpu.memory_space<vmem>>) target_semaphore(%arg15 : memref<!tpu.dma_semaphore, #tpu.memory_space<semaphore_mem>>)
    %add3A_632 = arith.constant 8800 : i32
    %add3A_633 = arith.addi %mul3A_2, %add3A_632 : i32
    %dma_start3A_634 = arith.constant 1 : i32
    %dma_start3A_635 = arith.constant 22 : i32
    %dma_start3A_636 = arith.constant 0 : i32
    %dma_start3A_637 = tpu.memref_slice %arg7[%dma_start3A_635, %dma_start3A_636] : memref<25x400xi32, #tpu.memory_space<vmem>> -> memref<1x400xi32, #tpu.memory_space<vmem>>
    %dma_start3A_638 = tpu.memref_squeeze %dma_start3A_637 : memref<1x400xi32, #tpu.memory_space<vmem>> -> memref<400xi32, #tpu.memory_space<vmem>>
    %dma_start3A_639 = tpu.memref_slice %arg3[%dma_start3A_634, %add3A_633] : memref<2x320000xi32, #tpu.memory_space<hbm>> -> memref<1x400xi32, #tpu.memory_space<hbm>>
    %dma_start3A_640 = tpu.memref_squeeze %dma_start3A_639 : memref<1x400xi32, #tpu.memory_space<hbm>> -> memref<400xi32, #tpu.memory_space<hbm>>
    %dma_start3A_641 = arith.constant 0 : i32
    %dma_start3A_642 = tpu.memref_slice %arg7[%dma_start3A_635, %dma_start3A_641] : memref<25x400xi32, #tpu.memory_space<vmem>> -> memref<1x400xi32, #tpu.memory_space<vmem>>
    %dma_start3A_643 = tpu.memref_squeeze %dma_start3A_642 : memref<1x400xi32, #tpu.memory_space<vmem>> -> memref<400xi32, #tpu.memory_space<vmem>>
    %dma_start3A_644 = tpu.memref_slice %arg3[%dma_start3A_634, %add3A_633] : memref<2x320000xi32, #tpu.memory_space<hbm>> -> memref<1x400xi32, #tpu.memory_space<hbm>>
    %dma_start3A_645 = tpu.memref_squeeze %dma_start3A_644 : memref<1x400xi32, #tpu.memory_space<hbm>> -> memref<400xi32, #tpu.memory_space<hbm>>
    tpu.enqueue_dma source(%dma_start3A_645 : memref<400xi32, #tpu.memory_space<hbm>>) target(%dma_start3A_643 : memref<400xi32, #tpu.memory_space<vmem>>) target_semaphore(%arg15 : memref<!tpu.dma_semaphore, #tpu.memory_space<semaphore_mem>>)
    %add3A_646 = arith.constant 9200 : i32
    %add3A_647 = arith.addi %mul3A_2, %add3A_646 : i32
    %dma_start3A_648 = arith.constant 0 : i32
    %dma_start3A_649 = arith.constant 23 : i32
    %dma_start3A_650 = arith.constant 0 : i32
    %dma_start3A_651 = tpu.memref_slice %arg6[%dma_start3A_649, %dma_start3A_650] : memref<25x400xi32, #tpu.memory_space<vmem>> -> memref<1x400xi32, #tpu.memory_space<vmem>>
    %dma_start3A_652 = tpu.memref_squeeze %dma_start3A_651 : memref<1x400xi32, #tpu.memory_space<vmem>> -> memref<400xi32, #tpu.memory_space<vmem>>
    %dma_start3A_653 = tpu.memref_slice %arg3[%dma_start3A_648, %add3A_647] : memref<2x320000xi32, #tpu.memory_space<hbm>> -> memref<1x400xi32, #tpu.memory_space<hbm>>
    %dma_start3A_654 = tpu.memref_squeeze %dma_start3A_653 : memref<1x400xi32, #tpu.memory_space<hbm>> -> memref<400xi32, #tpu.memory_space<hbm>>
    %dma_start3A_655 = arith.constant 0 : i32
    %dma_start3A_656 = tpu.memref_slice %arg6[%dma_start3A_649, %dma_start3A_655] : memref<25x400xi32, #tpu.memory_space<vmem>> -> memref<1x400xi32, #tpu.memory_space<vmem>>
    %dma_start3A_657 = tpu.memref_squeeze %dma_start3A_656 : memref<1x400xi32, #tpu.memory_space<vmem>> -> memref<400xi32, #tpu.memory_space<vmem>>
    %dma_start3A_658 = tpu.memref_slice %arg3[%dma_start3A_648, %add3A_647] : memref<2x320000xi32, #tpu.memory_space<hbm>> -> memref<1x400xi32, #tpu.memory_space<hbm>>
    %dma_start3A_659 = tpu.memref_squeeze %dma_start3A_658 : memref<1x400xi32, #tpu.memory_space<hbm>> -> memref<400xi32, #tpu.memory_space<hbm>>
    tpu.enqueue_dma source(%dma_start3A_659 : memref<400xi32, #tpu.memory_space<hbm>>) target(%dma_start3A_657 : memref<400xi32, #tpu.memory_space<vmem>>) target_semaphore(%arg15 : memref<!tpu.dma_semaphore, #tpu.memory_space<semaphore_mem>>)
    %add3A_660 = arith.constant 9200 : i32
    %add3A_661 = arith.addi %mul3A_2, %add3A_660 : i32
    %dma_start3A_662 = arith.constant 1 : i32
    %dma_start3A_663 = arith.constant 23 : i32
    %dma_start3A_664 = arith.constant 0 : i32
    %dma_start3A_665 = tpu.memref_slice %arg7[%dma_start3A_663, %dma_start3A_664] : memref<25x400xi32, #tpu.memory_space<vmem>> -> memref<1x400xi32, #tpu.memory_space<vmem>>
    %dma_start3A_666 = tpu.memref_squeeze %dma_start3A_665 : memref<1x400xi32, #tpu.memory_space<vmem>> -> memref<400xi32, #tpu.memory_space<vmem>>
    %dma_start3A_667 = tpu.memref_slice %arg3[%dma_start3A_662, %add3A_661] : memref<2x320000xi32, #tpu.memory_space<hbm>> -> memref<1x400xi32, #tpu.memory_space<hbm>>
    %dma_start3A_668 = tpu.memref_squeeze %dma_start3A_667 : memref<1x400xi32, #tpu.memory_space<hbm>> -> memref<400xi32, #tpu.memory_space<hbm>>
    %dma_start3A_669 = arith.constant 0 : i32
    %dma_start3A_670 = tpu.memref_slice %arg7[%dma_start3A_663, %dma_start3A_669] : memref<25x400xi32, #tpu.memory_space<vmem>> -> memref<1x400xi32, #tpu.memory_space<vmem>>
    %dma_start3A_671 = tpu.memref_squeeze %dma_start3A_670 : memref<1x400xi32, #tpu.memory_space<vmem>> -> memref<400xi32, #tpu.memory_space<vmem>>
    %dma_start3A_672 = tpu.memref_slice %arg3[%dma_start3A_662, %add3A_661] : memref<2x320000xi32, #tpu.memory_space<hbm>> -> memref<1x400xi32, #tpu.memory_space<hbm>>
    %dma_start3A_673 = tpu.memref_squeeze %dma_start3A_672 : memref<1x400xi32, #tpu.memory_space<hbm>> -> memref<400xi32, #tpu.memory_space<hbm>>
    tpu.enqueue_dma source(%dma_start3A_673 : memref<400xi32, #tpu.memory_space<hbm>>) target(%dma_start3A_671 : memref<400xi32, #tpu.memory_space<vmem>>) target_semaphore(%arg15 : memref<!tpu.dma_semaphore, #tpu.memory_space<semaphore_mem>>)
    %add3A_674 = arith.constant 9600 : i32
    %add3A_675 = arith.addi %mul3A_2, %add3A_674 : i32
    %dma_start3A_676 = arith.constant 0 : i32
    %dma_start3A_677 = arith.constant 24 : i32
    %dma_start3A_678 = arith.constant 0 : i32
    %dma_start3A_679 = tpu.memref_slice %arg6[%dma_start3A_677, %dma_start3A_678] : memref<25x400xi32, #tpu.memory_space<vmem>> -> memref<1x400xi32, #tpu.memory_space<vmem>>
    %dma_start3A_680 = tpu.memref_squeeze %dma_start3A_679 : memref<1x400xi32, #tpu.memory_space<vmem>> -> memref<400xi32, #tpu.memory_space<vmem>>
    %dma_start3A_681 = tpu.memref_slice %arg3[%dma_start3A_676, %add3A_675] : memref<2x320000xi32, #tpu.memory_space<hbm>> -> memref<1x400xi32, #tpu.memory_space<hbm>>
    %dma_start3A_682 = tpu.memref_squeeze %dma_start3A_681 : memref<1x400xi32, #tpu.memory_space<hbm>> -> memref<400xi32, #tpu.memory_space<hbm>>
    %dma_start3A_683 = arith.constant 0 : i32
    %dma_start3A_684 = tpu.memref_slice %arg6[%dma_start3A_677, %dma_start3A_683] : memref<25x400xi32, #tpu.memory_space<vmem>> -> memref<1x400xi32, #tpu.memory_space<vmem>>
    %dma_start3A_685 = tpu.memref_squeeze %dma_start3A_684 : memref<1x400xi32, #tpu.memory_space<vmem>> -> memref<400xi32, #tpu.memory_space<vmem>>
    %dma_start3A_686 = tpu.memref_slice %arg3[%dma_start3A_676, %add3A_675] : memref<2x320000xi32, #tpu.memory_space<hbm>> -> memref<1x400xi32, #tpu.memory_space<hbm>>
    %dma_start3A_687 = tpu.memref_squeeze %dma_start3A_686 : memref<1x400xi32, #tpu.memory_space<hbm>> -> memref<400xi32, #tpu.memory_space<hbm>>
    tpu.enqueue_dma source(%dma_start3A_687 : memref<400xi32, #tpu.memory_space<hbm>>) target(%dma_start3A_685 : memref<400xi32, #tpu.memory_space<vmem>>) target_semaphore(%arg15 : memref<!tpu.dma_semaphore, #tpu.memory_space<semaphore_mem>>)
    %add3A_688 = arith.constant 9600 : i32
    %add3A_689 = arith.addi %mul3A_2, %add3A_688 : i32
    %dma_start3A_690 = arith.constant 1 : i32
    %dma_start3A_691 = arith.constant 24 : i32
    %dma_start3A_692 = arith.constant 0 : i32
    %dma_start3A_693 = tpu.memref_slice %arg7[%dma_start3A_691, %dma_start3A_692] : memref<25x400xi32, #tpu.memory_space<vmem>> -> memref<1x400xi32, #tpu.memory_space<vmem>>
    %dma_start3A_694 = tpu.memref_squeeze %dma_start3A_693 : memref<1x400xi32, #tpu.memory_space<vmem>> -> memref<400xi32, #tpu.memory_space<vmem>>
    %dma_start3A_695 = tpu.memref_slice %arg3[%dma_start3A_690, %add3A_689] : memref<2x320000xi32, #tpu.memory_space<hbm>> -> memref<1x400xi32, #tpu.memory_space<hbm>>
    %dma_start3A_696 = tpu.memref_squeeze %dma_start3A_695 : memref<1x400xi32, #tpu.memory_space<hbm>> -> memref<400xi32, #tpu.memory_space<hbm>>
    %dma_start3A_697 = arith.constant 0 : i32
    %dma_start3A_698 = tpu.memref_slice %arg7[%dma_start3A_691, %dma_start3A_697] : memref<25x400xi32, #tpu.memory_space<vmem>> -> memref<1x400xi32, #tpu.memory_space<vmem>>
    %dma_start3A_699 = tpu.memref_squeeze %dma_start3A_698 : memref<1x400xi32, #tpu.memory_space<vmem>> -> memref<400xi32, #tpu.memory_space<vmem>>
    %dma_start3A_700 = tpu.memref_slice %arg3[%dma_start3A_690, %add3A_689] : memref<2x320000xi32, #tpu.memory_space<hbm>> -> memref<1x400xi32, #tpu.memory_space<hbm>>
    %dma_start3A_701 = tpu.memref_squeeze %dma_start3A_700 : memref<1x400xi32, #tpu.memory_space<hbm>> -> memref<400xi32, #tpu.memory_space<hbm>>
    tpu.enqueue_dma source(%dma_start3A_701 : memref<400xi32, #tpu.memory_space<hbm>>) target(%dma_start3A_699 : memref<400xi32, #tpu.memory_space<vmem>>) target_semaphore(%arg15 : memref<!tpu.dma_semaphore, #tpu.memory_space<semaphore_mem>>)
    %mul3A_702 = arith.constant 632 : i32
    %mul3A_703 = arith.muli %arg1, %mul3A_702 : i32
    %mul3A_704 = arith.constant 632 : i32
    %mul3A_705 = arith.muli %arg1, %mul3A_704 : i32
    "tpu.region"() ({
      %run_scoped3A_1574 = tpu.sem_alloc : memref<!tpu.dma_semaphore, #tpu.memory_space<semaphore_mem>>
      %dma_start3A_1575 = arith.constant 0 : i32
      %dma_start3A_1576 = tpu.memref_slice %arg11[%mul3A_705, %dma_start3A_1575] : memref<10112x16xf32, #tpu.memory_space<vmem_shared>> -> memref<632x16xf32, #tpu.memory_space<vmem_shared>>
      %dma_start3A_1577 = arith.constant 0 : i32
      %dma_start3A_1578 = tpu.memref_slice %arg4[%mul3A_703, %dma_start3A_1577] : memref<10112x16xf32, #tpu.memory_space<hbm>> -> memref<632x16xf32, #tpu.memory_space<hbm>>
      tpu.enqueue_dma source(%dma_start3A_1578 : memref<632x16xf32, #tpu.memory_space<hbm>>) target(%dma_start3A_1576 : memref<632x16xf32, #tpu.memory_space<vmem_shared>>) target_semaphore(%run_scoped3A_1574 : memref<!tpu.dma_semaphore, #tpu.memory_space<semaphore_mem>>)
      %dma_wait3A_1579 = arith.constant 0 : i32
      %dma_wait3A_1580 = tpu.memref_slice %arg11[%mul3A_705, %dma_wait3A_1579] : memref<10112x16xf32, #tpu.memory_space<vmem_shared>> -> memref<632x16xf32, #tpu.memory_space<vmem_shared>>
      %dma_wait3A_1581 = arith.constant 0 : i32
      %dma_wait3A_1582 = tpu.memref_slice %arg4[%mul3A_703, %dma_wait3A_1581] : memref<10112x16xf32, #tpu.memory_space<hbm>> -> memref<632x16xf32, #tpu.memory_space<hbm>>
      tpu.wait_dma2 semaphore(%run_scoped3A_1574 : memref<!tpu.dma_semaphore, #tpu.memory_space<semaphore_mem>>) src(%dma_wait3A_1582 : memref<632x16xf32, #tpu.memory_space<hbm>>) dst(%dma_wait3A_1580 : memref<632x16xf32, #tpu.memory_space<vmem_shared>>)
      tpu.yield
    }) : () -> ()
    %lt3A = arith.constant 10 : i32
    %lt3A_706 = arith.cmpi slt, %arg1, %lt3A : i32
    %convert_element_type3A = arith.extui %lt3A_706 : i1 to i32
    %cond3A = arith.constant 0 : i32
    %cond3A_707 = arith.cmpi ne, %convert_element_type3A, %cond3A : i32
    scf.if %cond3A_707 {
      %mul3A_1574 = arith.constant 125 : i32
      %mul3A_1575 = arith.muli %arg1, %mul3A_1574 : i32
      "tpu.region"() ({
        %run_scoped3A_1584 = tpu.sem_alloc : memref<!tpu.dma_semaphore, #tpu.memory_space<semaphore_mem>>
        %dma_start3A_1585 = arith.constant 0 : i32
        %dma_start3A_1586 = tpu.memref_slice %arg2[%mul3A_1575, %dma_start3A_1585] : memref<1250x128xf32, #tpu.memory_space<hbm>> -> memref<125x128xf32, #tpu.memory_space<hbm>>
        %dma_start3A_1587 = arith.constant 0 : i32
        %dma_start3A_1588 = tpu.memref_slice %arg2[%mul3A_1575, %dma_start3A_1587] : memref<1250x128xf32, #tpu.memory_space<hbm>> -> memref<125x128xf32, #tpu.memory_space<hbm>>
        tpu.enqueue_dma source(%dma_start3A_1588 : memref<125x128xf32, #tpu.memory_space<hbm>>) target(%arg9 : memref<125x128xf32, #tpu.memory_space<vmem>>) target_semaphore(%run_scoped3A_1584 : memref<!tpu.dma_semaphore, #tpu.memory_space<semaphore_mem>>)
        %dma_wait3A_1589 = arith.constant 0 : i32
        %dma_wait3A_1590 = tpu.memref_slice %arg2[%mul3A_1575, %dma_wait3A_1589] : memref<1250x128xf32, #tpu.memory_space<hbm>> -> memref<125x128xf32, #tpu.memory_space<hbm>>
        %dma_wait3A_1591 = arith.constant 0 : i32
        %dma_wait3A_1592 = tpu.memref_slice %arg2[%mul3A_1575, %dma_wait3A_1591] : memref<1250x128xf32, #tpu.memory_space<hbm>> -> memref<125x128xf32, #tpu.memory_space<hbm>>
        tpu.wait_dma2 semaphore(%run_scoped3A_1584 : memref<!tpu.dma_semaphore, #tpu.memory_space<semaphore_mem>>) src(%dma_wait3A_1592 : memref<125x128xf32, #tpu.memory_space<hbm>>) dst(%arg9 : memref<125x128xf32, #tpu.memory_space<vmem>>)
        tpu.yield
      }) : () -> ()
      %scan3A_1576 = arith.constant 0 : i32
      %scan3A_1577 = arith.constant 0 : i32
      %scan3A_1578 = arith.constant 25 : i32
      %scan3A_1579 = arith.addi %scan3A_1577, %scan3A_1578 : i32
      %scan3A_1580 = arith.constant 1 : i32
      scf.for %scan3A_1584 = %scan3A_1577 to %scan3A_1579 step %scan3A_1580  : i32 {
        %mul3A_1585 = arith.constant 5 : i32
        %mul3A_1586 = arith.muli %mul3A_1585, %scan3A_1584 : i32
        %add3A_1587 = arith.constant 0 : i32
        %add3A_1588 = arith.addi %mul3A_1586, %add3A_1587 : i32
        %get3A = arith.index_cast %add3A_1588 : i32 to index
        %get3A_1589 = arith.constant 0 : index
        %get3A_1590 = tpu.vector_load %arg9[%get3A, %get3A_1589] {strides = array<i32>} : memref<125x128xf32, #tpu.memory_space<vmem>>, vector<1x16xf32>,
        %get3A_1591 = vector.shape_cast %get3A_1590 : vector<1x16xf32> to vector<16xf32>
        %mul3A_1592 = arith.constant 8 : i32
        %mul3A_1593 = arith.muli %mul3A_1592, %add3A_1588 : i32
        %add3A_1594 = arith.constant 0 : i32
        %add3A_1595 = arith.addi %mul3A_1593, %add3A_1594 : i32
        %swap3A = arith.index_cast %add3A_1595 : i32 to index
        %swap3A_1596 = arith.constant 0 : index
        %swap3A_1597 = tpu.vector_load %arg10[%swap3A, %swap3A_1596] {strides = array<i32>} : memref<1000x16xf32, #tpu.memory_space<vmem>>, vector<1x16xf32>,
        %swap3A_1598 = vector.shape_cast %swap3A_1597 : vector<1x16xf32> to vector<16xf32>
        %swap3A_1599 = vector.shape_cast %get3A_1591 : vector<16xf32> to vector<1x16xf32>
        tpu.vector_store %arg10[%swap3A, %swap3A_1596], %swap3A_1599 {strides = array<i32>} : memref<1000x16xf32, #tpu.memory_space<vmem>>, vector<1x16xf32>,
        %mul3A_1600 = arith.constant 5 : i32
        %mul3A_1601 = arith.muli %mul3A_1600, %scan3A_1584 : i32
        %add3A_1602 = arith.constant 0 : i32
        %add3A_1603 = arith.addi %mul3A_1601, %add3A_1602 : i32
        %get3A_1604 = arith.index_cast %add3A_1603 : i32 to index
        %get3A_1605 = arith.constant 16 : index
        %get3A_1606 = tpu.vector_load %arg9[%get3A_1604, %get3A_1605] {strides = array<i32>} : memref<125x128xf32, #tpu.memory_space<vmem>>, vector<1x16xf32>,
        %get3A_1607 = vector.shape_cast %get3A_1606 : vector<1x16xf32> to vector<16xf32>
        %mul3A_1608 = arith.constant 8 : i32
        %mul3A_1609 = arith.muli %mul3A_1608, %add3A_1603 : i32
        %add3A_1610 = arith.constant 1 : i32
        %add3A_1611 = arith.addi %mul3A_1609, %add3A_1610 : i32
        %swap3A_1612 = arith.index_cast %add3A_1611 : i32 to index
        %swap3A_1613 = arith.constant 0 : index
        %swap3A_1614 = tpu.vector_load %arg10[%swap3A_1612, %swap3A_1613] {strides = array<i32>} : memref<1000x16xf32, #tpu.memory_space<vmem>>, vector<1x16xf32>,
        %swap3A_1615 = vector.shape_cast %swap3A_1614 : vector<1x16xf32> to vector<16xf32>
        %swap3A_1616 = vector.shape_cast %get3A_1607 : vector<16xf32> to vector<1x16xf32>
        tpu.vector_store %arg10[%swap3A_1612, %swap3A_1613], %swap3A_1616 {strides = array<i32>} : memref<1000x16xf32, #tpu.memory_space<vmem>>, vector<1x16xf32>,
        %mul3A_1617 = arith.constant 5 : i32
        %mul3A_1618 = arith.muli %mul3A_1617, %scan3A_1584 : i32
        %add3A_1619 = arith.constant 0 : i32
        %add3A_1620 = arith.addi %mul3A_1618, %add3A_1619 : i32
        %get3A_1621 = arith.index_cast %add3A_1620 : i32 to index
        %get3A_1622 = arith.constant 32 : index
        %get3A_1623 = tpu.vector_load %arg9[%get3A_1621, %get3A_1622] {strides = array<i32>} : memref<125x128xf32, #tpu.memory_space<vmem>>, vector<1x16xf32>,
        %get3A_1624 = vector.shape_cast %get3A_1623 : vector<1x16xf32> to vector<16xf32>
        %mul3A_1625 = arith.constant 8 : i32
        %mul3A_1626 = arith.muli %mul3A_1625, %add3A_1620 : i32
        %add3A_1627 = arith.constant 2 : i32
        %add3A_1628 = arith.addi %mul3A_1626, %add3A_1627 : i32
        %swap3A_1629 = arith.index_cast %add3A_1628 : i32 to index
        %swap3A_1630 = arith.constant 0 : index
        %swap3A_1631 = tpu.vector_load %arg10[%swap3A_1629, %swap3A_1630] {strides = array<i32>} : memref<1000x16xf32, #tpu.memory_space<vmem>>, vector<1x16xf32>,
        %swap3A_1632 = vector.shape_cast %swap3A_1631 : vector<1x16xf32> to vector<16xf32>
        %swap3A_1633 = vector.shape_cast %get3A_1624 : vector<16xf32> to vector<1x16xf32>
        tpu.vector_store %arg10[%swap3A_1629, %swap3A_1630], %swap3A_1633 {strides = array<i32>} : memref<1000x16xf32, #tpu.memory_space<vmem>>, vector<1x16xf32>,
        %mul3A_1634 = arith.constant 5 : i32
        %mul3A_1635 = arith.muli %mul3A_1634, %scan3A_1584 : i32
        %add3A_1636 = arith.constant 0 : i32
        %add3A_1637 = arith.addi %mul3A_1635, %add3A_1636 : i32
        %get3A_1638 = arith.index_cast %add3A_1637 : i32 to index
        %get3A_1639 = arith.constant 48 : index
        %get3A_1640 = tpu.vector_load %arg9[%get3A_1638, %get3A_1639] {strides = array<i32>} : memref<125x128xf32, #tpu.memory_space<vmem>>, vector<1x16xf32>,
        %get3A_1641 = vector.shape_cast %get3A_1640 : vector<1x16xf32> to vector<16xf32>
        %mul3A_1642 = arith.constant 8 : i32
        %mul3A_1643 = arith.muli %mul3A_1642, %add3A_1637 : i32
        %add3A_1644 = arith.constant 3 : i32
        %add3A_1645 = arith.addi %mul3A_1643, %add3A_1644 : i32
        %swap3A_1646 = arith.index_cast %add3A_1645 : i32 to index
        %swap3A_1647 = arith.constant 0 : index
        %swap3A_1648 = tpu.vector_load %arg10[%swap3A_1646, %swap3A_1647] {strides = array<i32>} : memref<1000x16xf32, #tpu.memory_space<vmem>>, vector<1x16xf32>,
        %swap3A_1649 = vector.shape_cast %swap3A_1648 : vector<1x16xf32> to vector<16xf32>
        %swap3A_1650 = vector.shape_cast %get3A_1641 : vector<16xf32> to vector<1x16xf32>
        tpu.vector_store %arg10[%swap3A_1646, %swap3A_1647], %swap3A_1650 {strides = array<i32>} : memref<1000x16xf32, #tpu.memory_space<vmem>>, vector<1x16xf32>,
        %mul3A_1651 = arith.constant 5 : i32
        %mul3A_1652 = arith.muli %mul3A_1651, %scan3A_1584 : i32
        %add3A_1653 = arith.constant 0 : i32
        %add3A_1654 = arith.addi %mul3A_1652, %add3A_1653 : i32
        %get3A_1655 = arith.index_cast %add3A_1654 : i32 to index
        %get3A_1656 = arith.constant 64 : index
        %get3A_1657 = tpu.vector_load %arg9[%get3A_1655, %get3A_1656] {strides = array<i32>} : memref<125x128xf32, #tpu.memory_space<vmem>>, vector<1x16xf32>,
        %get3A_1658 = vector.shape_cast %get3A_1657 : vector<1x16xf32> to vector<16xf32>
        %mul3A_1659 = arith.constant 8 : i32
        %mul3A_1660 = arith.muli %mul3A_1659, %add3A_1654 : i32
        %add3A_1661 = arith.constant 4 : i32
        %add3A_1662 = arith.addi %mul3A_1660, %add3A_1661 : i32
        %swap3A_1663 = arith.index_cast %add3A_1662 : i32 to index
        %swap3A_1664 = arith.constant 0 : index
        %swap3A_1665 = tpu.vector_load %arg10[%swap3A_1663, %swap3A_1664] {strides = array<i32>} : memref<1000x16xf32, #tpu.memory_space<vmem>>, vector<1x16xf32>,
        %swap3A_1666 = vector.shape_cast %swap3A_1665 : vector<1x16xf32> to vector<16xf32>
        %swap3A_1667 = vector.shape_cast %get3A_1658 : vector<16xf32> to vector<1x16xf32>
        tpu.vector_store %arg10[%swap3A_1663, %swap3A_1664], %swap3A_1667 {strides = array<i32>} : memref<1000x16xf32, #tpu.memory_space<vmem>>, vector<1x16xf32>,
        %mul3A_1668 = arith.constant 5 : i32
        %mul3A_1669 = arith.muli %mul3A_1668, %scan3A_1584 : i32
        %add3A_1670 = arith.constant 0 : i32
        %add3A_1671 = arith.addi %mul3A_1669, %add3A_1670 : i32
        %get3A_1672 = arith.index_cast %add3A_1671 : i32 to index
        %get3A_1673 = arith.constant 80 : index
        %get3A_1674 = tpu.vector_load %arg9[%get3A_1672, %get3A_1673] {strides = array<i32>} : memref<125x128xf32, #tpu.memory_space<vmem>>, vector<1x16xf32>,
        %get3A_1675 = vector.shape_cast %get3A_1674 : vector<1x16xf32> to vector<16xf32>
        %mul3A_1676 = arith.constant 8 : i32
        %mul3A_1677 = arith.muli %mul3A_1676, %add3A_1671 : i32
        %add3A_1678 = arith.constant 5 : i32
        %add3A_1679 = arith.addi %mul3A_1677, %add3A_1678 : i32
        %swap3A_1680 = arith.index_cast %add3A_1679 : i32 to index
        %swap3A_1681 = arith.constant 0 : index
        %swap3A_1682 = tpu.vector_load %arg10[%swap3A_1680, %swap3A_1681] {strides = array<i32>} : memref<1000x16xf32, #tpu.memory_space<vmem>>, vector<1x16xf32>,
        %swap3A_1683 = vector.shape_cast %swap3A_1682 : vector<1x16xf32> to vector<16xf32>
        %swap3A_1684 = vector.shape_cast %get3A_1675 : vector<16xf32> to vector<1x16xf32>
        tpu.vector_store %arg10[%swap3A_1680, %swap3A_1681], %swap3A_1684 {strides = array<i32>} : memref<1000x16xf32, #tpu.memory_space<vmem>>, vector<1x16xf32>,
        %mul3A_1685 = arith.constant 5 : i32
        %mul3A_1686 = arith.muli %mul3A_1685, %scan3A_1584 : i32
        %add3A_1687 = arith.constant 0 : i32
        %add3A_1688 = arith.addi %mul3A_1686, %add3A_1687 : i32
        %get3A_1689 = arith.index_cast %add3A_1688 : i32 to index
        %get3A_1690 = arith.constant 96 : index
        %get3A_1691 = tpu.vector_load %arg9[%get3A_1689, %get3A_1690] {strides = array<i32>} : memref<125x128xf32, #tpu.memory_space<vmem>>, vector<1x16xf32>,
        %get3A_1692 = vector.shape_cast %get3A_1691 : vector<1x16xf32> to vector<16xf32>
        %mul3A_1693 = arith.constant 8 : i32
        %mul3A_1694 = arith.muli %mul3A_1693, %add3A_1688 : i32
        %add3A_1695 = arith.constant 6 : i32
        %add3A_1696 = arith.addi %mul3A_1694, %add3A_1695 : i32
        %swap3A_1697 = arith.index_cast %add3A_1696 : i32 to index
        %swap3A_1698 = arith.constant 0 : index
        %swap3A_1699 = tpu.vector_load %arg10[%swap3A_1697, %swap3A_1698] {strides = array<i32>} : memref<1000x16xf32, #tpu.memory_space<vmem>>, vector<1x16xf32>,
        %swap3A_1700 = vector.shape_cast %swap3A_1699 : vector<1x16xf32> to vector<16xf32>
        %swap3A_1701 = vector.shape_cast %get3A_1692 : vector<16xf32> to vector<1x16xf32>
        tpu.vector_store %arg10[%swap3A_1697, %swap3A_1698], %swap3A_1701 {strides = array<i32>} : memref<1000x16xf32, #tpu.memory_space<vmem>>, vector<1x16xf32>,
        %mul3A_1702 = arith.constant 5 : i32
        %mul3A_1703 = arith.muli %mul3A_1702, %scan3A_1584 : i32
        %add3A_1704 = arith.constant 0 : i32
        %add3A_1705 = arith.addi %mul3A_1703, %add3A_1704 : i32
        %get3A_1706 = arith.index_cast %add3A_1705 : i32 to index
        %get3A_1707 = arith.constant 112 : index
        %get3A_1708 = tpu.vector_load %arg9[%get3A_1706, %get3A_1707] {strides = array<i32>} : memref<125x128xf32, #tpu.memory_space<vmem>>, vector<1x16xf32>,
        %get3A_1709 = vector.shape_cast %get3A_1708 : vector<1x16xf32> to vector<16xf32>
        %mul3A_1710 = arith.constant 8 : i32
        %mul3A_1711 = arith.muli %mul3A_1710, %add3A_1705 : i32
        %add3A_1712 = arith.constant 7 : i32
        %add3A_1713 = arith.addi %mul3A_1711, %add3A_1712 : i32
        %swap3A_1714 = arith.index_cast %add3A_1713 : i32 to index
        %swap3A_1715 = arith.constant 0 : index
        %swap3A_1716 = tpu.vector_load %arg10[%swap3A_1714, %swap3A_1715] {strides = array<i32>} : memref<1000x16xf32, #tpu.memory_space<vmem>>, vector<1x16xf32>,
        %swap3A_1717 = vector.shape_cast %swap3A_1716 : vector<1x16xf32> to vector<16xf32>
        %swap3A_1718 = vector.shape_cast %get3A_1709 : vector<16xf32> to vector<1x16xf32>
        tpu.vector_store %arg10[%swap3A_1714, %swap3A_1715], %swap3A_1718 {strides = array<i32>} : memref<1000x16xf32, #tpu.memory_space<vmem>>, vector<1x16xf32>,
        %mul3A_1719 = arith.constant 5 : i32
        %mul3A_1720 = arith.muli %mul3A_1719, %scan3A_1584 : i32
        %add3A_1721 = arith.constant 1 : i32
        %add3A_1722 = arith.addi %mul3A_1720, %add3A_1721 : i32
        %get3A_1723 = arith.index_cast %add3A_1722 : i32 to index
        %get3A_1724 = arith.constant 0 : index
        %get3A_1725 = tpu.vector_load %arg9[%get3A_1723, %get3A_1724] {strides = array<i32>} : memref<125x128xf32, #tpu.memory_space<vmem>>, vector<1x16xf32>,
        %get3A_1726 = vector.shape_cast %get3A_1725 : vector<1x16xf32> to vector<16xf32>
        %mul3A_1727 = arith.constant 8 : i32
        %mul3A_1728 = arith.muli %mul3A_1727, %add3A_1722 : i32
        %add3A_1729 = arith.constant 0 : i32
        %add3A_1730 = arith.addi %mul3A_1728, %add3A_1729 : i32
        %swap3A_1731 = arith.index_cast %add3A_1730 : i32 to index
        %swap3A_1732 = arith.constant 0 : index
        %swap3A_1733 = tpu.vector_load %arg10[%swap3A_1731, %swap3A_1732] {strides = array<i32>} : memref<1000x16xf32, #tpu.memory_space<vmem>>, vector<1x16xf32>,
        %swap3A_1734 = vector.shape_cast %swap3A_1733 : vector<1x16xf32> to vector<16xf32>
        %swap3A_1735 = vector.shape_cast %get3A_1726 : vector<16xf32> to vector<1x16xf32>
        tpu.vector_store %arg10[%swap3A_1731, %swap3A_1732], %swap3A_1735 {strides = array<i32>} : memref<1000x16xf32, #tpu.memory_space<vmem>>, vector<1x16xf32>,
        %mul3A_1736 = arith.constant 5 : i32
        %mul3A_1737 = arith.muli %mul3A_1736, %scan3A_1584 : i32
        %add3A_1738 = arith.constant 1 : i32
        %add3A_1739 = arith.addi %mul3A_1737, %add3A_1738 : i32
        %get3A_1740 = arith.index_cast %add3A_1739 : i32 to index
        %get3A_1741 = arith.constant 16 : index
        %get3A_1742 = tpu.vector_load %arg9[%get3A_1740, %get3A_1741] {strides = array<i32>} : memref<125x128xf32, #tpu.memory_space<vmem>>, vector<1x16xf32>,
        %get3A_1743 = vector.shape_cast %get3A_1742 : vector<1x16xf32> to vector<16xf32>
        %mul3A_1744 = arith.constant 8 : i32
        %mul3A_1745 = arith.muli %mul3A_1744, %add3A_1739 : i32
        %add3A_1746 = arith.constant 1 : i32
        %add3A_1747 = arith.addi %mul3A_1745, %add3A_1746 : i32
        %swap3A_1748 = arith.index_cast %add3A_1747 : i32 to index
        %swap3A_1749 = arith.constant 0 : index
        %swap3A_1750 = tpu.vector_load %arg10[%swap3A_1748, %swap3A_1749] {strides = array<i32>} : memref<1000x16xf32, #tpu.memory_space<vmem>>, vector<1x16xf32>,
        %swap3A_1751 = vector.shape_cast %swap3A_1750 : vector<1x16xf32> to vector<16xf32>
        %swap3A_1752 = vector.shape_cast %get3A_1743 : vector<16xf32> to vector<1x16xf32>
        tpu.vector_store %arg10[%swap3A_1748, %swap3A_1749], %swap3A_1752 {strides = array<i32>} : memref<1000x16xf32, #tpu.memory_space<vmem>>, vector<1x16xf32>,
        %mul3A_1753 = arith.constant 5 : i32
        %mul3A_1754 = arith.muli %mul3A_1753, %scan3A_1584 : i32
        %add3A_1755 = arith.constant 1 : i32
        %add3A_1756 = arith.addi %mul3A_1754, %add3A_1755 : i32
        %get3A_1757 = arith.index_cast %add3A_1756 : i32 to index
        %get3A_1758 = arith.constant 32 : index
        %get3A_1759 = tpu.vector_load %arg9[%get3A_1757, %get3A_1758] {strides = array<i32>} : memref<125x128xf32, #tpu.memory_space<vmem>>, vector<1x16xf32>,
        %get3A_1760 = vector.shape_cast %get3A_1759 : vector<1x16xf32> to vector<16xf32>
        %mul3A_1761 = arith.constant 8 : i32
        %mul3A_1762 = arith.muli %mul3A_1761, %add3A_1756 : i32
        %add3A_1763 = arith.constant 2 : i32
        %add3A_1764 = arith.addi %mul3A_1762, %add3A_1763 : i32
        %swap3A_1765 = arith.index_cast %add3A_1764 : i32 to index
        %swap3A_1766 = arith.constant 0 : index
        %swap3A_1767 = tpu.vector_load %arg10[%swap3A_1765, %swap3A_1766] {strides = array<i32>} : memref<1000x16xf32, #tpu.memory_space<vmem>>, vector<1x16xf32>,
        %swap3A_1768 = vector.shape_cast %swap3A_1767 : vector<1x16xf32> to vector<16xf32>
        %swap3A_1769 = vector.shape_cast %get3A_1760 : vector<16xf32> to vector<1x16xf32>
        tpu.vector_store %arg10[%swap3A_1765, %swap3A_1766], %swap3A_1769 {strides = array<i32>} : memref<1000x16xf32, #tpu.memory_space<vmem>>, vector<1x16xf32>,
        %mul3A_1770 = arith.constant 5 : i32
        %mul3A_1771 = arith.muli %mul3A_1770, %scan3A_1584 : i32
        %add3A_1772 = arith.constant 1 : i32
        %add3A_1773 = arith.addi %mul3A_1771, %add3A_1772 : i32
        %get3A_1774 = arith.index_cast %add3A_1773 : i32 to index
        %get3A_1775 = arith.constant 48 : index
        %get3A_1776 = tpu.vector_load %arg9[%get3A_1774, %get3A_1775] {strides = array<i32>} : memref<125x128xf32, #tpu.memory_space<vmem>>, vector<1x16xf32>,
        %get3A_1777 = vector.shape_cast %get3A_1776 : vector<1x16xf32> to vector<16xf32>
        %mul3A_1778 = arith.constant 8 : i32
        %mul3A_1779 = arith.muli %mul3A_1778, %add3A_1773 : i32
        %add3A_1780 = arith.constant 3 : i32
        %add3A_1781 = arith.addi %mul3A_1779, %add3A_1780 : i32
        %swap3A_1782 = arith.index_cast %add3A_1781 : i32 to index
        %swap3A_1783 = arith.constant 0 : index
        %swap3A_1784 = tpu.vector_load %arg10[%swap3A_1782, %swap3A_1783] {strides = array<i32>} : memref<1000x16xf32, #tpu.memory_space<vmem>>, vector<1x16xf32>,
        %swap3A_1785 = vector.shape_cast %swap3A_1784 : vector<1x16xf32> to vector<16xf32>
        %swap3A_1786 = vector.shape_cast %get3A_1777 : vector<16xf32> to vector<1x16xf32>
        tpu.vector_store %arg10[%swap3A_1782, %swap3A_1783], %swap3A_1786 {strides = array<i32>} : memref<1000x16xf32, #tpu.memory_space<vmem>>, vector<1x16xf32>,
        %mul3A_1787 = arith.constant 5 : i32
        %mul3A_1788 = arith.muli %mul3A_1787, %scan3A_1584 : i32
        %add3A_1789 = arith.constant 1 : i32
        %add3A_1790 = arith.addi %mul3A_1788, %add3A_1789 : i32
        %get3A_1791 = arith.index_cast %add3A_1790 : i32 to index
        %get3A_1792 = arith.constant 64 : index
        %get3A_1793 = tpu.vector_load %arg9[%get3A_1791, %get3A_1792] {strides = array<i32>} : memref<125x128xf32, #tpu.memory_space<vmem>>, vector<1x16xf32>,
        %get3A_1794 = vector.shape_cast %get3A_1793 : vector<1x16xf32> to vector<16xf32>
        %mul3A_1795 = arith.constant 8 : i32
        %mul3A_1796 = arith.muli %mul3A_1795, %add3A_1790 : i32
        %add3A_1797 = arith.constant 4 : i32
        %add3A_1798 = arith.addi %mul3A_1796, %add3A_1797 : i32
        %swap3A_1799 = arith.index_cast %add3A_1798 : i32 to index
        %swap3A_1800 = arith.constant 0 : index
        %swap3A_1801 = tpu.vector_load %arg10[%swap3A_1799, %swap3A_1800] {strides = array<i32>} : memref<1000x16xf32, #tpu.memory_space<vmem>>, vector<1x16xf32>,
        %swap3A_1802 = vector.shape_cast %swap3A_1801 : vector<1x16xf32> to vector<16xf32>
        %swap3A_1803 = vector.shape_cast %get3A_1794 : vector<16xf32> to vector<1x16xf32>
        tpu.vector_store %arg10[%swap3A_1799, %swap3A_1800], %swap3A_1803 {strides = array<i32>} : memref<1000x16xf32, #tpu.memory_space<vmem>>, vector<1x16xf32>,
        %mul3A_1804 = arith.constant 5 : i32
        %mul3A_1805 = arith.muli %mul3A_1804, %scan3A_1584 : i32
        %add3A_1806 = arith.constant 1 : i32
        %add3A_1807 = arith.addi %mul3A_1805, %add3A_1806 : i32
        %get3A_1808 = arith.index_cast %add3A_1807 : i32 to index
        %get3A_1809 = arith.constant 80 : index
        %get3A_1810 = tpu.vector_load %arg9[%get3A_1808, %get3A_1809] {strides = array<i32>} : memref<125x128xf32, #tpu.memory_space<vmem>>, vector<1x16xf32>,
        %get3A_1811 = vector.shape_cast %get3A_1810 : vector<1x16xf32> to vector<16xf32>
        %mul3A_1812 = arith.constant 8 : i32
        %mul3A_1813 = arith.muli %mul3A_1812, %add3A_1807 : i32
        %add3A_1814 = arith.constant 5 : i32
        %add3A_1815 = arith.addi %mul3A_1813, %add3A_1814 : i32
        %swap3A_1816 = arith.index_cast %add3A_1815 : i32 to index
        %swap3A_1817 = arith.constant 0 : index
        %swap3A_1818 = tpu.vector_load %arg10[%swap3A_1816, %swap3A_1817] {strides = array<i32>} : memref<1000x16xf32, #tpu.memory_space<vmem>>, vector<1x16xf32>,
        %swap3A_1819 = vector.shape_cast %swap3A_1818 : vector<1x16xf32> to vector<16xf32>
        %swap3A_1820 = vector.shape_cast %get3A_1811 : vector<16xf32> to vector<1x16xf32>
        tpu.vector_store %arg10[%swap3A_1816, %swap3A_1817], %swap3A_1820 {strides = array<i32>} : memref<1000x16xf32, #tpu.memory_space<vmem>>, vector<1x16xf32>,
        %mul3A_1821 = arith.constant 5 : i32
        %mul3A_1822 = arith.muli %mul3A_1821, %scan3A_1584 : i32
        %add3A_1823 = arith.constant 1 : i32
        %add3A_1824 = arith.addi %mul3A_1822, %add3A_1823 : i32
        %get3A_1825 = arith.index_cast %add3A_1824 : i32 to index
        %get3A_1826 = arith.constant 96 : index
        %get3A_1827 = tpu.vector_load %arg9[%get3A_1825, %get3A_1826] {strides = array<i32>} : memref<125x128xf32, #tpu.memory_space<vmem>>, vector<1x16xf32>,
        %get3A_1828 = vector.shape_cast %get3A_1827 : vector<1x16xf32> to vector<16xf32>
        %mul3A_1829 = arith.constant 8 : i32
        %mul3A_1830 = arith.muli %mul3A_1829, %add3A_1824 : i32
        %add3A_1831 = arith.constant 6 : i32
        %add3A_1832 = arith.addi %mul3A_1830, %add3A_1831 : i32
        %swap3A_1833 = arith.index_cast %add3A_1832 : i32 to index
        %swap3A_1834 = arith.constant 0 : index
        %swap3A_1835 = tpu.vector_load %arg10[%swap3A_1833, %swap3A_1834] {strides = array<i32>} : memref<1000x16xf32, #tpu.memory_space<vmem>>, vector<1x16xf32>,
        %swap3A_1836 = vector.shape_cast %swap3A_1835 : vector<1x16xf32> to vector<16xf32>
        %swap3A_1837 = vector.shape_cast %get3A_1828 : vector<16xf32> to vector<1x16xf32>
        tpu.vector_store %arg10[%swap3A_1833, %swap3A_1834], %swap3A_1837 {strides = array<i32>} : memref<1000x16xf32, #tpu.memory_space<vmem>>, vector<1x16xf32>,
        %mul3A_1838 = arith.constant 5 : i32
        %mul3A_1839 = arith.muli %mul3A_1838, %scan3A_1584 : i32
        %add3A_1840 = arith.constant 1 : i32
        %add3A_1841 = arith.addi %mul3A_1839, %add3A_1840 : i32
        %get3A_1842 = arith.index_cast %add3A_1841 : i32 to index
        %get3A_1843 = arith.constant 112 : index
        %get3A_1844 = tpu.vector_load %arg9[%get3A_1842, %get3A_1843] {strides = array<i32>} : memref<125x128xf32, #tpu.memory_space<vmem>>, vector<1x16xf32>,
        %get3A_1845 = vector.shape_cast %get3A_1844 : vector<1x16xf32> to vector<16xf32>
        %mul3A_1846 = arith.constant 8 : i32
        %mul3A_1847 = arith.muli %mul3A_1846, %add3A_1841 : i32
        %add3A_1848 = arith.constant 7 : i32
        %add3A_1849 = arith.addi %mul3A_1847, %add3A_1848 : i32
        %swap3A_1850 = arith.index_cast %add3A_1849 : i32 to index
        %swap3A_1851 = arith.constant 0 : index
        %swap3A_1852 = tpu.vector_load %arg10[%swap3A_1850, %swap3A_1851] {strides = array<i32>} : memref<1000x16xf32, #tpu.memory_space<vmem>>, vector<1x16xf32>,
        %swap3A_1853 = vector.shape_cast %swap3A_1852 : vector<1x16xf32> to vector<16xf32>
        %swap3A_1854 = vector.shape_cast %get3A_1845 : vector<16xf32> to vector<1x16xf32>
        tpu.vector_store %arg10[%swap3A_1850, %swap3A_1851], %swap3A_1854 {strides = array<i32>} : memref<1000x16xf32, #tpu.memory_space<vmem>>, vector<1x16xf32>,
        %mul3A_1855 = arith.constant 5 : i32
        %mul3A_1856 = arith.muli %mul3A_1855, %scan3A_1584 : i32
        %add3A_1857 = arith.constant 2 : i32
        %add3A_1858 = arith.addi %mul3A_1856, %add3A_1857 : i32
        %get3A_1859 = arith.index_cast %add3A_1858 : i32 to index
        %get3A_1860 = arith.constant 0 : index
        %get3A_1861 = tpu.vector_load %arg9[%get3A_1859, %get3A_1860] {strides = array<i32>} : memref<125x128xf32, #tpu.memory_space<vmem>>, vector<1x16xf32>,
        %get3A_1862 = vector.shape_cast %get3A_1861 : vector<1x16xf32> to vector<16xf32>
        %mul3A_1863 = arith.constant 8 : i32
        %mul3A_1864 = arith.muli %mul3A_1863, %add3A_1858 : i32
        %add3A_1865 = arith.constant 0 : i32
        %add3A_1866 = arith.addi %mul3A_1864, %add3A_1865 : i32
        %swap3A_1867 = arith.index_cast %add3A_1866 : i32 to index
        %swap3A_1868 = arith.constant 0 : index
        %swap3A_1869 = tpu.vector_load %arg10[%swap3A_1867, %swap3A_1868] {strides = array<i32>} : memref<1000x16xf32, #tpu.memory_space<vmem>>, vector<1x16xf32>,
        %swap3A_1870 = vector.shape_cast %swap3A_1869 : vector<1x16xf32> to vector<16xf32>
        %swap3A_1871 = vector.shape_cast %get3A_1862 : vector<16xf32> to vector<1x16xf32>
        tpu.vector_store %arg10[%swap3A_1867, %swap3A_1868], %swap3A_1871 {strides = array<i32>} : memref<1000x16xf32, #tpu.memory_space<vmem>>, vector<1x16xf32>,
        %mul3A_1872 = arith.constant 5 : i32
        %mul3A_1873 = arith.muli %mul3A_1872, %scan3A_1584 : i32
        %add3A_1874 = arith.constant 2 : i32
        %add3A_1875 = arith.addi %mul3A_1873, %add3A_1874 : i32
        %get3A_1876 = arith.index_cast %add3A_1875 : i32 to index
        %get3A_1877 = arith.constant 16 : index
        %get3A_1878 = tpu.vector_load %arg9[%get3A_1876, %get3A_1877] {strides = array<i32>} : memref<125x128xf32, #tpu.memory_space<vmem>>, vector<1x16xf32>,
        %get3A_1879 = vector.shape_cast %get3A_1878 : vector<1x16xf32> to vector<16xf32>
        %mul3A_1880 = arith.constant 8 : i32
        %mul3A_1881 = arith.muli %mul3A_1880, %add3A_1875 : i32
        %add3A_1882 = arith.constant 1 : i32
        %add3A_1883 = arith.addi %mul3A_1881, %add3A_1882 : i32
        %swap3A_1884 = arith.index_cast %add3A_1883 : i32 to index
        %swap3A_1885 = arith.constant 0 : index
        %swap3A_1886 = tpu.vector_load %arg10[%swap3A_1884, %swap3A_1885] {strides = array<i32>} : memref<1000x16xf32, #tpu.memory_space<vmem>>, vector<1x16xf32>,
        %swap3A_1887 = vector.shape_cast %swap3A_1886 : vector<1x16xf32> to vector<16xf32>
        %swap3A_1888 = vector.shape_cast %get3A_1879 : vector<16xf32> to vector<1x16xf32>
        tpu.vector_store %arg10[%swap3A_1884, %swap3A_1885], %swap3A_1888 {strides = array<i32>} : memref<1000x16xf32, #tpu.memory_space<vmem>>, vector<1x16xf32>,
        %mul3A_1889 = arith.constant 5 : i32
        %mul3A_1890 = arith.muli %mul3A_1889, %scan3A_1584 : i32
        %add3A_1891 = arith.constant 2 : i32
        %add3A_1892 = arith.addi %mul3A_1890, %add3A_1891 : i32
        %get3A_1893 = arith.index_cast %add3A_1892 : i32 to index
        %get3A_1894 = arith.constant 32 : index
        %get3A_1895 = tpu.vector_load %arg9[%get3A_1893, %get3A_1894] {strides = array<i32>} : memref<125x128xf32, #tpu.memory_space<vmem>>, vector<1x16xf32>,
        %get3A_1896 = vector.shape_cast %get3A_1895 : vector<1x16xf32> to vector<16xf32>
        %mul3A_1897 = arith.constant 8 : i32
        %mul3A_1898 = arith.muli %mul3A_1897, %add3A_1892 : i32
        %add3A_1899 = arith.constant 2 : i32
        %add3A_1900 = arith.addi %mul3A_1898, %add3A_1899 : i32
        %swap3A_1901 = arith.index_cast %add3A_1900 : i32 to index
        %swap3A_1902 = arith.constant 0 : index
        %swap3A_1903 = tpu.vector_load %arg10[%swap3A_1901, %swap3A_1902] {strides = array<i32>} : memref<1000x16xf32, #tpu.memory_space<vmem>>, vector<1x16xf32>,
        %swap3A_1904 = vector.shape_cast %swap3A_1903 : vector<1x16xf32> to vector<16xf32>
        %swap3A_1905 = vector.shape_cast %get3A_1896 : vector<16xf32> to vector<1x16xf32>
        tpu.vector_store %arg10[%swap3A_1901, %swap3A_1902], %swap3A_1905 {strides = array<i32>} : memref<1000x16xf32, #tpu.memory_space<vmem>>, vector<1x16xf32>,
        %mul3A_1906 = arith.constant 5 : i32
        %mul3A_1907 = arith.muli %mul3A_1906, %scan3A_1584 : i32
        %add3A_1908 = arith.constant 2 : i32
        %add3A_1909 = arith.addi %mul3A_1907, %add3A_1908 : i32
        %get3A_1910 = arith.index_cast %add3A_1909 : i32 to index
        %get3A_1911 = arith.constant 48 : index
        %get3A_1912 = tpu.vector_load %arg9[%get3A_1910, %get3A_1911] {strides = array<i32>} : memref<125x128xf32, #tpu.memory_space<vmem>>, vector<1x16xf32>,
        %get3A_1913 = vector.shape_cast %get3A_1912 : vector<1x16xf32> to vector<16xf32>
        %mul3A_1914 = arith.constant 8 : i32
        %mul3A_1915 = arith.muli %mul3A_1914, %add3A_1909 : i32
        %add3A_1916 = arith.constant 3 : i32
        %add3A_1917 = arith.addi %mul3A_1915, %add3A_1916 : i32
        %swap3A_1918 = arith.index_cast %add3A_1917 : i32 to index
        %swap3A_1919 = arith.constant 0 : index
        %swap3A_1920 = tpu.vector_load %arg10[%swap3A_1918, %swap3A_1919] {strides = array<i32>} : memref<1000x16xf32, #tpu.memory_space<vmem>>, vector<1x16xf32>,
        %swap3A_1921 = vector.shape_cast %swap3A_1920 : vector<1x16xf32> to vector<16xf32>
        %swap3A_1922 = vector.shape_cast %get3A_1913 : vector<16xf32> to vector<1x16xf32>
        tpu.vector_store %arg10[%swap3A_1918, %swap3A_1919], %swap3A_1922 {strides = array<i32>} : memref<1000x16xf32, #tpu.memory_space<vmem>>, vector<1x16xf32>,
        %mul3A_1923 = arith.constant 5 : i32
        %mul3A_1924 = arith.muli %mul3A_1923, %scan3A_1584 : i32
        %add3A_1925 = arith.constant 2 : i32
        %add3A_1926 = arith.addi %mul3A_1924, %add3A_1925 : i32
        %get3A_1927 = arith.index_cast %add3A_1926 : i32 to index
        %get3A_1928 = arith.constant 64 : index
        %get3A_1929 = tpu.vector_load %arg9[%get3A_1927, %get3A_1928] {strides = array<i32>} : memref<125x128xf32, #tpu.memory_space<vmem>>, vector<1x16xf32>,
        %get3A_1930 = vector.shape_cast %get3A_1929 : vector<1x16xf32> to vector<16xf32>
        %mul3A_1931 = arith.constant 8 : i32
        %mul3A_1932 = arith.muli %mul3A_1931, %add3A_1926 : i32
        %add3A_1933 = arith.constant 4 : i32
        %add3A_1934 = arith.addi %mul3A_1932, %add3A_1933 : i32
        %swap3A_1935 = arith.index_cast %add3A_1934 : i32 to index
        %swap3A_1936 = arith.constant 0 : index
        %swap3A_1937 = tpu.vector_load %arg10[%swap3A_1935, %swap3A_1936] {strides = array<i32>} : memref<1000x16xf32, #tpu.memory_space<vmem>>, vector<1x16xf32>,
        %swap3A_1938 = vector.shape_cast %swap3A_1937 : vector<1x16xf32> to vector<16xf32>
        %swap3A_1939 = vector.shape_cast %get3A_1930 : vector<16xf32> to vector<1x16xf32>
        tpu.vector_store %arg10[%swap3A_1935, %swap3A_1936], %swap3A_1939 {strides = array<i32>} : memref<1000x16xf32, #tpu.memory_space<vmem>>, vector<1x16xf32>,
        %mul3A_1940 = arith.constant 5 : i32
        %mul3A_1941 = arith.muli %mul3A_1940, %scan3A_1584 : i32
        %add3A_1942 = arith.constant 2 : i32
        %add3A_1943 = arith.addi %mul3A_1941, %add3A_1942 : i32
        %get3A_1944 = arith.index_cast %add3A_1943 : i32 to index
        %get3A_1945 = arith.constant 80 : index
        %get3A_1946 = tpu.vector_load %arg9[%get3A_1944, %get3A_1945] {strides = array<i32>} : memref<125x128xf32, #tpu.memory_space<vmem>>, vector<1x16xf32>,
        %get3A_1947 = vector.shape_cast %get3A_1946 : vector<1x16xf32> to vector<16xf32>
        %mul3A_1948 = arith.constant 8 : i32
        %mul3A_1949 = arith.muli %mul3A_1948, %add3A_1943 : i32
        %add3A_1950 = arith.constant 5 : i32
        %add3A_1951 = arith.addi %mul3A_1949, %add3A_1950 : i32
        %swap3A_1952 = arith.index_cast %add3A_1951 : i32 to index
        %swap3A_1953 = arith.constant 0 : index
        %swap3A_1954 = tpu.vector_load %arg10[%swap3A_1952, %swap3A_1953] {strides = array<i32>} : memref<1000x16xf32, #tpu.memory_space<vmem>>, vector<1x16xf32>,
        %swap3A_1955 = vector.shape_cast %swap3A_1954 : vector<1x16xf32> to vector<16xf32>
        %swap3A_1956 = vector.shape_cast %get3A_1947 : vector<16xf32> to vector<1x16xf32>
        tpu.vector_store %arg10[%swap3A_1952, %swap3A_1953], %swap3A_1956 {strides = array<i32>} : memref<1000x16xf32, #tpu.memory_space<vmem>>, vector<1x16xf32>,
        %mul3A_1957 = arith.constant 5 : i32
        %mul3A_1958 = arith.muli %mul3A_1957, %scan3A_1584 : i32
        %add3A_1959 = arith.constant 2 : i32
        %add3A_1960 = arith.addi %mul3A_1958, %add3A_1959 : i32
        %get3A_1961 = arith.index_cast %add3A_1960 : i32 to index
        %get3A_1962 = arith.constant 96 : index
        %get3A_1963 = tpu.vector_load %arg9[%get3A_1961, %get3A_1962] {strides = array<i32>} : memref<125x128xf32, #tpu.memory_space<vmem>>, vector<1x16xf32>,
        %get3A_1964 = vector.shape_cast %get3A_1963 : vector<1x16xf32> to vector<16xf32>
        %mul3A_1965 = arith.constant 8 : i32
        %mul3A_1966 = arith.muli %mul3A_1965, %add3A_1960 : i32
        %add3A_1967 = arith.constant 6 : i32
        %add3A_1968 = arith.addi %mul3A_1966, %add3A_1967 : i32
        %swap3A_1969 = arith.index_cast %add3A_1968 : i32 to index
        %swap3A_1970 = arith.constant 0 : index
        %swap3A_1971 = tpu.vector_load %arg10[%swap3A_1969, %swap3A_1970] {strides = array<i32>} : memref<1000x16xf32, #tpu.memory_space<vmem>>, vector<1x16xf32>,
        %swap3A_1972 = vector.shape_cast %swap3A_1971 : vector<1x16xf32> to vector<16xf32>
        %swap3A_1973 = vector.shape_cast %get3A_1964 : vector<16xf32> to vector<1x16xf32>
        tpu.vector_store %arg10[%swap3A_1969, %swap3A_1970], %swap3A_1973 {strides = array<i32>} : memref<1000x16xf32, #tpu.memory_space<vmem>>, vector<1x16xf32>,
        %mul3A_1974 = arith.constant 5 : i32
        %mul3A_1975 = arith.muli %mul3A_1974, %scan3A_1584 : i32
        %add3A_1976 = arith.constant 2 : i32
        %add3A_1977 = arith.addi %mul3A_1975, %add3A_1976 : i32
        %get3A_1978 = arith.index_cast %add3A_1977 : i32 to index
        %get3A_1979 = arith.constant 112 : index
        %get3A_1980 = tpu.vector_load %arg9[%get3A_1978, %get3A_1979] {strides = array<i32>} : memref<125x128xf32, #tpu.memory_space<vmem>>, vector<1x16xf32>,
        %get3A_1981 = vector.shape_cast %get3A_1980 : vector<1x16xf32> to vector<16xf32>
        %mul3A_1982 = arith.constant 8 : i32
        %mul3A_1983 = arith.muli %mul3A_1982, %add3A_1977 : i32
        %add3A_1984 = arith.constant 7 : i32
        %add3A_1985 = arith.addi %mul3A_1983, %add3A_1984 : i32
        %swap3A_1986 = arith.index_cast %add3A_1985 : i32 to index
        %swap3A_1987 = arith.constant 0 : index
        %swap3A_1988 = tpu.vector_load %arg10[%swap3A_1986, %swap3A_1987] {strides = array<i32>} : memref<1000x16xf32, #tpu.memory_space<vmem>>, vector<1x16xf32>,
        %swap3A_1989 = vector.shape_cast %swap3A_1988 : vector<1x16xf32> to vector<16xf32>
        %swap3A_1990 = vector.shape_cast %get3A_1981 : vector<16xf32> to vector<1x16xf32>
        tpu.vector_store %arg10[%swap3A_1986, %swap3A_1987], %swap3A_1990 {strides = array<i32>} : memref<1000x16xf32, #tpu.memory_space<vmem>>, vector<1x16xf32>,
        %mul3A_1991 = arith.constant 5 : i32
        %mul3A_1992 = arith.muli %mul3A_1991, %scan3A_1584 : i32
        %add3A_1993 = arith.constant 3 : i32
        %add3A_1994 = arith.addi %mul3A_1992, %add3A_1993 : i32
        %get3A_1995 = arith.index_cast %add3A_1994 : i32 to index
        %get3A_1996 = arith.constant 0 : index
        %get3A_1997 = tpu.vector_load %arg9[%get3A_1995, %get3A_1996] {strides = array<i32>} : memref<125x128xf32, #tpu.memory_space<vmem>>, vector<1x16xf32>,
        %get3A_1998 = vector.shape_cast %get3A_1997 : vector<1x16xf32> to vector<16xf32>
        %mul3A_1999 = arith.constant 8 : i32
        %mul3A_2000 = arith.muli %mul3A_1999, %add3A_1994 : i32
        %add3A_2001 = arith.constant 0 : i32
        %add3A_2002 = arith.addi %mul3A_2000, %add3A_2001 : i32
        %swap3A_2003 = arith.index_cast %add3A_2002 : i32 to index
        %swap3A_2004 = arith.constant 0 : index
        %swap3A_2005 = tpu.vector_load %arg10[%swap3A_2003, %swap3A_2004] {strides = array<i32>} : memref<1000x16xf32, #tpu.memory_space<vmem>>, vector<1x16xf32>,
        %swap3A_2006 = vector.shape_cast %swap3A_2005 : vector<1x16xf32> to vector<16xf32>
        %swap3A_2007 = vector.shape_cast %get3A_1998 : vector<16xf32> to vector<1x16xf32>
        tpu.vector_store %arg10[%swap3A_2003, %swap3A_2004], %swap3A_2007 {strides = array<i32>} : memref<1000x16xf32, #tpu.memory_space<vmem>>, vector<1x16xf32>,
        %mul3A_2008 = arith.constant 5 : i32
        %mul3A_2009 = arith.muli %mul3A_2008, %scan3A_1584 : i32
        %add3A_2010 = arith.constant 3 : i32
        %add3A_2011 = arith.addi %mul3A_2009, %add3A_2010 : i32
        %get3A_2012 = arith.index_cast %add3A_2011 : i32 to index
        %get3A_2013 = arith.constant 16 : index
        %get3A_2014 = tpu.vector_load %arg9[%get3A_2012, %get3A_2013] {strides = array<i32>} : memref<125x128xf32, #tpu.memory_space<vmem>>, vector<1x16xf32>,
        %get3A_2015 = vector.shape_cast %get3A_2014 : vector<1x16xf32> to vector<16xf32>
        %mul3A_2016 = arith.constant 8 : i32
        %mul3A_2017 = arith.muli %mul3A_2016, %add3A_2011 : i32
        %add3A_2018 = arith.constant 1 : i32
        %add3A_2019 = arith.addi %mul3A_2017, %add3A_2018 : i32
        %swap3A_2020 = arith.index_cast %add3A_2019 : i32 to index
        %swap3A_2021 = arith.constant 0 : index
        %swap3A_2022 = tpu.vector_load %arg10[%swap3A_2020, %swap3A_2021] {strides = array<i32>} : memref<1000x16xf32, #tpu.memory_space<vmem>>, vector<1x16xf32>,
        %swap3A_2023 = vector.shape_cast %swap3A_2022 : vector<1x16xf32> to vector<16xf32>
        %swap3A_2024 = vector.shape_cast %get3A_2015 : vector<16xf32> to vector<1x16xf32>
        tpu.vector_store %arg10[%swap3A_2020, %swap3A_2021], %swap3A_2024 {strides = array<i32>} : memref<1000x16xf32, #tpu.memory_space<vmem>>, vector<1x16xf32>,
        %mul3A_2025 = arith.constant 5 : i32
        %mul3A_2026 = arith.muli %mul3A_2025, %scan3A_1584 : i32
        %add3A_2027 = arith.constant 3 : i32
        %add3A_2028 = arith.addi %mul3A_2026, %add3A_2027 : i32
        %get3A_2029 = arith.index_cast %add3A_2028 : i32 to index
        %get3A_2030 = arith.constant 32 : index
        %get3A_2031 = tpu.vector_load %arg9[%get3A_2029, %get3A_2030] {strides = array<i32>} : memref<125x128xf32, #tpu.memory_space<vmem>>, vector<1x16xf32>,
        %get3A_2032 = vector.shape_cast %get3A_2031 : vector<1x16xf32> to vector<16xf32>
        %mul3A_2033 = arith.constant 8 : i32
        %mul3A_2034 = arith.muli %mul3A_2033, %add3A_2028 : i32
        %add3A_2035 = arith.constant 2 : i32
        %add3A_2036 = arith.addi %mul3A_2034, %add3A_2035 : i32
        %swap3A_2037 = arith.index_cast %add3A_2036 : i32 to index
        %swap3A_2038 = arith.constant 0 : index
        %swap3A_2039 = tpu.vector_load %arg10[%swap3A_2037, %swap3A_2038] {strides = array<i32>} : memref<1000x16xf32, #tpu.memory_space<vmem>>, vector<1x16xf32>,
        %swap3A_2040 = vector.shape_cast %swap3A_2039 : vector<1x16xf32> to vector<16xf32>
        %swap3A_2041 = vector.shape_cast %get3A_2032 : vector<16xf32> to vector<1x16xf32>
        tpu.vector_store %arg10[%swap3A_2037, %swap3A_2038], %swap3A_2041 {strides = array<i32>} : memref<1000x16xf32, #tpu.memory_space<vmem>>, vector<1x16xf32>,
        %mul3A_2042 = arith.constant 5 : i32
        %mul3A_2043 = arith.muli %mul3A_2042, %scan3A_1584 : i32
        %add3A_2044 = arith.constant 3 : i32
        %add3A_2045 = arith.addi %mul3A_2043, %add3A_2044 : i32
        %get3A_2046 = arith.index_cast %add3A_2045 : i32 to index
        %get3A_2047 = arith.constant 48 : index
        %get3A_2048 = tpu.vector_load %arg9[%get3A_2046, %get3A_2047] {strides = array<i32>} : memref<125x128xf32, #tpu.memory_space<vmem>>, vector<1x16xf32>,
        %get3A_2049 = vector.shape_cast %get3A_2048 : vector<1x16xf32> to vector<16xf32>
        %mul3A_2050 = arith.constant 8 : i32
        %mul3A_2051 = arith.muli %mul3A_2050, %add3A_2045 : i32
        %add3A_2052 = arith.constant 3 : i32
        %add3A_2053 = arith.addi %mul3A_2051, %add3A_2052 : i32
        %swap3A_2054 = arith.index_cast %add3A_2053 : i32 to index
        %swap3A_2055 = arith.constant 0 : index
        %swap3A_2056 = tpu.vector_load %arg10[%swap3A_2054, %swap3A_2055] {strides = array<i32>} : memref<1000x16xf32, #tpu.memory_space<vmem>>, vector<1x16xf32>,
        %swap3A_2057 = vector.shape_cast %swap3A_2056 : vector<1x16xf32> to vector<16xf32>
        %swap3A_2058 = vector.shape_cast %get3A_2049 : vector<16xf32> to vector<1x16xf32>
        tpu.vector_store %arg10[%swap3A_2054, %swap3A_2055], %swap3A_2058 {strides = array<i32>} : memref<1000x16xf32, #tpu.memory_space<vmem>>, vector<1x16xf32>,
        %mul3A_2059 = arith.constant 5 : i32
        %mul3A_2060 = arith.muli %mul3A_2059, %scan3A_1584 : i32
        %add3A_2061 = arith.constant 3 : i32
        %add3A_2062 = arith.addi %mul3A_2060, %add3A_2061 : i32
        %get3A_2063 = arith.index_cast %add3A_2062 : i32 to index
        %get3A_2064 = arith.constant 64 : index
        %get3A_2065 = tpu.vector_load %arg9[%get3A_2063, %get3A_2064] {strides = array<i32>} : memref<125x128xf32, #tpu.memory_space<vmem>>, vector<1x16xf32>,
        %get3A_2066 = vector.shape_cast %get3A_2065 : vector<1x16xf32> to vector<16xf32>
        %mul3A_2067 = arith.constant 8 : i32
        %mul3A_2068 = arith.muli %mul3A_2067, %add3A_2062 : i32
        %add3A_2069 = arith.constant 4 : i32
        %add3A_2070 = arith.addi %mul3A_2068, %add3A_2069 : i32
        %swap3A_2071 = arith.index_cast %add3A_2070 : i32 to index
        %swap3A_2072 = arith.constant 0 : index
        %swap3A_2073 = tpu.vector_load %arg10[%swap3A_2071, %swap3A_2072] {strides = array<i32>} : memref<1000x16xf32, #tpu.memory_space<vmem>>, vector<1x16xf32>,
        %swap3A_2074 = vector.shape_cast %swap3A_2073 : vector<1x16xf32> to vector<16xf32>
        %swap3A_2075 = vector.shape_cast %get3A_2066 : vector<16xf32> to vector<1x16xf32>
        tpu.vector_store %arg10[%swap3A_2071, %swap3A_2072], %swap3A_2075 {strides = array<i32>} : memref<1000x16xf32, #tpu.memory_space<vmem>>, vector<1x16xf32>,
        %mul3A_2076 = arith.constant 5 : i32
        %mul3A_2077 = arith.muli %mul3A_2076, %scan3A_1584 : i32
        %add3A_2078 = arith.constant 3 : i32
        %add3A_2079 = arith.addi %mul3A_2077, %add3A_2078 : i32
        %get3A_2080 = arith.index_cast %add3A_2079 : i32 to index
        %get3A_2081 = arith.constant 80 : index
        %get3A_2082 = tpu.vector_load %arg9[%get3A_2080, %get3A_2081] {strides = array<i32>} : memref<125x128xf32, #tpu.memory_space<vmem>>, vector<1x16xf32>,
        %get3A_2083 = vector.shape_cast %get3A_2082 : vector<1x16xf32> to vector<16xf32>
        %mul3A_2084 = arith.constant 8 : i32
        %mul3A_2085 = arith.muli %mul3A_2084, %add3A_2079 : i32
        %add3A_2086 = arith.constant 5 : i32
        %add3A_2087 = arith.addi %mul3A_2085, %add3A_2086 : i32
        %swap3A_2088 = arith.index_cast %add3A_2087 : i32 to index
        %swap3A_2089 = arith.constant 0 : index
        %swap3A_2090 = tpu.vector_load %arg10[%swap3A_2088, %swap3A_2089] {strides = array<i32>} : memref<1000x16xf32, #tpu.memory_space<vmem>>, vector<1x16xf32>,
        %swap3A_2091 = vector.shape_cast %swap3A_2090 : vector<1x16xf32> to vector<16xf32>
        %swap3A_2092 = vector.shape_cast %get3A_2083 : vector<16xf32> to vector<1x16xf32>
        tpu.vector_store %arg10[%swap3A_2088, %swap3A_2089], %swap3A_2092 {strides = array<i32>} : memref<1000x16xf32, #tpu.memory_space<vmem>>, vector<1x16xf32>,
        %mul3A_2093 = arith.constant 5 : i32
        %mul3A_2094 = arith.muli %mul3A_2093, %scan3A_1584 : i32
        %add3A_2095 = arith.constant 3 : i32
        %add3A_2096 = arith.addi %mul3A_2094, %add3A_2095 : i32
        %get3A_2097 = arith.index_cast %add3A_2096 : i32 to index
        %get3A_2098 = arith.constant 96 : index
        %get3A_2099 = tpu.vector_load %arg9[%get3A_2097, %get3A_2098] {strides = array<i32>} : memref<125x128xf32, #tpu.memory_space<vmem>>, vector<1x16xf32>,
        %get3A_2100 = vector.shape_cast %get3A_2099 : vector<1x16xf32> to vector<16xf32>
        %mul3A_2101 = arith.constant 8 : i32
        %mul3A_2102 = arith.muli %mul3A_2101, %add3A_2096 : i32
        %add3A_2103 = arith.constant 6 : i32
        %add3A_2104 = arith.addi %mul3A_2102, %add3A_2103 : i32
        %swap3A_2105 = arith.index_cast %add3A_2104 : i32 to index
        %swap3A_2106 = arith.constant 0 : index
        %swap3A_2107 = tpu.vector_load %arg10[%swap3A_2105, %swap3A_2106] {strides = array<i32>} : memref<1000x16xf32, #tpu.memory_space<vmem>>, vector<1x16xf32>,
        %swap3A_2108 = vector.shape_cast %swap3A_2107 : vector<1x16xf32> to vector<16xf32>
        %swap3A_2109 = vector.shape_cast %get3A_2100 : vector<16xf32> to vector<1x16xf32>
        tpu.vector_store %arg10[%swap3A_2105, %swap3A_2106], %swap3A_2109 {strides = array<i32>} : memref<1000x16xf32, #tpu.memory_space<vmem>>, vector<1x16xf32>,
        %mul3A_2110 = arith.constant 5 : i32
        %mul3A_2111 = arith.muli %mul3A_2110, %scan3A_1584 : i32
        %add3A_2112 = arith.constant 3 : i32
        %add3A_2113 = arith.addi %mul3A_2111, %add3A_2112 : i32
        %get3A_2114 = arith.index_cast %add3A_2113 : i32 to index
        %get3A_2115 = arith.constant 112 : index
        %get3A_2116 = tpu.vector_load %arg9[%get3A_2114, %get3A_2115] {strides = array<i32>} : memref<125x128xf32, #tpu.memory_space<vmem>>, vector<1x16xf32>,
        %get3A_2117 = vector.shape_cast %get3A_2116 : vector<1x16xf32> to vector<16xf32>
        %mul3A_2118 = arith.constant 8 : i32
        %mul3A_2119 = arith.muli %mul3A_2118, %add3A_2113 : i32
        %add3A_2120 = arith.constant 7 : i32
        %add3A_2121 = arith.addi %mul3A_2119, %add3A_2120 : i32
        %swap3A_2122 = arith.index_cast %add3A_2121 : i32 to index
        %swap3A_2123 = arith.constant 0 : index
        %swap3A_2124 = tpu.vector_load %arg10[%swap3A_2122, %swap3A_2123] {strides = array<i32>} : memref<1000x16xf32, #tpu.memory_space<vmem>>, vector<1x16xf32>,
        %swap3A_2125 = vector.shape_cast %swap3A_2124 : vector<1x16xf32> to vector<16xf32>
        %swap3A_2126 = vector.shape_cast %get3A_2117 : vector<16xf32> to vector<1x16xf32>
        tpu.vector_store %arg10[%swap3A_2122, %swap3A_2123], %swap3A_2126 {strides = array<i32>} : memref<1000x16xf32, #tpu.memory_space<vmem>>, vector<1x16xf32>,
        %mul3A_2127 = arith.constant 5 : i32
        %mul3A_2128 = arith.muli %mul3A_2127, %scan3A_1584 : i32
        %add3A_2129 = arith.constant 4 : i32
        %add3A_2130 = arith.addi %mul3A_2128, %add3A_2129 : i32
        %get3A_2131 = arith.index_cast %add3A_2130 : i32 to index
        %get3A_2132 = arith.constant 0 : index
        %get3A_2133 = tpu.vector_load %arg9[%get3A_2131, %get3A_2132] {strides = array<i32>} : memref<125x128xf32, #tpu.memory_space<vmem>>, vector<1x16xf32>,
        %get3A_2134 = vector.shape_cast %get3A_2133 : vector<1x16xf32> to vector<16xf32>
        %mul3A_2135 = arith.constant 8 : i32
        %mul3A_2136 = arith.muli %mul3A_2135, %add3A_2130 : i32
        %add3A_2137 = arith.constant 0 : i32
        %add3A_2138 = arith.addi %mul3A_2136, %add3A_2137 : i32
        %swap3A_2139 = arith.index_cast %add3A_2138 : i32 to index
        %swap3A_2140 = arith.constant 0 : index
        %swap3A_2141 = tpu.vector_load %arg10[%swap3A_2139, %swap3A_2140] {strides = array<i32>} : memref<1000x16xf32, #tpu.memory_space<vmem>>, vector<1x16xf32>,
        %swap3A_2142 = vector.shape_cast %swap3A_2141 : vector<1x16xf32> to vector<16xf32>
        %swap3A_2143 = vector.shape_cast %get3A_2134 : vector<16xf32> to vector<1x16xf32>
        tpu.vector_store %arg10[%swap3A_2139, %swap3A_2140], %swap3A_2143 {strides = array<i32>} : memref<1000x16xf32, #tpu.memory_space<vmem>>, vector<1x16xf32>,
        %mul3A_2144 = arith.constant 5 : i32
        %mul3A_2145 = arith.muli %mul3A_2144, %scan3A_1584 : i32
        %add3A_2146 = arith.constant 4 : i32
        %add3A_2147 = arith.addi %mul3A_2145, %add3A_2146 : i32
        %get3A_2148 = arith.index_cast %add3A_2147 : i32 to index
        %get3A_2149 = arith.constant 16 : index
        %get3A_2150 = tpu.vector_load %arg9[%get3A_2148, %get3A_2149] {strides = array<i32>} : memref<125x128xf32, #tpu.memory_space<vmem>>, vector<1x16xf32>,
        %get3A_2151 = vector.shape_cast %get3A_2150 : vector<1x16xf32> to vector<16xf32>
        %mul3A_2152 = arith.constant 8 : i32
        %mul3A_2153 = arith.muli %mul3A_2152, %add3A_2147 : i32
        %add3A_2154 = arith.constant 1 : i32
        %add3A_2155 = arith.addi %mul3A_2153, %add3A_2154 : i32
        %swap3A_2156 = arith.index_cast %add3A_2155 : i32 to index
        %swap3A_2157 = arith.constant 0 : index
        %swap3A_2158 = tpu.vector_load %arg10[%swap3A_2156, %swap3A_2157] {strides = array<i32>} : memref<1000x16xf32, #tpu.memory_space<vmem>>, vector<1x16xf32>,
        %swap3A_2159 = vector.shape_cast %swap3A_2158 : vector<1x16xf32> to vector<16xf32>
        %swap3A_2160 = vector.shape_cast %get3A_2151 : vector<16xf32> to vector<1x16xf32>
        tpu.vector_store %arg10[%swap3A_2156, %swap3A_2157], %swap3A_2160 {strides = array<i32>} : memref<1000x16xf32, #tpu.memory_space<vmem>>, vector<1x16xf32>,
        %mul3A_2161 = arith.constant 5 : i32
        %mul3A_2162 = arith.muli %mul3A_2161, %scan3A_1584 : i32
        %add3A_2163 = arith.constant 4 : i32
        %add3A_2164 = arith.addi %mul3A_2162, %add3A_2163 : i32
        %get3A_2165 = arith.index_cast %add3A_2164 : i32 to index
        %get3A_2166 = arith.constant 32 : index
        %get3A_2167 = tpu.vector_load %arg9[%get3A_2165, %get3A_2166] {strides = array<i32>} : memref<125x128xf32, #tpu.memory_space<vmem>>, vector<1x16xf32>,
        %get3A_2168 = vector.shape_cast %get3A_2167 : vector<1x16xf32> to vector<16xf32>
        %mul3A_2169 = arith.constant 8 : i32
        %mul3A_2170 = arith.muli %mul3A_2169, %add3A_2164 : i32
        %add3A_2171 = arith.constant 2 : i32
        %add3A_2172 = arith.addi %mul3A_2170, %add3A_2171 : i32
        %swap3A_2173 = arith.index_cast %add3A_2172 : i32 to index
        %swap3A_2174 = arith.constant 0 : index
        %swap3A_2175 = tpu.vector_load %arg10[%swap3A_2173, %swap3A_2174] {strides = array<i32>} : memref<1000x16xf32, #tpu.memory_space<vmem>>, vector<1x16xf32>,
        %swap3A_2176 = vector.shape_cast %swap3A_2175 : vector<1x16xf32> to vector<16xf32>
        %swap3A_2177 = vector.shape_cast %get3A_2168 : vector<16xf32> to vector<1x16xf32>
        tpu.vector_store %arg10[%swap3A_2173, %swap3A_2174], %swap3A_2177 {strides = array<i32>} : memref<1000x16xf32, #tpu.memory_space<vmem>>, vector<1x16xf32>,
        %mul3A_2178 = arith.constant 5 : i32
        %mul3A_2179 = arith.muli %mul3A_2178, %scan3A_1584 : i32
        %add3A_2180 = arith.constant 4 : i32
        %add3A_2181 = arith.addi %mul3A_2179, %add3A_2180 : i32
        %get3A_2182 = arith.index_cast %add3A_2181 : i32 to index
        %get3A_2183 = arith.constant 48 : index
        %get3A_2184 = tpu.vector_load %arg9[%get3A_2182, %get3A_2183] {strides = array<i32>} : memref<125x128xf32, #tpu.memory_space<vmem>>, vector<1x16xf32>,
        %get3A_2185 = vector.shape_cast %get3A_2184 : vector<1x16xf32> to vector<16xf32>
        %mul3A_2186 = arith.constant 8 : i32
        %mul3A_2187 = arith.muli %mul3A_2186, %add3A_2181 : i32
        %add3A_2188 = arith.constant 3 : i32
        %add3A_2189 = arith.addi %mul3A_2187, %add3A_2188 : i32
        %swap3A_2190 = arith.index_cast %add3A_2189 : i32 to index
        %swap3A_2191 = arith.constant 0 : index
        %swap3A_2192 = tpu.vector_load %arg10[%swap3A_2190, %swap3A_2191] {strides = array<i32>} : memref<1000x16xf32, #tpu.memory_space<vmem>>, vector<1x16xf32>,
        %swap3A_2193 = vector.shape_cast %swap3A_2192 : vector<1x16xf32> to vector<16xf32>
        %swap3A_2194 = vector.shape_cast %get3A_2185 : vector<16xf32> to vector<1x16xf32>
        tpu.vector_store %arg10[%swap3A_2190, %swap3A_2191], %swap3A_2194 {strides = array<i32>} : memref<1000x16xf32, #tpu.memory_space<vmem>>, vector<1x16xf32>,
        %mul3A_2195 = arith.constant 5 : i32
        %mul3A_2196 = arith.muli %mul3A_2195, %scan3A_1584 : i32
        %add3A_2197 = arith.constant 4 : i32
        %add3A_2198 = arith.addi %mul3A_2196, %add3A_2197 : i32
        %get3A_2199 = arith.index_cast %add3A_2198 : i32 to index
        %get3A_2200 = arith.constant 64 : index
        %get3A_2201 = tpu.vector_load %arg9[%get3A_2199, %get3A_2200] {strides = array<i32>} : memref<125x128xf32, #tpu.memory_space<vmem>>, vector<1x16xf32>,
        %get3A_2202 = vector.shape_cast %get3A_2201 : vector<1x16xf32> to vector<16xf32>
        %mul3A_2203 = arith.constant 8 : i32
        %mul3A_2204 = arith.muli %mul3A_2203, %add3A_2198 : i32
        %add3A_2205 = arith.constant 4 : i32
        %add3A_2206 = arith.addi %mul3A_2204, %add3A_2205 : i32
        %swap3A_2207 = arith.index_cast %add3A_2206 : i32 to index
        %swap3A_2208 = arith.constant 0 : index
        %swap3A_2209 = tpu.vector_load %arg10[%swap3A_2207, %swap3A_2208] {strides = array<i32>} : memref<1000x16xf32, #tpu.memory_space<vmem>>, vector<1x16xf32>,
        %swap3A_2210 = vector.shape_cast %swap3A_2209 : vector<1x16xf32> to vector<16xf32>
        %swap3A_2211 = vector.shape_cast %get3A_2202 : vector<16xf32> to vector<1x16xf32>
        tpu.vector_store %arg10[%swap3A_2207, %swap3A_2208], %swap3A_2211 {strides = array<i32>} : memref<1000x16xf32, #tpu.memory_space<vmem>>, vector<1x16xf32>,
        %mul3A_2212 = arith.constant 5 : i32
        %mul3A_2213 = arith.muli %mul3A_2212, %scan3A_1584 : i32
        %add3A_2214 = arith.constant 4 : i32
        %add3A_2215 = arith.addi %mul3A_2213, %add3A_2214 : i32
        %get3A_2216 = arith.index_cast %add3A_2215 : i32 to index
        %get3A_2217 = arith.constant 80 : index
        %get3A_2218 = tpu.vector_load %arg9[%get3A_2216, %get3A_2217] {strides = array<i32>} : memref<125x128xf32, #tpu.memory_space<vmem>>, vector<1x16xf32>,
        %get3A_2219 = vector.shape_cast %get3A_2218 : vector<1x16xf32> to vector<16xf32>
        %mul3A_2220 = arith.constant 8 : i32
        %mul3A_2221 = arith.muli %mul3A_2220, %add3A_2215 : i32
        %add3A_2222 = arith.constant 5 : i32
        %add3A_2223 = arith.addi %mul3A_2221, %add3A_2222 : i32
        %swap3A_2224 = arith.index_cast %add3A_2223 : i32 to index
        %swap3A_2225 = arith.constant 0 : index
        %swap3A_2226 = tpu.vector_load %arg10[%swap3A_2224, %swap3A_2225] {strides = array<i32>} : memref<1000x16xf32, #tpu.memory_space<vmem>>, vector<1x16xf32>,
        %swap3A_2227 = vector.shape_cast %swap3A_2226 : vector<1x16xf32> to vector<16xf32>
        %swap3A_2228 = vector.shape_cast %get3A_2219 : vector<16xf32> to vector<1x16xf32>
        tpu.vector_store %arg10[%swap3A_2224, %swap3A_2225], %swap3A_2228 {strides = array<i32>} : memref<1000x16xf32, #tpu.memory_space<vmem>>, vector<1x16xf32>,
        %mul3A_2229 = arith.constant 5 : i32
        %mul3A_2230 = arith.muli %mul3A_2229, %scan3A_1584 : i32
        %add3A_2231 = arith.constant 4 : i32
        %add3A_2232 = arith.addi %mul3A_2230, %add3A_2231 : i32
        %get3A_2233 = arith.index_cast %add3A_2232 : i32 to index
        %get3A_2234 = arith.constant 96 : index
        %get3A_2235 = tpu.vector_load %arg9[%get3A_2233, %get3A_2234] {strides = array<i32>} : memref<125x128xf32, #tpu.memory_space<vmem>>, vector<1x16xf32>,
        %get3A_2236 = vector.shape_cast %get3A_2235 : vector<1x16xf32> to vector<16xf32>
        %mul3A_2237 = arith.constant 8 : i32
        %mul3A_2238 = arith.muli %mul3A_2237, %add3A_2232 : i32
        %add3A_2239 = arith.constant 6 : i32
        %add3A_2240 = arith.addi %mul3A_2238, %add3A_2239 : i32
        %swap3A_2241 = arith.index_cast %add3A_2240 : i32 to index
        %swap3A_2242 = arith.constant 0 : index
        %swap3A_2243 = tpu.vector_load %arg10[%swap3A_2241, %swap3A_2242] {strides = array<i32>} : memref<1000x16xf32, #tpu.memory_space<vmem>>, vector<1x16xf32>,
        %swap3A_2244 = vector.shape_cast %swap3A_2243 : vector<1x16xf32> to vector<16xf32>
        %swap3A_2245 = vector.shape_cast %get3A_2236 : vector<16xf32> to vector<1x16xf32>
        tpu.vector_store %arg10[%swap3A_2241, %swap3A_2242], %swap3A_2245 {strides = array<i32>} : memref<1000x16xf32, #tpu.memory_space<vmem>>, vector<1x16xf32>,
        %mul3A_2246 = arith.constant 5 : i32
        %mul3A_2247 = arith.muli %mul3A_2246, %scan3A_1584 : i32
        %add3A_2248 = arith.constant 4 : i32
        %add3A_2249 = arith.addi %mul3A_2247, %add3A_2248 : i32
        %get3A_2250 = arith.index_cast %add3A_2249 : i32 to index
        %get3A_2251 = arith.constant 112 : index
        %get3A_2252 = tpu.vector_load %arg9[%get3A_2250, %get3A_2251] {strides = array<i32>} : memref<125x128xf32, #tpu.memory_space<vmem>>, vector<1x16xf32>,
        %get3A_2253 = vector.shape_cast %get3A_2252 : vector<1x16xf32> to vector<16xf32>
        %mul3A_2254 = arith.constant 8 : i32
        %mul3A_2255 = arith.muli %mul3A_2254, %add3A_2249 : i32
        %add3A_2256 = arith.constant 7 : i32
        %add3A_2257 = arith.addi %mul3A_2255, %add3A_2256 : i32
        %swap3A_2258 = arith.index_cast %add3A_2257 : i32 to index
        %swap3A_2259 = arith.constant 0 : index
        %swap3A_2260 = tpu.vector_load %arg10[%swap3A_2258, %swap3A_2259] {strides = array<i32>} : memref<1000x16xf32, #tpu.memory_space<vmem>>, vector<1x16xf32>,
        %swap3A_2261 = vector.shape_cast %swap3A_2260 : vector<1x16xf32> to vector<16xf32>
        %swap3A_2262 = vector.shape_cast %get3A_2253 : vector<16xf32> to vector<1x16xf32>
        tpu.vector_store %arg10[%swap3A_2258, %swap3A_2259], %swap3A_2262 {strides = array<i32>} : memref<1000x16xf32, #tpu.memory_space<vmem>>, vector<1x16xf32>,
      }
      %scan3A_1581 = arith.constant 25 : i32
      %mul3A_1582 = arith.constant 1000 : i32
      %mul3A_1583 = arith.muli %arg1, %mul3A_1582 : i32
      "tpu.region"() ({
        %run_scoped3A_1584 = tpu.sem_alloc : memref<!tpu.dma_semaphore, #tpu.memory_space<semaphore_mem>>
        %dma_start3A_1585 = arith.constant 0 : i32
        %dma_start3A_1586 = tpu.memref_slice %arg12[%mul3A_1583, %dma_start3A_1585] : memref<10000x16xf32, #tpu.memory_space<vmem_shared>> -> memref<1000x16xf32, #tpu.memory_space<vmem_shared>>
        %dma_start3A_1587 = arith.constant 0 : i32
        %dma_start3A_1588 = tpu.memref_slice %arg12[%mul3A_1583, %dma_start3A_1587] : memref<10000x16xf32, #tpu.memory_space<vmem_shared>> -> memref<1000x16xf32, #tpu.memory_space<vmem_shared>>
        tpu.enqueue_dma source(%arg10 : memref<1000x16xf32, #tpu.memory_space<vmem>>) target(%dma_start3A_1588 : memref<1000x16xf32, #tpu.memory_space<vmem_shared>>) target_semaphore(%run_scoped3A_1584 : memref<!tpu.dma_semaphore, #tpu.memory_space<semaphore_mem>>)
        %dma_wait3A_1589 = arith.constant 0 : i32
        %dma_wait3A_1590 = tpu.memref_slice %arg12[%mul3A_1583, %dma_wait3A_1589] : memref<10000x16xf32, #tpu.memory_space<vmem_shared>> -> memref<1000x16xf32, #tpu.memory_space<vmem_shared>>
        %dma_wait3A_1591 = arith.constant 0 : i32
        %dma_wait3A_1592 = tpu.memref_slice %arg12[%mul3A_1583, %dma_wait3A_1591] : memref<10000x16xf32, #tpu.memory_space<vmem_shared>> -> memref<1000x16xf32, #tpu.memory_space<vmem_shared>>
        tpu.wait_dma2 semaphore(%run_scoped3A_1584 : memref<!tpu.dma_semaphore, #tpu.memory_space<semaphore_mem>>) src(%arg10 : memref<1000x16xf32, #tpu.memory_space<vmem>>) dst(%dma_wait3A_1592 : memref<1000x16xf32, #tpu.memory_space<vmem_shared>>)
        tpu.yield
      }) : () -> ()
    } else {
    }
    %add3A_708 = arith.constant 0 : i32
    %add3A_709 = arith.addi %mul3A_2, %add3A_708 : i32
    %dma_wait3A = arith.constant 0 : i32
    %dma_wait3A_710 = arith.constant 0 : i32
    %dma_wait3A_711 = arith.constant 0 : i32
    %dma_wait3A_712 = tpu.memref_slice %arg6[%dma_wait3A_710, %dma_wait3A_711] : memref<25x400xi32, #tpu.memory_space<vmem>> -> memref<1x400xi32, #tpu.memory_space<vmem>>
    %dma_wait3A_713 = tpu.memref_squeeze %dma_wait3A_712 : memref<1x400xi32, #tpu.memory_space<vmem>> -> memref<400xi32, #tpu.memory_space<vmem>>
    %dma_wait3A_714 = tpu.memref_slice %arg3[%dma_wait3A, %add3A_709] : memref<2x320000xi32, #tpu.memory_space<hbm>> -> memref<1x400xi32, #tpu.memory_space<hbm>>
    %dma_wait3A_715 = tpu.memref_squeeze %dma_wait3A_714 : memref<1x400xi32, #tpu.memory_space<hbm>> -> memref<400xi32, #tpu.memory_space<hbm>>
    %dma_wait3A_716 = arith.constant 0 : i32
    %dma_wait3A_717 = tpu.memref_slice %arg6[%dma_wait3A_710, %dma_wait3A_716] : memref<25x400xi32, #tpu.memory_space<vmem>> -> memref<1x400xi32, #tpu.memory_space<vmem>>
    %dma_wait3A_718 = tpu.memref_squeeze %dma_wait3A_717 : memref<1x400xi32, #tpu.memory_space<vmem>> -> memref<400xi32, #tpu.memory_space<vmem>>
    %dma_wait3A_719 = tpu.memref_slice %arg3[%dma_wait3A, %add3A_709] : memref<2x320000xi32, #tpu.memory_space<hbm>> -> memref<1x400xi32, #tpu.memory_space<hbm>>
    %dma_wait3A_720 = tpu.memref_squeeze %dma_wait3A_719 : memref<1x400xi32, #tpu.memory_space<hbm>> -> memref<400xi32, #tpu.memory_space<hbm>>
    tpu.wait_dma2 semaphore(%arg15 : memref<!tpu.dma_semaphore, #tpu.memory_space<semaphore_mem>>) src(%dma_wait3A_720 : memref<400xi32, #tpu.memory_space<hbm>>) dst(%dma_wait3A_718 : memref<400xi32, #tpu.memory_space<vmem>>)
    %add3A_721 = arith.constant 0 : i32
    %add3A_722 = arith.addi %mul3A_2, %add3A_721 : i32
    %dma_wait3A_723 = arith.constant 1 : i32
    %dma_wait3A_724 = arith.constant 0 : i32
    %dma_wait3A_725 = arith.constant 0 : i32
    %dma_wait3A_726 = tpu.memref_slice %arg7[%dma_wait3A_724, %dma_wait3A_725] : memref<25x400xi32, #tpu.memory_space<vmem>> -> memref<1x400xi32, #tpu.memory_space<vmem>>
    %dma_wait3A_727 = tpu.memref_squeeze %dma_wait3A_726 : memref<1x400xi32, #tpu.memory_space<vmem>> -> memref<400xi32, #tpu.memory_space<vmem>>
    %dma_wait3A_728 = tpu.memref_slice %arg3[%dma_wait3A_723, %add3A_722] : memref<2x320000xi32, #tpu.memory_space<hbm>> -> memref<1x400xi32, #tpu.memory_space<hbm>>
    %dma_wait3A_729 = tpu.memref_squeeze %dma_wait3A_728 : memref<1x400xi32, #tpu.memory_space<hbm>> -> memref<400xi32, #tpu.memory_space<hbm>>
    %dma_wait3A_730 = arith.constant 0 : i32
    %dma_wait3A_731 = tpu.memref_slice %arg7[%dma_wait3A_724, %dma_wait3A_730] : memref<25x400xi32, #tpu.memory_space<vmem>> -> memref<1x400xi32, #tpu.memory_space<vmem>>
    %dma_wait3A_732 = tpu.memref_squeeze %dma_wait3A_731 : memref<1x400xi32, #tpu.memory_space<vmem>> -> memref<400xi32, #tpu.memory_space<vmem>>
    %dma_wait3A_733 = tpu.memref_slice %arg3[%dma_wait3A_723, %add3A_722] : memref<2x320000xi32, #tpu.memory_space<hbm>> -> memref<1x400xi32, #tpu.memory_space<hbm>>
    %dma_wait3A_734 = tpu.memref_squeeze %dma_wait3A_733 : memref<1x400xi32, #tpu.memory_space<hbm>> -> memref<400xi32, #tpu.memory_space<hbm>>
    tpu.wait_dma2 semaphore(%arg15 : memref<!tpu.dma_semaphore, #tpu.memory_space<semaphore_mem>>) src(%dma_wait3A_734 : memref<400xi32, #tpu.memory_space<hbm>>) dst(%dma_wait3A_732 : memref<400xi32, #tpu.memory_space<vmem>>)
    %add3A_735 = arith.constant 400 : i32
    %add3A_736 = arith.addi %mul3A_2, %add3A_735 : i32
    %dma_wait3A_737 = arith.constant 0 : i32
    %dma_wait3A_738 = arith.constant 1 : i32
    %dma_wait3A_739 = arith.constant 0 : i32
    %dma_wait3A_740 = tpu.memref_slice %arg6[%dma_wait3A_738, %dma_wait3A_739] : memref<25x400xi32, #tpu.memory_space<vmem>> -> memref<1x400xi32, #tpu.memory_space<vmem>>
    %dma_wait3A_741 = tpu.memref_squeeze %dma_wait3A_740 : memref<1x400xi32, #tpu.memory_space<vmem>> -> memref<400xi32, #tpu.memory_space<vmem>>
    %dma_wait3A_742 = tpu.memref_slice %arg3[%dma_wait3A_737, %add3A_736] : memref<2x320000xi32, #tpu.memory_space<hbm>> -> memref<1x400xi32, #tpu.memory_space<hbm>>
    %dma_wait3A_743 = tpu.memref_squeeze %dma_wait3A_742 : memref<1x400xi32, #tpu.memory_space<hbm>> -> memref<400xi32, #tpu.memory_space<hbm>>
    %dma_wait3A_744 = arith.constant 0 : i32
    %dma_wait3A_745 = tpu.memref_slice %arg6[%dma_wait3A_738, %dma_wait3A_744] : memref<25x400xi32, #tpu.memory_space<vmem>> -> memref<1x400xi32, #tpu.memory_space<vmem>>
    %dma_wait3A_746 = tpu.memref_squeeze %dma_wait3A_745 : memref<1x400xi32, #tpu.memory_space<vmem>> -> memref<400xi32, #tpu.memory_space<vmem>>
    %dma_wait3A_747 = tpu.memref_slice %arg3[%dma_wait3A_737, %add3A_736] : memref<2x320000xi32, #tpu.memory_space<hbm>> -> memref<1x400xi32, #tpu.memory_space<hbm>>
    %dma_wait3A_748 = tpu.memref_squeeze %dma_wait3A_747 : memref<1x400xi32, #tpu.memory_space<hbm>> -> memref<400xi32, #tpu.memory_space<hbm>>
    tpu.wait_dma2 semaphore(%arg15 : memref<!tpu.dma_semaphore, #tpu.memory_space<semaphore_mem>>) src(%dma_wait3A_748 : memref<400xi32, #tpu.memory_space<hbm>>) dst(%dma_wait3A_746 : memref<400xi32, #tpu.memory_space<vmem>>)
    %add3A_749 = arith.constant 400 : i32
    %add3A_750 = arith.addi %mul3A_2, %add3A_749 : i32
    %dma_wait3A_751 = arith.constant 1 : i32
    %dma_wait3A_752 = arith.constant 1 : i32
    %dma_wait3A_753 = arith.constant 0 : i32
    %dma_wait3A_754 = tpu.memref_slice %arg7[%dma_wait3A_752, %dma_wait3A_753] : memref<25x400xi32, #tpu.memory_space<vmem>> -> memref<1x400xi32, #tpu.memory_space<vmem>>
    %dma_wait3A_755 = tpu.memref_squeeze %dma_wait3A_754 : memref<1x400xi32, #tpu.memory_space<vmem>> -> memref<400xi32, #tpu.memory_space<vmem>>
    %dma_wait3A_756 = tpu.memref_slice %arg3[%dma_wait3A_751, %add3A_750] : memref<2x320000xi32, #tpu.memory_space<hbm>> -> memref<1x400xi32, #tpu.memory_space<hbm>>
    %dma_wait3A_757 = tpu.memref_squeeze %dma_wait3A_756 : memref<1x400xi32, #tpu.memory_space<hbm>> -> memref<400xi32, #tpu.memory_space<hbm>>
    %dma_wait3A_758 = arith.constant 0 : i32
    %dma_wait3A_759 = tpu.memref_slice %arg7[%dma_wait3A_752, %dma_wait3A_758] : memref<25x400xi32, #tpu.memory_space<vmem>> -> memref<1x400xi32, #tpu.memory_space<vmem>>
    %dma_wait3A_760 = tpu.memref_squeeze %dma_wait3A_759 : memref<1x400xi32, #tpu.memory_space<vmem>> -> memref<400xi32, #tpu.memory_space<vmem>>
    %dma_wait3A_761 = tpu.memref_slice %arg3[%dma_wait3A_751, %add3A_750] : memref<2x320000xi32, #tpu.memory_space<hbm>> -> memref<1x400xi32, #tpu.memory_space<hbm>>
    %dma_wait3A_762 = tpu.memref_squeeze %dma_wait3A_761 : memref<1x400xi32, #tpu.memory_space<hbm>> -> memref<400xi32, #tpu.memory_space<hbm>>
    tpu.wait_dma2 semaphore(%arg15 : memref<!tpu.dma_semaphore, #tpu.memory_space<semaphore_mem>>) src(%dma_wait3A_762 : memref<400xi32, #tpu.memory_space<hbm>>) dst(%dma_wait3A_760 : memref<400xi32, #tpu.memory_space<vmem>>)
    %add3A_763 = arith.constant 800 : i32
    %add3A_764 = arith.addi %mul3A_2, %add3A_763 : i32
    %dma_wait3A_765 = arith.constant 0 : i32
    %dma_wait3A_766 = arith.constant 2 : i32
    %dma_wait3A_767 = arith.constant 0 : i32
    %dma_wait3A_768 = tpu.memref_slice %arg6[%dma_wait3A_766, %dma_wait3A_767] : memref<25x400xi32, #tpu.memory_space<vmem>> -> memref<1x400xi32, #tpu.memory_space<vmem>>
    %dma_wait3A_769 = tpu.memref_squeeze %dma_wait3A_768 : memref<1x400xi32, #tpu.memory_space<vmem>> -> memref<400xi32, #tpu.memory_space<vmem>>
    %dma_wait3A_770 = tpu.memref_slice %arg3[%dma_wait3A_765, %add3A_764] : memref<2x320000xi32, #tpu.memory_space<hbm>> -> memref<1x400xi32, #tpu.memory_space<hbm>>
    %dma_wait3A_771 = tpu.memref_squeeze %dma_wait3A_770 : memref<1x400xi32, #tpu.memory_space<hbm>> -> memref<400xi32, #tpu.memory_space<hbm>>
    %dma_wait3A_772 = arith.constant 0 : i32
    %dma_wait3A_773 = tpu.memref_slice %arg6[%dma_wait3A_766, %dma_wait3A_772] : memref<25x400xi32, #tpu.memory_space<vmem>> -> memref<1x400xi32, #tpu.memory_space<vmem>>
    %dma_wait3A_774 = tpu.memref_squeeze %dma_wait3A_773 : memref<1x400xi32, #tpu.memory_space<vmem>> -> memref<400xi32, #tpu.memory_space<vmem>>
    %dma_wait3A_775 = tpu.memref_slice %arg3[%dma_wait3A_765, %add3A_764] : memref<2x320000xi32, #tpu.memory_space<hbm>> -> memref<1x400xi32, #tpu.memory_space<hbm>>
    %dma_wait3A_776 = tpu.memref_squeeze %dma_wait3A_775 : memref<1x400xi32, #tpu.memory_space<hbm>> -> memref<400xi32, #tpu.memory_space<hbm>>
    tpu.wait_dma2 semaphore(%arg15 : memref<!tpu.dma_semaphore, #tpu.memory_space<semaphore_mem>>) src(%dma_wait3A_776 : memref<400xi32, #tpu.memory_space<hbm>>) dst(%dma_wait3A_774 : memref<400xi32, #tpu.memory_space<vmem>>)
    %add3A_777 = arith.constant 800 : i32
    %add3A_778 = arith.addi %mul3A_2, %add3A_777 : i32
    %dma_wait3A_779 = arith.constant 1 : i32
    %dma_wait3A_780 = arith.constant 2 : i32
    %dma_wait3A_781 = arith.constant 0 : i32
    %dma_wait3A_782 = tpu.memref_slice %arg7[%dma_wait3A_780, %dma_wait3A_781] : memref<25x400xi32, #tpu.memory_space<vmem>> -> memref<1x400xi32, #tpu.memory_space<vmem>>
    %dma_wait3A_783 = tpu.memref_squeeze %dma_wait3A_782 : memref<1x400xi32, #tpu.memory_space<vmem>> -> memref<400xi32, #tpu.memory_space<vmem>>
    %dma_wait3A_784 = tpu.memref_slice %arg3[%dma_wait3A_779, %add3A_778] : memref<2x320000xi32, #tpu.memory_space<hbm>> -> memref<1x400xi32, #tpu.memory_space<hbm>>
    %dma_wait3A_785 = tpu.memref_squeeze %dma_wait3A_784 : memref<1x400xi32, #tpu.memory_space<hbm>> -> memref<400xi32, #tpu.memory_space<hbm>>
    %dma_wait3A_786 = arith.constant 0 : i32
    %dma_wait3A_787 = tpu.memref_slice %arg7[%dma_wait3A_780, %dma_wait3A_786] : memref<25x400xi32, #tpu.memory_space<vmem>> -> memref<1x400xi32, #tpu.memory_space<vmem>>
    %dma_wait3A_788 = tpu.memref_squeeze %dma_wait3A_787 : memref<1x400xi32, #tpu.memory_space<vmem>> -> memref<400xi32, #tpu.memory_space<vmem>>
    %dma_wait3A_789 = tpu.memref_slice %arg3[%dma_wait3A_779, %add3A_778] : memref<2x320000xi32, #tpu.memory_space<hbm>> -> memref<1x400xi32, #tpu.memory_space<hbm>>
    %dma_wait3A_790 = tpu.memref_squeeze %dma_wait3A_789 : memref<1x400xi32, #tpu.memory_space<hbm>> -> memref<400xi32, #tpu.memory_space<hbm>>
    tpu.wait_dma2 semaphore(%arg15 : memref<!tpu.dma_semaphore, #tpu.memory_space<semaphore_mem>>) src(%dma_wait3A_790 : memref<400xi32, #tpu.memory_space<hbm>>) dst(%dma_wait3A_788 : memref<400xi32, #tpu.memory_space<vmem>>)
    %add3A_791 = arith.constant 1200 : i32
    %add3A_792 = arith.addi %mul3A_2, %add3A_791 : i32
    %dma_wait3A_793 = arith.constant 0 : i32
    %dma_wait3A_794 = arith.constant 3 : i32
    %dma_wait3A_795 = arith.constant 0 : i32
    %dma_wait3A_796 = tpu.memref_slice %arg6[%dma_wait3A_794, %dma_wait3A_795] : memref<25x400xi32, #tpu.memory_space<vmem>> -> memref<1x400xi32, #tpu.memory_space<vmem>>
    %dma_wait3A_797 = tpu.memref_squeeze %dma_wait3A_796 : memref<1x400xi32, #tpu.memory_space<vmem>> -> memref<400xi32, #tpu.memory_space<vmem>>
    %dma_wait3A_798 = tpu.memref_slice %arg3[%dma_wait3A_793, %add3A_792] : memref<2x320000xi32, #tpu.memory_space<hbm>> -> memref<1x400xi32, #tpu.memory_space<hbm>>
    %dma_wait3A_799 = tpu.memref_squeeze %dma_wait3A_798 : memref<1x400xi32, #tpu.memory_space<hbm>> -> memref<400xi32, #tpu.memory_space<hbm>>
    %dma_wait3A_800 = arith.constant 0 : i32
    %dma_wait3A_801 = tpu.memref_slice %arg6[%dma_wait3A_794, %dma_wait3A_800] : memref<25x400xi32, #tpu.memory_space<vmem>> -> memref<1x400xi32, #tpu.memory_space<vmem>>
    %dma_wait3A_802 = tpu.memref_squeeze %dma_wait3A_801 : memref<1x400xi32, #tpu.memory_space<vmem>> -> memref<400xi32, #tpu.memory_space<vmem>>
    %dma_wait3A_803 = tpu.memref_slice %arg3[%dma_wait3A_793, %add3A_792] : memref<2x320000xi32, #tpu.memory_space<hbm>> -> memref<1x400xi32, #tpu.memory_space<hbm>>
    %dma_wait3A_804 = tpu.memref_squeeze %dma_wait3A_803 : memref<1x400xi32, #tpu.memory_space<hbm>> -> memref<400xi32, #tpu.memory_space<hbm>>
    tpu.wait_dma2 semaphore(%arg15 : memref<!tpu.dma_semaphore, #tpu.memory_space<semaphore_mem>>) src(%dma_wait3A_804 : memref<400xi32, #tpu.memory_space<hbm>>) dst(%dma_wait3A_802 : memref<400xi32, #tpu.memory_space<vmem>>)
    %add3A_805 = arith.constant 1200 : i32
    %add3A_806 = arith.addi %mul3A_2, %add3A_805 : i32
    %dma_wait3A_807 = arith.constant 1 : i32
    %dma_wait3A_808 = arith.constant 3 : i32
    %dma_wait3A_809 = arith.constant 0 : i32
    %dma_wait3A_810 = tpu.memref_slice %arg7[%dma_wait3A_808, %dma_wait3A_809] : memref<25x400xi32, #tpu.memory_space<vmem>> -> memref<1x400xi32, #tpu.memory_space<vmem>>
    %dma_wait3A_811 = tpu.memref_squeeze %dma_wait3A_810 : memref<1x400xi32, #tpu.memory_space<vmem>> -> memref<400xi32, #tpu.memory_space<vmem>>
    %dma_wait3A_812 = tpu.memref_slice %arg3[%dma_wait3A_807, %add3A_806] : memref<2x320000xi32, #tpu.memory_space<hbm>> -> memref<1x400xi32, #tpu.memory_space<hbm>>
    %dma_wait3A_813 = tpu.memref_squeeze %dma_wait3A_812 : memref<1x400xi32, #tpu.memory_space<hbm>> -> memref<400xi32, #tpu.memory_space<hbm>>
    %dma_wait3A_814 = arith.constant 0 : i32
    %dma_wait3A_815 = tpu.memref_slice %arg7[%dma_wait3A_808, %dma_wait3A_814] : memref<25x400xi32, #tpu.memory_space<vmem>> -> memref<1x400xi32, #tpu.memory_space<vmem>>
    %dma_wait3A_816 = tpu.memref_squeeze %dma_wait3A_815 : memref<1x400xi32, #tpu.memory_space<vmem>> -> memref<400xi32, #tpu.memory_space<vmem>>
    %dma_wait3A_817 = tpu.memref_slice %arg3[%dma_wait3A_807, %add3A_806] : memref<2x320000xi32, #tpu.memory_space<hbm>> -> memref<1x400xi32, #tpu.memory_space<hbm>>
    %dma_wait3A_818 = tpu.memref_squeeze %dma_wait3A_817 : memref<1x400xi32, #tpu.memory_space<hbm>> -> memref<400xi32, #tpu.memory_space<hbm>>
    tpu.wait_dma2 semaphore(%arg15 : memref<!tpu.dma_semaphore, #tpu.memory_space<semaphore_mem>>) src(%dma_wait3A_818 : memref<400xi32, #tpu.memory_space<hbm>>) dst(%dma_wait3A_816 : memref<400xi32, #tpu.memory_space<vmem>>)
    %add3A_819 = arith.constant 1600 : i32
    %add3A_820 = arith.addi %mul3A_2, %add3A_819 : i32
    %dma_wait3A_821 = arith.constant 0 : i32
    %dma_wait3A_822 = arith.constant 4 : i32
    %dma_wait3A_823 = arith.constant 0 : i32
    %dma_wait3A_824 = tpu.memref_slice %arg6[%dma_wait3A_822, %dma_wait3A_823] : memref<25x400xi32, #tpu.memory_space<vmem>> -> memref<1x400xi32, #tpu.memory_space<vmem>>
    %dma_wait3A_825 = tpu.memref_squeeze %dma_wait3A_824 : memref<1x400xi32, #tpu.memory_space<vmem>> -> memref<400xi32, #tpu.memory_space<vmem>>
    %dma_wait3A_826 = tpu.memref_slice %arg3[%dma_wait3A_821, %add3A_820] : memref<2x320000xi32, #tpu.memory_space<hbm>> -> memref<1x400xi32, #tpu.memory_space<hbm>>
    %dma_wait3A_827 = tpu.memref_squeeze %dma_wait3A_826 : memref<1x400xi32, #tpu.memory_space<hbm>> -> memref<400xi32, #tpu.memory_space<hbm>>
    %dma_wait3A_828 = arith.constant 0 : i32
    %dma_wait3A_829 = tpu.memref_slice %arg6[%dma_wait3A_822, %dma_wait3A_828] : memref<25x400xi32, #tpu.memory_space<vmem>> -> memref<1x400xi32, #tpu.memory_space<vmem>>
    %dma_wait3A_830 = tpu.memref_squeeze %dma_wait3A_829 : memref<1x400xi32, #tpu.memory_space<vmem>> -> memref<400xi32, #tpu.memory_space<vmem>>
    %dma_wait3A_831 = tpu.memref_slice %arg3[%dma_wait3A_821, %add3A_820] : memref<2x320000xi32, #tpu.memory_space<hbm>> -> memref<1x400xi32, #tpu.memory_space<hbm>>
    %dma_wait3A_832 = tpu.memref_squeeze %dma_wait3A_831 : memref<1x400xi32, #tpu.memory_space<hbm>> -> memref<400xi32, #tpu.memory_space<hbm>>
    tpu.wait_dma2 semaphore(%arg15 : memref<!tpu.dma_semaphore, #tpu.memory_space<semaphore_mem>>) src(%dma_wait3A_832 : memref<400xi32, #tpu.memory_space<hbm>>) dst(%dma_wait3A_830 : memref<400xi32, #tpu.memory_space<vmem>>)
    %add3A_833 = arith.constant 1600 : i32
    %add3A_834 = arith.addi %mul3A_2, %add3A_833 : i32
    %dma_wait3A_835 = arith.constant 1 : i32
    %dma_wait3A_836 = arith.constant 4 : i32
    %dma_wait3A_837 = arith.constant 0 : i32
    %dma_wait3A_838 = tpu.memref_slice %arg7[%dma_wait3A_836, %dma_wait3A_837] : memref<25x400xi32, #tpu.memory_space<vmem>> -> memref<1x400xi32, #tpu.memory_space<vmem>>
    %dma_wait3A_839 = tpu.memref_squeeze %dma_wait3A_838 : memref<1x400xi32, #tpu.memory_space<vmem>> -> memref<400xi32, #tpu.memory_space<vmem>>
    %dma_wait3A_840 = tpu.memref_slice %arg3[%dma_wait3A_835, %add3A_834] : memref<2x320000xi32, #tpu.memory_space<hbm>> -> memref<1x400xi32, #tpu.memory_space<hbm>>
    %dma_wait3A_841 = tpu.memref_squeeze %dma_wait3A_840 : memref<1x400xi32, #tpu.memory_space<hbm>> -> memref<400xi32, #tpu.memory_space<hbm>>
    %dma_wait3A_842 = arith.constant 0 : i32
    %dma_wait3A_843 = tpu.memref_slice %arg7[%dma_wait3A_836, %dma_wait3A_842] : memref<25x400xi32, #tpu.memory_space<vmem>> -> memref<1x400xi32, #tpu.memory_space<vmem>>
    %dma_wait3A_844 = tpu.memref_squeeze %dma_wait3A_843 : memref<1x400xi32, #tpu.memory_space<vmem>> -> memref<400xi32, #tpu.memory_space<vmem>>
    %dma_wait3A_845 = tpu.memref_slice %arg3[%dma_wait3A_835, %add3A_834] : memref<2x320000xi32, #tpu.memory_space<hbm>> -> memref<1x400xi32, #tpu.memory_space<hbm>>
    %dma_wait3A_846 = tpu.memref_squeeze %dma_wait3A_845 : memref<1x400xi32, #tpu.memory_space<hbm>> -> memref<400xi32, #tpu.memory_space<hbm>>
    tpu.wait_dma2 semaphore(%arg15 : memref<!tpu.dma_semaphore, #tpu.memory_space<semaphore_mem>>) src(%dma_wait3A_846 : memref<400xi32, #tpu.memory_space<hbm>>) dst(%dma_wait3A_844 : memref<400xi32, #tpu.memory_space<vmem>>)
    %add3A_847 = arith.constant 2000 : i32
    %add3A_848 = arith.addi %mul3A_2, %add3A_847 : i32
    %dma_wait3A_849 = arith.constant 0 : i32
    %dma_wait3A_850 = arith.constant 5 : i32
    %dma_wait3A_851 = arith.constant 0 : i32
    %dma_wait3A_852 = tpu.memref_slice %arg6[%dma_wait3A_850, %dma_wait3A_851] : memref<25x400xi32, #tpu.memory_space<vmem>> -> memref<1x400xi32, #tpu.memory_space<vmem>>
    %dma_wait3A_853 = tpu.memref_squeeze %dma_wait3A_852 : memref<1x400xi32, #tpu.memory_space<vmem>> -> memref<400xi32, #tpu.memory_space<vmem>>
    %dma_wait3A_854 = tpu.memref_slice %arg3[%dma_wait3A_849, %add3A_848] : memref<2x320000xi32, #tpu.memory_space<hbm>> -> memref<1x400xi32, #tpu.memory_space<hbm>>
    %dma_wait3A_855 = tpu.memref_squeeze %dma_wait3A_854 : memref<1x400xi32, #tpu.memory_space<hbm>> -> memref<400xi32, #tpu.memory_space<hbm>>
    %dma_wait3A_856 = arith.constant 0 : i32
    %dma_wait3A_857 = tpu.memref_slice %arg6[%dma_wait3A_850, %dma_wait3A_856] : memref<25x400xi32, #tpu.memory_space<vmem>> -> memref<1x400xi32, #tpu.memory_space<vmem>>
    %dma_wait3A_858 = tpu.memref_squeeze %dma_wait3A_857 : memref<1x400xi32, #tpu.memory_space<vmem>> -> memref<400xi32, #tpu.memory_space<vmem>>
    %dma_wait3A_859 = tpu.memref_slice %arg3[%dma_wait3A_849, %add3A_848] : memref<2x320000xi32, #tpu.memory_space<hbm>> -> memref<1x400xi32, #tpu.memory_space<hbm>>
    %dma_wait3A_860 = tpu.memref_squeeze %dma_wait3A_859 : memref<1x400xi32, #tpu.memory_space<hbm>> -> memref<400xi32, #tpu.memory_space<hbm>>
    tpu.wait_dma2 semaphore(%arg15 : memref<!tpu.dma_semaphore, #tpu.memory_space<semaphore_mem>>) src(%dma_wait3A_860 : memref<400xi32, #tpu.memory_space<hbm>>) dst(%dma_wait3A_858 : memref<400xi32, #tpu.memory_space<vmem>>)
    %add3A_861 = arith.constant 2000 : i32
    %add3A_862 = arith.addi %mul3A_2, %add3A_861 : i32
    %dma_wait3A_863 = arith.constant 1 : i32
    %dma_wait3A_864 = arith.constant 5 : i32
    %dma_wait3A_865 = arith.constant 0 : i32
    %dma_wait3A_866 = tpu.memref_slice %arg7[%dma_wait3A_864, %dma_wait3A_865] : memref<25x400xi32, #tpu.memory_space<vmem>> -> memref<1x400xi32, #tpu.memory_space<vmem>>
    %dma_wait3A_867 = tpu.memref_squeeze %dma_wait3A_866 : memref<1x400xi32, #tpu.memory_space<vmem>> -> memref<400xi32, #tpu.memory_space<vmem>>
    %dma_wait3A_868 = tpu.memref_slice %arg3[%dma_wait3A_863, %add3A_862] : memref<2x320000xi32, #tpu.memory_space<hbm>> -> memref<1x400xi32, #tpu.memory_space<hbm>>
    %dma_wait3A_869 = tpu.memref_squeeze %dma_wait3A_868 : memref<1x400xi32, #tpu.memory_space<hbm>> -> memref<400xi32, #tpu.memory_space<hbm>>
    %dma_wait3A_870 = arith.constant 0 : i32
    %dma_wait3A_871 = tpu.memref_slice %arg7[%dma_wait3A_864, %dma_wait3A_870] : memref<25x400xi32, #tpu.memory_space<vmem>> -> memref<1x400xi32, #tpu.memory_space<vmem>>
    %dma_wait3A_872 = tpu.memref_squeeze %dma_wait3A_871 : memref<1x400xi32, #tpu.memory_space<vmem>> -> memref<400xi32, #tpu.memory_space<vmem>>
    %dma_wait3A_873 = tpu.memref_slice %arg3[%dma_wait3A_863, %add3A_862] : memref<2x320000xi32, #tpu.memory_space<hbm>> -> memref<1x400xi32, #tpu.memory_space<hbm>>
    %dma_wait3A_874 = tpu.memref_squeeze %dma_wait3A_873 : memref<1x400xi32, #tpu.memory_space<hbm>> -> memref<400xi32, #tpu.memory_space<hbm>>
    tpu.wait_dma2 semaphore(%arg15 : memref<!tpu.dma_semaphore, #tpu.memory_space<semaphore_mem>>) src(%dma_wait3A_874 : memref<400xi32, #tpu.memory_space<hbm>>) dst(%dma_wait3A_872 : memref<400xi32, #tpu.memory_space<vmem>>)
    %add3A_875 = arith.constant 2400 : i32
    %add3A_876 = arith.addi %mul3A_2, %add3A_875 : i32
    %dma_wait3A_877 = arith.constant 0 : i32
    %dma_wait3A_878 = arith.constant 6 : i32
    %dma_wait3A_879 = arith.constant 0 : i32
    %dma_wait3A_880 = tpu.memref_slice %arg6[%dma_wait3A_878, %dma_wait3A_879] : memref<25x400xi32, #tpu.memory_space<vmem>> -> memref<1x400xi32, #tpu.memory_space<vmem>>
    %dma_wait3A_881 = tpu.memref_squeeze %dma_wait3A_880 : memref<1x400xi32, #tpu.memory_space<vmem>> -> memref<400xi32, #tpu.memory_space<vmem>>
    %dma_wait3A_882 = tpu.memref_slice %arg3[%dma_wait3A_877, %add3A_876] : memref<2x320000xi32, #tpu.memory_space<hbm>> -> memref<1x400xi32, #tpu.memory_space<hbm>>
    %dma_wait3A_883 = tpu.memref_squeeze %dma_wait3A_882 : memref<1x400xi32, #tpu.memory_space<hbm>> -> memref<400xi32, #tpu.memory_space<hbm>>
    %dma_wait3A_884 = arith.constant 0 : i32
    %dma_wait3A_885 = tpu.memref_slice %arg6[%dma_wait3A_878, %dma_wait3A_884] : memref<25x400xi32, #tpu.memory_space<vmem>> -> memref<1x400xi32, #tpu.memory_space<vmem>>
    %dma_wait3A_886 = tpu.memref_squeeze %dma_wait3A_885 : memref<1x400xi32, #tpu.memory_space<vmem>> -> memref<400xi32, #tpu.memory_space<vmem>>
    %dma_wait3A_887 = tpu.memref_slice %arg3[%dma_wait3A_877, %add3A_876] : memref<2x320000xi32, #tpu.memory_space<hbm>> -> memref<1x400xi32, #tpu.memory_space<hbm>>
    %dma_wait3A_888 = tpu.memref_squeeze %dma_wait3A_887 : memref<1x400xi32, #tpu.memory_space<hbm>> -> memref<400xi32, #tpu.memory_space<hbm>>
    tpu.wait_dma2 semaphore(%arg15 : memref<!tpu.dma_semaphore, #tpu.memory_space<semaphore_mem>>) src(%dma_wait3A_888 : memref<400xi32, #tpu.memory_space<hbm>>) dst(%dma_wait3A_886 : memref<400xi32, #tpu.memory_space<vmem>>)
    %add3A_889 = arith.constant 2400 : i32
    %add3A_890 = arith.addi %mul3A_2, %add3A_889 : i32
    %dma_wait3A_891 = arith.constant 1 : i32
    %dma_wait3A_892 = arith.constant 6 : i32
    %dma_wait3A_893 = arith.constant 0 : i32
    %dma_wait3A_894 = tpu.memref_slice %arg7[%dma_wait3A_892, %dma_wait3A_893] : memref<25x400xi32, #tpu.memory_space<vmem>> -> memref<1x400xi32, #tpu.memory_space<vmem>>
    %dma_wait3A_895 = tpu.memref_squeeze %dma_wait3A_894 : memref<1x400xi32, #tpu.memory_space<vmem>> -> memref<400xi32, #tpu.memory_space<vmem>>
    %dma_wait3A_896 = tpu.memref_slice %arg3[%dma_wait3A_891, %add3A_890] : memref<2x320000xi32, #tpu.memory_space<hbm>> -> memref<1x400xi32, #tpu.memory_space<hbm>>
    %dma_wait3A_897 = tpu.memref_squeeze %dma_wait3A_896 : memref<1x400xi32, #tpu.memory_space<hbm>> -> memref<400xi32, #tpu.memory_space<hbm>>
    %dma_wait3A_898 = arith.constant 0 : i32
    %dma_wait3A_899 = tpu.memref_slice %arg7[%dma_wait3A_892, %dma_wait3A_898] : memref<25x400xi32, #tpu.memory_space<vmem>> -> memref<1x400xi32, #tpu.memory_space<vmem>>
    %dma_wait3A_900 = tpu.memref_squeeze %dma_wait3A_899 : memref<1x400xi32, #tpu.memory_space<vmem>> -> memref<400xi32, #tpu.memory_space<vmem>>
    %dma_wait3A_901 = tpu.memref_slice %arg3[%dma_wait3A_891, %add3A_890] : memref<2x320000xi32, #tpu.memory_space<hbm>> -> memref<1x400xi32, #tpu.memory_space<hbm>>
    %dma_wait3A_902 = tpu.memref_squeeze %dma_wait3A_901 : memref<1x400xi32, #tpu.memory_space<hbm>> -> memref<400xi32, #tpu.memory_space<hbm>>
    tpu.wait_dma2 semaphore(%arg15 : memref<!tpu.dma_semaphore, #tpu.memory_space<semaphore_mem>>) src(%dma_wait3A_902 : memref<400xi32, #tpu.memory_space<hbm>>) dst(%dma_wait3A_900 : memref<400xi32, #tpu.memory_space<vmem>>)
    %add3A_903 = arith.constant 2800 : i32
    %add3A_904 = arith.addi %mul3A_2, %add3A_903 : i32
    %dma_wait3A_905 = arith.constant 0 : i32
    %dma_wait3A_906 = arith.constant 7 : i32
    %dma_wait3A_907 = arith.constant 0 : i32
    %dma_wait3A_908 = tpu.memref_slice %arg6[%dma_wait3A_906, %dma_wait3A_907] : memref<25x400xi32, #tpu.memory_space<vmem>> -> memref<1x400xi32, #tpu.memory_space<vmem>>
    %dma_wait3A_909 = tpu.memref_squeeze %dma_wait3A_908 : memref<1x400xi32, #tpu.memory_space<vmem>> -> memref<400xi32, #tpu.memory_space<vmem>>
    %dma_wait3A_910 = tpu.memref_slice %arg3[%dma_wait3A_905, %add3A_904] : memref<2x320000xi32, #tpu.memory_space<hbm>> -> memref<1x400xi32, #tpu.memory_space<hbm>>
    %dma_wait3A_911 = tpu.memref_squeeze %dma_wait3A_910 : memref<1x400xi32, #tpu.memory_space<hbm>> -> memref<400xi32, #tpu.memory_space<hbm>>
    %dma_wait3A_912 = arith.constant 0 : i32
    %dma_wait3A_913 = tpu.memref_slice %arg6[%dma_wait3A_906, %dma_wait3A_912] : memref<25x400xi32, #tpu.memory_space<vmem>> -> memref<1x400xi32, #tpu.memory_space<vmem>>
    %dma_wait3A_914 = tpu.memref_squeeze %dma_wait3A_913 : memref<1x400xi32, #tpu.memory_space<vmem>> -> memref<400xi32, #tpu.memory_space<vmem>>
    %dma_wait3A_915 = tpu.memref_slice %arg3[%dma_wait3A_905, %add3A_904] : memref<2x320000xi32, #tpu.memory_space<hbm>> -> memref<1x400xi32, #tpu.memory_space<hbm>>
    %dma_wait3A_916 = tpu.memref_squeeze %dma_wait3A_915 : memref<1x400xi32, #tpu.memory_space<hbm>> -> memref<400xi32, #tpu.memory_space<hbm>>
    tpu.wait_dma2 semaphore(%arg15 : memref<!tpu.dma_semaphore, #tpu.memory_space<semaphore_mem>>) src(%dma_wait3A_916 : memref<400xi32, #tpu.memory_space<hbm>>) dst(%dma_wait3A_914 : memref<400xi32, #tpu.memory_space<vmem>>)
    %add3A_917 = arith.constant 2800 : i32
    %add3A_918 = arith.addi %mul3A_2, %add3A_917 : i32
    %dma_wait3A_919 = arith.constant 1 : i32
    %dma_wait3A_920 = arith.constant 7 : i32
    %dma_wait3A_921 = arith.constant 0 : i32
    %dma_wait3A_922 = tpu.memref_slice %arg7[%dma_wait3A_920, %dma_wait3A_921] : memref<25x400xi32, #tpu.memory_space<vmem>> -> memref<1x400xi32, #tpu.memory_space<vmem>>
    %dma_wait3A_923 = tpu.memref_squeeze %dma_wait3A_922 : memref<1x400xi32, #tpu.memory_space<vmem>> -> memref<400xi32, #tpu.memory_space<vmem>>
    %dma_wait3A_924 = tpu.memref_slice %arg3[%dma_wait3A_919, %add3A_918] : memref<2x320000xi32, #tpu.memory_space<hbm>> -> memref<1x400xi32, #tpu.memory_space<hbm>>
    %dma_wait3A_925 = tpu.memref_squeeze %dma_wait3A_924 : memref<1x400xi32, #tpu.memory_space<hbm>> -> memref<400xi32, #tpu.memory_space<hbm>>
    %dma_wait3A_926 = arith.constant 0 : i32
    %dma_wait3A_927 = tpu.memref_slice %arg7[%dma_wait3A_920, %dma_wait3A_926] : memref<25x400xi32, #tpu.memory_space<vmem>> -> memref<1x400xi32, #tpu.memory_space<vmem>>
    %dma_wait3A_928 = tpu.memref_squeeze %dma_wait3A_927 : memref<1x400xi32, #tpu.memory_space<vmem>> -> memref<400xi32, #tpu.memory_space<vmem>>
    %dma_wait3A_929 = tpu.memref_slice %arg3[%dma_wait3A_919, %add3A_918] : memref<2x320000xi32, #tpu.memory_space<hbm>> -> memref<1x400xi32, #tpu.memory_space<hbm>>
    %dma_wait3A_930 = tpu.memref_squeeze %dma_wait3A_929 : memref<1x400xi32, #tpu.memory_space<hbm>> -> memref<400xi32, #tpu.memory_space<hbm>>
    tpu.wait_dma2 semaphore(%arg15 : memref<!tpu.dma_semaphore, #tpu.memory_space<semaphore_mem>>) src(%dma_wait3A_930 : memref<400xi32, #tpu.memory_space<hbm>>) dst(%dma_wait3A_928 : memref<400xi32, #tpu.memory_space<vmem>>)
    %add3A_931 = arith.constant 3200 : i32
    %add3A_932 = arith.addi %mul3A_2, %add3A_931 : i32
    %dma_wait3A_933 = arith.constant 0 : i32
    %dma_wait3A_934 = arith.constant 8 : i32
    %dma_wait3A_935 = arith.constant 0 : i32
    %dma_wait3A_936 = tpu.memref_slice %arg6[%dma_wait3A_934, %dma_wait3A_935] : memref<25x400xi32, #tpu.memory_space<vmem>> -> memref<1x400xi32, #tpu.memory_space<vmem>>
    %dma_wait3A_937 = tpu.memref_squeeze %dma_wait3A_936 : memref<1x400xi32, #tpu.memory_space<vmem>> -> memref<400xi32, #tpu.memory_space<vmem>>
    %dma_wait3A_938 = tpu.memref_slice %arg3[%dma_wait3A_933, %add3A_932] : memref<2x320000xi32, #tpu.memory_space<hbm>> -> memref<1x400xi32, #tpu.memory_space<hbm>>
    %dma_wait3A_939 = tpu.memref_squeeze %dma_wait3A_938 : memref<1x400xi32, #tpu.memory_space<hbm>> -> memref<400xi32, #tpu.memory_space<hbm>>
    %dma_wait3A_940 = arith.constant 0 : i32
    %dma_wait3A_941 = tpu.memref_slice %arg6[%dma_wait3A_934, %dma_wait3A_940] : memref<25x400xi32, #tpu.memory_space<vmem>> -> memref<1x400xi32, #tpu.memory_space<vmem>>
    %dma_wait3A_942 = tpu.memref_squeeze %dma_wait3A_941 : memref<1x400xi32, #tpu.memory_space<vmem>> -> memref<400xi32, #tpu.memory_space<vmem>>
    %dma_wait3A_943 = tpu.memref_slice %arg3[%dma_wait3A_933, %add3A_932] : memref<2x320000xi32, #tpu.memory_space<hbm>> -> memref<1x400xi32, #tpu.memory_space<hbm>>
    %dma_wait3A_944 = tpu.memref_squeeze %dma_wait3A_943 : memref<1x400xi32, #tpu.memory_space<hbm>> -> memref<400xi32, #tpu.memory_space<hbm>>
    tpu.wait_dma2 semaphore(%arg15 : memref<!tpu.dma_semaphore, #tpu.memory_space<semaphore_mem>>) src(%dma_wait3A_944 : memref<400xi32, #tpu.memory_space<hbm>>) dst(%dma_wait3A_942 : memref<400xi32, #tpu.memory_space<vmem>>)
    %add3A_945 = arith.constant 3200 : i32
    %add3A_946 = arith.addi %mul3A_2, %add3A_945 : i32
    %dma_wait3A_947 = arith.constant 1 : i32
    %dma_wait3A_948 = arith.constant 8 : i32
    %dma_wait3A_949 = arith.constant 0 : i32
    %dma_wait3A_950 = tpu.memref_slice %arg7[%dma_wait3A_948, %dma_wait3A_949] : memref<25x400xi32, #tpu.memory_space<vmem>> -> memref<1x400xi32, #tpu.memory_space<vmem>>
    %dma_wait3A_951 = tpu.memref_squeeze %dma_wait3A_950 : memref<1x400xi32, #tpu.memory_space<vmem>> -> memref<400xi32, #tpu.memory_space<vmem>>
    %dma_wait3A_952 = tpu.memref_slice %arg3[%dma_wait3A_947, %add3A_946] : memref<2x320000xi32, #tpu.memory_space<hbm>> -> memref<1x400xi32, #tpu.memory_space<hbm>>
    %dma_wait3A_953 = tpu.memref_squeeze %dma_wait3A_952 : memref<1x400xi32, #tpu.memory_space<hbm>> -> memref<400xi32, #tpu.memory_space<hbm>>
    %dma_wait3A_954 = arith.constant 0 : i32
    %dma_wait3A_955 = tpu.memref_slice %arg7[%dma_wait3A_948, %dma_wait3A_954] : memref<25x400xi32, #tpu.memory_space<vmem>> -> memref<1x400xi32, #tpu.memory_space<vmem>>
    %dma_wait3A_956 = tpu.memref_squeeze %dma_wait3A_955 : memref<1x400xi32, #tpu.memory_space<vmem>> -> memref<400xi32, #tpu.memory_space<vmem>>
    %dma_wait3A_957 = tpu.memref_slice %arg3[%dma_wait3A_947, %add3A_946] : memref<2x320000xi32, #tpu.memory_space<hbm>> -> memref<1x400xi32, #tpu.memory_space<hbm>>
    %dma_wait3A_958 = tpu.memref_squeeze %dma_wait3A_957 : memref<1x400xi32, #tpu.memory_space<hbm>> -> memref<400xi32, #tpu.memory_space<hbm>>
    tpu.wait_dma2 semaphore(%arg15 : memref<!tpu.dma_semaphore, #tpu.memory_space<semaphore_mem>>) src(%dma_wait3A_958 : memref<400xi32, #tpu.memory_space<hbm>>) dst(%dma_wait3A_956 : memref<400xi32, #tpu.memory_space<vmem>>)
    %add3A_959 = arith.constant 3600 : i32
    %add3A_960 = arith.addi %mul3A_2, %add3A_959 : i32
    %dma_wait3A_961 = arith.constant 0 : i32
    %dma_wait3A_962 = arith.constant 9 : i32
    %dma_wait3A_963 = arith.constant 0 : i32
    %dma_wait3A_964 = tpu.memref_slice %arg6[%dma_wait3A_962, %dma_wait3A_963] : memref<25x400xi32, #tpu.memory_space<vmem>> -> memref<1x400xi32, #tpu.memory_space<vmem>>
    %dma_wait3A_965 = tpu.memref_squeeze %dma_wait3A_964 : memref<1x400xi32, #tpu.memory_space<vmem>> -> memref<400xi32, #tpu.memory_space<vmem>>
    %dma_wait3A_966 = tpu.memref_slice %arg3[%dma_wait3A_961, %add3A_960] : memref<2x320000xi32, #tpu.memory_space<hbm>> -> memref<1x400xi32, #tpu.memory_space<hbm>>
    %dma_wait3A_967 = tpu.memref_squeeze %dma_wait3A_966 : memref<1x400xi32, #tpu.memory_space<hbm>> -> memref<400xi32, #tpu.memory_space<hbm>>
    %dma_wait3A_968 = arith.constant 0 : i32
    %dma_wait3A_969 = tpu.memref_slice %arg6[%dma_wait3A_962, %dma_wait3A_968] : memref<25x400xi32, #tpu.memory_space<vmem>> -> memref<1x400xi32, #tpu.memory_space<vmem>>
    %dma_wait3A_970 = tpu.memref_squeeze %dma_wait3A_969 : memref<1x400xi32, #tpu.memory_space<vmem>> -> memref<400xi32, #tpu.memory_space<vmem>>
    %dma_wait3A_971 = tpu.memref_slice %arg3[%dma_wait3A_961, %add3A_960] : memref<2x320000xi32, #tpu.memory_space<hbm>> -> memref<1x400xi32, #tpu.memory_space<hbm>>
    %dma_wait3A_972 = tpu.memref_squeeze %dma_wait3A_971 : memref<1x400xi32, #tpu.memory_space<hbm>> -> memref<400xi32, #tpu.memory_space<hbm>>
    tpu.wait_dma2 semaphore(%arg15 : memref<!tpu.dma_semaphore, #tpu.memory_space<semaphore_mem>>) src(%dma_wait3A_972 : memref<400xi32, #tpu.memory_space<hbm>>) dst(%dma_wait3A_970 : memref<400xi32, #tpu.memory_space<vmem>>)
    %add3A_973 = arith.constant 3600 : i32
    %add3A_974 = arith.addi %mul3A_2, %add3A_973 : i32
    %dma_wait3A_975 = arith.constant 1 : i32
    %dma_wait3A_976 = arith.constant 9 : i32
    %dma_wait3A_977 = arith.constant 0 : i32
    %dma_wait3A_978 = tpu.memref_slice %arg7[%dma_wait3A_976, %dma_wait3A_977] : memref<25x400xi32, #tpu.memory_space<vmem>> -> memref<1x400xi32, #tpu.memory_space<vmem>>
    %dma_wait3A_979 = tpu.memref_squeeze %dma_wait3A_978 : memref<1x400xi32, #tpu.memory_space<vmem>> -> memref<400xi32, #tpu.memory_space<vmem>>
    %dma_wait3A_980 = tpu.memref_slice %arg3[%dma_wait3A_975, %add3A_974] : memref<2x320000xi32, #tpu.memory_space<hbm>> -> memref<1x400xi32, #tpu.memory_space<hbm>>
    %dma_wait3A_981 = tpu.memref_squeeze %dma_wait3A_980 : memref<1x400xi32, #tpu.memory_space<hbm>> -> memref<400xi32, #tpu.memory_space<hbm>>
    %dma_wait3A_982 = arith.constant 0 : i32
    %dma_wait3A_983 = tpu.memref_slice %arg7[%dma_wait3A_976, %dma_wait3A_982] : memref<25x400xi32, #tpu.memory_space<vmem>> -> memref<1x400xi32, #tpu.memory_space<vmem>>
    %dma_wait3A_984 = tpu.memref_squeeze %dma_wait3A_983 : memref<1x400xi32, #tpu.memory_space<vmem>> -> memref<400xi32, #tpu.memory_space<vmem>>
    %dma_wait3A_985 = tpu.memref_slice %arg3[%dma_wait3A_975, %add3A_974] : memref<2x320000xi32, #tpu.memory_space<hbm>> -> memref<1x400xi32, #tpu.memory_space<hbm>>
    %dma_wait3A_986 = tpu.memref_squeeze %dma_wait3A_985 : memref<1x400xi32, #tpu.memory_space<hbm>> -> memref<400xi32, #tpu.memory_space<hbm>>
    tpu.wait_dma2 semaphore(%arg15 : memref<!tpu.dma_semaphore, #tpu.memory_space<semaphore_mem>>) src(%dma_wait3A_986 : memref<400xi32, #tpu.memory_space<hbm>>) dst(%dma_wait3A_984 : memref<400xi32, #tpu.memory_space<vmem>>)
    %add3A_987 = arith.constant 4000 : i32
    %add3A_988 = arith.addi %mul3A_2, %add3A_987 : i32
    %dma_wait3A_989 = arith.constant 0 : i32
    %dma_wait3A_990 = arith.constant 10 : i32
    %dma_wait3A_991 = arith.constant 0 : i32
    %dma_wait3A_992 = tpu.memref_slice %arg6[%dma_wait3A_990, %dma_wait3A_991] : memref<25x400xi32, #tpu.memory_space<vmem>> -> memref<1x400xi32, #tpu.memory_space<vmem>>
    %dma_wait3A_993 = tpu.memref_squeeze %dma_wait3A_992 : memref<1x400xi32, #tpu.memory_space<vmem>> -> memref<400xi32, #tpu.memory_space<vmem>>
    %dma_wait3A_994 = tpu.memref_slice %arg3[%dma_wait3A_989, %add3A_988] : memref<2x320000xi32, #tpu.memory_space<hbm>> -> memref<1x400xi32, #tpu.memory_space<hbm>>
    %dma_wait3A_995 = tpu.memref_squeeze %dma_wait3A_994 : memref<1x400xi32, #tpu.memory_space<hbm>> -> memref<400xi32, #tpu.memory_space<hbm>>
    %dma_wait3A_996 = arith.constant 0 : i32
    %dma_wait3A_997 = tpu.memref_slice %arg6[%dma_wait3A_990, %dma_wait3A_996] : memref<25x400xi32, #tpu.memory_space<vmem>> -> memref<1x400xi32, #tpu.memory_space<vmem>>
    %dma_wait3A_998 = tpu.memref_squeeze %dma_wait3A_997 : memref<1x400xi32, #tpu.memory_space<vmem>> -> memref<400xi32, #tpu.memory_space<vmem>>
    %dma_wait3A_999 = tpu.memref_slice %arg3[%dma_wait3A_989, %add3A_988] : memref<2x320000xi32, #tpu.memory_space<hbm>> -> memref<1x400xi32, #tpu.memory_space<hbm>>
    %dma_wait3A_1000 = tpu.memref_squeeze %dma_wait3A_999 : memref<1x400xi32, #tpu.memory_space<hbm>> -> memref<400xi32, #tpu.memory_space<hbm>>
    tpu.wait_dma2 semaphore(%arg15 : memref<!tpu.dma_semaphore, #tpu.memory_space<semaphore_mem>>) src(%dma_wait3A_1000 : memref<400xi32, #tpu.memory_space<hbm>>) dst(%dma_wait3A_998 : memref<400xi32, #tpu.memory_space<vmem>>)
    %add3A_1001 = arith.constant 4000 : i32
    %add3A_1002 = arith.addi %mul3A_2, %add3A_1001 : i32
    %dma_wait3A_1003 = arith.constant 1 : i32
    %dma_wait3A_1004 = arith.constant 10 : i32
    %dma_wait3A_1005 = arith.constant 0 : i32
    %dma_wait3A_1006 = tpu.memref_slice %arg7[%dma_wait3A_1004, %dma_wait3A_1005] : memref<25x400xi32, #tpu.memory_space<vmem>> -> memref<1x400xi32, #tpu.memory_space<vmem>>
    %dma_wait3A_1007 = tpu.memref_squeeze %dma_wait3A_1006 : memref<1x400xi32, #tpu.memory_space<vmem>> -> memref<400xi32, #tpu.memory_space<vmem>>
    %dma_wait3A_1008 = tpu.memref_slice %arg3[%dma_wait3A_1003, %add3A_1002] : memref<2x320000xi32, #tpu.memory_space<hbm>> -> memref<1x400xi32, #tpu.memory_space<hbm>>
    %dma_wait3A_1009 = tpu.memref_squeeze %dma_wait3A_1008 : memref<1x400xi32, #tpu.memory_space<hbm>> -> memref<400xi32, #tpu.memory_space<hbm>>
    %dma_wait3A_1010 = arith.constant 0 : i32
    %dma_wait3A_1011 = tpu.memref_slice %arg7[%dma_wait3A_1004, %dma_wait3A_1010] : memref<25x400xi32, #tpu.memory_space<vmem>> -> memref<1x400xi32, #tpu.memory_space<vmem>>
    %dma_wait3A_1012 = tpu.memref_squeeze %dma_wait3A_1011 : memref<1x400xi32, #tpu.memory_space<vmem>> -> memref<400xi32, #tpu.memory_space<vmem>>
    %dma_wait3A_1013 = tpu.memref_slice %arg3[%dma_wait3A_1003, %add3A_1002] : memref<2x320000xi32, #tpu.memory_space<hbm>> -> memref<1x400xi32, #tpu.memory_space<hbm>>
    %dma_wait3A_1014 = tpu.memref_squeeze %dma_wait3A_1013 : memref<1x400xi32, #tpu.memory_space<hbm>> -> memref<400xi32, #tpu.memory_space<hbm>>
    tpu.wait_dma2 semaphore(%arg15 : memref<!tpu.dma_semaphore, #tpu.memory_space<semaphore_mem>>) src(%dma_wait3A_1014 : memref<400xi32, #tpu.memory_space<hbm>>) dst(%dma_wait3A_1012 : memref<400xi32, #tpu.memory_space<vmem>>)
    %add3A_1015 = arith.constant 4400 : i32
    %add3A_1016 = arith.addi %mul3A_2, %add3A_1015 : i32
    %dma_wait3A_1017 = arith.constant 0 : i32
    %dma_wait3A_1018 = arith.constant 11 : i32
    %dma_wait3A_1019 = arith.constant 0 : i32
    %dma_wait3A_1020 = tpu.memref_slice %arg6[%dma_wait3A_1018, %dma_wait3A_1019] : memref<25x400xi32, #tpu.memory_space<vmem>> -> memref<1x400xi32, #tpu.memory_space<vmem>>
    %dma_wait3A_1021 = tpu.memref_squeeze %dma_wait3A_1020 : memref<1x400xi32, #tpu.memory_space<vmem>> -> memref<400xi32, #tpu.memory_space<vmem>>
    %dma_wait3A_1022 = tpu.memref_slice %arg3[%dma_wait3A_1017, %add3A_1016] : memref<2x320000xi32, #tpu.memory_space<hbm>> -> memref<1x400xi32, #tpu.memory_space<hbm>>
    %dma_wait3A_1023 = tpu.memref_squeeze %dma_wait3A_1022 : memref<1x400xi32, #tpu.memory_space<hbm>> -> memref<400xi32, #tpu.memory_space<hbm>>
    %dma_wait3A_1024 = arith.constant 0 : i32
    %dma_wait3A_1025 = tpu.memref_slice %arg6[%dma_wait3A_1018, %dma_wait3A_1024] : memref<25x400xi32, #tpu.memory_space<vmem>> -> memref<1x400xi32, #tpu.memory_space<vmem>>
    %dma_wait3A_1026 = tpu.memref_squeeze %dma_wait3A_1025 : memref<1x400xi32, #tpu.memory_space<vmem>> -> memref<400xi32, #tpu.memory_space<vmem>>
    %dma_wait3A_1027 = tpu.memref_slice %arg3[%dma_wait3A_1017, %add3A_1016] : memref<2x320000xi32, #tpu.memory_space<hbm>> -> memref<1x400xi32, #tpu.memory_space<hbm>>
    %dma_wait3A_1028 = tpu.memref_squeeze %dma_wait3A_1027 : memref<1x400xi32, #tpu.memory_space<hbm>> -> memref<400xi32, #tpu.memory_space<hbm>>
    tpu.wait_dma2 semaphore(%arg15 : memref<!tpu.dma_semaphore, #tpu.memory_space<semaphore_mem>>) src(%dma_wait3A_1028 : memref<400xi32, #tpu.memory_space<hbm>>) dst(%dma_wait3A_1026 : memref<400xi32, #tpu.memory_space<vmem>>)
    %add3A_1029 = arith.constant 4400 : i32
    %add3A_1030 = arith.addi %mul3A_2, %add3A_1029 : i32
    %dma_wait3A_1031 = arith.constant 1 : i32
    %dma_wait3A_1032 = arith.constant 11 : i32
    %dma_wait3A_1033 = arith.constant 0 : i32
    %dma_wait3A_1034 = tpu.memref_slice %arg7[%dma_wait3A_1032, %dma_wait3A_1033] : memref<25x400xi32, #tpu.memory_space<vmem>> -> memref<1x400xi32, #tpu.memory_space<vmem>>
    %dma_wait3A_1035 = tpu.memref_squeeze %dma_wait3A_1034 : memref<1x400xi32, #tpu.memory_space<vmem>> -> memref<400xi32, #tpu.memory_space<vmem>>
    %dma_wait3A_1036 = tpu.memref_slice %arg3[%dma_wait3A_1031, %add3A_1030] : memref<2x320000xi32, #tpu.memory_space<hbm>> -> memref<1x400xi32, #tpu.memory_space<hbm>>
    %dma_wait3A_1037 = tpu.memref_squeeze %dma_wait3A_1036 : memref<1x400xi32, #tpu.memory_space<hbm>> -> memref<400xi32, #tpu.memory_space<hbm>>
    %dma_wait3A_1038 = arith.constant 0 : i32
    %dma_wait3A_1039 = tpu.memref_slice %arg7[%dma_wait3A_1032, %dma_wait3A_1038] : memref<25x400xi32, #tpu.memory_space<vmem>> -> memref<1x400xi32, #tpu.memory_space<vmem>>
    %dma_wait3A_1040 = tpu.memref_squeeze %dma_wait3A_1039 : memref<1x400xi32, #tpu.memory_space<vmem>> -> memref<400xi32, #tpu.memory_space<vmem>>
    %dma_wait3A_1041 = tpu.memref_slice %arg3[%dma_wait3A_1031, %add3A_1030] : memref<2x320000xi32, #tpu.memory_space<hbm>> -> memref<1x400xi32, #tpu.memory_space<hbm>>
    %dma_wait3A_1042 = tpu.memref_squeeze %dma_wait3A_1041 : memref<1x400xi32, #tpu.memory_space<hbm>> -> memref<400xi32, #tpu.memory_space<hbm>>
    tpu.wait_dma2 semaphore(%arg15 : memref<!tpu.dma_semaphore, #tpu.memory_space<semaphore_mem>>) src(%dma_wait3A_1042 : memref<400xi32, #tpu.memory_space<hbm>>) dst(%dma_wait3A_1040 : memref<400xi32, #tpu.memory_space<vmem>>)
    %add3A_1043 = arith.constant 4800 : i32
    %add3A_1044 = arith.addi %mul3A_2, %add3A_1043 : i32
    %dma_wait3A_1045 = arith.constant 0 : i32
    %dma_wait3A_1046 = arith.constant 12 : i32
    %dma_wait3A_1047 = arith.constant 0 : i32
    %dma_wait3A_1048 = tpu.memref_slice %arg6[%dma_wait3A_1046, %dma_wait3A_1047] : memref<25x400xi32, #tpu.memory_space<vmem>> -> memref<1x400xi32, #tpu.memory_space<vmem>>
    %dma_wait3A_1049 = tpu.memref_squeeze %dma_wait3A_1048 : memref<1x400xi32, #tpu.memory_space<vmem>> -> memref<400xi32, #tpu.memory_space<vmem>>
    %dma_wait3A_1050 = tpu.memref_slice %arg3[%dma_wait3A_1045, %add3A_1044] : memref<2x320000xi32, #tpu.memory_space<hbm>> -> memref<1x400xi32, #tpu.memory_space<hbm>>
    %dma_wait3A_1051 = tpu.memref_squeeze %dma_wait3A_1050 : memref<1x400xi32, #tpu.memory_space<hbm>> -> memref<400xi32, #tpu.memory_space<hbm>>
    %dma_wait3A_1052 = arith.constant 0 : i32
    %dma_wait3A_1053 = tpu.memref_slice %arg6[%dma_wait3A_1046, %dma_wait3A_1052] : memref<25x400xi32, #tpu.memory_space<vmem>> -> memref<1x400xi32, #tpu.memory_space<vmem>>
    %dma_wait3A_1054 = tpu.memref_squeeze %dma_wait3A_1053 : memref<1x400xi32, #tpu.memory_space<vmem>> -> memref<400xi32, #tpu.memory_space<vmem>>
    %dma_wait3A_1055 = tpu.memref_slice %arg3[%dma_wait3A_1045, %add3A_1044] : memref<2x320000xi32, #tpu.memory_space<hbm>> -> memref<1x400xi32, #tpu.memory_space<hbm>>
    %dma_wait3A_1056 = tpu.memref_squeeze %dma_wait3A_1055 : memref<1x400xi32, #tpu.memory_space<hbm>> -> memref<400xi32, #tpu.memory_space<hbm>>
    tpu.wait_dma2 semaphore(%arg15 : memref<!tpu.dma_semaphore, #tpu.memory_space<semaphore_mem>>) src(%dma_wait3A_1056 : memref<400xi32, #tpu.memory_space<hbm>>) dst(%dma_wait3A_1054 : memref<400xi32, #tpu.memory_space<vmem>>)
    %add3A_1057 = arith.constant 4800 : i32
    %add3A_1058 = arith.addi %mul3A_2, %add3A_1057 : i32
    %dma_wait3A_1059 = arith.constant 1 : i32
    %dma_wait3A_1060 = arith.constant 12 : i32
    %dma_wait3A_1061 = arith.constant 0 : i32
    %dma_wait3A_1062 = tpu.memref_slice %arg7[%dma_wait3A_1060, %dma_wait3A_1061] : memref<25x400xi32, #tpu.memory_space<vmem>> -> memref<1x400xi32, #tpu.memory_space<vmem>>
    %dma_wait3A_1063 = tpu.memref_squeeze %dma_wait3A_1062 : memref<1x400xi32, #tpu.memory_space<vmem>> -> memref<400xi32, #tpu.memory_space<vmem>>
    %dma_wait3A_1064 = tpu.memref_slice %arg3[%dma_wait3A_1059, %add3A_1058] : memref<2x320000xi32, #tpu.memory_space<hbm>> -> memref<1x400xi32, #tpu.memory_space<hbm>>
    %dma_wait3A_1065 = tpu.memref_squeeze %dma_wait3A_1064 : memref<1x400xi32, #tpu.memory_space<hbm>> -> memref<400xi32, #tpu.memory_space<hbm>>
    %dma_wait3A_1066 = arith.constant 0 : i32
    %dma_wait3A_1067 = tpu.memref_slice %arg7[%dma_wait3A_1060, %dma_wait3A_1066] : memref<25x400xi32, #tpu.memory_space<vmem>> -> memref<1x400xi32, #tpu.memory_space<vmem>>
    %dma_wait3A_1068 = tpu.memref_squeeze %dma_wait3A_1067 : memref<1x400xi32, #tpu.memory_space<vmem>> -> memref<400xi32, #tpu.memory_space<vmem>>
    %dma_wait3A_1069 = tpu.memref_slice %arg3[%dma_wait3A_1059, %add3A_1058] : memref<2x320000xi32, #tpu.memory_space<hbm>> -> memref<1x400xi32, #tpu.memory_space<hbm>>
    %dma_wait3A_1070 = tpu.memref_squeeze %dma_wait3A_1069 : memref<1x400xi32, #tpu.memory_space<hbm>> -> memref<400xi32, #tpu.memory_space<hbm>>
    tpu.wait_dma2 semaphore(%arg15 : memref<!tpu.dma_semaphore, #tpu.memory_space<semaphore_mem>>) src(%dma_wait3A_1070 : memref<400xi32, #tpu.memory_space<hbm>>) dst(%dma_wait3A_1068 : memref<400xi32, #tpu.memory_space<vmem>>)
    %add3A_1071 = arith.constant 5200 : i32
    %add3A_1072 = arith.addi %mul3A_2, %add3A_1071 : i32
    %dma_wait3A_1073 = arith.constant 0 : i32
    %dma_wait3A_1074 = arith.constant 13 : i32
    %dma_wait3A_1075 = arith.constant 0 : i32
    %dma_wait3A_1076 = tpu.memref_slice %arg6[%dma_wait3A_1074, %dma_wait3A_1075] : memref<25x400xi32, #tpu.memory_space<vmem>> -> memref<1x400xi32, #tpu.memory_space<vmem>>
    %dma_wait3A_1077 = tpu.memref_squeeze %dma_wait3A_1076 : memref<1x400xi32, #tpu.memory_space<vmem>> -> memref<400xi32, #tpu.memory_space<vmem>>
    %dma_wait3A_1078 = tpu.memref_slice %arg3[%dma_wait3A_1073, %add3A_1072] : memref<2x320000xi32, #tpu.memory_space<hbm>> -> memref<1x400xi32, #tpu.memory_space<hbm>>
    %dma_wait3A_1079 = tpu.memref_squeeze %dma_wait3A_1078 : memref<1x400xi32, #tpu.memory_space<hbm>> -> memref<400xi32, #tpu.memory_space<hbm>>
    %dma_wait3A_1080 = arith.constant 0 : i32
    %dma_wait3A_1081 = tpu.memref_slice %arg6[%dma_wait3A_1074, %dma_wait3A_1080] : memref<25x400xi32, #tpu.memory_space<vmem>> -> memref<1x400xi32, #tpu.memory_space<vmem>>
    %dma_wait3A_1082 = tpu.memref_squeeze %dma_wait3A_1081 : memref<1x400xi32, #tpu.memory_space<vmem>> -> memref<400xi32, #tpu.memory_space<vmem>>
    %dma_wait3A_1083 = tpu.memref_slice %arg3[%dma_wait3A_1073, %add3A_1072] : memref<2x320000xi32, #tpu.memory_space<hbm>> -> memref<1x400xi32, #tpu.memory_space<hbm>>
    %dma_wait3A_1084 = tpu.memref_squeeze %dma_wait3A_1083 : memref<1x400xi32, #tpu.memory_space<hbm>> -> memref<400xi32, #tpu.memory_space<hbm>>
    tpu.wait_dma2 semaphore(%arg15 : memref<!tpu.dma_semaphore, #tpu.memory_space<semaphore_mem>>) src(%dma_wait3A_1084 : memref<400xi32, #tpu.memory_space<hbm>>) dst(%dma_wait3A_1082 : memref<400xi32, #tpu.memory_space<vmem>>)
    %add3A_1085 = arith.constant 5200 : i32
    %add3A_1086 = arith.addi %mul3A_2, %add3A_1085 : i32
    %dma_wait3A_1087 = arith.constant 1 : i32
    %dma_wait3A_1088 = arith.constant 13 : i32
    %dma_wait3A_1089 = arith.constant 0 : i32
    %dma_wait3A_1090 = tpu.memref_slice %arg7[%dma_wait3A_1088, %dma_wait3A_1089] : memref<25x400xi32, #tpu.memory_space<vmem>> -> memref<1x400xi32, #tpu.memory_space<vmem>>
    %dma_wait3A_1091 = tpu.memref_squeeze %dma_wait3A_1090 : memref<1x400xi32, #tpu.memory_space<vmem>> -> memref<400xi32, #tpu.memory_space<vmem>>
    %dma_wait3A_1092 = tpu.memref_slice %arg3[%dma_wait3A_1087, %add3A_1086] : memref<2x320000xi32, #tpu.memory_space<hbm>> -> memref<1x400xi32, #tpu.memory_space<hbm>>
    %dma_wait3A_1093 = tpu.memref_squeeze %dma_wait3A_1092 : memref<1x400xi32, #tpu.memory_space<hbm>> -> memref<400xi32, #tpu.memory_space<hbm>>
    %dma_wait3A_1094 = arith.constant 0 : i32
    %dma_wait3A_1095 = tpu.memref_slice %arg7[%dma_wait3A_1088, %dma_wait3A_1094] : memref<25x400xi32, #tpu.memory_space<vmem>> -> memref<1x400xi32, #tpu.memory_space<vmem>>
    %dma_wait3A_1096 = tpu.memref_squeeze %dma_wait3A_1095 : memref<1x400xi32, #tpu.memory_space<vmem>> -> memref<400xi32, #tpu.memory_space<vmem>>
    %dma_wait3A_1097 = tpu.memref_slice %arg3[%dma_wait3A_1087, %add3A_1086] : memref<2x320000xi32, #tpu.memory_space<hbm>> -> memref<1x400xi32, #tpu.memory_space<hbm>>
    %dma_wait3A_1098 = tpu.memref_squeeze %dma_wait3A_1097 : memref<1x400xi32, #tpu.memory_space<hbm>> -> memref<400xi32, #tpu.memory_space<hbm>>
    tpu.wait_dma2 semaphore(%arg15 : memref<!tpu.dma_semaphore, #tpu.memory_space<semaphore_mem>>) src(%dma_wait3A_1098 : memref<400xi32, #tpu.memory_space<hbm>>) dst(%dma_wait3A_1096 : memref<400xi32, #tpu.memory_space<vmem>>)
    %add3A_1099 = arith.constant 5600 : i32
    %add3A_1100 = arith.addi %mul3A_2, %add3A_1099 : i32
    %dma_wait3A_1101 = arith.constant 0 : i32
    %dma_wait3A_1102 = arith.constant 14 : i32
    %dma_wait3A_1103 = arith.constant 0 : i32
    %dma_wait3A_1104 = tpu.memref_slice %arg6[%dma_wait3A_1102, %dma_wait3A_1103] : memref<25x400xi32, #tpu.memory_space<vmem>> -> memref<1x400xi32, #tpu.memory_space<vmem>>
    %dma_wait3A_1105 = tpu.memref_squeeze %dma_wait3A_1104 : memref<1x400xi32, #tpu.memory_space<vmem>> -> memref<400xi32, #tpu.memory_space<vmem>>
    %dma_wait3A_1106 = tpu.memref_slice %arg3[%dma_wait3A_1101, %add3A_1100] : memref<2x320000xi32, #tpu.memory_space<hbm>> -> memref<1x400xi32, #tpu.memory_space<hbm>>
    %dma_wait3A_1107 = tpu.memref_squeeze %dma_wait3A_1106 : memref<1x400xi32, #tpu.memory_space<hbm>> -> memref<400xi32, #tpu.memory_space<hbm>>
    %dma_wait3A_1108 = arith.constant 0 : i32
    %dma_wait3A_1109 = tpu.memref_slice %arg6[%dma_wait3A_1102, %dma_wait3A_1108] : memref<25x400xi32, #tpu.memory_space<vmem>> -> memref<1x400xi32, #tpu.memory_space<vmem>>
    %dma_wait3A_1110 = tpu.memref_squeeze %dma_wait3A_1109 : memref<1x400xi32, #tpu.memory_space<vmem>> -> memref<400xi32, #tpu.memory_space<vmem>>
    %dma_wait3A_1111 = tpu.memref_slice %arg3[%dma_wait3A_1101, %add3A_1100] : memref<2x320000xi32, #tpu.memory_space<hbm>> -> memref<1x400xi32, #tpu.memory_space<hbm>>
    %dma_wait3A_1112 = tpu.memref_squeeze %dma_wait3A_1111 : memref<1x400xi32, #tpu.memory_space<hbm>> -> memref<400xi32, #tpu.memory_space<hbm>>
    tpu.wait_dma2 semaphore(%arg15 : memref<!tpu.dma_semaphore, #tpu.memory_space<semaphore_mem>>) src(%dma_wait3A_1112 : memref<400xi32, #tpu.memory_space<hbm>>) dst(%dma_wait3A_1110 : memref<400xi32, #tpu.memory_space<vmem>>)
    %add3A_1113 = arith.constant 5600 : i32
    %add3A_1114 = arith.addi %mul3A_2, %add3A_1113 : i32
    %dma_wait3A_1115 = arith.constant 1 : i32
    %dma_wait3A_1116 = arith.constant 14 : i32
    %dma_wait3A_1117 = arith.constant 0 : i32
    %dma_wait3A_1118 = tpu.memref_slice %arg7[%dma_wait3A_1116, %dma_wait3A_1117] : memref<25x400xi32, #tpu.memory_space<vmem>> -> memref<1x400xi32, #tpu.memory_space<vmem>>
    %dma_wait3A_1119 = tpu.memref_squeeze %dma_wait3A_1118 : memref<1x400xi32, #tpu.memory_space<vmem>> -> memref<400xi32, #tpu.memory_space<vmem>>
    %dma_wait3A_1120 = tpu.memref_slice %arg3[%dma_wait3A_1115, %add3A_1114] : memref<2x320000xi32, #tpu.memory_space<hbm>> -> memref<1x400xi32, #tpu.memory_space<hbm>>
    %dma_wait3A_1121 = tpu.memref_squeeze %dma_wait3A_1120 : memref<1x400xi32, #tpu.memory_space<hbm>> -> memref<400xi32, #tpu.memory_space<hbm>>
    %dma_wait3A_1122 = arith.constant 0 : i32
    %dma_wait3A_1123 = tpu.memref_slice %arg7[%dma_wait3A_1116, %dma_wait3A_1122] : memref<25x400xi32, #tpu.memory_space<vmem>> -> memref<1x400xi32, #tpu.memory_space<vmem>>
    %dma_wait3A_1124 = tpu.memref_squeeze %dma_wait3A_1123 : memref<1x400xi32, #tpu.memory_space<vmem>> -> memref<400xi32, #tpu.memory_space<vmem>>
    %dma_wait3A_1125 = tpu.memref_slice %arg3[%dma_wait3A_1115, %add3A_1114] : memref<2x320000xi32, #tpu.memory_space<hbm>> -> memref<1x400xi32, #tpu.memory_space<hbm>>
    %dma_wait3A_1126 = tpu.memref_squeeze %dma_wait3A_1125 : memref<1x400xi32, #tpu.memory_space<hbm>> -> memref<400xi32, #tpu.memory_space<hbm>>
    tpu.wait_dma2 semaphore(%arg15 : memref<!tpu.dma_semaphore, #tpu.memory_space<semaphore_mem>>) src(%dma_wait3A_1126 : memref<400xi32, #tpu.memory_space<hbm>>) dst(%dma_wait3A_1124 : memref<400xi32, #tpu.memory_space<vmem>>)
    %add3A_1127 = arith.constant 6000 : i32
    %add3A_1128 = arith.addi %mul3A_2, %add3A_1127 : i32
    %dma_wait3A_1129 = arith.constant 0 : i32
    %dma_wait3A_1130 = arith.constant 15 : i32
    %dma_wait3A_1131 = arith.constant 0 : i32
    %dma_wait3A_1132 = tpu.memref_slice %arg6[%dma_wait3A_1130, %dma_wait3A_1131] : memref<25x400xi32, #tpu.memory_space<vmem>> -> memref<1x400xi32, #tpu.memory_space<vmem>>
    %dma_wait3A_1133 = tpu.memref_squeeze %dma_wait3A_1132 : memref<1x400xi32, #tpu.memory_space<vmem>> -> memref<400xi32, #tpu.memory_space<vmem>>
    %dma_wait3A_1134 = tpu.memref_slice %arg3[%dma_wait3A_1129, %add3A_1128] : memref<2x320000xi32, #tpu.memory_space<hbm>> -> memref<1x400xi32, #tpu.memory_space<hbm>>
    %dma_wait3A_1135 = tpu.memref_squeeze %dma_wait3A_1134 : memref<1x400xi32, #tpu.memory_space<hbm>> -> memref<400xi32, #tpu.memory_space<hbm>>
    %dma_wait3A_1136 = arith.constant 0 : i32
    %dma_wait3A_1137 = tpu.memref_slice %arg6[%dma_wait3A_1130, %dma_wait3A_1136] : memref<25x400xi32, #tpu.memory_space<vmem>> -> memref<1x400xi32, #tpu.memory_space<vmem>>
    %dma_wait3A_1138 = tpu.memref_squeeze %dma_wait3A_1137 : memref<1x400xi32, #tpu.memory_space<vmem>> -> memref<400xi32, #tpu.memory_space<vmem>>
    %dma_wait3A_1139 = tpu.memref_slice %arg3[%dma_wait3A_1129, %add3A_1128] : memref<2x320000xi32, #tpu.memory_space<hbm>> -> memref<1x400xi32, #tpu.memory_space<hbm>>
    %dma_wait3A_1140 = tpu.memref_squeeze %dma_wait3A_1139 : memref<1x400xi32, #tpu.memory_space<hbm>> -> memref<400xi32, #tpu.memory_space<hbm>>
    tpu.wait_dma2 semaphore(%arg15 : memref<!tpu.dma_semaphore, #tpu.memory_space<semaphore_mem>>) src(%dma_wait3A_1140 : memref<400xi32, #tpu.memory_space<hbm>>) dst(%dma_wait3A_1138 : memref<400xi32, #tpu.memory_space<vmem>>)
    %add3A_1141 = arith.constant 6000 : i32
    %add3A_1142 = arith.addi %mul3A_2, %add3A_1141 : i32
    %dma_wait3A_1143 = arith.constant 1 : i32
    %dma_wait3A_1144 = arith.constant 15 : i32
    %dma_wait3A_1145 = arith.constant 0 : i32
    %dma_wait3A_1146 = tpu.memref_slice %arg7[%dma_wait3A_1144, %dma_wait3A_1145] : memref<25x400xi32, #tpu.memory_space<vmem>> -> memref<1x400xi32, #tpu.memory_space<vmem>>
    %dma_wait3A_1147 = tpu.memref_squeeze %dma_wait3A_1146 : memref<1x400xi32, #tpu.memory_space<vmem>> -> memref<400xi32, #tpu.memory_space<vmem>>
    %dma_wait3A_1148 = tpu.memref_slice %arg3[%dma_wait3A_1143, %add3A_1142] : memref<2x320000xi32, #tpu.memory_space<hbm>> -> memref<1x400xi32, #tpu.memory_space<hbm>>
    %dma_wait3A_1149 = tpu.memref_squeeze %dma_wait3A_1148 : memref<1x400xi32, #tpu.memory_space<hbm>> -> memref<400xi32, #tpu.memory_space<hbm>>
    %dma_wait3A_1150 = arith.constant 0 : i32
    %dma_wait3A_1151 = tpu.memref_slice %arg7[%dma_wait3A_1144, %dma_wait3A_1150] : memref<25x400xi32, #tpu.memory_space<vmem>> -> memref<1x400xi32, #tpu.memory_space<vmem>>
    %dma_wait3A_1152 = tpu.memref_squeeze %dma_wait3A_1151 : memref<1x400xi32, #tpu.memory_space<vmem>> -> memref<400xi32, #tpu.memory_space<vmem>>
    %dma_wait3A_1153 = tpu.memref_slice %arg3[%dma_wait3A_1143, %add3A_1142] : memref<2x320000xi32, #tpu.memory_space<hbm>> -> memref<1x400xi32, #tpu.memory_space<hbm>>
    %dma_wait3A_1154 = tpu.memref_squeeze %dma_wait3A_1153 : memref<1x400xi32, #tpu.memory_space<hbm>> -> memref<400xi32, #tpu.memory_space<hbm>>
    tpu.wait_dma2 semaphore(%arg15 : memref<!tpu.dma_semaphore, #tpu.memory_space<semaphore_mem>>) src(%dma_wait3A_1154 : memref<400xi32, #tpu.memory_space<hbm>>) dst(%dma_wait3A_1152 : memref<400xi32, #tpu.memory_space<vmem>>)
    %add3A_1155 = arith.constant 6400 : i32
    %add3A_1156 = arith.addi %mul3A_2, %add3A_1155 : i32
    %dma_wait3A_1157 = arith.constant 0 : i32
    %dma_wait3A_1158 = arith.constant 16 : i32
    %dma_wait3A_1159 = arith.constant 0 : i32
    %dma_wait3A_1160 = tpu.memref_slice %arg6[%dma_wait3A_1158, %dma_wait3A_1159] : memref<25x400xi32, #tpu.memory_space<vmem>> -> memref<1x400xi32, #tpu.memory_space<vmem>>
    %dma_wait3A_1161 = tpu.memref_squeeze %dma_wait3A_1160 : memref<1x400xi32, #tpu.memory_space<vmem>> -> memref<400xi32, #tpu.memory_space<vmem>>
    %dma_wait3A_1162 = tpu.memref_slice %arg3[%dma_wait3A_1157, %add3A_1156] : memref<2x320000xi32, #tpu.memory_space<hbm>> -> memref<1x400xi32, #tpu.memory_space<hbm>>
    %dma_wait3A_1163 = tpu.memref_squeeze %dma_wait3A_1162 : memref<1x400xi32, #tpu.memory_space<hbm>> -> memref<400xi32, #tpu.memory_space<hbm>>
    %dma_wait3A_1164 = arith.constant 0 : i32
    %dma_wait3A_1165 = tpu.memref_slice %arg6[%dma_wait3A_1158, %dma_wait3A_1164] : memref<25x400xi32, #tpu.memory_space<vmem>> -> memref<1x400xi32, #tpu.memory_space<vmem>>
    %dma_wait3A_1166 = tpu.memref_squeeze %dma_wait3A_1165 : memref<1x400xi32, #tpu.memory_space<vmem>> -> memref<400xi32, #tpu.memory_space<vmem>>
    %dma_wait3A_1167 = tpu.memref_slice %arg3[%dma_wait3A_1157, %add3A_1156] : memref<2x320000xi32, #tpu.memory_space<hbm>> -> memref<1x400xi32, #tpu.memory_space<hbm>>
    %dma_wait3A_1168 = tpu.memref_squeeze %dma_wait3A_1167 : memref<1x400xi32, #tpu.memory_space<hbm>> -> memref<400xi32, #tpu.memory_space<hbm>>
    tpu.wait_dma2 semaphore(%arg15 : memref<!tpu.dma_semaphore, #tpu.memory_space<semaphore_mem>>) src(%dma_wait3A_1168 : memref<400xi32, #tpu.memory_space<hbm>>) dst(%dma_wait3A_1166 : memref<400xi32, #tpu.memory_space<vmem>>)
    %add3A_1169 = arith.constant 6400 : i32
    %add3A_1170 = arith.addi %mul3A_2, %add3A_1169 : i32
    %dma_wait3A_1171 = arith.constant 1 : i32
    %dma_wait3A_1172 = arith.constant 16 : i32
    %dma_wait3A_1173 = arith.constant 0 : i32
    %dma_wait3A_1174 = tpu.memref_slice %arg7[%dma_wait3A_1172, %dma_wait3A_1173] : memref<25x400xi32, #tpu.memory_space<vmem>> -> memref<1x400xi32, #tpu.memory_space<vmem>>
    %dma_wait3A_1175 = tpu.memref_squeeze %dma_wait3A_1174 : memref<1x400xi32, #tpu.memory_space<vmem>> -> memref<400xi32, #tpu.memory_space<vmem>>
    %dma_wait3A_1176 = tpu.memref_slice %arg3[%dma_wait3A_1171, %add3A_1170] : memref<2x320000xi32, #tpu.memory_space<hbm>> -> memref<1x400xi32, #tpu.memory_space<hbm>>
    %dma_wait3A_1177 = tpu.memref_squeeze %dma_wait3A_1176 : memref<1x400xi32, #tpu.memory_space<hbm>> -> memref<400xi32, #tpu.memory_space<hbm>>
    %dma_wait3A_1178 = arith.constant 0 : i32
    %dma_wait3A_1179 = tpu.memref_slice %arg7[%dma_wait3A_1172, %dma_wait3A_1178] : memref<25x400xi32, #tpu.memory_space<vmem>> -> memref<1x400xi32, #tpu.memory_space<vmem>>
    %dma_wait3A_1180 = tpu.memref_squeeze %dma_wait3A_1179 : memref<1x400xi32, #tpu.memory_space<vmem>> -> memref<400xi32, #tpu.memory_space<vmem>>
    %dma_wait3A_1181 = tpu.memref_slice %arg3[%dma_wait3A_1171, %add3A_1170] : memref<2x320000xi32, #tpu.memory_space<hbm>> -> memref<1x400xi32, #tpu.memory_space<hbm>>
    %dma_wait3A_1182 = tpu.memref_squeeze %dma_wait3A_1181 : memref<1x400xi32, #tpu.memory_space<hbm>> -> memref<400xi32, #tpu.memory_space<hbm>>
    tpu.wait_dma2 semaphore(%arg15 : memref<!tpu.dma_semaphore, #tpu.memory_space<semaphore_mem>>) src(%dma_wait3A_1182 : memref<400xi32, #tpu.memory_space<hbm>>) dst(%dma_wait3A_1180 : memref<400xi32, #tpu.memory_space<vmem>>)
    %add3A_1183 = arith.constant 6800 : i32
    %add3A_1184 = arith.addi %mul3A_2, %add3A_1183 : i32
    %dma_wait3A_1185 = arith.constant 0 : i32
    %dma_wait3A_1186 = arith.constant 17 : i32
    %dma_wait3A_1187 = arith.constant 0 : i32
    %dma_wait3A_1188 = tpu.memref_slice %arg6[%dma_wait3A_1186, %dma_wait3A_1187] : memref<25x400xi32, #tpu.memory_space<vmem>> -> memref<1x400xi32, #tpu.memory_space<vmem>>
    %dma_wait3A_1189 = tpu.memref_squeeze %dma_wait3A_1188 : memref<1x400xi32, #tpu.memory_space<vmem>> -> memref<400xi32, #tpu.memory_space<vmem>>
    %dma_wait3A_1190 = tpu.memref_slice %arg3[%dma_wait3A_1185, %add3A_1184] : memref<2x320000xi32, #tpu.memory_space<hbm>> -> memref<1x400xi32, #tpu.memory_space<hbm>>
    %dma_wait3A_1191 = tpu.memref_squeeze %dma_wait3A_1190 : memref<1x400xi32, #tpu.memory_space<hbm>> -> memref<400xi32, #tpu.memory_space<hbm>>
    %dma_wait3A_1192 = arith.constant 0 : i32
    %dma_wait3A_1193 = tpu.memref_slice %arg6[%dma_wait3A_1186, %dma_wait3A_1192] : memref<25x400xi32, #tpu.memory_space<vmem>> -> memref<1x400xi32, #tpu.memory_space<vmem>>
    %dma_wait3A_1194 = tpu.memref_squeeze %dma_wait3A_1193 : memref<1x400xi32, #tpu.memory_space<vmem>> -> memref<400xi32, #tpu.memory_space<vmem>>
    %dma_wait3A_1195 = tpu.memref_slice %arg3[%dma_wait3A_1185, %add3A_1184] : memref<2x320000xi32, #tpu.memory_space<hbm>> -> memref<1x400xi32, #tpu.memory_space<hbm>>
    %dma_wait3A_1196 = tpu.memref_squeeze %dma_wait3A_1195 : memref<1x400xi32, #tpu.memory_space<hbm>> -> memref<400xi32, #tpu.memory_space<hbm>>
    tpu.wait_dma2 semaphore(%arg15 : memref<!tpu.dma_semaphore, #tpu.memory_space<semaphore_mem>>) src(%dma_wait3A_1196 : memref<400xi32, #tpu.memory_space<hbm>>) dst(%dma_wait3A_1194 : memref<400xi32, #tpu.memory_space<vmem>>)
    %add3A_1197 = arith.constant 6800 : i32
    %add3A_1198 = arith.addi %mul3A_2, %add3A_1197 : i32
    %dma_wait3A_1199 = arith.constant 1 : i32
    %dma_wait3A_1200 = arith.constant 17 : i32
    %dma_wait3A_1201 = arith.constant 0 : i32
    %dma_wait3A_1202 = tpu.memref_slice %arg7[%dma_wait3A_1200, %dma_wait3A_1201] : memref<25x400xi32, #tpu.memory_space<vmem>> -> memref<1x400xi32, #tpu.memory_space<vmem>>
    %dma_wait3A_1203 = tpu.memref_squeeze %dma_wait3A_1202 : memref<1x400xi32, #tpu.memory_space<vmem>> -> memref<400xi32, #tpu.memory_space<vmem>>
    %dma_wait3A_1204 = tpu.memref_slice %arg3[%dma_wait3A_1199, %add3A_1198] : memref<2x320000xi32, #tpu.memory_space<hbm>> -> memref<1x400xi32, #tpu.memory_space<hbm>>
    %dma_wait3A_1205 = tpu.memref_squeeze %dma_wait3A_1204 : memref<1x400xi32, #tpu.memory_space<hbm>> -> memref<400xi32, #tpu.memory_space<hbm>>
    %dma_wait3A_1206 = arith.constant 0 : i32
    %dma_wait3A_1207 = tpu.memref_slice %arg7[%dma_wait3A_1200, %dma_wait3A_1206] : memref<25x400xi32, #tpu.memory_space<vmem>> -> memref<1x400xi32, #tpu.memory_space<vmem>>
    %dma_wait3A_1208 = tpu.memref_squeeze %dma_wait3A_1207 : memref<1x400xi32, #tpu.memory_space<vmem>> -> memref<400xi32, #tpu.memory_space<vmem>>
    %dma_wait3A_1209 = tpu.memref_slice %arg3[%dma_wait3A_1199, %add3A_1198] : memref<2x320000xi32, #tpu.memory_space<hbm>> -> memref<1x400xi32, #tpu.memory_space<hbm>>
    %dma_wait3A_1210 = tpu.memref_squeeze %dma_wait3A_1209 : memref<1x400xi32, #tpu.memory_space<hbm>> -> memref<400xi32, #tpu.memory_space<hbm>>
    tpu.wait_dma2 semaphore(%arg15 : memref<!tpu.dma_semaphore, #tpu.memory_space<semaphore_mem>>) src(%dma_wait3A_1210 : memref<400xi32, #tpu.memory_space<hbm>>) dst(%dma_wait3A_1208 : memref<400xi32, #tpu.memory_space<vmem>>)
    %add3A_1211 = arith.constant 7200 : i32
    %add3A_1212 = arith.addi %mul3A_2, %add3A_1211 : i32
    %dma_wait3A_1213 = arith.constant 0 : i32
    %dma_wait3A_1214 = arith.constant 18 : i32
    %dma_wait3A_1215 = arith.constant 0 : i32
    %dma_wait3A_1216 = tpu.memref_slice %arg6[%dma_wait3A_1214, %dma_wait3A_1215] : memref<25x400xi32, #tpu.memory_space<vmem>> -> memref<1x400xi32, #tpu.memory_space<vmem>>
    %dma_wait3A_1217 = tpu.memref_squeeze %dma_wait3A_1216 : memref<1x400xi32, #tpu.memory_space<vmem>> -> memref<400xi32, #tpu.memory_space<vmem>>
    %dma_wait3A_1218 = tpu.memref_slice %arg3[%dma_wait3A_1213, %add3A_1212] : memref<2x320000xi32, #tpu.memory_space<hbm>> -> memref<1x400xi32, #tpu.memory_space<hbm>>
    %dma_wait3A_1219 = tpu.memref_squeeze %dma_wait3A_1218 : memref<1x400xi32, #tpu.memory_space<hbm>> -> memref<400xi32, #tpu.memory_space<hbm>>
    %dma_wait3A_1220 = arith.constant 0 : i32
    %dma_wait3A_1221 = tpu.memref_slice %arg6[%dma_wait3A_1214, %dma_wait3A_1220] : memref<25x400xi32, #tpu.memory_space<vmem>> -> memref<1x400xi32, #tpu.memory_space<vmem>>
    %dma_wait3A_1222 = tpu.memref_squeeze %dma_wait3A_1221 : memref<1x400xi32, #tpu.memory_space<vmem>> -> memref<400xi32, #tpu.memory_space<vmem>>
    %dma_wait3A_1223 = tpu.memref_slice %arg3[%dma_wait3A_1213, %add3A_1212] : memref<2x320000xi32, #tpu.memory_space<hbm>> -> memref<1x400xi32, #tpu.memory_space<hbm>>
    %dma_wait3A_1224 = tpu.memref_squeeze %dma_wait3A_1223 : memref<1x400xi32, #tpu.memory_space<hbm>> -> memref<400xi32, #tpu.memory_space<hbm>>
    tpu.wait_dma2 semaphore(%arg15 : memref<!tpu.dma_semaphore, #tpu.memory_space<semaphore_mem>>) src(%dma_wait3A_1224 : memref<400xi32, #tpu.memory_space<hbm>>) dst(%dma_wait3A_1222 : memref<400xi32, #tpu.memory_space<vmem>>)
    %add3A_1225 = arith.constant 7200 : i32
    %add3A_1226 = arith.addi %mul3A_2, %add3A_1225 : i32
    %dma_wait3A_1227 = arith.constant 1 : i32
    %dma_wait3A_1228 = arith.constant 18 : i32
    %dma_wait3A_1229 = arith.constant 0 : i32
    %dma_wait3A_1230 = tpu.memref_slice %arg7[%dma_wait3A_1228, %dma_wait3A_1229] : memref<25x400xi32, #tpu.memory_space<vmem>> -> memref<1x400xi32, #tpu.memory_space<vmem>>
    %dma_wait3A_1231 = tpu.memref_squeeze %dma_wait3A_1230 : memref<1x400xi32, #tpu.memory_space<vmem>> -> memref<400xi32, #tpu.memory_space<vmem>>
    %dma_wait3A_1232 = tpu.memref_slice %arg3[%dma_wait3A_1227, %add3A_1226] : memref<2x320000xi32, #tpu.memory_space<hbm>> -> memref<1x400xi32, #tpu.memory_space<hbm>>
    %dma_wait3A_1233 = tpu.memref_squeeze %dma_wait3A_1232 : memref<1x400xi32, #tpu.memory_space<hbm>> -> memref<400xi32, #tpu.memory_space<hbm>>
    %dma_wait3A_1234 = arith.constant 0 : i32
    %dma_wait3A_1235 = tpu.memref_slice %arg7[%dma_wait3A_1228, %dma_wait3A_1234] : memref<25x400xi32, #tpu.memory_space<vmem>> -> memref<1x400xi32, #tpu.memory_space<vmem>>
    %dma_wait3A_1236 = tpu.memref_squeeze %dma_wait3A_1235 : memref<1x400xi32, #tpu.memory_space<vmem>> -> memref<400xi32, #tpu.memory_space<vmem>>
    %dma_wait3A_1237 = tpu.memref_slice %arg3[%dma_wait3A_1227, %add3A_1226] : memref<2x320000xi32, #tpu.memory_space<hbm>> -> memref<1x400xi32, #tpu.memory_space<hbm>>
    %dma_wait3A_1238 = tpu.memref_squeeze %dma_wait3A_1237 : memref<1x400xi32, #tpu.memory_space<hbm>> -> memref<400xi32, #tpu.memory_space<hbm>>
    tpu.wait_dma2 semaphore(%arg15 : memref<!tpu.dma_semaphore, #tpu.memory_space<semaphore_mem>>) src(%dma_wait3A_1238 : memref<400xi32, #tpu.memory_space<hbm>>) dst(%dma_wait3A_1236 : memref<400xi32, #tpu.memory_space<vmem>>)
    %add3A_1239 = arith.constant 7600 : i32
    %add3A_1240 = arith.addi %mul3A_2, %add3A_1239 : i32
    %dma_wait3A_1241 = arith.constant 0 : i32
    %dma_wait3A_1242 = arith.constant 19 : i32
    %dma_wait3A_1243 = arith.constant 0 : i32
    %dma_wait3A_1244 = tpu.memref_slice %arg6[%dma_wait3A_1242, %dma_wait3A_1243] : memref<25x400xi32, #tpu.memory_space<vmem>> -> memref<1x400xi32, #tpu.memory_space<vmem>>
    %dma_wait3A_1245 = tpu.memref_squeeze %dma_wait3A_1244 : memref<1x400xi32, #tpu.memory_space<vmem>> -> memref<400xi32, #tpu.memory_space<vmem>>
    %dma_wait3A_1246 = tpu.memref_slice %arg3[%dma_wait3A_1241, %add3A_1240] : memref<2x320000xi32, #tpu.memory_space<hbm>> -> memref<1x400xi32, #tpu.memory_space<hbm>>
    %dma_wait3A_1247 = tpu.memref_squeeze %dma_wait3A_1246 : memref<1x400xi32, #tpu.memory_space<hbm>> -> memref<400xi32, #tpu.memory_space<hbm>>
    %dma_wait3A_1248 = arith.constant 0 : i32
    %dma_wait3A_1249 = tpu.memref_slice %arg6[%dma_wait3A_1242, %dma_wait3A_1248] : memref<25x400xi32, #tpu.memory_space<vmem>> -> memref<1x400xi32, #tpu.memory_space<vmem>>
    %dma_wait3A_1250 = tpu.memref_squeeze %dma_wait3A_1249 : memref<1x400xi32, #tpu.memory_space<vmem>> -> memref<400xi32, #tpu.memory_space<vmem>>
    %dma_wait3A_1251 = tpu.memref_slice %arg3[%dma_wait3A_1241, %add3A_1240] : memref<2x320000xi32, #tpu.memory_space<hbm>> -> memref<1x400xi32, #tpu.memory_space<hbm>>
    %dma_wait3A_1252 = tpu.memref_squeeze %dma_wait3A_1251 : memref<1x400xi32, #tpu.memory_space<hbm>> -> memref<400xi32, #tpu.memory_space<hbm>>
    tpu.wait_dma2 semaphore(%arg15 : memref<!tpu.dma_semaphore, #tpu.memory_space<semaphore_mem>>) src(%dma_wait3A_1252 : memref<400xi32, #tpu.memory_space<hbm>>) dst(%dma_wait3A_1250 : memref<400xi32, #tpu.memory_space<vmem>>)
    %add3A_1253 = arith.constant 7600 : i32
    %add3A_1254 = arith.addi %mul3A_2, %add3A_1253 : i32
    %dma_wait3A_1255 = arith.constant 1 : i32
    %dma_wait3A_1256 = arith.constant 19 : i32
    %dma_wait3A_1257 = arith.constant 0 : i32
    %dma_wait3A_1258 = tpu.memref_slice %arg7[%dma_wait3A_1256, %dma_wait3A_1257] : memref<25x400xi32, #tpu.memory_space<vmem>> -> memref<1x400xi32, #tpu.memory_space<vmem>>
    %dma_wait3A_1259 = tpu.memref_squeeze %dma_wait3A_1258 : memref<1x400xi32, #tpu.memory_space<vmem>> -> memref<400xi32, #tpu.memory_space<vmem>>
    %dma_wait3A_1260 = tpu.memref_slice %arg3[%dma_wait3A_1255, %add3A_1254] : memref<2x320000xi32, #tpu.memory_space<hbm>> -> memref<1x400xi32, #tpu.memory_space<hbm>>
    %dma_wait3A_1261 = tpu.memref_squeeze %dma_wait3A_1260 : memref<1x400xi32, #tpu.memory_space<hbm>> -> memref<400xi32, #tpu.memory_space<hbm>>
    %dma_wait3A_1262 = arith.constant 0 : i32
    %dma_wait3A_1263 = tpu.memref_slice %arg7[%dma_wait3A_1256, %dma_wait3A_1262] : memref<25x400xi32, #tpu.memory_space<vmem>> -> memref<1x400xi32, #tpu.memory_space<vmem>>
    %dma_wait3A_1264 = tpu.memref_squeeze %dma_wait3A_1263 : memref<1x400xi32, #tpu.memory_space<vmem>> -> memref<400xi32, #tpu.memory_space<vmem>>
    %dma_wait3A_1265 = tpu.memref_slice %arg3[%dma_wait3A_1255, %add3A_1254] : memref<2x320000xi32, #tpu.memory_space<hbm>> -> memref<1x400xi32, #tpu.memory_space<hbm>>
    %dma_wait3A_1266 = tpu.memref_squeeze %dma_wait3A_1265 : memref<1x400xi32, #tpu.memory_space<hbm>> -> memref<400xi32, #tpu.memory_space<hbm>>
    tpu.wait_dma2 semaphore(%arg15 : memref<!tpu.dma_semaphore, #tpu.memory_space<semaphore_mem>>) src(%dma_wait3A_1266 : memref<400xi32, #tpu.memory_space<hbm>>) dst(%dma_wait3A_1264 : memref<400xi32, #tpu.memory_space<vmem>>)
    %add3A_1267 = arith.constant 8000 : i32
    %add3A_1268 = arith.addi %mul3A_2, %add3A_1267 : i32
    %dma_wait3A_1269 = arith.constant 0 : i32
    %dma_wait3A_1270 = arith.constant 20 : i32
    %dma_wait3A_1271 = arith.constant 0 : i32
    %dma_wait3A_1272 = tpu.memref_slice %arg6[%dma_wait3A_1270, %dma_wait3A_1271] : memref<25x400xi32, #tpu.memory_space<vmem>> -> memref<1x400xi32, #tpu.memory_space<vmem>>
    %dma_wait3A_1273 = tpu.memref_squeeze %dma_wait3A_1272 : memref<1x400xi32, #tpu.memory_space<vmem>> -> memref<400xi32, #tpu.memory_space<vmem>>
    %dma_wait3A_1274 = tpu.memref_slice %arg3[%dma_wait3A_1269, %add3A_1268] : memref<2x320000xi32, #tpu.memory_space<hbm>> -> memref<1x400xi32, #tpu.memory_space<hbm>>
    %dma_wait3A_1275 = tpu.memref_squeeze %dma_wait3A_1274 : memref<1x400xi32, #tpu.memory_space<hbm>> -> memref<400xi32, #tpu.memory_space<hbm>>
    %dma_wait3A_1276 = arith.constant 0 : i32
    %dma_wait3A_1277 = tpu.memref_slice %arg6[%dma_wait3A_1270, %dma_wait3A_1276] : memref<25x400xi32, #tpu.memory_space<vmem>> -> memref<1x400xi32, #tpu.memory_space<vmem>>
    %dma_wait3A_1278 = tpu.memref_squeeze %dma_wait3A_1277 : memref<1x400xi32, #tpu.memory_space<vmem>> -> memref<400xi32, #tpu.memory_space<vmem>>
    %dma_wait3A_1279 = tpu.memref_slice %arg3[%dma_wait3A_1269, %add3A_1268] : memref<2x320000xi32, #tpu.memory_space<hbm>> -> memref<1x400xi32, #tpu.memory_space<hbm>>
    %dma_wait3A_1280 = tpu.memref_squeeze %dma_wait3A_1279 : memref<1x400xi32, #tpu.memory_space<hbm>> -> memref<400xi32, #tpu.memory_space<hbm>>
    tpu.wait_dma2 semaphore(%arg15 : memref<!tpu.dma_semaphore, #tpu.memory_space<semaphore_mem>>) src(%dma_wait3A_1280 : memref<400xi32, #tpu.memory_space<hbm>>) dst(%dma_wait3A_1278 : memref<400xi32, #tpu.memory_space<vmem>>)
    %add3A_1281 = arith.constant 8000 : i32
    %add3A_1282 = arith.addi %mul3A_2, %add3A_1281 : i32
    %dma_wait3A_1283 = arith.constant 1 : i32
    %dma_wait3A_1284 = arith.constant 20 : i32
    %dma_wait3A_1285 = arith.constant 0 : i32
    %dma_wait3A_1286 = tpu.memref_slice %arg7[%dma_wait3A_1284, %dma_wait3A_1285] : memref<25x400xi32, #tpu.memory_space<vmem>> -> memref<1x400xi32, #tpu.memory_space<vmem>>
    %dma_wait3A_1287 = tpu.memref_squeeze %dma_wait3A_1286 : memref<1x400xi32, #tpu.memory_space<vmem>> -> memref<400xi32, #tpu.memory_space<vmem>>
    %dma_wait3A_1288 = tpu.memref_slice %arg3[%dma_wait3A_1283, %add3A_1282] : memref<2x320000xi32, #tpu.memory_space<hbm>> -> memref<1x400xi32, #tpu.memory_space<hbm>>
    %dma_wait3A_1289 = tpu.memref_squeeze %dma_wait3A_1288 : memref<1x400xi32, #tpu.memory_space<hbm>> -> memref<400xi32, #tpu.memory_space<hbm>>
    %dma_wait3A_1290 = arith.constant 0 : i32
    %dma_wait3A_1291 = tpu.memref_slice %arg7[%dma_wait3A_1284, %dma_wait3A_1290] : memref<25x400xi32, #tpu.memory_space<vmem>> -> memref<1x400xi32, #tpu.memory_space<vmem>>
    %dma_wait3A_1292 = tpu.memref_squeeze %dma_wait3A_1291 : memref<1x400xi32, #tpu.memory_space<vmem>> -> memref<400xi32, #tpu.memory_space<vmem>>
    %dma_wait3A_1293 = tpu.memref_slice %arg3[%dma_wait3A_1283, %add3A_1282] : memref<2x320000xi32, #tpu.memory_space<hbm>> -> memref<1x400xi32, #tpu.memory_space<hbm>>
    %dma_wait3A_1294 = tpu.memref_squeeze %dma_wait3A_1293 : memref<1x400xi32, #tpu.memory_space<hbm>> -> memref<400xi32, #tpu.memory_space<hbm>>
    tpu.wait_dma2 semaphore(%arg15 : memref<!tpu.dma_semaphore, #tpu.memory_space<semaphore_mem>>) src(%dma_wait3A_1294 : memref<400xi32, #tpu.memory_space<hbm>>) dst(%dma_wait3A_1292 : memref<400xi32, #tpu.memory_space<vmem>>)
    %add3A_1295 = arith.constant 8400 : i32
    %add3A_1296 = arith.addi %mul3A_2, %add3A_1295 : i32
    %dma_wait3A_1297 = arith.constant 0 : i32
    %dma_wait3A_1298 = arith.constant 21 : i32
    %dma_wait3A_1299 = arith.constant 0 : i32
    %dma_wait3A_1300 = tpu.memref_slice %arg6[%dma_wait3A_1298, %dma_wait3A_1299] : memref<25x400xi32, #tpu.memory_space<vmem>> -> memref<1x400xi32, #tpu.memory_space<vmem>>
    %dma_wait3A_1301 = tpu.memref_squeeze %dma_wait3A_1300 : memref<1x400xi32, #tpu.memory_space<vmem>> -> memref<400xi32, #tpu.memory_space<vmem>>
    %dma_wait3A_1302 = tpu.memref_slice %arg3[%dma_wait3A_1297, %add3A_1296] : memref<2x320000xi32, #tpu.memory_space<hbm>> -> memref<1x400xi32, #tpu.memory_space<hbm>>
    %dma_wait3A_1303 = tpu.memref_squeeze %dma_wait3A_1302 : memref<1x400xi32, #tpu.memory_space<hbm>> -> memref<400xi32, #tpu.memory_space<hbm>>
    %dma_wait3A_1304 = arith.constant 0 : i32
    %dma_wait3A_1305 = tpu.memref_slice %arg6[%dma_wait3A_1298, %dma_wait3A_1304] : memref<25x400xi32, #tpu.memory_space<vmem>> -> memref<1x400xi32, #tpu.memory_space<vmem>>
    %dma_wait3A_1306 = tpu.memref_squeeze %dma_wait3A_1305 : memref<1x400xi32, #tpu.memory_space<vmem>> -> memref<400xi32, #tpu.memory_space<vmem>>
    %dma_wait3A_1307 = tpu.memref_slice %arg3[%dma_wait3A_1297, %add3A_1296] : memref<2x320000xi32, #tpu.memory_space<hbm>> -> memref<1x400xi32, #tpu.memory_space<hbm>>
    %dma_wait3A_1308 = tpu.memref_squeeze %dma_wait3A_1307 : memref<1x400xi32, #tpu.memory_space<hbm>> -> memref<400xi32, #tpu.memory_space<hbm>>
    tpu.wait_dma2 semaphore(%arg15 : memref<!tpu.dma_semaphore, #tpu.memory_space<semaphore_mem>>) src(%dma_wait3A_1308 : memref<400xi32, #tpu.memory_space<hbm>>) dst(%dma_wait3A_1306 : memref<400xi32, #tpu.memory_space<vmem>>)
    %add3A_1309 = arith.constant 8400 : i32
    %add3A_1310 = arith.addi %mul3A_2, %add3A_1309 : i32
    %dma_wait3A_1311 = arith.constant 1 : i32
    %dma_wait3A_1312 = arith.constant 21 : i32
    %dma_wait3A_1313 = arith.constant 0 : i32
    %dma_wait3A_1314 = tpu.memref_slice %arg7[%dma_wait3A_1312, %dma_wait3A_1313] : memref<25x400xi32, #tpu.memory_space<vmem>> -> memref<1x400xi32, #tpu.memory_space<vmem>>
    %dma_wait3A_1315 = tpu.memref_squeeze %dma_wait3A_1314 : memref<1x400xi32, #tpu.memory_space<vmem>> -> memref<400xi32, #tpu.memory_space<vmem>>
    %dma_wait3A_1316 = tpu.memref_slice %arg3[%dma_wait3A_1311, %add3A_1310] : memref<2x320000xi32, #tpu.memory_space<hbm>> -> memref<1x400xi32, #tpu.memory_space<hbm>>
    %dma_wait3A_1317 = tpu.memref_squeeze %dma_wait3A_1316 : memref<1x400xi32, #tpu.memory_space<hbm>> -> memref<400xi32, #tpu.memory_space<hbm>>
    %dma_wait3A_1318 = arith.constant 0 : i32
    %dma_wait3A_1319 = tpu.memref_slice %arg7[%dma_wait3A_1312, %dma_wait3A_1318] : memref<25x400xi32, #tpu.memory_space<vmem>> -> memref<1x400xi32, #tpu.memory_space<vmem>>
    %dma_wait3A_1320 = tpu.memref_squeeze %dma_wait3A_1319 : memref<1x400xi32, #tpu.memory_space<vmem>> -> memref<400xi32, #tpu.memory_space<vmem>>
    %dma_wait3A_1321 = tpu.memref_slice %arg3[%dma_wait3A_1311, %add3A_1310] : memref<2x320000xi32, #tpu.memory_space<hbm>> -> memref<1x400xi32, #tpu.memory_space<hbm>>
    %dma_wait3A_1322 = tpu.memref_squeeze %dma_wait3A_1321 : memref<1x400xi32, #tpu.memory_space<hbm>> -> memref<400xi32, #tpu.memory_space<hbm>>
    tpu.wait_dma2 semaphore(%arg15 : memref<!tpu.dma_semaphore, #tpu.memory_space<semaphore_mem>>) src(%dma_wait3A_1322 : memref<400xi32, #tpu.memory_space<hbm>>) dst(%dma_wait3A_1320 : memref<400xi32, #tpu.memory_space<vmem>>)
    %add3A_1323 = arith.constant 8800 : i32
    %add3A_1324 = arith.addi %mul3A_2, %add3A_1323 : i32
    %dma_wait3A_1325 = arith.constant 0 : i32
    %dma_wait3A_1326 = arith.constant 22 : i32
    %dma_wait3A_1327 = arith.constant 0 : i32
    %dma_wait3A_1328 = tpu.memref_slice %arg6[%dma_wait3A_1326, %dma_wait3A_1327] : memref<25x400xi32, #tpu.memory_space<vmem>> -> memref<1x400xi32, #tpu.memory_space<vmem>>
    %dma_wait3A_1329 = tpu.memref_squeeze %dma_wait3A_1328 : memref<1x400xi32, #tpu.memory_space<vmem>> -> memref<400xi32, #tpu.memory_space<vmem>>
    %dma_wait3A_1330 = tpu.memref_slice %arg3[%dma_wait3A_1325, %add3A_1324] : memref<2x320000xi32, #tpu.memory_space<hbm>> -> memref<1x400xi32, #tpu.memory_space<hbm>>
    %dma_wait3A_1331 = tpu.memref_squeeze %dma_wait3A_1330 : memref<1x400xi32, #tpu.memory_space<hbm>> -> memref<400xi32, #tpu.memory_space<hbm>>
    %dma_wait3A_1332 = arith.constant 0 : i32
    %dma_wait3A_1333 = tpu.memref_slice %arg6[%dma_wait3A_1326, %dma_wait3A_1332] : memref<25x400xi32, #tpu.memory_space<vmem>> -> memref<1x400xi32, #tpu.memory_space<vmem>>
    %dma_wait3A_1334 = tpu.memref_squeeze %dma_wait3A_1333 : memref<1x400xi32, #tpu.memory_space<vmem>> -> memref<400xi32, #tpu.memory_space<vmem>>
    %dma_wait3A_1335 = tpu.memref_slice %arg3[%dma_wait3A_1325, %add3A_1324] : memref<2x320000xi32, #tpu.memory_space<hbm>> -> memref<1x400xi32, #tpu.memory_space<hbm>>
    %dma_wait3A_1336 = tpu.memref_squeeze %dma_wait3A_1335 : memref<1x400xi32, #tpu.memory_space<hbm>> -> memref<400xi32, #tpu.memory_space<hbm>>
    tpu.wait_dma2 semaphore(%arg15 : memref<!tpu.dma_semaphore, #tpu.memory_space<semaphore_mem>>) src(%dma_wait3A_1336 : memref<400xi32, #tpu.memory_space<hbm>>) dst(%dma_wait3A_1334 : memref<400xi32, #tpu.memory_space<vmem>>)
    %add3A_1337 = arith.constant 8800 : i32
    %add3A_1338 = arith.addi %mul3A_2, %add3A_1337 : i32
    %dma_wait3A_1339 = arith.constant 1 : i32
    %dma_wait3A_1340 = arith.constant 22 : i32
    %dma_wait3A_1341 = arith.constant 0 : i32
    %dma_wait3A_1342 = tpu.memref_slice %arg7[%dma_wait3A_1340, %dma_wait3A_1341] : memref<25x400xi32, #tpu.memory_space<vmem>> -> memref<1x400xi32, #tpu.memory_space<vmem>>
    %dma_wait3A_1343 = tpu.memref_squeeze %dma_wait3A_1342 : memref<1x400xi32, #tpu.memory_space<vmem>> -> memref<400xi32, #tpu.memory_space<vmem>>
    %dma_wait3A_1344 = tpu.memref_slice %arg3[%dma_wait3A_1339, %add3A_1338] : memref<2x320000xi32, #tpu.memory_space<hbm>> -> memref<1x400xi32, #tpu.memory_space<hbm>>
    %dma_wait3A_1345 = tpu.memref_squeeze %dma_wait3A_1344 : memref<1x400xi32, #tpu.memory_space<hbm>> -> memref<400xi32, #tpu.memory_space<hbm>>
    %dma_wait3A_1346 = arith.constant 0 : i32
    %dma_wait3A_1347 = tpu.memref_slice %arg7[%dma_wait3A_1340, %dma_wait3A_1346] : memref<25x400xi32, #tpu.memory_space<vmem>> -> memref<1x400xi32, #tpu.memory_space<vmem>>
    %dma_wait3A_1348 = tpu.memref_squeeze %dma_wait3A_1347 : memref<1x400xi32, #tpu.memory_space<vmem>> -> memref<400xi32, #tpu.memory_space<vmem>>
    %dma_wait3A_1349 = tpu.memref_slice %arg3[%dma_wait3A_1339, %add3A_1338] : memref<2x320000xi32, #tpu.memory_space<hbm>> -> memref<1x400xi32, #tpu.memory_space<hbm>>
    %dma_wait3A_1350 = tpu.memref_squeeze %dma_wait3A_1349 : memref<1x400xi32, #tpu.memory_space<hbm>> -> memref<400xi32, #tpu.memory_space<hbm>>
    tpu.wait_dma2 semaphore(%arg15 : memref<!tpu.dma_semaphore, #tpu.memory_space<semaphore_mem>>) src(%dma_wait3A_1350 : memref<400xi32, #tpu.memory_space<hbm>>) dst(%dma_wait3A_1348 : memref<400xi32, #tpu.memory_space<vmem>>)
    %add3A_1351 = arith.constant 9200 : i32
    %add3A_1352 = arith.addi %mul3A_2, %add3A_1351 : i32
    %dma_wait3A_1353 = arith.constant 0 : i32
    %dma_wait3A_1354 = arith.constant 23 : i32
    %dma_wait3A_1355 = arith.constant 0 : i32
    %dma_wait3A_1356 = tpu.memref_slice %arg6[%dma_wait3A_1354, %dma_wait3A_1355] : memref<25x400xi32, #tpu.memory_space<vmem>> -> memref<1x400xi32, #tpu.memory_space<vmem>>
    %dma_wait3A_1357 = tpu.memref_squeeze %dma_wait3A_1356 : memref<1x400xi32, #tpu.memory_space<vmem>> -> memref<400xi32, #tpu.memory_space<vmem>>
    %dma_wait3A_1358 = tpu.memref_slice %arg3[%dma_wait3A_1353, %add3A_1352] : memref<2x320000xi32, #tpu.memory_space<hbm>> -> memref<1x400xi32, #tpu.memory_space<hbm>>
    %dma_wait3A_1359 = tpu.memref_squeeze %dma_wait3A_1358 : memref<1x400xi32, #tpu.memory_space<hbm>> -> memref<400xi32, #tpu.memory_space<hbm>>
    %dma_wait3A_1360 = arith.constant 0 : i32
    %dma_wait3A_1361 = tpu.memref_slice %arg6[%dma_wait3A_1354, %dma_wait3A_1360] : memref<25x400xi32, #tpu.memory_space<vmem>> -> memref<1x400xi32, #tpu.memory_space<vmem>>
    %dma_wait3A_1362 = tpu.memref_squeeze %dma_wait3A_1361 : memref<1x400xi32, #tpu.memory_space<vmem>> -> memref<400xi32, #tpu.memory_space<vmem>>
    %dma_wait3A_1363 = tpu.memref_slice %arg3[%dma_wait3A_1353, %add3A_1352] : memref<2x320000xi32, #tpu.memory_space<hbm>> -> memref<1x400xi32, #tpu.memory_space<hbm>>
    %dma_wait3A_1364 = tpu.memref_squeeze %dma_wait3A_1363 : memref<1x400xi32, #tpu.memory_space<hbm>> -> memref<400xi32, #tpu.memory_space<hbm>>
    tpu.wait_dma2 semaphore(%arg15 : memref<!tpu.dma_semaphore, #tpu.memory_space<semaphore_mem>>) src(%dma_wait3A_1364 : memref<400xi32, #tpu.memory_space<hbm>>) dst(%dma_wait3A_1362 : memref<400xi32, #tpu.memory_space<vmem>>)
    %add3A_1365 = arith.constant 9200 : i32
    %add3A_1366 = arith.addi %mul3A_2, %add3A_1365 : i32
    %dma_wait3A_1367 = arith.constant 1 : i32
    %dma_wait3A_1368 = arith.constant 23 : i32
    %dma_wait3A_1369 = arith.constant 0 : i32
    %dma_wait3A_1370 = tpu.memref_slice %arg7[%dma_wait3A_1368, %dma_wait3A_1369] : memref<25x400xi32, #tpu.memory_space<vmem>> -> memref<1x400xi32, #tpu.memory_space<vmem>>
    %dma_wait3A_1371 = tpu.memref_squeeze %dma_wait3A_1370 : memref<1x400xi32, #tpu.memory_space<vmem>> -> memref<400xi32, #tpu.memory_space<vmem>>
    %dma_wait3A_1372 = tpu.memref_slice %arg3[%dma_wait3A_1367, %add3A_1366] : memref<2x320000xi32, #tpu.memory_space<hbm>> -> memref<1x400xi32, #tpu.memory_space<hbm>>
    %dma_wait3A_1373 = tpu.memref_squeeze %dma_wait3A_1372 : memref<1x400xi32, #tpu.memory_space<hbm>> -> memref<400xi32, #tpu.memory_space<hbm>>
    %dma_wait3A_1374 = arith.constant 0 : i32
    %dma_wait3A_1375 = tpu.memref_slice %arg7[%dma_wait3A_1368, %dma_wait3A_1374] : memref<25x400xi32, #tpu.memory_space<vmem>> -> memref<1x400xi32, #tpu.memory_space<vmem>>
    %dma_wait3A_1376 = tpu.memref_squeeze %dma_wait3A_1375 : memref<1x400xi32, #tpu.memory_space<vmem>> -> memref<400xi32, #tpu.memory_space<vmem>>
    %dma_wait3A_1377 = tpu.memref_slice %arg3[%dma_wait3A_1367, %add3A_1366] : memref<2x320000xi32, #tpu.memory_space<hbm>> -> memref<1x400xi32, #tpu.memory_space<hbm>>
    %dma_wait3A_1378 = tpu.memref_squeeze %dma_wait3A_1377 : memref<1x400xi32, #tpu.memory_space<hbm>> -> memref<400xi32, #tpu.memory_space<hbm>>
    tpu.wait_dma2 semaphore(%arg15 : memref<!tpu.dma_semaphore, #tpu.memory_space<semaphore_mem>>) src(%dma_wait3A_1378 : memref<400xi32, #tpu.memory_space<hbm>>) dst(%dma_wait3A_1376 : memref<400xi32, #tpu.memory_space<vmem>>)
    %add3A_1379 = arith.constant 9600 : i32
    %add3A_1380 = arith.addi %mul3A_2, %add3A_1379 : i32
    %dma_wait3A_1381 = arith.constant 0 : i32
    %dma_wait3A_1382 = arith.constant 24 : i32
    %dma_wait3A_1383 = arith.constant 0 : i32
    %dma_wait3A_1384 = tpu.memref_slice %arg6[%dma_wait3A_1382, %dma_wait3A_1383] : memref<25x400xi32, #tpu.memory_space<vmem>> -> memref<1x400xi32, #tpu.memory_space<vmem>>
    %dma_wait3A_1385 = tpu.memref_squeeze %dma_wait3A_1384 : memref<1x400xi32, #tpu.memory_space<vmem>> -> memref<400xi32, #tpu.memory_space<vmem>>
    %dma_wait3A_1386 = tpu.memref_slice %arg3[%dma_wait3A_1381, %add3A_1380] : memref<2x320000xi32, #tpu.memory_space<hbm>> -> memref<1x400xi32, #tpu.memory_space<hbm>>
    %dma_wait3A_1387 = tpu.memref_squeeze %dma_wait3A_1386 : memref<1x400xi32, #tpu.memory_space<hbm>> -> memref<400xi32, #tpu.memory_space<hbm>>
    %dma_wait3A_1388 = arith.constant 0 : i32
    %dma_wait3A_1389 = tpu.memref_slice %arg6[%dma_wait3A_1382, %dma_wait3A_1388] : memref<25x400xi32, #tpu.memory_space<vmem>> -> memref<1x400xi32, #tpu.memory_space<vmem>>
    %dma_wait3A_1390 = tpu.memref_squeeze %dma_wait3A_1389 : memref<1x400xi32, #tpu.memory_space<vmem>> -> memref<400xi32, #tpu.memory_space<vmem>>
    %dma_wait3A_1391 = tpu.memref_slice %arg3[%dma_wait3A_1381, %add3A_1380] : memref<2x320000xi32, #tpu.memory_space<hbm>> -> memref<1x400xi32, #tpu.memory_space<hbm>>
    %dma_wait3A_1392 = tpu.memref_squeeze %dma_wait3A_1391 : memref<1x400xi32, #tpu.memory_space<hbm>> -> memref<400xi32, #tpu.memory_space<hbm>>
    tpu.wait_dma2 semaphore(%arg15 : memref<!tpu.dma_semaphore, #tpu.memory_space<semaphore_mem>>) src(%dma_wait3A_1392 : memref<400xi32, #tpu.memory_space<hbm>>) dst(%dma_wait3A_1390 : memref<400xi32, #tpu.memory_space<vmem>>)
    %add3A_1393 = arith.constant 9600 : i32
    %add3A_1394 = arith.addi %mul3A_2, %add3A_1393 : i32
    %dma_wait3A_1395 = arith.constant 1 : i32
    %dma_wait3A_1396 = arith.constant 24 : i32
    %dma_wait3A_1397 = arith.constant 0 : i32
    %dma_wait3A_1398 = tpu.memref_slice %arg7[%dma_wait3A_1396, %dma_wait3A_1397] : memref<25x400xi32, #tpu.memory_space<vmem>> -> memref<1x400xi32, #tpu.memory_space<vmem>>
    %dma_wait3A_1399 = tpu.memref_squeeze %dma_wait3A_1398 : memref<1x400xi32, #tpu.memory_space<vmem>> -> memref<400xi32, #tpu.memory_space<vmem>>
    %dma_wait3A_1400 = tpu.memref_slice %arg3[%dma_wait3A_1395, %add3A_1394] : memref<2x320000xi32, #tpu.memory_space<hbm>> -> memref<1x400xi32, #tpu.memory_space<hbm>>
    %dma_wait3A_1401 = tpu.memref_squeeze %dma_wait3A_1400 : memref<1x400xi32, #tpu.memory_space<hbm>> -> memref<400xi32, #tpu.memory_space<hbm>>
    %dma_wait3A_1402 = arith.constant 0 : i32
    %dma_wait3A_1403 = tpu.memref_slice %arg7[%dma_wait3A_1396, %dma_wait3A_1402] : memref<25x400xi32, #tpu.memory_space<vmem>> -> memref<1x400xi32, #tpu.memory_space<vmem>>
    %dma_wait3A_1404 = tpu.memref_squeeze %dma_wait3A_1403 : memref<1x400xi32, #tpu.memory_space<vmem>> -> memref<400xi32, #tpu.memory_space<vmem>>
    %dma_wait3A_1405 = tpu.memref_slice %arg3[%dma_wait3A_1395, %add3A_1394] : memref<2x320000xi32, #tpu.memory_space<hbm>> -> memref<1x400xi32, #tpu.memory_space<hbm>>
    %dma_wait3A_1406 = tpu.memref_squeeze %dma_wait3A_1405 : memref<1x400xi32, #tpu.memory_space<hbm>> -> memref<400xi32, #tpu.memory_space<hbm>>
    tpu.wait_dma2 semaphore(%arg15 : memref<!tpu.dma_semaphore, #tpu.memory_space<semaphore_mem>>) src(%dma_wait3A_1406 : memref<400xi32, #tpu.memory_space<hbm>>) dst(%dma_wait3A_1404 : memref<400xi32, #tpu.memory_space<vmem>>)
    %barrier3A = arith.constant 0 : index
    tpu.barrier barrier_id(%barrier3A)
    %scan3A = arith.constant 0 : i32
    %scan3A_1407 = arith.constant 0 : i32
    %scan3A_1408 = arith.constant 3 : i32
    %scan3A_1409 = arith.addi %scan3A_1407, %scan3A_1408 : i32
    %scan3A_1410 = arith.constant 1 : i32
    scf.for %scan3A_1574 = %scan3A_1407 to %scan3A_1409 step %scan3A_1410  : i32 {
      %mul3A_1575 = arith.constant 2 : i32
      %mul3A_1576 = arith.muli %mul3A_1575, %scan3A_1574 : i32
      %add3A_1577 = arith.constant 0 : i32
      %add3A_1578 = arith.addi %mul3A_1576, %add3A_1577 : i32
      %mul3A_1579 = arith.constant 4 : i32
      %mul3A_1580 = arith.muli %add3A_1578, %mul3A_1579 : i32
      %gt3A = arith.constant 0 : i32
      %gt3A_1581 = arith.cmpi sgt, %scan3A_1574, %gt3A : i32
      %convert_element_type3A_1582 = arith.extui %gt3A_1581 : i1 to i32
      %cond3A_1583 = arith.constant 0 : i32
      %cond3A_1584 = arith.cmpi ne, %convert_element_type3A_1582, %cond3A_1583 : i32
      scf.if %cond3A_1584 {
        %add3A_2010 = arith.constant 0 : i32
        %add3A_2011 = arith.addi %mul3A_1580, %add3A_2010 : i32
        %dma_wait3A_2012 = arith.constant 0 : i32
        %dma_wait3A_2013 = arith.constant 0 : i32
        %dma_wait3A_2014 = arith.constant 0 : i32
        %dma_wait3A_2015 = arith.constant 0 : i32
        %dma_wait3A_2016 = tpu.memref_slice %arg8[%dma_wait3A_2012, %dma_wait3A_2014, %dma_wait3A_2015] : memref<8x400x16xf32, #tpu.memory_space<vmem>> -> memref<1x400x16xf32, #tpu.memory_space<vmem>>
        %dma_wait3A_2017 = tpu.memref_squeeze %dma_wait3A_2016 : memref<1x400x16xf32, #tpu.memory_space<vmem>> -> memref<400x16xf32, #tpu.memory_space<vmem>>
        %dma_wait3A_2018 = arith.constant 0 : i32
        %dma_wait3A_2019 = tpu.memref_slice %arg7[%add3A_2011, %dma_wait3A_2018] : memref<25x400xi32, #tpu.memory_space<vmem>> -> memref<1x400xi32, #tpu.memory_space<vmem>>
        %dma_wait3A_2020 = tpu.memref_squeeze %dma_wait3A_2019 : memref<1x400xi32, #tpu.memory_space<vmem>> -> memref<400xi32, #tpu.memory_space<vmem>>
        %dma_wait3A_2021 = arith.constant 0 : i32
        %dma_wait3A_2022 = arith.constant 0 : i32
        %dma_wait3A_2023 = tpu.memref_slice %arg11[%dma_wait3A_2021, %dma_wait3A_2022] : memref<10112x16xf32, #tpu.memory_space<vmem_shared>> -> memref<10112x16xf32, #tpu.memory_space<vmem_shared>>
        %dma_wait3A_2024 = tpu.memref_slice %arg14[%dma_wait3A_2013] : memref<8x!tpu.dma_semaphore, #tpu.memory_space<semaphore_mem>> -> memref<1x!tpu.dma_semaphore, #tpu.memory_space<semaphore_mem>>
        %dma_wait3A_2025 = tpu.memref_squeeze %dma_wait3A_2024 : memref<1x!tpu.dma_semaphore, #tpu.memory_space<semaphore_mem>> -> memref<!tpu.dma_semaphore, #tpu.memory_space<semaphore_mem>>
        tpu.wait_indirect_dma semaphore(%dma_wait3A_2025 : memref<!tpu.dma_semaphore, #tpu.memory_space<semaphore_mem>>) src(%dma_wait3A_2017 : memref<400x16xf32, #tpu.memory_space<vmem>>) dst(%dma_wait3A_2023 : memref<10112x16xf32, #tpu.memory_space<vmem_shared>>)
      } else {
      }
      %add3A_1585 = arith.constant 0 : i32
      %add3A_1586 = arith.addi %mul3A_1580, %add3A_1585 : i32
      %dma_start3A_1587 = arith.constant 0 : i32
      %dma_start3A_1588 = arith.constant 0 : i32
      %dma_start3A_1589 = arith.constant 0 : i32
      %dma_start3A_1590 = arith.constant 0 : i32
      %dma_start3A_1591 = tpu.memref_slice %arg8[%dma_start3A_1587, %dma_start3A_1589, %dma_start3A_1590] : memref<8x400x16xf32, #tpu.memory_space<vmem>> -> memref<1x400x16xf32, #tpu.memory_space<vmem>>
      %dma_start3A_1592 = tpu.memref_squeeze %dma_start3A_1591 : memref<1x400x16xf32, #tpu.memory_space<vmem>> -> memref<400x16xf32, #tpu.memory_space<vmem>>
      %dma_start3A_1593 = arith.constant 0 : i32
      %dma_start3A_1594 = tpu.memref_slice %arg6[%add3A_1586, %dma_start3A_1593] : memref<25x400xi32, #tpu.memory_space<vmem>> -> memref<1x400xi32, #tpu.memory_space<vmem>>
      %dma_start3A_1595 = tpu.memref_squeeze %dma_start3A_1594 : memref<1x400xi32, #tpu.memory_space<vmem>> -> memref<400xi32, #tpu.memory_space<vmem>>
      %dma_start3A_1596 = arith.constant 0 : i32
      %dma_start3A_1597 = arith.constant 0 : i32
      %dma_start3A_1598 = tpu.memref_slice %arg12[%dma_start3A_1596, %dma_start3A_1597] : memref<10000x16xf32, #tpu.memory_space<vmem_shared>> -> memref<10000x16xf32, #tpu.memory_space<vmem_shared>>
      %dma_start3A_1599 = tpu.memref_slice %arg13[%dma_start3A_1588] : memref<8x!tpu.dma_semaphore, #tpu.memory_space<semaphore_mem>> -> memref<1x!tpu.dma_semaphore, #tpu.memory_space<semaphore_mem>>
      %dma_start3A_1600 = tpu.memref_squeeze %dma_start3A_1599 : memref<1x!tpu.dma_semaphore, #tpu.memory_space<semaphore_mem>> -> memref<!tpu.dma_semaphore, #tpu.memory_space<semaphore_mem>>
      tpu.enqueue_indirect_dma source(%dma_start3A_1598 : memref<10000x16xf32, #tpu.memory_space<vmem_shared>>) target(%dma_start3A_1592 : memref<400x16xf32, #tpu.memory_space<vmem>>) offsets(%dma_start3A_1595 : memref<400xi32, #tpu.memory_space<vmem>>) semaphore(%dma_start3A_1600 : memref<!tpu.dma_semaphore, #tpu.memory_space<semaphore_mem>>)
      %gt3A_1601 = arith.constant 0 : i32
      %gt3A_1602 = arith.cmpi sgt, %scan3A_1574, %gt3A_1601 : i32
      %convert_element_type3A_1603 = arith.extui %gt3A_1602 : i1 to i32
      %cond3A_1604 = arith.constant 0 : i32
      %cond3A_1605 = arith.cmpi ne, %convert_element_type3A_1603, %cond3A_1604 : i32
      scf.if %cond3A_1605 {
        %add3A_2010 = arith.constant 1 : i32
        %add3A_2011 = arith.addi %mul3A_1580, %add3A_2010 : i32
        %dma_wait3A_2012 = arith.constant 1 : i32
        %dma_wait3A_2013 = arith.constant 1 : i32
        %dma_wait3A_2014 = arith.constant 0 : i32
        %dma_wait3A_2015 = arith.constant 0 : i32
        %dma_wait3A_2016 = tpu.memref_slice %arg8[%dma_wait3A_2012, %dma_wait3A_2014, %dma_wait3A_2015] : memref<8x400x16xf32, #tpu.memory_space<vmem>> -> memref<1x400x16xf32, #tpu.memory_space<vmem>>
        %dma_wait3A_2017 = tpu.memref_squeeze %dma_wait3A_2016 : memref<1x400x16xf32, #tpu.memory_space<vmem>> -> memref<400x16xf32, #tpu.memory_space<vmem>>
        %dma_wait3A_2018 = arith.constant 0 : i32
        %dma_wait3A_2019 = tpu.memref_slice %arg7[%add3A_2011, %dma_wait3A_2018] : memref<25x400xi32, #tpu.memory_space<vmem>> -> memref<1x400xi32, #tpu.memory_space<vmem>>
        %dma_wait3A_2020 = tpu.memref_squeeze %dma_wait3A_2019 : memref<1x400xi32, #tpu.memory_space<vmem>> -> memref<400xi32, #tpu.memory_space<vmem>>
        %dma_wait3A_2021 = arith.constant 0 : i32
        %dma_wait3A_2022 = arith.constant 0 : i32
        %dma_wait3A_2023 = tpu.memref_slice %arg11[%dma_wait3A_2021, %dma_wait3A_2022] : memref<10112x16xf32, #tpu.memory_space<vmem_shared>> -> memref<10112x16xf32, #tpu.memory_space<vmem_shared>>
        %dma_wait3A_2024 = tpu.memref_slice %arg14[%dma_wait3A_2013] : memref<8x!tpu.dma_semaphore, #tpu.memory_space<semaphore_mem>> -> memref<1x!tpu.dma_semaphore, #tpu.memory_space<semaphore_mem>>
        %dma_wait3A_2025 = tpu.memref_squeeze %dma_wait3A_2024 : memref<1x!tpu.dma_semaphore, #tpu.memory_space<semaphore_mem>> -> memref<!tpu.dma_semaphore, #tpu.memory_space<semaphore_mem>>
        tpu.wait_indirect_dma semaphore(%dma_wait3A_2025 : memref<!tpu.dma_semaphore, #tpu.memory_space<semaphore_mem>>) src(%dma_wait3A_2017 : memref<400x16xf32, #tpu.memory_space<vmem>>) dst(%dma_wait3A_2023 : memref<10112x16xf32, #tpu.memory_space<vmem_shared>>)
      } else {
      }
      %add3A_1606 = arith.constant 1 : i32
      %add3A_1607 = arith.addi %mul3A_1580, %add3A_1606 : i32
      %dma_start3A_1608 = arith.constant 1 : i32
      %dma_start3A_1609 = arith.constant 1 : i32
      %dma_start3A_1610 = arith.constant 0 : i32
      %dma_start3A_1611 = arith.constant 0 : i32
      %dma_start3A_1612 = tpu.memref_slice %arg8[%dma_start3A_1608, %dma_start3A_1610, %dma_start3A_1611] : memref<8x400x16xf32, #tpu.memory_space<vmem>> -> memref<1x400x16xf32, #tpu.memory_space<vmem>>
      %dma_start3A_1613 = tpu.memref_squeeze %dma_start3A_1612 : memref<1x400x16xf32, #tpu.memory_space<vmem>> -> memref<400x16xf32, #tpu.memory_space<vmem>>
      %dma_start3A_1614 = arith.constant 0 : i32
      %dma_start3A_1615 = tpu.memref_slice %arg6[%add3A_1607, %dma_start3A_1614] : memref<25x400xi32, #tpu.memory_space<vmem>> -> memref<1x400xi32, #tpu.memory_space<vmem>>
      %dma_start3A_1616 = tpu.memref_squeeze %dma_start3A_1615 : memref<1x400xi32, #tpu.memory_space<vmem>> -> memref<400xi32, #tpu.memory_space<vmem>>
      %dma_start3A_1617 = arith.constant 0 : i32
      %dma_start3A_1618 = arith.constant 0 : i32
      %dma_start3A_1619 = tpu.memref_slice %arg12[%dma_start3A_1617, %dma_start3A_1618] : memref<10000x16xf32, #tpu.memory_space<vmem_shared>> -> memref<10000x16xf32, #tpu.memory_space<vmem_shared>>
      %dma_start3A_1620 = tpu.memref_slice %arg13[%dma_start3A_1609] : memref<8x!tpu.dma_semaphore, #tpu.memory_space<semaphore_mem>> -> memref<1x!tpu.dma_semaphore, #tpu.memory_space<semaphore_mem>>
      %dma_start3A_1621 = tpu.memref_squeeze %dma_start3A_1620 : memref<1x!tpu.dma_semaphore, #tpu.memory_space<semaphore_mem>> -> memref<!tpu.dma_semaphore, #tpu.memory_space<semaphore_mem>>
      tpu.enqueue_indirect_dma source(%dma_start3A_1619 : memref<10000x16xf32, #tpu.memory_space<vmem_shared>>) target(%dma_start3A_1613 : memref<400x16xf32, #tpu.memory_space<vmem>>) offsets(%dma_start3A_1616 : memref<400xi32, #tpu.memory_space<vmem>>) semaphore(%dma_start3A_1621 : memref<!tpu.dma_semaphore, #tpu.memory_space<semaphore_mem>>)
      %gt3A_1622 = arith.constant 0 : i32
      %gt3A_1623 = arith.cmpi sgt, %scan3A_1574, %gt3A_1622 : i32
      %convert_element_type3A_1624 = arith.extui %gt3A_1623 : i1 to i32
      %cond3A_1625 = arith.constant 0 : i32
      %cond3A_1626 = arith.cmpi ne, %convert_element_type3A_1624, %cond3A_1625 : i32
      scf.if %cond3A_1626 {
        %add3A_2010 = arith.constant 2 : i32
        %add3A_2011 = arith.addi %mul3A_1580, %add3A_2010 : i32
        %dma_wait3A_2012 = arith.constant 2 : i32
        %dma_wait3A_2013 = arith.constant 2 : i32
        %dma_wait3A_2014 = arith.constant 0 : i32
        %dma_wait3A_2015 = arith.constant 0 : i32
        %dma_wait3A_2016 = tpu.memref_slice %arg8[%dma_wait3A_2012, %dma_wait3A_2014, %dma_wait3A_2015] : memref<8x400x16xf32, #tpu.memory_space<vmem>> -> memref<1x400x16xf32, #tpu.memory_space<vmem>>
        %dma_wait3A_2017 = tpu.memref_squeeze %dma_wait3A_2016 : memref<1x400x16xf32, #tpu.memory_space<vmem>> -> memref<400x16xf32, #tpu.memory_space<vmem>>
        %dma_wait3A_2018 = arith.constant 0 : i32
        %dma_wait3A_2019 = tpu.memref_slice %arg7[%add3A_2011, %dma_wait3A_2018] : memref<25x400xi32, #tpu.memory_space<vmem>> -> memref<1x400xi32, #tpu.memory_space<vmem>>
        %dma_wait3A_2020 = tpu.memref_squeeze %dma_wait3A_2019 : memref<1x400xi32, #tpu.memory_space<vmem>> -> memref<400xi32, #tpu.memory_space<vmem>>
        %dma_wait3A_2021 = arith.constant 0 : i32
        %dma_wait3A_2022 = arith.constant 0 : i32
        %dma_wait3A_2023 = tpu.memref_slice %arg11[%dma_wait3A_2021, %dma_wait3A_2022] : memref<10112x16xf32, #tpu.memory_space<vmem_shared>> -> memref<10112x16xf32, #tpu.memory_space<vmem_shared>>
        %dma_wait3A_2024 = tpu.memref_slice %arg14[%dma_wait3A_2013] : memref<8x!tpu.dma_semaphore, #tpu.memory_space<semaphore_mem>> -> memref<1x!tpu.dma_semaphore, #tpu.memory_space<semaphore_mem>>
        %dma_wait3A_2025 = tpu.memref_squeeze %dma_wait3A_2024 : memref<1x!tpu.dma_semaphore, #tpu.memory_space<semaphore_mem>> -> memref<!tpu.dma_semaphore, #tpu.memory_space<semaphore_mem>>
        tpu.wait_indirect_dma semaphore(%dma_wait3A_2025 : memref<!tpu.dma_semaphore, #tpu.memory_space<semaphore_mem>>) src(%dma_wait3A_2017 : memref<400x16xf32, #tpu.memory_space<vmem>>) dst(%dma_wait3A_2023 : memref<10112x16xf32, #tpu.memory_space<vmem_shared>>)
      } else {
      }
      %add3A_1627 = arith.constant 2 : i32
      %add3A_1628 = arith.addi %mul3A_1580, %add3A_1627 : i32
      %dma_start3A_1629 = arith.constant 2 : i32
      %dma_start3A_1630 = arith.constant 2 : i32
      %dma_start3A_1631 = arith.constant 0 : i32
      %dma_start3A_1632 = arith.constant 0 : i32
      %dma_start3A_1633 = tpu.memref_slice %arg8[%dma_start3A_1629, %dma_start3A_1631, %dma_start3A_1632] : memref<8x400x16xf32, #tpu.memory_space<vmem>> -> memref<1x400x16xf32, #tpu.memory_space<vmem>>
      %dma_start3A_1634 = tpu.memref_squeeze %dma_start3A_1633 : memref<1x400x16xf32, #tpu.memory_space<vmem>> -> memref<400x16xf32, #tpu.memory_space<vmem>>
      %dma_start3A_1635 = arith.constant 0 : i32
      %dma_start3A_1636 = tpu.memref_slice %arg6[%add3A_1628, %dma_start3A_1635] : memref<25x400xi32, #tpu.memory_space<vmem>> -> memref<1x400xi32, #tpu.memory_space<vmem>>
      %dma_start3A_1637 = tpu.memref_squeeze %dma_start3A_1636 : memref<1x400xi32, #tpu.memory_space<vmem>> -> memref<400xi32, #tpu.memory_space<vmem>>
      %dma_start3A_1638 = arith.constant 0 : i32
      %dma_start3A_1639 = arith.constant 0 : i32
      %dma_start3A_1640 = tpu.memref_slice %arg12[%dma_start3A_1638, %dma_start3A_1639] : memref<10000x16xf32, #tpu.memory_space<vmem_shared>> -> memref<10000x16xf32, #tpu.memory_space<vmem_shared>>
      %dma_start3A_1641 = tpu.memref_slice %arg13[%dma_start3A_1630] : memref<8x!tpu.dma_semaphore, #tpu.memory_space<semaphore_mem>> -> memref<1x!tpu.dma_semaphore, #tpu.memory_space<semaphore_mem>>
      %dma_start3A_1642 = tpu.memref_squeeze %dma_start3A_1641 : memref<1x!tpu.dma_semaphore, #tpu.memory_space<semaphore_mem>> -> memref<!tpu.dma_semaphore, #tpu.memory_space<semaphore_mem>>
      tpu.enqueue_indirect_dma source(%dma_start3A_1640 : memref<10000x16xf32, #tpu.memory_space<vmem_shared>>) target(%dma_start3A_1634 : memref<400x16xf32, #tpu.memory_space<vmem>>) offsets(%dma_start3A_1637 : memref<400xi32, #tpu.memory_space<vmem>>) semaphore(%dma_start3A_1642 : memref<!tpu.dma_semaphore, #tpu.memory_space<semaphore_mem>>)
      %gt3A_1643 = arith.constant 0 : i32
      %gt3A_1644 = arith.cmpi sgt, %scan3A_1574, %gt3A_1643 : i32
      %convert_element_type3A_1645 = arith.extui %gt3A_1644 : i1 to i32
      %cond3A_1646 = arith.constant 0 : i32
      %cond3A_1647 = arith.cmpi ne, %convert_element_type3A_1645, %cond3A_1646 : i32
      scf.if %cond3A_1647 {
        %add3A_2010 = arith.constant 3 : i32
        %add3A_2011 = arith.addi %mul3A_1580, %add3A_2010 : i32
        %dma_wait3A_2012 = arith.constant 3 : i32
        %dma_wait3A_2013 = arith.constant 3 : i32
        %dma_wait3A_2014 = arith.constant 0 : i32
        %dma_wait3A_2015 = arith.constant 0 : i32
        %dma_wait3A_2016 = tpu.memref_slice %arg8[%dma_wait3A_2012, %dma_wait3A_2014, %dma_wait3A_2015] : memref<8x400x16xf32, #tpu.memory_space<vmem>> -> memref<1x400x16xf32, #tpu.memory_space<vmem>>
        %dma_wait3A_2017 = tpu.memref_squeeze %dma_wait3A_2016 : memref<1x400x16xf32, #tpu.memory_space<vmem>> -> memref<400x16xf32, #tpu.memory_space<vmem>>
        %dma_wait3A_2018 = arith.constant 0 : i32
        %dma_wait3A_2019 = tpu.memref_slice %arg7[%add3A_2011, %dma_wait3A_2018] : memref<25x400xi32, #tpu.memory_space<vmem>> -> memref<1x400xi32, #tpu.memory_space<vmem>>
        %dma_wait3A_2020 = tpu.memref_squeeze %dma_wait3A_2019 : memref<1x400xi32, #tpu.memory_space<vmem>> -> memref<400xi32, #tpu.memory_space<vmem>>
        %dma_wait3A_2021 = arith.constant 0 : i32
        %dma_wait3A_2022 = arith.constant 0 : i32
        %dma_wait3A_2023 = tpu.memref_slice %arg11[%dma_wait3A_2021, %dma_wait3A_2022] : memref<10112x16xf32, #tpu.memory_space<vmem_shared>> -> memref<10112x16xf32, #tpu.memory_space<vmem_shared>>
        %dma_wait3A_2024 = tpu.memref_slice %arg14[%dma_wait3A_2013] : memref<8x!tpu.dma_semaphore, #tpu.memory_space<semaphore_mem>> -> memref<1x!tpu.dma_semaphore, #tpu.memory_space<semaphore_mem>>
        %dma_wait3A_2025 = tpu.memref_squeeze %dma_wait3A_2024 : memref<1x!tpu.dma_semaphore, #tpu.memory_space<semaphore_mem>> -> memref<!tpu.dma_semaphore, #tpu.memory_space<semaphore_mem>>
        tpu.wait_indirect_dma semaphore(%dma_wait3A_2025 : memref<!tpu.dma_semaphore, #tpu.memory_space<semaphore_mem>>) src(%dma_wait3A_2017 : memref<400x16xf32, #tpu.memory_space<vmem>>) dst(%dma_wait3A_2023 : memref<10112x16xf32, #tpu.memory_space<vmem_shared>>)
      } else {
      }
      %add3A_1648 = arith.constant 3 : i32
      %add3A_1649 = arith.addi %mul3A_1580, %add3A_1648 : i32
      %dma_start3A_1650 = arith.constant 3 : i32
      %dma_start3A_1651 = arith.constant 3 : i32
      %dma_start3A_1652 = arith.constant 0 : i32
      %dma_start3A_1653 = arith.constant 0 : i32
      %dma_start3A_1654 = tpu.memref_slice %arg8[%dma_start3A_1650, %dma_start3A_1652, %dma_start3A_1653] : memref<8x400x16xf32, #tpu.memory_space<vmem>> -> memref<1x400x16xf32, #tpu.memory_space<vmem>>
      %dma_start3A_1655 = tpu.memref_squeeze %dma_start3A_1654 : memref<1x400x16xf32, #tpu.memory_space<vmem>> -> memref<400x16xf32, #tpu.memory_space<vmem>>
      %dma_start3A_1656 = arith.constant 0 : i32
      %dma_start3A_1657 = tpu.memref_slice %arg6[%add3A_1649, %dma_start3A_1656] : memref<25x400xi32, #tpu.memory_space<vmem>> -> memref<1x400xi32, #tpu.memory_space<vmem>>
      %dma_start3A_1658 = tpu.memref_squeeze %dma_start3A_1657 : memref<1x400xi32, #tpu.memory_space<vmem>> -> memref<400xi32, #tpu.memory_space<vmem>>
      %dma_start3A_1659 = arith.constant 0 : i32
      %dma_start3A_1660 = arith.constant 0 : i32
      %dma_start3A_1661 = tpu.memref_slice %arg12[%dma_start3A_1659, %dma_start3A_1660] : memref<10000x16xf32, #tpu.memory_space<vmem_shared>> -> memref<10000x16xf32, #tpu.memory_space<vmem_shared>>
      %dma_start3A_1662 = tpu.memref_slice %arg13[%dma_start3A_1651] : memref<8x!tpu.dma_semaphore, #tpu.memory_space<semaphore_mem>> -> memref<1x!tpu.dma_semaphore, #tpu.memory_space<semaphore_mem>>
      %dma_start3A_1663 = tpu.memref_squeeze %dma_start3A_1662 : memref<1x!tpu.dma_semaphore, #tpu.memory_space<semaphore_mem>> -> memref<!tpu.dma_semaphore, #tpu.memory_space<semaphore_mem>>
      tpu.enqueue_indirect_dma source(%dma_start3A_1661 : memref<10000x16xf32, #tpu.memory_space<vmem_shared>>) target(%dma_start3A_1655 : memref<400x16xf32, #tpu.memory_space<vmem>>) offsets(%dma_start3A_1658 : memref<400xi32, #tpu.memory_space<vmem>>) semaphore(%dma_start3A_1663 : memref<!tpu.dma_semaphore, #tpu.memory_space<semaphore_mem>>)
      %add3A_1664 = arith.constant 0 : i32
      %add3A_1665 = arith.addi %mul3A_1580, %add3A_1664 : i32
      %dma_wait3A_1666 = arith.constant 0 : i32
      %dma_wait3A_1667 = arith.constant 0 : i32
      %dma_wait3A_1668 = arith.constant 0 : i32
      %dma_wait3A_1669 = arith.constant 0 : i32
      %dma_wait3A_1670 = tpu.memref_slice %arg8[%dma_wait3A_1666, %dma_wait3A_1668, %dma_wait3A_1669] : memref<8x400x16xf32, #tpu.memory_space<vmem>> -> memref<1x400x16xf32, #tpu.memory_space<vmem>>
      %dma_wait3A_1671 = tpu.memref_squeeze %dma_wait3A_1670 : memref<1x400x16xf32, #tpu.memory_space<vmem>> -> memref<400x16xf32, #tpu.memory_space<vmem>>
      %dma_wait3A_1672 = arith.constant 0 : i32
      %dma_wait3A_1673 = tpu.memref_slice %arg6[%add3A_1665, %dma_wait3A_1672] : memref<25x400xi32, #tpu.memory_space<vmem>> -> memref<1x400xi32, #tpu.memory_space<vmem>>
      %dma_wait3A_1674 = tpu.memref_squeeze %dma_wait3A_1673 : memref<1x400xi32, #tpu.memory_space<vmem>> -> memref<400xi32, #tpu.memory_space<vmem>>
      %dma_wait3A_1675 = arith.constant 0 : i32
      %dma_wait3A_1676 = arith.constant 0 : i32
      %dma_wait3A_1677 = tpu.memref_slice %arg12[%dma_wait3A_1675, %dma_wait3A_1676] : memref<10000x16xf32, #tpu.memory_space<vmem_shared>> -> memref<10000x16xf32, #tpu.memory_space<vmem_shared>>
      %dma_wait3A_1678 = tpu.memref_slice %arg13[%dma_wait3A_1667] : memref<8x!tpu.dma_semaphore, #tpu.memory_space<semaphore_mem>> -> memref<1x!tpu.dma_semaphore, #tpu.memory_space<semaphore_mem>>
      %dma_wait3A_1679 = tpu.memref_squeeze %dma_wait3A_1678 : memref<1x!tpu.dma_semaphore, #tpu.memory_space<semaphore_mem>> -> memref<!tpu.dma_semaphore, #tpu.memory_space<semaphore_mem>>
      tpu.wait_indirect_dma semaphore(%dma_wait3A_1679 : memref<!tpu.dma_semaphore, #tpu.memory_space<semaphore_mem>>) src(%dma_wait3A_1677 : memref<10000x16xf32, #tpu.memory_space<vmem_shared>>) dst(%dma_wait3A_1671 : memref<400x16xf32, #tpu.memory_space<vmem>>)
      %add3A_1680 = arith.constant 0 : i32
      %add3A_1681 = arith.addi %mul3A_1580, %add3A_1680 : i32
      %dma_start3A_1682 = arith.constant 0 : i32
      %dma_start3A_1683 = arith.constant 0 : i32
      %dma_start3A_1684 = arith.constant 0 : i32
      %dma_start3A_1685 = arith.constant 0 : i32
      %dma_start3A_1686 = tpu.memref_slice %arg8[%dma_start3A_1682, %dma_start3A_1684, %dma_start3A_1685] : memref<8x400x16xf32, #tpu.memory_space<vmem>> -> memref<1x400x16xf32, #tpu.memory_space<vmem>>
      %dma_start3A_1687 = tpu.memref_squeeze %dma_start3A_1686 : memref<1x400x16xf32, #tpu.memory_space<vmem>> -> memref<400x16xf32, #tpu.memory_space<vmem>>
      %dma_start3A_1688 = arith.constant 0 : i32
      %dma_start3A_1689 = tpu.memref_slice %arg7[%add3A_1681, %dma_start3A_1688] : memref<25x400xi32, #tpu.memory_space<vmem>> -> memref<1x400xi32, #tpu.memory_space<vmem>>
      %dma_start3A_1690 = tpu.memref_squeeze %dma_start3A_1689 : memref<1x400xi32, #tpu.memory_space<vmem>> -> memref<400xi32, #tpu.memory_space<vmem>>
      %dma_start3A_1691 = arith.constant 0 : i32
      %dma_start3A_1692 = arith.constant 0 : i32
      %dma_start3A_1693 = tpu.memref_slice %arg11[%dma_start3A_1691, %dma_start3A_1692] : memref<10112x16xf32, #tpu.memory_space<vmem_shared>> -> memref<10112x16xf32, #tpu.memory_space<vmem_shared>>
      %dma_start3A_1694 = tpu.memref_slice %arg14[%dma_start3A_1683] : memref<8x!tpu.dma_semaphore, #tpu.memory_space<semaphore_mem>> -> memref<1x!tpu.dma_semaphore, #tpu.memory_space<semaphore_mem>>
      %dma_start3A_1695 = tpu.memref_squeeze %dma_start3A_1694 : memref<1x!tpu.dma_semaphore, #tpu.memory_space<semaphore_mem>> -> memref<!tpu.dma_semaphore, #tpu.memory_space<semaphore_mem>>
      tpu.enqueue_indirect_dma source(%dma_start3A_1687 : memref<400x16xf32, #tpu.memory_space<vmem>>) target(%dma_start3A_1693 : memref<10112x16xf32, #tpu.memory_space<vmem_shared>>) offsets(%dma_start3A_1690 : memref<400xi32, #tpu.memory_space<vmem>>) semaphore(%dma_start3A_1695 : memref<!tpu.dma_semaphore, #tpu.memory_space<semaphore_mem>>) {add = true}
      %add3A_1696 = arith.constant 1 : i32
      %add3A_1697 = arith.addi %mul3A_1580, %add3A_1696 : i32
      %dma_wait3A_1698 = arith.constant 1 : i32
      %dma_wait3A_1699 = arith.constant 1 : i32
      %dma_wait3A_1700 = arith.constant 0 : i32
      %dma_wait3A_1701 = arith.constant 0 : i32
      %dma_wait3A_1702 = tpu.memref_slice %arg8[%dma_wait3A_1698, %dma_wait3A_1700, %dma_wait3A_1701] : memref<8x400x16xf32, #tpu.memory_space<vmem>> -> memref<1x400x16xf32, #tpu.memory_space<vmem>>
      %dma_wait3A_1703 = tpu.memref_squeeze %dma_wait3A_1702 : memref<1x400x16xf32, #tpu.memory_space<vmem>> -> memref<400x16xf32, #tpu.memory_space<vmem>>
      %dma_wait3A_1704 = arith.constant 0 : i32
      %dma_wait3A_1705 = tpu.memref_slice %arg6[%add3A_1697, %dma_wait3A_1704] : memref<25x400xi32, #tpu.memory_space<vmem>> -> memref<1x400xi32, #tpu.memory_space<vmem>>
      %dma_wait3A_1706 = tpu.memref_squeeze %dma_wait3A_1705 : memref<1x400xi32, #tpu.memory_space<vmem>> -> memref<400xi32, #tpu.memory_space<vmem>>
      %dma_wait3A_1707 = arith.constant 0 : i32
      %dma_wait3A_1708 = arith.constant 0 : i32
      %dma_wait3A_1709 = tpu.memref_slice %arg12[%dma_wait3A_1707, %dma_wait3A_1708] : memref<10000x16xf32, #tpu.memory_space<vmem_shared>> -> memref<10000x16xf32, #tpu.memory_space<vmem_shared>>
      %dma_wait3A_1710 = tpu.memref_slice %arg13[%dma_wait3A_1699] : memref<8x!tpu.dma_semaphore, #tpu.memory_space<semaphore_mem>> -> memref<1x!tpu.dma_semaphore, #tpu.memory_space<semaphore_mem>>
      %dma_wait3A_1711 = tpu.memref_squeeze %dma_wait3A_1710 : memref<1x!tpu.dma_semaphore, #tpu.memory_space<semaphore_mem>> -> memref<!tpu.dma_semaphore, #tpu.memory_space<semaphore_mem>>
      tpu.wait_indirect_dma semaphore(%dma_wait3A_1711 : memref<!tpu.dma_semaphore, #tpu.memory_space<semaphore_mem>>) src(%dma_wait3A_1709 : memref<10000x16xf32, #tpu.memory_space<vmem_shared>>) dst(%dma_wait3A_1703 : memref<400x16xf32, #tpu.memory_space<vmem>>)
      %add3A_1712 = arith.constant 1 : i32
      %add3A_1713 = arith.addi %mul3A_1580, %add3A_1712 : i32
      %dma_start3A_1714 = arith.constant 1 : i32
      %dma_start3A_1715 = arith.constant 1 : i32
      %dma_start3A_1716 = arith.constant 0 : i32
      %dma_start3A_1717 = arith.constant 0 : i32
      %dma_start3A_1718 = tpu.memref_slice %arg8[%dma_start3A_1714, %dma_start3A_1716, %dma_start3A_1717] : memref<8x400x16xf32, #tpu.memory_space<vmem>> -> memref<1x400x16xf32, #tpu.memory_space<vmem>>
      %dma_start3A_1719 = tpu.memref_squeeze %dma_start3A_1718 : memref<1x400x16xf32, #tpu.memory_space<vmem>> -> memref<400x16xf32, #tpu.memory_space<vmem>>
      %dma_start3A_1720 = arith.constant 0 : i32
      %dma_start3A_1721 = tpu.memref_slice %arg7[%add3A_1713, %dma_start3A_1720] : memref<25x400xi32, #tpu.memory_space<vmem>> -> memref<1x400xi32, #tpu.memory_space<vmem>>
      %dma_start3A_1722 = tpu.memref_squeeze %dma_start3A_1721 : memref<1x400xi32, #tpu.memory_space<vmem>> -> memref<400xi32, #tpu.memory_space<vmem>>
      %dma_start3A_1723 = arith.constant 0 : i32
      %dma_start3A_1724 = arith.constant 0 : i32
      %dma_start3A_1725 = tpu.memref_slice %arg11[%dma_start3A_1723, %dma_start3A_1724] : memref<10112x16xf32, #tpu.memory_space<vmem_shared>> -> memref<10112x16xf32, #tpu.memory_space<vmem_shared>>
      %dma_start3A_1726 = tpu.memref_slice %arg14[%dma_start3A_1715] : memref<8x!tpu.dma_semaphore, #tpu.memory_space<semaphore_mem>> -> memref<1x!tpu.dma_semaphore, #tpu.memory_space<semaphore_mem>>
      %dma_start3A_1727 = tpu.memref_squeeze %dma_start3A_1726 : memref<1x!tpu.dma_semaphore, #tpu.memory_space<semaphore_mem>> -> memref<!tpu.dma_semaphore, #tpu.memory_space<semaphore_mem>>
      tpu.enqueue_indirect_dma source(%dma_start3A_1719 : memref<400x16xf32, #tpu.memory_space<vmem>>) target(%dma_start3A_1725 : memref<10112x16xf32, #tpu.memory_space<vmem_shared>>) offsets(%dma_start3A_1722 : memref<400xi32, #tpu.memory_space<vmem>>) semaphore(%dma_start3A_1727 : memref<!tpu.dma_semaphore, #tpu.memory_space<semaphore_mem>>) {add = true}
      %add3A_1728 = arith.constant 2 : i32
      %add3A_1729 = arith.addi %mul3A_1580, %add3A_1728 : i32
      %dma_wait3A_1730 = arith.constant 2 : i32
      %dma_wait3A_1731 = arith.constant 2 : i32
      %dma_wait3A_1732 = arith.constant 0 : i32
      %dma_wait3A_1733 = arith.constant 0 : i32
      %dma_wait3A_1734 = tpu.memref_slice %arg8[%dma_wait3A_1730, %dma_wait3A_1732, %dma_wait3A_1733] : memref<8x400x16xf32, #tpu.memory_space<vmem>> -> memref<1x400x16xf32, #tpu.memory_space<vmem>>
      %dma_wait3A_1735 = tpu.memref_squeeze %dma_wait3A_1734 : memref<1x400x16xf32, #tpu.memory_space<vmem>> -> memref<400x16xf32, #tpu.memory_space<vmem>>
      %dma_wait3A_1736 = arith.constant 0 : i32
      %dma_wait3A_1737 = tpu.memref_slice %arg6[%add3A_1729, %dma_wait3A_1736] : memref<25x400xi32, #tpu.memory_space<vmem>> -> memref<1x400xi32, #tpu.memory_space<vmem>>
      %dma_wait3A_1738 = tpu.memref_squeeze %dma_wait3A_1737 : memref<1x400xi32, #tpu.memory_space<vmem>> -> memref<400xi32, #tpu.memory_space<vmem>>
      %dma_wait3A_1739 = arith.constant 0 : i32
      %dma_wait3A_1740 = arith.constant 0 : i32
      %dma_wait3A_1741 = tpu.memref_slice %arg12[%dma_wait3A_1739, %dma_wait3A_1740] : memref<10000x16xf32, #tpu.memory_space<vmem_shared>> -> memref<10000x16xf32, #tpu.memory_space<vmem_shared>>
      %dma_wait3A_1742 = tpu.memref_slice %arg13[%dma_wait3A_1731] : memref<8x!tpu.dma_semaphore, #tpu.memory_space<semaphore_mem>> -> memref<1x!tpu.dma_semaphore, #tpu.memory_space<semaphore_mem>>
      %dma_wait3A_1743 = tpu.memref_squeeze %dma_wait3A_1742 : memref<1x!tpu.dma_semaphore, #tpu.memory_space<semaphore_mem>> -> memref<!tpu.dma_semaphore, #tpu.memory_space<semaphore_mem>>
      tpu.wait_indirect_dma semaphore(%dma_wait3A_1743 : memref<!tpu.dma_semaphore, #tpu.memory_space<semaphore_mem>>) src(%dma_wait3A_1741 : memref<10000x16xf32, #tpu.memory_space<vmem_shared>>) dst(%dma_wait3A_1735 : memref<400x16xf32, #tpu.memory_space<vmem>>)
      %add3A_1744 = arith.constant 2 : i32
      %add3A_1745 = arith.addi %mul3A_1580, %add3A_1744 : i32
      %dma_start3A_1746 = arith.constant 2 : i32
      %dma_start3A_1747 = arith.constant 2 : i32
      %dma_start3A_1748 = arith.constant 0 : i32
      %dma_start3A_1749 = arith.constant 0 : i32
      %dma_start3A_1750 = tpu.memref_slice %arg8[%dma_start3A_1746, %dma_start3A_1748, %dma_start3A_1749] : memref<8x400x16xf32, #tpu.memory_space<vmem>> -> memref<1x400x16xf32, #tpu.memory_space<vmem>>
      %dma_start3A_1751 = tpu.memref_squeeze %dma_start3A_1750 : memref<1x400x16xf32, #tpu.memory_space<vmem>> -> memref<400x16xf32, #tpu.memory_space<vmem>>
      %dma_start3A_1752 = arith.constant 0 : i32
      %dma_start3A_1753 = tpu.memref_slice %arg7[%add3A_1745, %dma_start3A_1752] : memref<25x400xi32, #tpu.memory_space<vmem>> -> memref<1x400xi32, #tpu.memory_space<vmem>>
      %dma_start3A_1754 = tpu.memref_squeeze %dma_start3A_1753 : memref<1x400xi32, #tpu.memory_space<vmem>> -> memref<400xi32, #tpu.memory_space<vmem>>
      %dma_start3A_1755 = arith.constant 0 : i32
      %dma_start3A_1756 = arith.constant 0 : i32
      %dma_start3A_1757 = tpu.memref_slice %arg11[%dma_start3A_1755, %dma_start3A_1756] : memref<10112x16xf32, #tpu.memory_space<vmem_shared>> -> memref<10112x16xf32, #tpu.memory_space<vmem_shared>>
      %dma_start3A_1758 = tpu.memref_slice %arg14[%dma_start3A_1747] : memref<8x!tpu.dma_semaphore, #tpu.memory_space<semaphore_mem>> -> memref<1x!tpu.dma_semaphore, #tpu.memory_space<semaphore_mem>>
      %dma_start3A_1759 = tpu.memref_squeeze %dma_start3A_1758 : memref<1x!tpu.dma_semaphore, #tpu.memory_space<semaphore_mem>> -> memref<!tpu.dma_semaphore, #tpu.memory_space<semaphore_mem>>
      tpu.enqueue_indirect_dma source(%dma_start3A_1751 : memref<400x16xf32, #tpu.memory_space<vmem>>) target(%dma_start3A_1757 : memref<10112x16xf32, #tpu.memory_space<vmem_shared>>) offsets(%dma_start3A_1754 : memref<400xi32, #tpu.memory_space<vmem>>) semaphore(%dma_start3A_1759 : memref<!tpu.dma_semaphore, #tpu.memory_space<semaphore_mem>>) {add = true}
      %add3A_1760 = arith.constant 3 : i32
      %add3A_1761 = arith.addi %mul3A_1580, %add3A_1760 : i32
      %dma_wait3A_1762 = arith.constant 3 : i32
      %dma_wait3A_1763 = arith.constant 3 : i32
      %dma_wait3A_1764 = arith.constant 0 : i32
      %dma_wait3A_1765 = arith.constant 0 : i32
      %dma_wait3A_1766 = tpu.memref_slice %arg8[%dma_wait3A_1762, %dma_wait3A_1764, %dma_wait3A_1765] : memref<8x400x16xf32, #tpu.memory_space<vmem>> -> memref<1x400x16xf32, #tpu.memory_space<vmem>>
      %dma_wait3A_1767 = tpu.memref_squeeze %dma_wait3A_1766 : memref<1x400x16xf32, #tpu.memory_space<vmem>> -> memref<400x16xf32, #tpu.memory_space<vmem>>
      %dma_wait3A_1768 = arith.constant 0 : i32
      %dma_wait3A_1769 = tpu.memref_slice %arg6[%add3A_1761, %dma_wait3A_1768] : memref<25x400xi32, #tpu.memory_space<vmem>> -> memref<1x400xi32, #tpu.memory_space<vmem>>
      %dma_wait3A_1770 = tpu.memref_squeeze %dma_wait3A_1769 : memref<1x400xi32, #tpu.memory_space<vmem>> -> memref<400xi32, #tpu.memory_space<vmem>>
      %dma_wait3A_1771 = arith.constant 0 : i32
      %dma_wait3A_1772 = arith.constant 0 : i32
      %dma_wait3A_1773 = tpu.memref_slice %arg12[%dma_wait3A_1771, %dma_wait3A_1772] : memref<10000x16xf32, #tpu.memory_space<vmem_shared>> -> memref<10000x16xf32, #tpu.memory_space<vmem_shared>>
      %dma_wait3A_1774 = tpu.memref_slice %arg13[%dma_wait3A_1763] : memref<8x!tpu.dma_semaphore, #tpu.memory_space<semaphore_mem>> -> memref<1x!tpu.dma_semaphore, #tpu.memory_space<semaphore_mem>>
      %dma_wait3A_1775 = tpu.memref_squeeze %dma_wait3A_1774 : memref<1x!tpu.dma_semaphore, #tpu.memory_space<semaphore_mem>> -> memref<!tpu.dma_semaphore, #tpu.memory_space<semaphore_mem>>
      tpu.wait_indirect_dma semaphore(%dma_wait3A_1775 : memref<!tpu.dma_semaphore, #tpu.memory_space<semaphore_mem>>) src(%dma_wait3A_1773 : memref<10000x16xf32, #tpu.memory_space<vmem_shared>>) dst(%dma_wait3A_1767 : memref<400x16xf32, #tpu.memory_space<vmem>>)
      %add3A_1776 = arith.constant 3 : i32
      %add3A_1777 = arith.addi %mul3A_1580, %add3A_1776 : i32
      %dma_start3A_1778 = arith.constant 3 : i32
      %dma_start3A_1779 = arith.constant 3 : i32
      %dma_start3A_1780 = arith.constant 0 : i32
      %dma_start3A_1781 = arith.constant 0 : i32
      %dma_start3A_1782 = tpu.memref_slice %arg8[%dma_start3A_1778, %dma_start3A_1780, %dma_start3A_1781] : memref<8x400x16xf32, #tpu.memory_space<vmem>> -> memref<1x400x16xf32, #tpu.memory_space<vmem>>
      %dma_start3A_1783 = tpu.memref_squeeze %dma_start3A_1782 : memref<1x400x16xf32, #tpu.memory_space<vmem>> -> memref<400x16xf32, #tpu.memory_space<vmem>>
      %dma_start3A_1784 = arith.constant 0 : i32
      %dma_start3A_1785 = tpu.memref_slice %arg7[%add3A_1777, %dma_start3A_1784] : memref<25x400xi32, #tpu.memory_space<vmem>> -> memref<1x400xi32, #tpu.memory_space<vmem>>
      %dma_start3A_1786 = tpu.memref_squeeze %dma_start3A_1785 : memref<1x400xi32, #tpu.memory_space<vmem>> -> memref<400xi32, #tpu.memory_space<vmem>>
      %dma_start3A_1787 = arith.constant 0 : i32
      %dma_start3A_1788 = arith.constant 0 : i32
      %dma_start3A_1789 = tpu.memref_slice %arg11[%dma_start3A_1787, %dma_start3A_1788] : memref<10112x16xf32, #tpu.memory_space<vmem_shared>> -> memref<10112x16xf32, #tpu.memory_space<vmem_shared>>
      %dma_start3A_1790 = tpu.memref_slice %arg14[%dma_start3A_1779] : memref<8x!tpu.dma_semaphore, #tpu.memory_space<semaphore_mem>> -> memref<1x!tpu.dma_semaphore, #tpu.memory_space<semaphore_mem>>
      %dma_start3A_1791 = tpu.memref_squeeze %dma_start3A_1790 : memref<1x!tpu.dma_semaphore, #tpu.memory_space<semaphore_mem>> -> memref<!tpu.dma_semaphore, #tpu.memory_space<semaphore_mem>>
      tpu.enqueue_indirect_dma source(%dma_start3A_1783 : memref<400x16xf32, #tpu.memory_space<vmem>>) target(%dma_start3A_1789 : memref<10112x16xf32, #tpu.memory_space<vmem_shared>>) offsets(%dma_start3A_1786 : memref<400xi32, #tpu.memory_space<vmem>>) semaphore(%dma_start3A_1791 : memref<!tpu.dma_semaphore, #tpu.memory_space<semaphore_mem>>) {add = true}
      %mul3A_1792 = arith.constant 2 : i32
      %mul3A_1793 = arith.muli %mul3A_1792, %scan3A_1574 : i32
      %add3A_1794 = arith.constant 1 : i32
      %add3A_1795 = arith.addi %mul3A_1793, %add3A_1794 : i32
      %mul3A_1796 = arith.constant 4 : i32
      %mul3A_1797 = arith.muli %add3A_1795, %mul3A_1796 : i32
      %gt3A_1798 = arith.constant 0 : i32
      %gt3A_1799 = arith.cmpi sgt, %scan3A_1574, %gt3A_1798 : i32
      %convert_element_type3A_1800 = arith.extui %gt3A_1799 : i1 to i32
      %cond3A_1801 = arith.constant 0 : i32
      %cond3A_1802 = arith.cmpi ne, %convert_element_type3A_1800, %cond3A_1801 : i32
      scf.if %cond3A_1802 {
        %add3A_2010 = arith.constant 0 : i32
        %add3A_2011 = arith.addi %mul3A_1797, %add3A_2010 : i32
        %dma_wait3A_2012 = arith.constant 4 : i32
        %dma_wait3A_2013 = arith.constant 4 : i32
        %dma_wait3A_2014 = arith.constant 0 : i32
        %dma_wait3A_2015 = arith.constant 0 : i32
        %dma_wait3A_2016 = tpu.memref_slice %arg8[%dma_wait3A_2012, %dma_wait3A_2014, %dma_wait3A_2015] : memref<8x400x16xf32, #tpu.memory_space<vmem>> -> memref<1x400x16xf32, #tpu.memory_space<vmem>>
        %dma_wait3A_2017 = tpu.memref_squeeze %dma_wait3A_2016 : memref<1x400x16xf32, #tpu.memory_space<vmem>> -> memref<400x16xf32, #tpu.memory_space<vmem>>
        %dma_wait3A_2018 = arith.constant 0 : i32
        %dma_wait3A_2019 = tpu.memref_slice %arg7[%add3A_2011, %dma_wait3A_2018] : memref<25x400xi32, #tpu.memory_space<vmem>> -> memref<1x400xi32, #tpu.memory_space<vmem>>
        %dma_wait3A_2020 = tpu.memref_squeeze %dma_wait3A_2019 : memref<1x400xi32, #tpu.memory_space<vmem>> -> memref<400xi32, #tpu.memory_space<vmem>>
        %dma_wait3A_2021 = arith.constant 0 : i32
        %dma_wait3A_2022 = arith.constant 0 : i32
        %dma_wait3A_2023 = tpu.memref_slice %arg11[%dma_wait3A_2021, %dma_wait3A_2022] : memref<10112x16xf32, #tpu.memory_space<vmem_shared>> -> memref<10112x16xf32, #tpu.memory_space<vmem_shared>>
        %dma_wait3A_2024 = tpu.memref_slice %arg14[%dma_wait3A_2013] : memref<8x!tpu.dma_semaphore, #tpu.memory_space<semaphore_mem>> -> memref<1x!tpu.dma_semaphore, #tpu.memory_space<semaphore_mem>>
        %dma_wait3A_2025 = tpu.memref_squeeze %dma_wait3A_2024 : memref<1x!tpu.dma_semaphore, #tpu.memory_space<semaphore_mem>> -> memref<!tpu.dma_semaphore, #tpu.memory_space<semaphore_mem>>
        tpu.wait_indirect_dma semaphore(%dma_wait3A_2025 : memref<!tpu.dma_semaphore, #tpu.memory_space<semaphore_mem>>) src(%dma_wait3A_2017 : memref<400x16xf32, #tpu.memory_space<vmem>>) dst(%dma_wait3A_2023 : memref<10112x16xf32, #tpu.memory_space<vmem_shared>>)
      } else {
      }
      %add3A_1803 = arith.constant 0 : i32
      %add3A_1804 = arith.addi %mul3A_1797, %add3A_1803 : i32
      %dma_start3A_1805 = arith.constant 4 : i32
      %dma_start3A_1806 = arith.constant 4 : i32
      %dma_start3A_1807 = arith.constant 0 : i32
      %dma_start3A_1808 = arith.constant 0 : i32
      %dma_start3A_1809 = tpu.memref_slice %arg8[%dma_start3A_1805, %dma_start3A_1807, %dma_start3A_1808] : memref<8x400x16xf32, #tpu.memory_space<vmem>> -> memref<1x400x16xf32, #tpu.memory_space<vmem>>
      %dma_start3A_1810 = tpu.memref_squeeze %dma_start3A_1809 : memref<1x400x16xf32, #tpu.memory_space<vmem>> -> memref<400x16xf32, #tpu.memory_space<vmem>>
      %dma_start3A_1811 = arith.constant 0 : i32
      %dma_start3A_1812 = tpu.memref_slice %arg6[%add3A_1804, %dma_start3A_1811] : memref<25x400xi32, #tpu.memory_space<vmem>> -> memref<1x400xi32, #tpu.memory_space<vmem>>
      %dma_start3A_1813 = tpu.memref_squeeze %dma_start3A_1812 : memref<1x400xi32, #tpu.memory_space<vmem>> -> memref<400xi32, #tpu.memory_space<vmem>>
      %dma_start3A_1814 = arith.constant 0 : i32
      %dma_start3A_1815 = arith.constant 0 : i32
      %dma_start3A_1816 = tpu.memref_slice %arg12[%dma_start3A_1814, %dma_start3A_1815] : memref<10000x16xf32, #tpu.memory_space<vmem_shared>> -> memref<10000x16xf32, #tpu.memory_space<vmem_shared>>
      %dma_start3A_1817 = tpu.memref_slice %arg13[%dma_start3A_1806] : memref<8x!tpu.dma_semaphore, #tpu.memory_space<semaphore_mem>> -> memref<1x!tpu.dma_semaphore, #tpu.memory_space<semaphore_mem>>
      %dma_start3A_1818 = tpu.memref_squeeze %dma_start3A_1817 : memref<1x!tpu.dma_semaphore, #tpu.memory_space<semaphore_mem>> -> memref<!tpu.dma_semaphore, #tpu.memory_space<semaphore_mem>>
      tpu.enqueue_indirect_dma source(%dma_start3A_1816 : memref<10000x16xf32, #tpu.memory_space<vmem_shared>>) target(%dma_start3A_1810 : memref<400x16xf32, #tpu.memory_space<vmem>>) offsets(%dma_start3A_1813 : memref<400xi32, #tpu.memory_space<vmem>>) semaphore(%dma_start3A_1818 : memref<!tpu.dma_semaphore, #tpu.memory_space<semaphore_mem>>)
      %gt3A_1819 = arith.constant 0 : i32
      %gt3A_1820 = arith.cmpi sgt, %scan3A_1574, %gt3A_1819 : i32
      %convert_element_type3A_1821 = arith.extui %gt3A_1820 : i1 to i32
      %cond3A_1822 = arith.constant 0 : i32
      %cond3A_1823 = arith.cmpi ne, %convert_element_type3A_1821, %cond3A_1822 : i32
      scf.if %cond3A_1823 {
        %add3A_2010 = arith.constant 1 : i32
        %add3A_2011 = arith.addi %mul3A_1797, %add3A_2010 : i32
        %dma_wait3A_2012 = arith.constant 5 : i32
        %dma_wait3A_2013 = arith.constant 5 : i32
        %dma_wait3A_2014 = arith.constant 0 : i32
        %dma_wait3A_2015 = arith.constant 0 : i32
        %dma_wait3A_2016 = tpu.memref_slice %arg8[%dma_wait3A_2012, %dma_wait3A_2014, %dma_wait3A_2015] : memref<8x400x16xf32, #tpu.memory_space<vmem>> -> memref<1x400x16xf32, #tpu.memory_space<vmem>>
        %dma_wait3A_2017 = tpu.memref_squeeze %dma_wait3A_2016 : memref<1x400x16xf32, #tpu.memory_space<vmem>> -> memref<400x16xf32, #tpu.memory_space<vmem>>
        %dma_wait3A_2018 = arith.constant 0 : i32
        %dma_wait3A_2019 = tpu.memref_slice %arg7[%add3A_2011, %dma_wait3A_2018] : memref<25x400xi32, #tpu.memory_space<vmem>> -> memref<1x400xi32, #tpu.memory_space<vmem>>
        %dma_wait3A_2020 = tpu.memref_squeeze %dma_wait3A_2019 : memref<1x400xi32, #tpu.memory_space<vmem>> -> memref<400xi32, #tpu.memory_space<vmem>>
        %dma_wait3A_2021 = arith.constant 0 : i32
        %dma_wait3A_2022 = arith.constant 0 : i32
        %dma_wait3A_2023 = tpu.memref_slice %arg11[%dma_wait3A_2021, %dma_wait3A_2022] : memref<10112x16xf32, #tpu.memory_space<vmem_shared>> -> memref<10112x16xf32, #tpu.memory_space<vmem_shared>>
        %dma_wait3A_2024 = tpu.memref_slice %arg14[%dma_wait3A_2013] : memref<8x!tpu.dma_semaphore, #tpu.memory_space<semaphore_mem>> -> memref<1x!tpu.dma_semaphore, #tpu.memory_space<semaphore_mem>>
        %dma_wait3A_2025 = tpu.memref_squeeze %dma_wait3A_2024 : memref<1x!tpu.dma_semaphore, #tpu.memory_space<semaphore_mem>> -> memref<!tpu.dma_semaphore, #tpu.memory_space<semaphore_mem>>
        tpu.wait_indirect_dma semaphore(%dma_wait3A_2025 : memref<!tpu.dma_semaphore, #tpu.memory_space<semaphore_mem>>) src(%dma_wait3A_2017 : memref<400x16xf32, #tpu.memory_space<vmem>>) dst(%dma_wait3A_2023 : memref<10112x16xf32, #tpu.memory_space<vmem_shared>>)
      } else {
      }
      %add3A_1824 = arith.constant 1 : i32
      %add3A_1825 = arith.addi %mul3A_1797, %add3A_1824 : i32
      %dma_start3A_1826 = arith.constant 5 : i32
      %dma_start3A_1827 = arith.constant 5 : i32
      %dma_start3A_1828 = arith.constant 0 : i32
      %dma_start3A_1829 = arith.constant 0 : i32
      %dma_start3A_1830 = tpu.memref_slice %arg8[%dma_start3A_1826, %dma_start3A_1828, %dma_start3A_1829] : memref<8x400x16xf32, #tpu.memory_space<vmem>> -> memref<1x400x16xf32, #tpu.memory_space<vmem>>
      %dma_start3A_1831 = tpu.memref_squeeze %dma_start3A_1830 : memref<1x400x16xf32, #tpu.memory_space<vmem>> -> memref<400x16xf32, #tpu.memory_space<vmem>>
      %dma_start3A_1832 = arith.constant 0 : i32
      %dma_start3A_1833 = tpu.memref_slice %arg6[%add3A_1825, %dma_start3A_1832] : memref<25x400xi32, #tpu.memory_space<vmem>> -> memref<1x400xi32, #tpu.memory_space<vmem>>
      %dma_start3A_1834 = tpu.memref_squeeze %dma_start3A_1833 : memref<1x400xi32, #tpu.memory_space<vmem>> -> memref<400xi32, #tpu.memory_space<vmem>>
      %dma_start3A_1835 = arith.constant 0 : i32
      %dma_start3A_1836 = arith.constant 0 : i32
      %dma_start3A_1837 = tpu.memref_slice %arg12[%dma_start3A_1835, %dma_start3A_1836] : memref<10000x16xf32, #tpu.memory_space<vmem_shared>> -> memref<10000x16xf32, #tpu.memory_space<vmem_shared>>
      %dma_start3A_1838 = tpu.memref_slice %arg13[%dma_start3A_1827] : memref<8x!tpu.dma_semaphore, #tpu.memory_space<semaphore_mem>> -> memref<1x!tpu.dma_semaphore, #tpu.memory_space<semaphore_mem>>
      %dma_start3A_1839 = tpu.memref_squeeze %dma_start3A_1838 : memref<1x!tpu.dma_semaphore, #tpu.memory_space<semaphore_mem>> -> memref<!tpu.dma_semaphore, #tpu.memory_space<semaphore_mem>>
      tpu.enqueue_indirect_dma source(%dma_start3A_1837 : memref<10000x16xf32, #tpu.memory_space<vmem_shared>>) target(%dma_start3A_1831 : memref<400x16xf32, #tpu.memory_space<vmem>>) offsets(%dma_start3A_1834 : memref<400xi32, #tpu.memory_space<vmem>>) semaphore(%dma_start3A_1839 : memref<!tpu.dma_semaphore, #tpu.memory_space<semaphore_mem>>)
      %gt3A_1840 = arith.constant 0 : i32
      %gt3A_1841 = arith.cmpi sgt, %scan3A_1574, %gt3A_1840 : i32
      %convert_element_type3A_1842 = arith.extui %gt3A_1841 : i1 to i32
      %cond3A_1843 = arith.constant 0 : i32
      %cond3A_1844 = arith.cmpi ne, %convert_element_type3A_1842, %cond3A_1843 : i32
      scf.if %cond3A_1844 {
        %add3A_2010 = arith.constant 2 : i32
        %add3A_2011 = arith.addi %mul3A_1797, %add3A_2010 : i32
        %dma_wait3A_2012 = arith.constant 6 : i32
        %dma_wait3A_2013 = arith.constant 6 : i32
        %dma_wait3A_2014 = arith.constant 0 : i32
        %dma_wait3A_2015 = arith.constant 0 : i32
        %dma_wait3A_2016 = tpu.memref_slice %arg8[%dma_wait3A_2012, %dma_wait3A_2014, %dma_wait3A_2015] : memref<8x400x16xf32, #tpu.memory_space<vmem>> -> memref<1x400x16xf32, #tpu.memory_space<vmem>>
        %dma_wait3A_2017 = tpu.memref_squeeze %dma_wait3A_2016 : memref<1x400x16xf32, #tpu.memory_space<vmem>> -> memref<400x16xf32, #tpu.memory_space<vmem>>
        %dma_wait3A_2018 = arith.constant 0 : i32
        %dma_wait3A_2019 = tpu.memref_slice %arg7[%add3A_2011, %dma_wait3A_2018] : memref<25x400xi32, #tpu.memory_space<vmem>> -> memref<1x400xi32, #tpu.memory_space<vmem>>
        %dma_wait3A_2020 = tpu.memref_squeeze %dma_wait3A_2019 : memref<1x400xi32, #tpu.memory_space<vmem>> -> memref<400xi32, #tpu.memory_space<vmem>>
        %dma_wait3A_2021 = arith.constant 0 : i32
        %dma_wait3A_2022 = arith.constant 0 : i32
        %dma_wait3A_2023 = tpu.memref_slice %arg11[%dma_wait3A_2021, %dma_wait3A_2022] : memref<10112x16xf32, #tpu.memory_space<vmem_shared>> -> memref<10112x16xf32, #tpu.memory_space<vmem_shared>>
        %dma_wait3A_2024 = tpu.memref_slice %arg14[%dma_wait3A_2013] : memref<8x!tpu.dma_semaphore, #tpu.memory_space<semaphore_mem>> -> memref<1x!tpu.dma_semaphore, #tpu.memory_space<semaphore_mem>>
        %dma_wait3A_2025 = tpu.memref_squeeze %dma_wait3A_2024 : memref<1x!tpu.dma_semaphore, #tpu.memory_space<semaphore_mem>> -> memref<!tpu.dma_semaphore, #tpu.memory_space<semaphore_mem>>
        tpu.wait_indirect_dma semaphore(%dma_wait3A_2025 : memref<!tpu.dma_semaphore, #tpu.memory_space<semaphore_mem>>) src(%dma_wait3A_2017 : memref<400x16xf32, #tpu.memory_space<vmem>>) dst(%dma_wait3A_2023 : memref<10112x16xf32, #tpu.memory_space<vmem_shared>>)
      } else {
      }
      %add3A_1845 = arith.constant 2 : i32
      %add3A_1846 = arith.addi %mul3A_1797, %add3A_1845 : i32
      %dma_start3A_1847 = arith.constant 6 : i32
      %dma_start3A_1848 = arith.constant 6 : i32
      %dma_start3A_1849 = arith.constant 0 : i32
      %dma_start3A_1850 = arith.constant 0 : i32
      %dma_start3A_1851 = tpu.memref_slice %arg8[%dma_start3A_1847, %dma_start3A_1849, %dma_start3A_1850] : memref<8x400x16xf32, #tpu.memory_space<vmem>> -> memref<1x400x16xf32, #tpu.memory_space<vmem>>
      %dma_start3A_1852 = tpu.memref_squeeze %dma_start3A_1851 : memref<1x400x16xf32, #tpu.memory_space<vmem>> -> memref<400x16xf32, #tpu.memory_space<vmem>>
      %dma_start3A_1853 = arith.constant 0 : i32
      %dma_start3A_1854 = tpu.memref_slice %arg6[%add3A_1846, %dma_start3A_1853] : memref<25x400xi32, #tpu.memory_space<vmem>> -> memref<1x400xi32, #tpu.memory_space<vmem>>
      %dma_start3A_1855 = tpu.memref_squeeze %dma_start3A_1854 : memref<1x400xi32, #tpu.memory_space<vmem>> -> memref<400xi32, #tpu.memory_space<vmem>>
      %dma_start3A_1856 = arith.constant 0 : i32
      %dma_start3A_1857 = arith.constant 0 : i32
      %dma_start3A_1858 = tpu.memref_slice %arg12[%dma_start3A_1856, %dma_start3A_1857] : memref<10000x16xf32, #tpu.memory_space<vmem_shared>> -> memref<10000x16xf32, #tpu.memory_space<vmem_shared>>
      %dma_start3A_1859 = tpu.memref_slice %arg13[%dma_start3A_1848] : memref<8x!tpu.dma_semaphore, #tpu.memory_space<semaphore_mem>> -> memref<1x!tpu.dma_semaphore, #tpu.memory_space<semaphore_mem>>
      %dma_start3A_1860 = tpu.memref_squeeze %dma_start3A_1859 : memref<1x!tpu.dma_semaphore, #tpu.memory_space<semaphore_mem>> -> memref<!tpu.dma_semaphore, #tpu.memory_space<semaphore_mem>>
      tpu.enqueue_indirect_dma source(%dma_start3A_1858 : memref<10000x16xf32, #tpu.memory_space<vmem_shared>>) target(%dma_start3A_1852 : memref<400x16xf32, #tpu.memory_space<vmem>>) offsets(%dma_start3A_1855 : memref<400xi32, #tpu.memory_space<vmem>>) semaphore(%dma_start3A_1860 : memref<!tpu.dma_semaphore, #tpu.memory_space<semaphore_mem>>)
      %gt3A_1861 = arith.constant 0 : i32
      %gt3A_1862 = arith.cmpi sgt, %scan3A_1574, %gt3A_1861 : i32
      %convert_element_type3A_1863 = arith.extui %gt3A_1862 : i1 to i32
      %cond3A_1864 = arith.constant 0 : i32
      %cond3A_1865 = arith.cmpi ne, %convert_element_type3A_1863, %cond3A_1864 : i32
      scf.if %cond3A_1865 {
        %add3A_2010 = arith.constant 3 : i32
        %add3A_2011 = arith.addi %mul3A_1797, %add3A_2010 : i32
        %dma_wait3A_2012 = arith.constant 7 : i32
        %dma_wait3A_2013 = arith.constant 7 : i32
        %dma_wait3A_2014 = arith.constant 0 : i32
        %dma_wait3A_2015 = arith.constant 0 : i32
        %dma_wait3A_2016 = tpu.memref_slice %arg8[%dma_wait3A_2012, %dma_wait3A_2014, %dma_wait3A_2015] : memref<8x400x16xf32, #tpu.memory_space<vmem>> -> memref<1x400x16xf32, #tpu.memory_space<vmem>>
        %dma_wait3A_2017 = tpu.memref_squeeze %dma_wait3A_2016 : memref<1x400x16xf32, #tpu.memory_space<vmem>> -> memref<400x16xf32, #tpu.memory_space<vmem>>
        %dma_wait3A_2018 = arith.constant 0 : i32
        %dma_wait3A_2019 = tpu.memref_slice %arg7[%add3A_2011, %dma_wait3A_2018] : memref<25x400xi32, #tpu.memory_space<vmem>> -> memref<1x400xi32, #tpu.memory_space<vmem>>
        %dma_wait3A_2020 = tpu.memref_squeeze %dma_wait3A_2019 : memref<1x400xi32, #tpu.memory_space<vmem>> -> memref<400xi32, #tpu.memory_space<vmem>>
        %dma_wait3A_2021 = arith.constant 0 : i32
        %dma_wait3A_2022 = arith.constant 0 : i32
        %dma_wait3A_2023 = tpu.memref_slice %arg11[%dma_wait3A_2021, %dma_wait3A_2022] : memref<10112x16xf32, #tpu.memory_space<vmem_shared>> -> memref<10112x16xf32, #tpu.memory_space<vmem_shared>>
        %dma_wait3A_2024 = tpu.memref_slice %arg14[%dma_wait3A_2013] : memref<8x!tpu.dma_semaphore, #tpu.memory_space<semaphore_mem>> -> memref<1x!tpu.dma_semaphore, #tpu.memory_space<semaphore_mem>>
        %dma_wait3A_2025 = tpu.memref_squeeze %dma_wait3A_2024 : memref<1x!tpu.dma_semaphore, #tpu.memory_space<semaphore_mem>> -> memref<!tpu.dma_semaphore, #tpu.memory_space<semaphore_mem>>
        tpu.wait_indirect_dma semaphore(%dma_wait3A_2025 : memref<!tpu.dma_semaphore, #tpu.memory_space<semaphore_mem>>) src(%dma_wait3A_2017 : memref<400x16xf32, #tpu.memory_space<vmem>>) dst(%dma_wait3A_2023 : memref<10112x16xf32, #tpu.memory_space<vmem_shared>>)
      } else {
      }
      %add3A_1866 = arith.constant 3 : i32
      %add3A_1867 = arith.addi %mul3A_1797, %add3A_1866 : i32
      %dma_start3A_1868 = arith.constant 7 : i32
      %dma_start3A_1869 = arith.constant 7 : i32
      %dma_start3A_1870 = arith.constant 0 : i32
      %dma_start3A_1871 = arith.constant 0 : i32
      %dma_start3A_1872 = tpu.memref_slice %arg8[%dma_start3A_1868, %dma_start3A_1870, %dma_start3A_1871] : memref<8x400x16xf32, #tpu.memory_space<vmem>> -> memref<1x400x16xf32, #tpu.memory_space<vmem>>
      %dma_start3A_1873 = tpu.memref_squeeze %dma_start3A_1872 : memref<1x400x16xf32, #tpu.memory_space<vmem>> -> memref<400x16xf32, #tpu.memory_space<vmem>>
      %dma_start3A_1874 = arith.constant 0 : i32
      %dma_start3A_1875 = tpu.memref_slice %arg6[%add3A_1867, %dma_start3A_1874] : memref<25x400xi32, #tpu.memory_space<vmem>> -> memref<1x400xi32, #tpu.memory_space<vmem>>
      %dma_start3A_1876 = tpu.memref_squeeze %dma_start3A_1875 : memref<1x400xi32, #tpu.memory_space<vmem>> -> memref<400xi32, #tpu.memory_space<vmem>>
      %dma_start3A_1877 = arith.constant 0 : i32
      %dma_start3A_1878 = arith.constant 0 : i32
      %dma_start3A_1879 = tpu.memref_slice %arg12[%dma_start3A_1877, %dma_start3A_1878] : memref<10000x16xf32, #tpu.memory_space<vmem_shared>> -> memref<10000x16xf32, #tpu.memory_space<vmem_shared>>
      %dma_start3A_1880 = tpu.memref_slice %arg13[%dma_start3A_1869] : memref<8x!tpu.dma_semaphore, #tpu.memory_space<semaphore_mem>> -> memref<1x!tpu.dma_semaphore, #tpu.memory_space<semaphore_mem>>
      %dma_start3A_1881 = tpu.memref_squeeze %dma_start3A_1880 : memref<1x!tpu.dma_semaphore, #tpu.memory_space<semaphore_mem>> -> memref<!tpu.dma_semaphore, #tpu.memory_space<semaphore_mem>>
      tpu.enqueue_indirect_dma source(%dma_start3A_1879 : memref<10000x16xf32, #tpu.memory_space<vmem_shared>>) target(%dma_start3A_1873 : memref<400x16xf32, #tpu.memory_space<vmem>>) offsets(%dma_start3A_1876 : memref<400xi32, #tpu.memory_space<vmem>>) semaphore(%dma_start3A_1881 : memref<!tpu.dma_semaphore, #tpu.memory_space<semaphore_mem>>)
      %add3A_1882 = arith.constant 0 : i32
      %add3A_1883 = arith.addi %mul3A_1797, %add3A_1882 : i32
      %dma_wait3A_1884 = arith.constant 4 : i32
      %dma_wait3A_1885 = arith.constant 4 : i32
      %dma_wait3A_1886 = arith.constant 0 : i32
      %dma_wait3A_1887 = arith.constant 0 : i32
      %dma_wait3A_1888 = tpu.memref_slice %arg8[%dma_wait3A_1884, %dma_wait3A_1886, %dma_wait3A_1887] : memref<8x400x16xf32, #tpu.memory_space<vmem>> -> memref<1x400x16xf32, #tpu.memory_space<vmem>>
      %dma_wait3A_1889 = tpu.memref_squeeze %dma_wait3A_1888 : memref<1x400x16xf32, #tpu.memory_space<vmem>> -> memref<400x16xf32, #tpu.memory_space<vmem>>
      %dma_wait3A_1890 = arith.constant 0 : i32
      %dma_wait3A_1891 = tpu.memref_slice %arg6[%add3A_1883, %dma_wait3A_1890] : memref<25x400xi32, #tpu.memory_space<vmem>> -> memref<1x400xi32, #tpu.memory_space<vmem>>
      %dma_wait3A_1892 = tpu.memref_squeeze %dma_wait3A_1891 : memref<1x400xi32, #tpu.memory_space<vmem>> -> memref<400xi32, #tpu.memory_space<vmem>>
      %dma_wait3A_1893 = arith.constant 0 : i32
      %dma_wait3A_1894 = arith.constant 0 : i32
      %dma_wait3A_1895 = tpu.memref_slice %arg12[%dma_wait3A_1893, %dma_wait3A_1894] : memref<10000x16xf32, #tpu.memory_space<vmem_shared>> -> memref<10000x16xf32, #tpu.memory_space<vmem_shared>>
      %dma_wait3A_1896 = tpu.memref_slice %arg13[%dma_wait3A_1885] : memref<8x!tpu.dma_semaphore, #tpu.memory_space<semaphore_mem>> -> memref<1x!tpu.dma_semaphore, #tpu.memory_space<semaphore_mem>>
      %dma_wait3A_1897 = tpu.memref_squeeze %dma_wait3A_1896 : memref<1x!tpu.dma_semaphore, #tpu.memory_space<semaphore_mem>> -> memref<!tpu.dma_semaphore, #tpu.memory_space<semaphore_mem>>
      tpu.wait_indirect_dma semaphore(%dma_wait3A_1897 : memref<!tpu.dma_semaphore, #tpu.memory_space<semaphore_mem>>) src(%dma_wait3A_1895 : memref<10000x16xf32, #tpu.memory_space<vmem_shared>>) dst(%dma_wait3A_1889 : memref<400x16xf32, #tpu.memory_space<vmem>>)
      %add3A_1898 = arith.constant 0 : i32
      %add3A_1899 = arith.addi %mul3A_1797, %add3A_1898 : i32
      %dma_start3A_1900 = arith.constant 4 : i32
      %dma_start3A_1901 = arith.constant 4 : i32
      %dma_start3A_1902 = arith.constant 0 : i32
      %dma_start3A_1903 = arith.constant 0 : i32
      %dma_start3A_1904 = tpu.memref_slice %arg8[%dma_start3A_1900, %dma_start3A_1902, %dma_start3A_1903] : memref<8x400x16xf32, #tpu.memory_space<vmem>> -> memref<1x400x16xf32, #tpu.memory_space<vmem>>
      %dma_start3A_1905 = tpu.memref_squeeze %dma_start3A_1904 : memref<1x400x16xf32, #tpu.memory_space<vmem>> -> memref<400x16xf32, #tpu.memory_space<vmem>>
      %dma_start3A_1906 = arith.constant 0 : i32
      %dma_start3A_1907 = tpu.memref_slice %arg7[%add3A_1899, %dma_start3A_1906] : memref<25x400xi32, #tpu.memory_space<vmem>> -> memref<1x400xi32, #tpu.memory_space<vmem>>
      %dma_start3A_1908 = tpu.memref_squeeze %dma_start3A_1907 : memref<1x400xi32, #tpu.memory_space<vmem>> -> memref<400xi32, #tpu.memory_space<vmem>>
      %dma_start3A_1909 = arith.constant 0 : i32
      %dma_start3A_1910 = arith.constant 0 : i32
      %dma_start3A_1911 = tpu.memref_slice %arg11[%dma_start3A_1909, %dma_start3A_1910] : memref<10112x16xf32, #tpu.memory_space<vmem_shared>> -> memref<10112x16xf32, #tpu.memory_space<vmem_shared>>
      %dma_start3A_1912 = tpu.memref_slice %arg14[%dma_start3A_1901] : memref<8x!tpu.dma_semaphore, #tpu.memory_space<semaphore_mem>> -> memref<1x!tpu.dma_semaphore, #tpu.memory_space<semaphore_mem>>
      %dma_start3A_1913 = tpu.memref_squeeze %dma_start3A_1912 : memref<1x!tpu.dma_semaphore, #tpu.memory_space<semaphore_mem>> -> memref<!tpu.dma_semaphore, #tpu.memory_space<semaphore_mem>>
      tpu.enqueue_indirect_dma source(%dma_start3A_1905 : memref<400x16xf32, #tpu.memory_space<vmem>>) target(%dma_start3A_1911 : memref<10112x16xf32, #tpu.memory_space<vmem_shared>>) offsets(%dma_start3A_1908 : memref<400xi32, #tpu.memory_space<vmem>>) semaphore(%dma_start3A_1913 : memref<!tpu.dma_semaphore, #tpu.memory_space<semaphore_mem>>) {add = true}
      %add3A_1914 = arith.constant 1 : i32
      %add3A_1915 = arith.addi %mul3A_1797, %add3A_1914 : i32
      %dma_wait3A_1916 = arith.constant 5 : i32
      %dma_wait3A_1917 = arith.constant 5 : i32
      %dma_wait3A_1918 = arith.constant 0 : i32
      %dma_wait3A_1919 = arith.constant 0 : i32
      %dma_wait3A_1920 = tpu.memref_slice %arg8[%dma_wait3A_1916, %dma_wait3A_1918, %dma_wait3A_1919] : memref<8x400x16xf32, #tpu.memory_space<vmem>> -> memref<1x400x16xf32, #tpu.memory_space<vmem>>
      %dma_wait3A_1921 = tpu.memref_squeeze %dma_wait3A_1920 : memref<1x400x16xf32, #tpu.memory_space<vmem>> -> memref<400x16xf32, #tpu.memory_space<vmem>>
      %dma_wait3A_1922 = arith.constant 0 : i32
      %dma_wait3A_1923 = tpu.memref_slice %arg6[%add3A_1915, %dma_wait3A_1922] : memref<25x400xi32, #tpu.memory_space<vmem>> -> memref<1x400xi32, #tpu.memory_space<vmem>>
      %dma_wait3A_1924 = tpu.memref_squeeze %dma_wait3A_1923 : memref<1x400xi32, #tpu.memory_space<vmem>> -> memref<400xi32, #tpu.memory_space<vmem>>
      %dma_wait3A_1925 = arith.constant 0 : i32
      %dma_wait3A_1926 = arith.constant 0 : i32
      %dma_wait3A_1927 = tpu.memref_slice %arg12[%dma_wait3A_1925, %dma_wait3A_1926] : memref<10000x16xf32, #tpu.memory_space<vmem_shared>> -> memref<10000x16xf32, #tpu.memory_space<vmem_shared>>
      %dma_wait3A_1928 = tpu.memref_slice %arg13[%dma_wait3A_1917] : memref<8x!tpu.dma_semaphore, #tpu.memory_space<semaphore_mem>> -> memref<1x!tpu.dma_semaphore, #tpu.memory_space<semaphore_mem>>
      %dma_wait3A_1929 = tpu.memref_squeeze %dma_wait3A_1928 : memref<1x!tpu.dma_semaphore, #tpu.memory_space<semaphore_mem>> -> memref<!tpu.dma_semaphore, #tpu.memory_space<semaphore_mem>>
      tpu.wait_indirect_dma semaphore(%dma_wait3A_1929 : memref<!tpu.dma_semaphore, #tpu.memory_space<semaphore_mem>>) src(%dma_wait3A_1927 : memref<10000x16xf32, #tpu.memory_space<vmem_shared>>) dst(%dma_wait3A_1921 : memref<400x16xf32, #tpu.memory_space<vmem>>)
      %add3A_1930 = arith.constant 1 : i32
      %add3A_1931 = arith.addi %mul3A_1797, %add3A_1930 : i32
      %dma_start3A_1932 = arith.constant 5 : i32
      %dma_start3A_1933 = arith.constant 5 : i32
      %dma_start3A_1934 = arith.constant 0 : i32
      %dma_start3A_1935 = arith.constant 0 : i32
      %dma_start3A_1936 = tpu.memref_slice %arg8[%dma_start3A_1932, %dma_start3A_1934, %dma_start3A_1935] : memref<8x400x16xf32, #tpu.memory_space<vmem>> -> memref<1x400x16xf32, #tpu.memory_space<vmem>>
      %dma_start3A_1937 = tpu.memref_squeeze %dma_start3A_1936 : memref<1x400x16xf32, #tpu.memory_space<vmem>> -> memref<400x16xf32, #tpu.memory_space<vmem>>
      %dma_start3A_1938 = arith.constant 0 : i32
      %dma_start3A_1939 = tpu.memref_slice %arg7[%add3A_1931, %dma_start3A_1938] : memref<25x400xi32, #tpu.memory_space<vmem>> -> memref<1x400xi32, #tpu.memory_space<vmem>>
      %dma_start3A_1940 = tpu.memref_squeeze %dma_start3A_1939 : memref<1x400xi32, #tpu.memory_space<vmem>> -> memref<400xi32, #tpu.memory_space<vmem>>
      %dma_start3A_1941 = arith.constant 0 : i32
      %dma_start3A_1942 = arith.constant 0 : i32
      %dma_start3A_1943 = tpu.memref_slice %arg11[%dma_start3A_1941, %dma_start3A_1942] : memref<10112x16xf32, #tpu.memory_space<vmem_shared>> -> memref<10112x16xf32, #tpu.memory_space<vmem_shared>>
      %dma_start3A_1944 = tpu.memref_slice %arg14[%dma_start3A_1933] : memref<8x!tpu.dma_semaphore, #tpu.memory_space<semaphore_mem>> -> memref<1x!tpu.dma_semaphore, #tpu.memory_space<semaphore_mem>>
      %dma_start3A_1945 = tpu.memref_squeeze %dma_start3A_1944 : memref<1x!tpu.dma_semaphore, #tpu.memory_space<semaphore_mem>> -> memref<!tpu.dma_semaphore, #tpu.memory_space<semaphore_mem>>
      tpu.enqueue_indirect_dma source(%dma_start3A_1937 : memref<400x16xf32, #tpu.memory_space<vmem>>) target(%dma_start3A_1943 : memref<10112x16xf32, #tpu.memory_space<vmem_shared>>) offsets(%dma_start3A_1940 : memref<400xi32, #tpu.memory_space<vmem>>) semaphore(%dma_start3A_1945 : memref<!tpu.dma_semaphore, #tpu.memory_space<semaphore_mem>>) {add = true}
      %add3A_1946 = arith.constant 2 : i32
      %add3A_1947 = arith.addi %mul3A_1797, %add3A_1946 : i32
      %dma_wait3A_1948 = arith.constant 6 : i32
      %dma_wait3A_1949 = arith.constant 6 : i32
      %dma_wait3A_1950 = arith.constant 0 : i32
      %dma_wait3A_1951 = arith.constant 0 : i32
      %dma_wait3A_1952 = tpu.memref_slice %arg8[%dma_wait3A_1948, %dma_wait3A_1950, %dma_wait3A_1951] : memref<8x400x16xf32, #tpu.memory_space<vmem>> -> memref<1x400x16xf32, #tpu.memory_space<vmem>>
      %dma_wait3A_1953 = tpu.memref_squeeze %dma_wait3A_1952 : memref<1x400x16xf32, #tpu.memory_space<vmem>> -> memref<400x16xf32, #tpu.memory_space<vmem>>
      %dma_wait3A_1954 = arith.constant 0 : i32
      %dma_wait3A_1955 = tpu.memref_slice %arg6[%add3A_1947, %dma_wait3A_1954] : memref<25x400xi32, #tpu.memory_space<vmem>> -> memref<1x400xi32, #tpu.memory_space<vmem>>
      %dma_wait3A_1956 = tpu.memref_squeeze %dma_wait3A_1955 : memref<1x400xi32, #tpu.memory_space<vmem>> -> memref<400xi32, #tpu.memory_space<vmem>>
      %dma_wait3A_1957 = arith.constant 0 : i32
      %dma_wait3A_1958 = arith.constant 0 : i32
      %dma_wait3A_1959 = tpu.memref_slice %arg12[%dma_wait3A_1957, %dma_wait3A_1958] : memref<10000x16xf32, #tpu.memory_space<vmem_shared>> -> memref<10000x16xf32, #tpu.memory_space<vmem_shared>>
      %dma_wait3A_1960 = tpu.memref_slice %arg13[%dma_wait3A_1949] : memref<8x!tpu.dma_semaphore, #tpu.memory_space<semaphore_mem>> -> memref<1x!tpu.dma_semaphore, #tpu.memory_space<semaphore_mem>>
      %dma_wait3A_1961 = tpu.memref_squeeze %dma_wait3A_1960 : memref<1x!tpu.dma_semaphore, #tpu.memory_space<semaphore_mem>> -> memref<!tpu.dma_semaphore, #tpu.memory_space<semaphore_mem>>
      tpu.wait_indirect_dma semaphore(%dma_wait3A_1961 : memref<!tpu.dma_semaphore, #tpu.memory_space<semaphore_mem>>) src(%dma_wait3A_1959 : memref<10000x16xf32, #tpu.memory_space<vmem_shared>>) dst(%dma_wait3A_1953 : memref<400x16xf32, #tpu.memory_space<vmem>>)
      %add3A_1962 = arith.constant 2 : i32
      %add3A_1963 = arith.addi %mul3A_1797, %add3A_1962 : i32
      %dma_start3A_1964 = arith.constant 6 : i32
      %dma_start3A_1965 = arith.constant 6 : i32
      %dma_start3A_1966 = arith.constant 0 : i32
      %dma_start3A_1967 = arith.constant 0 : i32
      %dma_start3A_1968 = tpu.memref_slice %arg8[%dma_start3A_1964, %dma_start3A_1966, %dma_start3A_1967] : memref<8x400x16xf32, #tpu.memory_space<vmem>> -> memref<1x400x16xf32, #tpu.memory_space<vmem>>
      %dma_start3A_1969 = tpu.memref_squeeze %dma_start3A_1968 : memref<1x400x16xf32, #tpu.memory_space<vmem>> -> memref<400x16xf32, #tpu.memory_space<vmem>>
      %dma_start3A_1970 = arith.constant 0 : i32
      %dma_start3A_1971 = tpu.memref_slice %arg7[%add3A_1963, %dma_start3A_1970] : memref<25x400xi32, #tpu.memory_space<vmem>> -> memref<1x400xi32, #tpu.memory_space<vmem>>
      %dma_start3A_1972 = tpu.memref_squeeze %dma_start3A_1971 : memref<1x400xi32, #tpu.memory_space<vmem>> -> memref<400xi32, #tpu.memory_space<vmem>>
      %dma_start3A_1973 = arith.constant 0 : i32
      %dma_start3A_1974 = arith.constant 0 : i32
      %dma_start3A_1975 = tpu.memref_slice %arg11[%dma_start3A_1973, %dma_start3A_1974] : memref<10112x16xf32, #tpu.memory_space<vmem_shared>> -> memref<10112x16xf32, #tpu.memory_space<vmem_shared>>
      %dma_start3A_1976 = tpu.memref_slice %arg14[%dma_start3A_1965] : memref<8x!tpu.dma_semaphore, #tpu.memory_space<semaphore_mem>> -> memref<1x!tpu.dma_semaphore, #tpu.memory_space<semaphore_mem>>
      %dma_start3A_1977 = tpu.memref_squeeze %dma_start3A_1976 : memref<1x!tpu.dma_semaphore, #tpu.memory_space<semaphore_mem>> -> memref<!tpu.dma_semaphore, #tpu.memory_space<semaphore_mem>>
      tpu.enqueue_indirect_dma source(%dma_start3A_1969 : memref<400x16xf32, #tpu.memory_space<vmem>>) target(%dma_start3A_1975 : memref<10112x16xf32, #tpu.memory_space<vmem_shared>>) offsets(%dma_start3A_1972 : memref<400xi32, #tpu.memory_space<vmem>>) semaphore(%dma_start3A_1977 : memref<!tpu.dma_semaphore, #tpu.memory_space<semaphore_mem>>) {add = true}
      %add3A_1978 = arith.constant 3 : i32
      %add3A_1979 = arith.addi %mul3A_1797, %add3A_1978 : i32
      %dma_wait3A_1980 = arith.constant 7 : i32
      %dma_wait3A_1981 = arith.constant 7 : i32
      %dma_wait3A_1982 = arith.constant 0 : i32
      %dma_wait3A_1983 = arith.constant 0 : i32
      %dma_wait3A_1984 = tpu.memref_slice %arg8[%dma_wait3A_1980, %dma_wait3A_1982, %dma_wait3A_1983] : memref<8x400x16xf32, #tpu.memory_space<vmem>> -> memref<1x400x16xf32, #tpu.memory_space<vmem>>
      %dma_wait3A_1985 = tpu.memref_squeeze %dma_wait3A_1984 : memref<1x400x16xf32, #tpu.memory_space<vmem>> -> memref<400x16xf32, #tpu.memory_space<vmem>>
      %dma_wait3A_1986 = arith.constant 0 : i32
      %dma_wait3A_1987 = tpu.memref_slice %arg6[%add3A_1979, %dma_wait3A_1986] : memref<25x400xi32, #tpu.memory_space<vmem>> -> memref<1x400xi32, #tpu.memory_space<vmem>>
      %dma_wait3A_1988 = tpu.memref_squeeze %dma_wait3A_1987 : memref<1x400xi32, #tpu.memory_space<vmem>> -> memref<400xi32, #tpu.memory_space<vmem>>
      %dma_wait3A_1989 = arith.constant 0 : i32
      %dma_wait3A_1990 = arith.constant 0 : i32
      %dma_wait3A_1991 = tpu.memref_slice %arg12[%dma_wait3A_1989, %dma_wait3A_1990] : memref<10000x16xf32, #tpu.memory_space<vmem_shared>> -> memref<10000x16xf32, #tpu.memory_space<vmem_shared>>
      %dma_wait3A_1992 = tpu.memref_slice %arg13[%dma_wait3A_1981] : memref<8x!tpu.dma_semaphore, #tpu.memory_space<semaphore_mem>> -> memref<1x!tpu.dma_semaphore, #tpu.memory_space<semaphore_mem>>
      %dma_wait3A_1993 = tpu.memref_squeeze %dma_wait3A_1992 : memref<1x!tpu.dma_semaphore, #tpu.memory_space<semaphore_mem>> -> memref<!tpu.dma_semaphore, #tpu.memory_space<semaphore_mem>>
      tpu.wait_indirect_dma semaphore(%dma_wait3A_1993 : memref<!tpu.dma_semaphore, #tpu.memory_space<semaphore_mem>>) src(%dma_wait3A_1991 : memref<10000x16xf32, #tpu.memory_space<vmem_shared>>) dst(%dma_wait3A_1985 : memref<400x16xf32, #tpu.memory_space<vmem>>)
      %add3A_1994 = arith.constant 3 : i32
      %add3A_1995 = arith.addi %mul3A_1797, %add3A_1994 : i32
      %dma_start3A_1996 = arith.constant 7 : i32
      %dma_start3A_1997 = arith.constant 7 : i32
      %dma_start3A_1998 = arith.constant 0 : i32
      %dma_start3A_1999 = arith.constant 0 : i32
      %dma_start3A_2000 = tpu.memref_slice %arg8[%dma_start3A_1996, %dma_start3A_1998, %dma_start3A_1999] : memref<8x400x16xf32, #tpu.memory_space<vmem>> -> memref<1x400x16xf32, #tpu.memory_space<vmem>>
      %dma_start3A_2001 = tpu.memref_squeeze %dma_start3A_2000 : memref<1x400x16xf32, #tpu.memory_space<vmem>> -> memref<400x16xf32, #tpu.memory_space<vmem>>
      %dma_start3A_2002 = arith.constant 0 : i32
      %dma_start3A_2003 = tpu.memref_slice %arg7[%add3A_1995, %dma_start3A_2002] : memref<25x400xi32, #tpu.memory_space<vmem>> -> memref<1x400xi32, #tpu.memory_space<vmem>>
      %dma_start3A_2004 = tpu.memref_squeeze %dma_start3A_2003 : memref<1x400xi32, #tpu.memory_space<vmem>> -> memref<400xi32, #tpu.memory_space<vmem>>
      %dma_start3A_2005 = arith.constant 0 : i32
      %dma_start3A_2006 = arith.constant 0 : i32
      %dma_start3A_2007 = tpu.memref_slice %arg11[%dma_start3A_2005, %dma_start3A_2006] : memref<10112x16xf32, #tpu.memory_space<vmem_shared>> -> memref<10112x16xf32, #tpu.memory_space<vmem_shared>>
      %dma_start3A_2008 = tpu.memref_slice %arg14[%dma_start3A_1997] : memref<8x!tpu.dma_semaphore, #tpu.memory_space<semaphore_mem>> -> memref<1x!tpu.dma_semaphore, #tpu.memory_space<semaphore_mem>>
      %dma_start3A_2009 = tpu.memref_squeeze %dma_start3A_2008 : memref<1x!tpu.dma_semaphore, #tpu.memory_space<semaphore_mem>> -> memref<!tpu.dma_semaphore, #tpu.memory_space<semaphore_mem>>
      tpu.enqueue_indirect_dma source(%dma_start3A_2001 : memref<400x16xf32, #tpu.memory_space<vmem>>) target(%dma_start3A_2007 : memref<10112x16xf32, #tpu.memory_space<vmem_shared>>) offsets(%dma_start3A_2004 : memref<400xi32, #tpu.memory_space<vmem>>) semaphore(%dma_start3A_2009 : memref<!tpu.dma_semaphore, #tpu.memory_space<semaphore_mem>>) {add = true}
    }
    %scan3A_1411 = arith.constant 3 : i32
    %dma_wait3A_1412 = arith.constant 0 : i32
    %dma_wait3A_1413 = arith.constant 16 : i32
    %dma_wait3A_1414 = arith.constant 0 : i32
    %dma_wait3A_1415 = arith.constant 0 : i32
    %dma_wait3A_1416 = arith.constant 0 : i32
    %dma_wait3A_1417 = tpu.memref_slice %arg8[%dma_wait3A_1412, %dma_wait3A_1415, %dma_wait3A_1416] : memref<8x400x16xf32, #tpu.memory_space<vmem>> -> memref<1x400x16xf32, #tpu.memory_space<vmem>>
    %dma_wait3A_1418 = tpu.memref_squeeze %dma_wait3A_1417 : memref<1x400x16xf32, #tpu.memory_space<vmem>> -> memref<400x16xf32, #tpu.memory_space<vmem>>
    %dma_wait3A_1419 = arith.constant 0 : i32
    %dma_wait3A_1420 = tpu.memref_slice %arg7[%dma_wait3A_1413, %dma_wait3A_1419] : memref<25x400xi32, #tpu.memory_space<vmem>> -> memref<1x400xi32, #tpu.memory_space<vmem>>
    %dma_wait3A_1421 = tpu.memref_squeeze %dma_wait3A_1420 : memref<1x400xi32, #tpu.memory_space<vmem>> -> memref<400xi32, #tpu.memory_space<vmem>>
    %dma_wait3A_1422 = arith.constant 0 : i32
    %dma_wait3A_1423 = arith.constant 0 : i32
    %dma_wait3A_1424 = tpu.memref_slice %arg11[%dma_wait3A_1422, %dma_wait3A_1423] : memref<10112x16xf32, #tpu.memory_space<vmem_shared>> -> memref<10112x16xf32, #tpu.memory_space<vmem_shared>>
    %dma_wait3A_1425 = tpu.memref_slice %arg14[%dma_wait3A_1414] : memref<8x!tpu.dma_semaphore, #tpu.memory_space<semaphore_mem>> -> memref<1x!tpu.dma_semaphore, #tpu.memory_space<semaphore_mem>>
    %dma_wait3A_1426 = tpu.memref_squeeze %dma_wait3A_1425 : memref<1x!tpu.dma_semaphore, #tpu.memory_space<semaphore_mem>> -> memref<!tpu.dma_semaphore, #tpu.memory_space<semaphore_mem>>
    tpu.wait_indirect_dma semaphore(%dma_wait3A_1426 : memref<!tpu.dma_semaphore, #tpu.memory_space<semaphore_mem>>) src(%dma_wait3A_1418 : memref<400x16xf32, #tpu.memory_space<vmem>>) dst(%dma_wait3A_1424 : memref<10112x16xf32, #tpu.memory_space<vmem_shared>>)
    %dma_wait3A_1427 = arith.constant 1 : i32
    %dma_wait3A_1428 = arith.constant 17 : i32
    %dma_wait3A_1429 = arith.constant 1 : i32
    %dma_wait3A_1430 = arith.constant 0 : i32
    %dma_wait3A_1431 = arith.constant 0 : i32
    %dma_wait3A_1432 = tpu.memref_slice %arg8[%dma_wait3A_1427, %dma_wait3A_1430, %dma_wait3A_1431] : memref<8x400x16xf32, #tpu.memory_space<vmem>> -> memref<1x400x16xf32, #tpu.memory_space<vmem>>
    %dma_wait3A_1433 = tpu.memref_squeeze %dma_wait3A_1432 : memref<1x400x16xf32, #tpu.memory_space<vmem>> -> memref<400x16xf32, #tpu.memory_space<vmem>>
    %dma_wait3A_1434 = arith.constant 0 : i32
    %dma_wait3A_1435 = tpu.memref_slice %arg7[%dma_wait3A_1428, %dma_wait3A_1434] : memref<25x400xi32, #tpu.memory_space<vmem>> -> memref<1x400xi32, #tpu.memory_space<vmem>>
    %dma_wait3A_1436 = tpu.memref_squeeze %dma_wait3A_1435 : memref<1x400xi32, #tpu.memory_space<vmem>> -> memref<400xi32, #tpu.memory_space<vmem>>
    %dma_wait3A_1437 = arith.constant 0 : i32
    %dma_wait3A_1438 = arith.constant 0 : i32
    %dma_wait3A_1439 = tpu.memref_slice %arg11[%dma_wait3A_1437, %dma_wait3A_1438] : memref<10112x16xf32, #tpu.memory_space<vmem_shared>> -> memref<10112x16xf32, #tpu.memory_space<vmem_shared>>
    %dma_wait3A_1440 = tpu.memref_slice %arg14[%dma_wait3A_1429] : memref<8x!tpu.dma_semaphore, #tpu.memory_space<semaphore_mem>> -> memref<1x!tpu.dma_semaphore, #tpu.memory_space<semaphore_mem>>
    %dma_wait3A_1441 = tpu.memref_squeeze %dma_wait3A_1440 : memref<1x!tpu.dma_semaphore, #tpu.memory_space<semaphore_mem>> -> memref<!tpu.dma_semaphore, #tpu.memory_space<semaphore_mem>>
    tpu.wait_indirect_dma semaphore(%dma_wait3A_1441 : memref<!tpu.dma_semaphore, #tpu.memory_space<semaphore_mem>>) src(%dma_wait3A_1433 : memref<400x16xf32, #tpu.memory_space<vmem>>) dst(%dma_wait3A_1439 : memref<10112x16xf32, #tpu.memory_space<vmem_shared>>)
    %dma_wait3A_1442 = arith.constant 2 : i32
    %dma_wait3A_1443 = arith.constant 18 : i32
    %dma_wait3A_1444 = arith.constant 2 : i32
    %dma_wait3A_1445 = arith.constant 0 : i32
    %dma_wait3A_1446 = arith.constant 0 : i32
    %dma_wait3A_1447 = tpu.memref_slice %arg8[%dma_wait3A_1442, %dma_wait3A_1445, %dma_wait3A_1446] : memref<8x400x16xf32, #tpu.memory_space<vmem>> -> memref<1x400x16xf32, #tpu.memory_space<vmem>>
    %dma_wait3A_1448 = tpu.memref_squeeze %dma_wait3A_1447 : memref<1x400x16xf32, #tpu.memory_space<vmem>> -> memref<400x16xf32, #tpu.memory_space<vmem>>
    %dma_wait3A_1449 = arith.constant 0 : i32
    %dma_wait3A_1450 = tpu.memref_slice %arg7[%dma_wait3A_1443, %dma_wait3A_1449] : memref<25x400xi32, #tpu.memory_space<vmem>> -> memref<1x400xi32, #tpu.memory_space<vmem>>
    %dma_wait3A_1451 = tpu.memref_squeeze %dma_wait3A_1450 : memref<1x400xi32, #tpu.memory_space<vmem>> -> memref<400xi32, #tpu.memory_space<vmem>>
    %dma_wait3A_1452 = arith.constant 0 : i32
    %dma_wait3A_1453 = arith.constant 0 : i32
    %dma_wait3A_1454 = tpu.memref_slice %arg11[%dma_wait3A_1452, %dma_wait3A_1453] : memref<10112x16xf32, #tpu.memory_space<vmem_shared>> -> memref<10112x16xf32, #tpu.memory_space<vmem_shared>>
    %dma_wait3A_1455 = tpu.memref_slice %arg14[%dma_wait3A_1444] : memref<8x!tpu.dma_semaphore, #tpu.memory_space<semaphore_mem>> -> memref<1x!tpu.dma_semaphore, #tpu.memory_space<semaphore_mem>>
    %dma_wait3A_1456 = tpu.memref_squeeze %dma_wait3A_1455 : memref<1x!tpu.dma_semaphore, #tpu.memory_space<semaphore_mem>> -> memref<!tpu.dma_semaphore, #tpu.memory_space<semaphore_mem>>
    tpu.wait_indirect_dma semaphore(%dma_wait3A_1456 : memref<!tpu.dma_semaphore, #tpu.memory_space<semaphore_mem>>) src(%dma_wait3A_1448 : memref<400x16xf32, #tpu.memory_space<vmem>>) dst(%dma_wait3A_1454 : memref<10112x16xf32, #tpu.memory_space<vmem_shared>>)
    %dma_wait3A_1457 = arith.constant 3 : i32
    %dma_wait3A_1458 = arith.constant 19 : i32
    %dma_wait3A_1459 = arith.constant 3 : i32
    %dma_wait3A_1460 = arith.constant 0 : i32
    %dma_wait3A_1461 = arith.constant 0 : i32
    %dma_wait3A_1462 = tpu.memref_slice %arg8[%dma_wait3A_1457, %dma_wait3A_1460, %dma_wait3A_1461] : memref<8x400x16xf32, #tpu.memory_space<vmem>> -> memref<1x400x16xf32, #tpu.memory_space<vmem>>
    %dma_wait3A_1463 = tpu.memref_squeeze %dma_wait3A_1462 : memref<1x400x16xf32, #tpu.memory_space<vmem>> -> memref<400x16xf32, #tpu.memory_space<vmem>>
    %dma_wait3A_1464 = arith.constant 0 : i32
    %dma_wait3A_1465 = tpu.memref_slice %arg7[%dma_wait3A_1458, %dma_wait3A_1464] : memref<25x400xi32, #tpu.memory_space<vmem>> -> memref<1x400xi32, #tpu.memory_space<vmem>>
    %dma_wait3A_1466 = tpu.memref_squeeze %dma_wait3A_1465 : memref<1x400xi32, #tpu.memory_space<vmem>> -> memref<400xi32, #tpu.memory_space<vmem>>
    %dma_wait3A_1467 = arith.constant 0 : i32
    %dma_wait3A_1468 = arith.constant 0 : i32
    %dma_wait3A_1469 = tpu.memref_slice %arg11[%dma_wait3A_1467, %dma_wait3A_1468] : memref<10112x16xf32, #tpu.memory_space<vmem_shared>> -> memref<10112x16xf32, #tpu.memory_space<vmem_shared>>
    %dma_wait3A_1470 = tpu.memref_slice %arg14[%dma_wait3A_1459] : memref<8x!tpu.dma_semaphore, #tpu.memory_space<semaphore_mem>> -> memref<1x!tpu.dma_semaphore, #tpu.memory_space<semaphore_mem>>
    %dma_wait3A_1471 = tpu.memref_squeeze %dma_wait3A_1470 : memref<1x!tpu.dma_semaphore, #tpu.memory_space<semaphore_mem>> -> memref<!tpu.dma_semaphore, #tpu.memory_space<semaphore_mem>>
    tpu.wait_indirect_dma semaphore(%dma_wait3A_1471 : memref<!tpu.dma_semaphore, #tpu.memory_space<semaphore_mem>>) src(%dma_wait3A_1463 : memref<400x16xf32, #tpu.memory_space<vmem>>) dst(%dma_wait3A_1469 : memref<10112x16xf32, #tpu.memory_space<vmem_shared>>)
    %dma_wait3A_1472 = arith.constant 4 : i32
    %dma_wait3A_1473 = arith.constant 20 : i32
    %dma_wait3A_1474 = arith.constant 4 : i32
    %dma_wait3A_1475 = arith.constant 0 : i32
    %dma_wait3A_1476 = arith.constant 0 : i32
    %dma_wait3A_1477 = tpu.memref_slice %arg8[%dma_wait3A_1472, %dma_wait3A_1475, %dma_wait3A_1476] : memref<8x400x16xf32, #tpu.memory_space<vmem>> -> memref<1x400x16xf32, #tpu.memory_space<vmem>>
    %dma_wait3A_1478 = tpu.memref_squeeze %dma_wait3A_1477 : memref<1x400x16xf32, #tpu.memory_space<vmem>> -> memref<400x16xf32, #tpu.memory_space<vmem>>
    %dma_wait3A_1479 = arith.constant 0 : i32
    %dma_wait3A_1480 = tpu.memref_slice %arg7[%dma_wait3A_1473, %dma_wait3A_1479] : memref<25x400xi32, #tpu.memory_space<vmem>> -> memref<1x400xi32, #tpu.memory_space<vmem>>
    %dma_wait3A_1481 = tpu.memref_squeeze %dma_wait3A_1480 : memref<1x400xi32, #tpu.memory_space<vmem>> -> memref<400xi32, #tpu.memory_space<vmem>>
    %dma_wait3A_1482 = arith.constant 0 : i32
    %dma_wait3A_1483 = arith.constant 0 : i32
    %dma_wait3A_1484 = tpu.memref_slice %arg11[%dma_wait3A_1482, %dma_wait3A_1483] : memref<10112x16xf32, #tpu.memory_space<vmem_shared>> -> memref<10112x16xf32, #tpu.memory_space<vmem_shared>>
    %dma_wait3A_1485 = tpu.memref_slice %arg14[%dma_wait3A_1474] : memref<8x!tpu.dma_semaphore, #tpu.memory_space<semaphore_mem>> -> memref<1x!tpu.dma_semaphore, #tpu.memory_space<semaphore_mem>>
    %dma_wait3A_1486 = tpu.memref_squeeze %dma_wait3A_1485 : memref<1x!tpu.dma_semaphore, #tpu.memory_space<semaphore_mem>> -> memref<!tpu.dma_semaphore, #tpu.memory_space<semaphore_mem>>
    tpu.wait_indirect_dma semaphore(%dma_wait3A_1486 : memref<!tpu.dma_semaphore, #tpu.memory_space<semaphore_mem>>) src(%dma_wait3A_1478 : memref<400x16xf32, #tpu.memory_space<vmem>>) dst(%dma_wait3A_1484 : memref<10112x16xf32, #tpu.memory_space<vmem_shared>>)
    %dma_wait3A_1487 = arith.constant 5 : i32
    %dma_wait3A_1488 = arith.constant 21 : i32
    %dma_wait3A_1489 = arith.constant 5 : i32
    %dma_wait3A_1490 = arith.constant 0 : i32
    %dma_wait3A_1491 = arith.constant 0 : i32
    %dma_wait3A_1492 = tpu.memref_slice %arg8[%dma_wait3A_1487, %dma_wait3A_1490, %dma_wait3A_1491] : memref<8x400x16xf32, #tpu.memory_space<vmem>> -> memref<1x400x16xf32, #tpu.memory_space<vmem>>
    %dma_wait3A_1493 = tpu.memref_squeeze %dma_wait3A_1492 : memref<1x400x16xf32, #tpu.memory_space<vmem>> -> memref<400x16xf32, #tpu.memory_space<vmem>>
    %dma_wait3A_1494 = arith.constant 0 : i32
    %dma_wait3A_1495 = tpu.memref_slice %arg7[%dma_wait3A_1488, %dma_wait3A_1494] : memref<25x400xi32, #tpu.memory_space<vmem>> -> memref<1x400xi32, #tpu.memory_space<vmem>>
    %dma_wait3A_1496 = tpu.memref_squeeze %dma_wait3A_1495 : memref<1x400xi32, #tpu.memory_space<vmem>> -> memref<400xi32, #tpu.memory_space<vmem>>
    %dma_wait3A_1497 = arith.constant 0 : i32
    %dma_wait3A_1498 = arith.constant 0 : i32
    %dma_wait3A_1499 = tpu.memref_slice %arg11[%dma_wait3A_1497, %dma_wait3A_1498] : memref<10112x16xf32, #tpu.memory_space<vmem_shared>> -> memref<10112x16xf32, #tpu.memory_space<vmem_shared>>
    %dma_wait3A_1500 = tpu.memref_slice %arg14[%dma_wait3A_1489] : memref<8x!tpu.dma_semaphore, #tpu.memory_space<semaphore_mem>> -> memref<1x!tpu.dma_semaphore, #tpu.memory_space<semaphore_mem>>
    %dma_wait3A_1501 = tpu.memref_squeeze %dma_wait3A_1500 : memref<1x!tpu.dma_semaphore, #tpu.memory_space<semaphore_mem>> -> memref<!tpu.dma_semaphore, #tpu.memory_space<semaphore_mem>>
    tpu.wait_indirect_dma semaphore(%dma_wait3A_1501 : memref<!tpu.dma_semaphore, #tpu.memory_space<semaphore_mem>>) src(%dma_wait3A_1493 : memref<400x16xf32, #tpu.memory_space<vmem>>) dst(%dma_wait3A_1499 : memref<10112x16xf32, #tpu.memory_space<vmem_shared>>)
    %dma_wait3A_1502 = arith.constant 6 : i32
    %dma_wait3A_1503 = arith.constant 22 : i32
    %dma_wait3A_1504 = arith.constant 6 : i32
    %dma_wait3A_1505 = arith.constant 0 : i32
    %dma_wait3A_1506 = arith.constant 0 : i32
    %dma_wait3A_1507 = tpu.memref_slice %arg8[%dma_wait3A_1502, %dma_wait3A_1505, %dma_wait3A_1506] : memref<8x400x16xf32, #tpu.memory_space<vmem>> -> memref<1x400x16xf32, #tpu.memory_space<vmem>>
    %dma_wait3A_1508 = tpu.memref_squeeze %dma_wait3A_1507 : memref<1x400x16xf32, #tpu.memory_space<vmem>> -> memref<400x16xf32, #tpu.memory_space<vmem>>
    %dma_wait3A_1509 = arith.constant 0 : i32
    %dma_wait3A_1510 = tpu.memref_slice %arg7[%dma_wait3A_1503, %dma_wait3A_1509] : memref<25x400xi32, #tpu.memory_space<vmem>> -> memref<1x400xi32, #tpu.memory_space<vmem>>
    %dma_wait3A_1511 = tpu.memref_squeeze %dma_wait3A_1510 : memref<1x400xi32, #tpu.memory_space<vmem>> -> memref<400xi32, #tpu.memory_space<vmem>>
    %dma_wait3A_1512 = arith.constant 0 : i32
    %dma_wait3A_1513 = arith.constant 0 : i32
    %dma_wait3A_1514 = tpu.memref_slice %arg11[%dma_wait3A_1512, %dma_wait3A_1513] : memref<10112x16xf32, #tpu.memory_space<vmem_shared>> -> memref<10112x16xf32, #tpu.memory_space<vmem_shared>>
    %dma_wait3A_1515 = tpu.memref_slice %arg14[%dma_wait3A_1504] : memref<8x!tpu.dma_semaphore, #tpu.memory_space<semaphore_mem>> -> memref<1x!tpu.dma_semaphore, #tpu.memory_space<semaphore_mem>>
    %dma_wait3A_1516 = tpu.memref_squeeze %dma_wait3A_1515 : memref<1x!tpu.dma_semaphore, #tpu.memory_space<semaphore_mem>> -> memref<!tpu.dma_semaphore, #tpu.memory_space<semaphore_mem>>
    tpu.wait_indirect_dma semaphore(%dma_wait3A_1516 : memref<!tpu.dma_semaphore, #tpu.memory_space<semaphore_mem>>) src(%dma_wait3A_1508 : memref<400x16xf32, #tpu.memory_space<vmem>>) dst(%dma_wait3A_1514 : memref<10112x16xf32, #tpu.memory_space<vmem_shared>>)
    %dma_wait3A_1517 = arith.constant 7 : i32
    %dma_wait3A_1518 = arith.constant 23 : i32
    %dma_wait3A_1519 = arith.constant 7 : i32
    %dma_wait3A_1520 = arith.constant 0 : i32
    %dma_wait3A_1521 = arith.constant 0 : i32
    %dma_wait3A_1522 = tpu.memref_slice %arg8[%dma_wait3A_1517, %dma_wait3A_1520, %dma_wait3A_1521] : memref<8x400x16xf32, #tpu.memory_space<vmem>> -> memref<1x400x16xf32, #tpu.memory_space<vmem>>
    %dma_wait3A_1523 = tpu.memref_squeeze %dma_wait3A_1522 : memref<1x400x16xf32, #tpu.memory_space<vmem>> -> memref<400x16xf32, #tpu.memory_space<vmem>>
    %dma_wait3A_1524 = arith.constant 0 : i32
    %dma_wait3A_1525 = tpu.memref_slice %arg7[%dma_wait3A_1518, %dma_wait3A_1524] : memref<25x400xi32, #tpu.memory_space<vmem>> -> memref<1x400xi32, #tpu.memory_space<vmem>>
    %dma_wait3A_1526 = tpu.memref_squeeze %dma_wait3A_1525 : memref<1x400xi32, #tpu.memory_space<vmem>> -> memref<400xi32, #tpu.memory_space<vmem>>
    %dma_wait3A_1527 = arith.constant 0 : i32
    %dma_wait3A_1528 = arith.constant 0 : i32
    %dma_wait3A_1529 = tpu.memref_slice %arg11[%dma_wait3A_1527, %dma_wait3A_1528] : memref<10112x16xf32, #tpu.memory_space<vmem_shared>> -> memref<10112x16xf32, #tpu.memory_space<vmem_shared>>
    %dma_wait3A_1530 = tpu.memref_slice %arg14[%dma_wait3A_1519] : memref<8x!tpu.dma_semaphore, #tpu.memory_space<semaphore_mem>> -> memref<1x!tpu.dma_semaphore, #tpu.memory_space<semaphore_mem>>
    %dma_wait3A_1531 = tpu.memref_squeeze %dma_wait3A_1530 : memref<1x!tpu.dma_semaphore, #tpu.memory_space<semaphore_mem>> -> memref<!tpu.dma_semaphore, #tpu.memory_space<semaphore_mem>>
    tpu.wait_indirect_dma semaphore(%dma_wait3A_1531 : memref<!tpu.dma_semaphore, #tpu.memory_space<semaphore_mem>>) src(%dma_wait3A_1523 : memref<400x16xf32, #tpu.memory_space<vmem>>) dst(%dma_wait3A_1529 : memref<10112x16xf32, #tpu.memory_space<vmem_shared>>)
    %dma_start3A_1532 = arith.constant 24 : i32
    %dma_start3A_1533 = arith.constant 0 : i32
    %dma_start3A_1534 = arith.constant 0 : i32
    %dma_start3A_1535 = arith.constant 0 : i32
    %dma_start3A_1536 = arith.constant 0 : i32
    %dma_start3A_1537 = tpu.memref_slice %arg8[%dma_start3A_1533, %dma_start3A_1535, %dma_start3A_1536] : memref<8x400x16xf32, #tpu.memory_space<vmem>> -> memref<1x400x16xf32, #tpu.memory_space<vmem>>
    %dma_start3A_1538 = tpu.memref_squeeze %dma_start3A_1537 : memref<1x400x16xf32, #tpu.memory_space<vmem>> -> memref<400x16xf32, #tpu.memory_space<vmem>>
    %dma_start3A_1539 = arith.constant 0 : i32
    %dma_start3A_1540 = tpu.memref_slice %arg6[%dma_start3A_1532, %dma_start3A_1539] : memref<25x400xi32, #tpu.memory_space<vmem>> -> memref<1x400xi32, #tpu.memory_space<vmem>>
    %dma_start3A_1541 = tpu.memref_squeeze %dma_start3A_1540 : memref<1x400xi32, #tpu.memory_space<vmem>> -> memref<400xi32, #tpu.memory_space<vmem>>
    %dma_start3A_1542 = arith.constant 0 : i32
    %dma_start3A_1543 = arith.constant 0 : i32
    %dma_start3A_1544 = tpu.memref_slice %arg12[%dma_start3A_1542, %dma_start3A_1543] : memref<10000x16xf32, #tpu.memory_space<vmem_shared>> -> memref<10000x16xf32, #tpu.memory_space<vmem_shared>>
    %dma_start3A_1545 = tpu.memref_slice %arg13[%dma_start3A_1534] : memref<8x!tpu.dma_semaphore, #tpu.memory_space<semaphore_mem>> -> memref<1x!tpu.dma_semaphore, #tpu.memory_space<semaphore_mem>>
    %dma_start3A_1546 = tpu.memref_squeeze %dma_start3A_1545 : memref<1x!tpu.dma_semaphore, #tpu.memory_space<semaphore_mem>> -> memref<!tpu.dma_semaphore, #tpu.memory_space<semaphore_mem>>
    tpu.enqueue_indirect_dma source(%dma_start3A_1544 : memref<10000x16xf32, #tpu.memory_space<vmem_shared>>) target(%dma_start3A_1538 : memref<400x16xf32, #tpu.memory_space<vmem>>) offsets(%dma_start3A_1541 : memref<400xi32, #tpu.memory_space<vmem>>) semaphore(%dma_start3A_1546 : memref<!tpu.dma_semaphore, #tpu.memory_space<semaphore_mem>>)
    %dma_wait3A_1547 = arith.constant 24 : i32
    %dma_wait3A_1548 = arith.constant 0 : i32
    %dma_wait3A_1549 = arith.constant 0 : i32
    %dma_wait3A_1550 = arith.constant 0 : i32
    %dma_wait3A_1551 = arith.constant 0 : i32
    %dma_wait3A_1552 = tpu.memref_slice %arg8[%dma_wait3A_1548, %dma_wait3A_1550, %dma_wait3A_1551] : memref<8x400x16xf32, #tpu.memory_space<vmem>> -> memref<1x400x16xf32, #tpu.memory_space<vmem>>
    %dma_wait3A_1553 = tpu.memref_squeeze %dma_wait3A_1552 : memref<1x400x16xf32, #tpu.memory_space<vmem>> -> memref<400x16xf32, #tpu.memory_space<vmem>>
    %dma_wait3A_1554 = arith.constant 0 : i32
    %dma_wait3A_1555 = tpu.memref_slice %arg6[%dma_wait3A_1547, %dma_wait3A_1554] : memref<25x400xi32, #tpu.memory_space<vmem>> -> memref<1x400xi32, #tpu.memory_space<vmem>>
    %dma_wait3A_1556 = tpu.memref_squeeze %dma_wait3A_1555 : memref<1x400xi32, #tpu.memory_space<vmem>> -> memref<400xi32, #tpu.memory_space<vmem>>
    %dma_wait3A_1557 = arith.constant 0 : i32
    %dma_wait3A_1558 = arith.constant 0 : i32
    %dma_wait3A_1559 = tpu.memref_slice %arg12[%dma_wait3A_1557, %dma_wait3A_1558] : memref<10000x16xf32, #tpu.memory_space<vmem_shared>> -> memref<10000x16xf32, #tpu.memory_space<vmem_shared>>
    %dma_wait3A_1560 = tpu.memref_slice %arg13[%dma_wait3A_1549] : memref<8x!tpu.dma_semaphore, #tpu.memory_space<semaphore_mem>> -> memref<1x!tpu.dma_semaphore, #tpu.memory_space<semaphore_mem>>
    %dma_wait3A_1561 = tpu.memref_squeeze %dma_wait3A_1560 : memref<1x!tpu.dma_semaphore, #tpu.memory_space<semaphore_mem>> -> memref<!tpu.dma_semaphore, #tpu.memory_space<semaphore_mem>>
    tpu.wait_indirect_dma semaphore(%dma_wait3A_1561 : memref<!tpu.dma_semaphore, #tpu.memory_space<semaphore_mem>>) src(%dma_wait3A_1559 : memref<10000x16xf32, #tpu.memory_space<vmem_shared>>) dst(%dma_wait3A_1553 : memref<400x16xf32, #tpu.memory_space<vmem>>)
    %run_scoped3A = arith.constant 0 : i32
    %run_scoped3A_1562 = arith.constant 24 : i32
    "tpu.region"() ({
      %run_scoped3A_1574 = tpu.sem_alloc : memref<!tpu.dma_semaphore, #tpu.memory_space<semaphore_mem>>
      %dma_start3A_1575 = arith.constant 0 : i32
      %dma_start3A_1576 = arith.constant 0 : i32
      %dma_start3A_1577 = tpu.memref_slice %arg8[%run_scoped3A, %dma_start3A_1575, %dma_start3A_1576] : memref<8x400x16xf32, #tpu.memory_space<vmem>> -> memref<1x400x16xf32, #tpu.memory_space<vmem>>
      %dma_start3A_1578 = tpu.memref_squeeze %dma_start3A_1577 : memref<1x400x16xf32, #tpu.memory_space<vmem>> -> memref<400x16xf32, #tpu.memory_space<vmem>>
      %dma_start3A_1579 = arith.constant 0 : i32
      %dma_start3A_1580 = tpu.memref_slice %arg7[%run_scoped3A_1562, %dma_start3A_1579] : memref<25x400xi32, #tpu.memory_space<vmem>> -> memref<1x400xi32, #tpu.memory_space<vmem>>
      %dma_start3A_1581 = tpu.memref_squeeze %dma_start3A_1580 : memref<1x400xi32, #tpu.memory_space<vmem>> -> memref<400xi32, #tpu.memory_space<vmem>>
      %dma_start3A_1582 = arith.constant 0 : i32
      %dma_start3A_1583 = arith.constant 0 : i32
      %dma_start3A_1584 = tpu.memref_slice %arg11[%dma_start3A_1582, %dma_start3A_1583] : memref<10112x16xf32, #tpu.memory_space<vmem_shared>> -> memref<10112x16xf32, #tpu.memory_space<vmem_shared>>
      tpu.enqueue_indirect_dma source(%dma_start3A_1578 : memref<400x16xf32, #tpu.memory_space<vmem>>) target(%dma_start3A_1584 : memref<10112x16xf32, #tpu.memory_space<vmem_shared>>) offsets(%dma_start3A_1581 : memref<400xi32, #tpu.memory_space<vmem>>) semaphore(%run_scoped3A_1574 : memref<!tpu.dma_semaphore, #tpu.memory_space<semaphore_mem>>) {add = true}
      %dma_wait3A_1585 = arith.constant 0 : i32
      %dma_wait3A_1586 = arith.constant 0 : i32
      %dma_wait3A_1587 = tpu.memref_slice %arg8[%run_scoped3A, %dma_wait3A_1585, %dma_wait3A_1586] : memref<8x400x16xf32, #tpu.memory_space<vmem>> -> memref<1x400x16xf32, #tpu.memory_space<vmem>>
      %dma_wait3A_1588 = tpu.memref_squeeze %dma_wait3A_1587 : memref<1x400x16xf32, #tpu.memory_space<vmem>> -> memref<400x16xf32, #tpu.memory_space<vmem>>
      %dma_wait3A_1589 = arith.constant 0 : i32
      %dma_wait3A_1590 = tpu.memref_slice %arg7[%run_scoped3A_1562, %dma_wait3A_1589] : memref<25x400xi32, #tpu.memory_space<vmem>> -> memref<1x400xi32, #tpu.memory_space<vmem>>
      %dma_wait3A_1591 = tpu.memref_squeeze %dma_wait3A_1590 : memref<1x400xi32, #tpu.memory_space<vmem>> -> memref<400xi32, #tpu.memory_space<vmem>>
      %dma_wait3A_1592 = arith.constant 0 : i32
      %dma_wait3A_1593 = arith.constant 0 : i32
      %dma_wait3A_1594 = tpu.memref_slice %arg11[%dma_wait3A_1592, %dma_wait3A_1593] : memref<10112x16xf32, #tpu.memory_space<vmem_shared>> -> memref<10112x16xf32, #tpu.memory_space<vmem_shared>>
      tpu.wait_indirect_dma semaphore(%run_scoped3A_1574 : memref<!tpu.dma_semaphore, #tpu.memory_space<semaphore_mem>>) src(%dma_wait3A_1588 : memref<400x16xf32, #tpu.memory_space<vmem>>) dst(%dma_wait3A_1594 : memref<10112x16xf32, #tpu.memory_space<vmem_shared>>)
      tpu.yield
    }) : () -> ()
    %barrier3A_1563 = arith.constant 0 : index
    tpu.barrier barrier_id(%barrier3A_1563)
    %mul3A_1564 = arith.constant 632 : i32
    %mul3A_1565 = arith.muli %arg1, %mul3A_1564 : i32
    "tpu.region"() ({
      %run_scoped3A_1574 = tpu.sem_alloc : memref<!tpu.dma_semaphore, #tpu.memory_space<semaphore_mem>>
      %dma_start3A_1575 = arith.constant 0 : i32
      %dma_start3A_1576 = arith.constant 0 : i32
      %dma_start3A_1577 = tpu.memref_slice %arg10[%dma_start3A_1575, %dma_start3A_1576] : memref<1000x16xf32, #tpu.memory_space<vmem>> -> memref<632x16xf32, #tpu.memory_space<vmem>>
      %dma_start3A_1578 = arith.constant 0 : i32
      %dma_start3A_1579 = tpu.memref_slice %arg11[%mul3A_1565, %dma_start3A_1578] : memref<10112x16xf32, #tpu.memory_space<vmem_shared>> -> memref<632x16xf32, #tpu.memory_space<vmem_shared>>
      %dma_start3A_1580 = arith.constant 0 : i32
      %dma_start3A_1581 = arith.constant 0 : i32
      %dma_start3A_1582 = tpu.memref_slice %arg10[%dma_start3A_1580, %dma_start3A_1581] : memref<1000x16xf32, #tpu.memory_space<vmem>> -> memref<632x16xf32, #tpu.memory_space<vmem>>
      %dma_start3A_1583 = arith.constant 0 : i32
      %dma_start3A_1584 = tpu.memref_slice %arg11[%mul3A_1565, %dma_start3A_1583] : memref<10112x16xf32, #tpu.memory_space<vmem_shared>> -> memref<632x16xf32, #tpu.memory_space<vmem_shared>>
      tpu.enqueue_dma source(%dma_start3A_1584 : memref<632x16xf32, #tpu.memory_space<vmem_shared>>) target(%dma_start3A_1582 : memref<632x16xf32, #tpu.memory_space<vmem>>) target_semaphore(%run_scoped3A_1574 : memref<!tpu.dma_semaphore, #tpu.memory_space<semaphore_mem>>)
      %dma_wait3A_1585 = arith.constant 0 : i32
      %dma_wait3A_1586 = arith.constant 0 : i32
      %dma_wait3A_1587 = tpu.memref_slice %arg10[%dma_wait3A_1585, %dma_wait3A_1586] : memref<1000x16xf32, #tpu.memory_space<vmem>> -> memref<632x16xf32, #tpu.memory_space<vmem>>
      %dma_wait3A_1588 = arith.constant 0 : i32
      %dma_wait3A_1589 = tpu.memref_slice %arg11[%mul3A_1565, %dma_wait3A_1588] : memref<10112x16xf32, #tpu.memory_space<vmem_shared>> -> memref<632x16xf32, #tpu.memory_space<vmem_shared>>
      %dma_wait3A_1590 = arith.constant 0 : i32
      %dma_wait3A_1591 = arith.constant 0 : i32
      %dma_wait3A_1592 = tpu.memref_slice %arg10[%dma_wait3A_1590, %dma_wait3A_1591] : memref<1000x16xf32, #tpu.memory_space<vmem>> -> memref<632x16xf32, #tpu.memory_space<vmem>>
      %dma_wait3A_1593 = arith.constant 0 : i32
      %dma_wait3A_1594 = tpu.memref_slice %arg11[%mul3A_1565, %dma_wait3A_1593] : memref<10112x16xf32, #tpu.memory_space<vmem_shared>> -> memref<632x16xf32, #tpu.memory_space<vmem_shared>>
      tpu.wait_dma2 semaphore(%run_scoped3A_1574 : memref<!tpu.dma_semaphore, #tpu.memory_space<semaphore_mem>>) src(%dma_wait3A_1594 : memref<632x16xf32, #tpu.memory_space<vmem_shared>>) dst(%dma_wait3A_1592 : memref<632x16xf32, #tpu.memory_space<vmem>>)
      tpu.yield
    }) : () -> ()
    %scan3A_1566 = arith.constant 0 : i32
    %scan3A_1567 = arith.constant 0 : i32
    %scan3A_1568 = arith.constant 79 : i32
    %scan3A_1569 = arith.addi %scan3A_1567, %scan3A_1568 : i32
    %scan3A_1570 = arith.constant 1 : i32
    scf.for %scan3A_1574 = %scan3A_1567 to %scan3A_1569 step %scan3A_1570  : i32 {
      %mul3A_1575 = arith.constant 8 : i32
      %mul3A_1576 = arith.muli %mul3A_1575, %scan3A_1574 : i32
      %add3A_1577 = arith.constant 0 : i32
      %add3A_1578 = arith.addi %mul3A_1576, %add3A_1577 : i32
      %get3A = arith.index_cast %add3A_1578 : i32 to index
      %get3A_1579 = arith.constant 0 : index
      %get3A_1580 = tpu.vector_load %arg10[%get3A, %get3A_1579] {strides = array<i32>} : memref<1000x16xf32, #tpu.memory_space<vmem>>, vector<1x16xf32>,
      %get3A_1581 = vector.shape_cast %get3A_1580 : vector<1x16xf32> to vector<16xf32>
      %swap3A = arith.index_cast %scan3A_1574 : i32 to index
      %swap3A_1582 = arith.constant 0 : index
      %swap3A_1583 = tpu.vector_load %arg9[%swap3A, %swap3A_1582] {strides = array<i32>} : memref<125x128xf32, #tpu.memory_space<vmem>>, vector<1x16xf32>,
      %swap3A_1584 = vector.shape_cast %swap3A_1583 : vector<1x16xf32> to vector<16xf32>
      %swap3A_1585 = vector.shape_cast %get3A_1581 : vector<16xf32> to vector<1x16xf32>
      tpu.vector_store %arg9[%swap3A, %swap3A_1582], %swap3A_1585 {strides = array<i32>} : memref<125x128xf32, #tpu.memory_space<vmem>>, vector<1x16xf32>,
      %mul3A_1586 = arith.constant 8 : i32
      %mul3A_1587 = arith.muli %mul3A_1586, %scan3A_1574 : i32
      %add3A_1588 = arith.constant 1 : i32
      %add3A_1589 = arith.addi %mul3A_1587, %add3A_1588 : i32
      %get3A_1590 = arith.index_cast %add3A_1589 : i32 to index
      %get3A_1591 = arith.constant 0 : index
      %get3A_1592 = tpu.vector_load %arg10[%get3A_1590, %get3A_1591] {strides = array<i32>} : memref<1000x16xf32, #tpu.memory_space<vmem>>, vector<1x16xf32>,
      %get3A_1593 = vector.shape_cast %get3A_1592 : vector<1x16xf32> to vector<16xf32>
      %swap3A_1594 = arith.index_cast %scan3A_1574 : i32 to index
      %swap3A_1595 = arith.constant 16 : index
      %swap3A_1596 = tpu.vector_load %arg9[%swap3A_1594, %swap3A_1595] {strides = array<i32>} : memref<125x128xf32, #tpu.memory_space<vmem>>, vector<1x16xf32>,
      %swap3A_1597 = vector.shape_cast %swap3A_1596 : vector<1x16xf32> to vector<16xf32>
      %swap3A_1598 = vector.shape_cast %get3A_1593 : vector<16xf32> to vector<1x16xf32>
      tpu.vector_store %arg9[%swap3A_1594, %swap3A_1595], %swap3A_1598 {strides = array<i32>} : memref<125x128xf32, #tpu.memory_space<vmem>>, vector<1x16xf32>,
      %mul3A_1599 = arith.constant 8 : i32
      %mul3A_1600 = arith.muli %mul3A_1599, %scan3A_1574 : i32
      %add3A_1601 = arith.constant 2 : i32
      %add3A_1602 = arith.addi %mul3A_1600, %add3A_1601 : i32
      %get3A_1603 = arith.index_cast %add3A_1602 : i32 to index
      %get3A_1604 = arith.constant 0 : index
      %get3A_1605 = tpu.vector_load %arg10[%get3A_1603, %get3A_1604] {strides = array<i32>} : memref<1000x16xf32, #tpu.memory_space<vmem>>, vector<1x16xf32>,
      %get3A_1606 = vector.shape_cast %get3A_1605 : vector<1x16xf32> to vector<16xf32>
      %swap3A_1607 = arith.index_cast %scan3A_1574 : i32 to index
      %swap3A_1608 = arith.constant 32 : index
      %swap3A_1609 = tpu.vector_load %arg9[%swap3A_1607, %swap3A_1608] {strides = array<i32>} : memref<125x128xf32, #tpu.memory_space<vmem>>, vector<1x16xf32>,
      %swap3A_1610 = vector.shape_cast %swap3A_1609 : vector<1x16xf32> to vector<16xf32>
      %swap3A_1611 = vector.shape_cast %get3A_1606 : vector<16xf32> to vector<1x16xf32>
      tpu.vector_store %arg9[%swap3A_1607, %swap3A_1608], %swap3A_1611 {strides = array<i32>} : memref<125x128xf32, #tpu.memory_space<vmem>>, vector<1x16xf32>,
      %mul3A_1612 = arith.constant 8 : i32
      %mul3A_1613 = arith.muli %mul3A_1612, %scan3A_1574 : i32
      %add3A_1614 = arith.constant 3 : i32
      %add3A_1615 = arith.addi %mul3A_1613, %add3A_1614 : i32
      %get3A_1616 = arith.index_cast %add3A_1615 : i32 to index
      %get3A_1617 = arith.constant 0 : index
      %get3A_1618 = tpu.vector_load %arg10[%get3A_1616, %get3A_1617] {strides = array<i32>} : memref<1000x16xf32, #tpu.memory_space<vmem>>, vector<1x16xf32>,
      %get3A_1619 = vector.shape_cast %get3A_1618 : vector<1x16xf32> to vector<16xf32>
      %swap3A_1620 = arith.index_cast %scan3A_1574 : i32 to index
      %swap3A_1621 = arith.constant 48 : index
      %swap3A_1622 = tpu.vector_load %arg9[%swap3A_1620, %swap3A_1621] {strides = array<i32>} : memref<125x128xf32, #tpu.memory_space<vmem>>, vector<1x16xf32>,
      %swap3A_1623 = vector.shape_cast %swap3A_1622 : vector<1x16xf32> to vector<16xf32>
      %swap3A_1624 = vector.shape_cast %get3A_1619 : vector<16xf32> to vector<1x16xf32>
      tpu.vector_store %arg9[%swap3A_1620, %swap3A_1621], %swap3A_1624 {strides = array<i32>} : memref<125x128xf32, #tpu.memory_space<vmem>>, vector<1x16xf32>,
      %mul3A_1625 = arith.constant 8 : i32
      %mul3A_1626 = arith.muli %mul3A_1625, %scan3A_1574 : i32
      %add3A_1627 = arith.constant 4 : i32
      %add3A_1628 = arith.addi %mul3A_1626, %add3A_1627 : i32
      %get3A_1629 = arith.index_cast %add3A_1628 : i32 to index
      %get3A_1630 = arith.constant 0 : index
      %get3A_1631 = tpu.vector_load %arg10[%get3A_1629, %get3A_1630] {strides = array<i32>} : memref<1000x16xf32, #tpu.memory_space<vmem>>, vector<1x16xf32>,
      %get3A_1632 = vector.shape_cast %get3A_1631 : vector<1x16xf32> to vector<16xf32>
      %swap3A_1633 = arith.index_cast %scan3A_1574 : i32 to index
      %swap3A_1634 = arith.constant 64 : index
      %swap3A_1635 = tpu.vector_load %arg9[%swap3A_1633, %swap3A_1634] {strides = array<i32>} : memref<125x128xf32, #tpu.memory_space<vmem>>, vector<1x16xf32>,
      %swap3A_1636 = vector.shape_cast %swap3A_1635 : vector<1x16xf32> to vector<16xf32>
      %swap3A_1637 = vector.shape_cast %get3A_1632 : vector<16xf32> to vector<1x16xf32>
      tpu.vector_store %arg9[%swap3A_1633, %swap3A_1634], %swap3A_1637 {strides = array<i32>} : memref<125x128xf32, #tpu.memory_space<vmem>>, vector<1x16xf32>,
      %mul3A_1638 = arith.constant 8 : i32
      %mul3A_1639 = arith.muli %mul3A_1638, %scan3A_1574 : i32
      %add3A_1640 = arith.constant 5 : i32
      %add3A_1641 = arith.addi %mul3A_1639, %add3A_1640 : i32
      %get3A_1642 = arith.index_cast %add3A_1641 : i32 to index
      %get3A_1643 = arith.constant 0 : index
      %get3A_1644 = tpu.vector_load %arg10[%get3A_1642, %get3A_1643] {strides = array<i32>} : memref<1000x16xf32, #tpu.memory_space<vmem>>, vector<1x16xf32>,
      %get3A_1645 = vector.shape_cast %get3A_1644 : vector<1x16xf32> to vector<16xf32>
      %swap3A_1646 = arith.index_cast %scan3A_1574 : i32 to index
      %swap3A_1647 = arith.constant 80 : index
      %swap3A_1648 = tpu.vector_load %arg9[%swap3A_1646, %swap3A_1647] {strides = array<i32>} : memref<125x128xf32, #tpu.memory_space<vmem>>, vector<1x16xf32>,
      %swap3A_1649 = vector.shape_cast %swap3A_1648 : vector<1x16xf32> to vector<16xf32>
      %swap3A_1650 = vector.shape_cast %get3A_1645 : vector<16xf32> to vector<1x16xf32>
      tpu.vector_store %arg9[%swap3A_1646, %swap3A_1647], %swap3A_1650 {strides = array<i32>} : memref<125x128xf32, #tpu.memory_space<vmem>>, vector<1x16xf32>,
      %mul3A_1651 = arith.constant 8 : i32
      %mul3A_1652 = arith.muli %mul3A_1651, %scan3A_1574 : i32
      %add3A_1653 = arith.constant 6 : i32
      %add3A_1654 = arith.addi %mul3A_1652, %add3A_1653 : i32
      %get3A_1655 = arith.index_cast %add3A_1654 : i32 to index
      %get3A_1656 = arith.constant 0 : index
      %get3A_1657 = tpu.vector_load %arg10[%get3A_1655, %get3A_1656] {strides = array<i32>} : memref<1000x16xf32, #tpu.memory_space<vmem>>, vector<1x16xf32>,
      %get3A_1658 = vector.shape_cast %get3A_1657 : vector<1x16xf32> to vector<16xf32>
      %swap3A_1659 = arith.index_cast %scan3A_1574 : i32 to index
      %swap3A_1660 = arith.constant 96 : index
      %swap3A_1661 = tpu.vector_load %arg9[%swap3A_1659, %swap3A_1660] {strides = array<i32>} : memref<125x128xf32, #tpu.memory_space<vmem>>, vector<1x16xf32>,
      %swap3A_1662 = vector.shape_cast %swap3A_1661 : vector<1x16xf32> to vector<16xf32>
      %swap3A_1663 = vector.shape_cast %get3A_1658 : vector<16xf32> to vector<1x16xf32>
      tpu.vector_store %arg9[%swap3A_1659, %swap3A_1660], %swap3A_1663 {strides = array<i32>} : memref<125x128xf32, #tpu.memory_space<vmem>>, vector<1x16xf32>,
      %mul3A_1664 = arith.constant 8 : i32
      %mul3A_1665 = arith.muli %mul3A_1664, %scan3A_1574 : i32
      %add3A_1666 = arith.constant 7 : i32
      %add3A_1667 = arith.addi %mul3A_1665, %add3A_1666 : i32
      %get3A_1668 = arith.index_cast %add3A_1667 : i32 to index
      %get3A_1669 = arith.constant 0 : index
      %get3A_1670 = tpu.vector_load %arg10[%get3A_1668, %get3A_1669] {strides = array<i32>} : memref<1000x16xf32, #tpu.memory_space<vmem>>, vector<1x16xf32>,
      %get3A_1671 = vector.shape_cast %get3A_1670 : vector<1x16xf32> to vector<16xf32>
      %swap3A_1672 = arith.index_cast %scan3A_1574 : i32 to index
      %swap3A_1673 = arith.constant 112 : index
      %swap3A_1674 = tpu.vector_load %arg9[%swap3A_1672, %swap3A_1673] {strides = array<i32>} : memref<125x128xf32, #tpu.memory_space<vmem>>, vector<1x16xf32>,
      %swap3A_1675 = vector.shape_cast %swap3A_1674 : vector<1x16xf32> to vector<16xf32>
      %swap3A_1676 = vector.shape_cast %get3A_1671 : vector<16xf32> to vector<1x16xf32>
      tpu.vector_store %arg9[%swap3A_1672, %swap3A_1673], %swap3A_1676 {strides = array<i32>} : memref<125x128xf32, #tpu.memory_space<vmem>>, vector<1x16xf32>,
    }
    %scan3A_1571 = arith.constant 79 : i32
    %mul3A_1572 = arith.constant 79 : i32
    %mul3A_1573 = arith.muli %arg1, %mul3A_1572 : i32
    "tpu.region"() ({
      %run_scoped3A_1574 = tpu.sem_alloc : memref<!tpu.dma_semaphore, #tpu.memory_space<semaphore_mem>>
      %dma_start3A_1575 = arith.constant 0 : i32
      %dma_start3A_1576 = arith.constant 0 : i32
      %dma_start3A_1577 = tpu.memref_slice %arg9[%dma_start3A_1575, %dma_start3A_1576] : memref<125x128xf32, #tpu.memory_space<vmem>> -> memref<79x128xf32, #tpu.memory_space<vmem>>
      %dma_start3A_1578 = arith.constant 0 : i32
      %dma_start3A_1579 = tpu.memref_slice %arg5[%arg0, %mul3A_1573, %dma_start3A_1578] : memref<2x1264x128xf32, #tpu.memory_space<hbm>> -> memref<1x79x128xf32, #tpu.memory_space<hbm>>
      %dma_start3A_1580 = tpu.memref_squeeze %dma_start3A_1579 : memref<1x79x128xf32, #tpu.memory_space<hbm>> -> memref<79x128xf32, #tpu.memory_space<hbm>>
      %dma_start3A_1581 = arith.constant 0 : i32
      %dma_start3A_1582 = tpu.memref_slice %arg5[%arg0, %mul3A_1573, %dma_start3A_1581] : memref<2x1264x128xf32, #tpu.memory_space<hbm>> -> memref<1x79x128xf32, #tpu.memory_space<hbm>>
      %dma_start3A_1583 = tpu.memref_squeeze %dma_start3A_1582 : memref<1x79x128xf32, #tpu.memory_space<hbm>> -> memref<79x128xf32, #tpu.memory_space<hbm>>
      %dma_start3A_1584 = arith.constant 0 : i32
      %dma_start3A_1585 = arith.constant 0 : i32
      %dma_start3A_1586 = tpu.memref_slice %arg9[%dma_start3A_1584, %dma_start3A_1585] : memref<125x128xf32, #tpu.memory_space<vmem>> -> memref<79x128xf32, #tpu.memory_space<vmem>>
      tpu.enqueue_dma source(%dma_start3A_1586 : memref<79x128xf32, #tpu.memory_space<vmem>>) target(%dma_start3A_1583 : memref<79x128xf32, #tpu.memory_space<hbm>>) target_semaphore(%run_scoped3A_1574 : memref<!tpu.dma_semaphore, #tpu.memory_space<semaphore_mem>>)
      %dma_wait3A_1587 = arith.constant 0 : i32
      %dma_wait3A_1588 = arith.constant 0 : i32
      %dma_wait3A_1589 = tpu.memref_slice %arg9[%dma_wait3A_1587, %dma_wait3A_1588] : memref<125x128xf32, #tpu.memory_space<vmem>> -> memref<79x128xf32, #tpu.memory_space<vmem>>
      %dma_wait3A_1590 = arith.constant 0 : i32
      %dma_wait3A_1591 = tpu.memref_slice %arg5[%arg0, %mul3A_1573, %dma_wait3A_1590] : memref<2x1264x128xf32, #tpu.memory_space<hbm>> -> memref<1x79x128xf32, #tpu.memory_space<hbm>>
      %dma_wait3A_1592 = tpu.memref_squeeze %dma_wait3A_1591 : memref<1x79x128xf32, #tpu.memory_space<hbm>> -> memref<79x128xf32, #tpu.memory_space<hbm>>
      %dma_wait3A_1593 = arith.constant 0 : i32
      %dma_wait3A_1594 = tpu.memref_slice %arg5[%arg0, %mul3A_1573, %dma_wait3A_1593] : memref<2x1264x128xf32, #tpu.memory_space<hbm>> -> memref<1x79x128xf32, #tpu.memory_space<hbm>>
      %dma_wait3A_1595 = tpu.memref_squeeze %dma_wait3A_1594 : memref<1x79x128xf32, #tpu.memory_space<hbm>> -> memref<79x128xf32, #tpu.memory_space<hbm>>
      %dma_wait3A_1596 = arith.constant 0 : i32
      %dma_wait3A_1597 = arith.constant 0 : i32
      %dma_wait3A_1598 = tpu.memref_slice %arg9[%dma_wait3A_1596, %dma_wait3A_1597] : memref<125x128xf32, #tpu.memory_space<vmem>> -> memref<79x128xf32, #tpu.memory_space<vmem>>
      tpu.wait_dma2 semaphore(%run_scoped3A_1574 : memref<!tpu.dma_semaphore, #tpu.memory_space<semaphore_mem>>) src(%dma_wait3A_1598 : memref<79x128xf32, #tpu.memory_space<vmem>>) dst(%dma_wait3A_1595 : memref<79x128xf32, #tpu.memory_space<hbm>>)
      tpu.yield
    }) : () -> ()
    return
  }
}

module attributes {stable_mosaic.version = 14 : i64} {
  func.func @_mm1_body(%arg0: memref<1250x1024xf32, #tpu.memory_space<vmem>>, %arg1: memref<128x16xf32, #tpu.memory_space<vmem>>, %arg2: memref<1250x128xf32, #tpu.memory_space<vmem>>) attributes {dimension_semantics = [], scalar_prefetch = 0 : i64, scratch_operands = 0 : i64, tpu.core_type = #tpu.core_type<tc>} {
    %get3A = arith.constant 0 : index
    %get3A_0 = arith.constant 0 : index
    %get3A_1 = vector.load %arg0[%get3A, %get3A_0] : memref<1250x1024xf32, #tpu.memory_space<vmem>>, vector<1250x1024xf32>
    %get3A_2 = arith.constant 0 : index
    %get3A_3 = arith.constant 0 : index
    %get3A_4 = vector.load %arg1[%get3A_2, %get3A_3] : memref<128x16xf32, #tpu.memory_space<vmem>>, vector<128x16xf32>
    %jit3A = arith.constant 0 : i32
    %convert_element_type3A = arith.sitofp %jit3A : i32 to f32
    %pad3A = vector.broadcast %convert_element_type3A : f32 to vector<128x112xf32>
    %pad3A_5 = tpu.concatenate %get3A_4, %pad3A in 1 : vector<128x16xf32>, vector<128x112xf32> -> vector<128x128xf32>
    %get3A_6 = arith.constant 0 : index
    %get3A_7 = arith.constant 0 : index
    %get3A_8 = vector.load %arg1[%get3A_6, %get3A_7] : memref<128x16xf32, #tpu.memory_space<vmem>>, vector<128x16xf32>
    %jit3A_9 = arith.constant 0 : i32
    %convert_element_type3A_10 = arith.sitofp %jit3A_9 : i32 to f32
    %pad3A_11 = vector.broadcast %convert_element_type3A_10 : f32 to vector<128x16xf32>
    %pad3A_12 = tpu.concatenate %pad3A_11, %get3A_8 in 1 : vector<128x16xf32>, vector<128x16xf32> -> vector<128x32xf32>
    %pad3A_13 = vector.broadcast %convert_element_type3A_10 : f32 to vector<128x96xf32>
    %pad3A_14 = tpu.concatenate %pad3A_12, %pad3A_13 in 1 : vector<128x32xf32>, vector<128x96xf32> -> vector<128x128xf32>
    %get3A_15 = arith.constant 0 : index
    %get3A_16 = arith.constant 0 : index
    %get3A_17 = vector.load %arg1[%get3A_15, %get3A_16] : memref<128x16xf32, #tpu.memory_space<vmem>>, vector<128x16xf32>
    %jit3A_18 = arith.constant 0 : i32
    %convert_element_type3A_19 = arith.sitofp %jit3A_18 : i32 to f32
    %pad3A_20 = vector.broadcast %convert_element_type3A_19 : f32 to vector<128x32xf32>
    %pad3A_21 = tpu.concatenate %pad3A_20, %get3A_17 in 1 : vector<128x32xf32>, vector<128x16xf32> -> vector<128x48xf32>
    %pad3A_22 = vector.broadcast %convert_element_type3A_19 : f32 to vector<128x80xf32>
    %pad3A_23 = tpu.concatenate %pad3A_21, %pad3A_22 in 1 : vector<128x48xf32>, vector<128x80xf32> -> vector<128x128xf32>
    %get3A_24 = arith.constant 0 : index
    %get3A_25 = arith.constant 0 : index
    %get3A_26 = vector.load %arg1[%get3A_24, %get3A_25] : memref<128x16xf32, #tpu.memory_space<vmem>>, vector<128x16xf32>
    %jit3A_27 = arith.constant 0 : i32
    %convert_element_type3A_28 = arith.sitofp %jit3A_27 : i32 to f32
    %pad3A_29 = vector.broadcast %convert_element_type3A_28 : f32 to vector<128x48xf32>
    %pad3A_30 = tpu.concatenate %pad3A_29, %get3A_26 in 1 : vector<128x48xf32>, vector<128x16xf32> -> vector<128x64xf32>
    %pad3A_31 = vector.broadcast %convert_element_type3A_28 : f32 to vector<128x64xf32>
    %pad3A_32 = tpu.concatenate %pad3A_30, %pad3A_31 in 1 : vector<128x64xf32>, vector<128x64xf32> -> vector<128x128xf32>
    %get3A_33 = arith.constant 0 : index
    %get3A_34 = arith.constant 0 : index
    %get3A_35 = vector.load %arg1[%get3A_33, %get3A_34] : memref<128x16xf32, #tpu.memory_space<vmem>>, vector<128x16xf32>
    %jit3A_36 = arith.constant 0 : i32
    %convert_element_type3A_37 = arith.sitofp %jit3A_36 : i32 to f32
    %pad3A_38 = vector.broadcast %convert_element_type3A_37 : f32 to vector<128x64xf32>
    %pad3A_39 = tpu.concatenate %pad3A_38, %get3A_35 in 1 : vector<128x64xf32>, vector<128x16xf32> -> vector<128x80xf32>
    %pad3A_40 = vector.broadcast %convert_element_type3A_37 : f32 to vector<128x48xf32>
    %pad3A_41 = tpu.concatenate %pad3A_39, %pad3A_40 in 1 : vector<128x80xf32>, vector<128x48xf32> -> vector<128x128xf32>
    %get3A_42 = arith.constant 0 : index
    %get3A_43 = arith.constant 0 : index
    %get3A_44 = vector.load %arg1[%get3A_42, %get3A_43] : memref<128x16xf32, #tpu.memory_space<vmem>>, vector<128x16xf32>
    %jit3A_45 = arith.constant 0 : i32
    %convert_element_type3A_46 = arith.sitofp %jit3A_45 : i32 to f32
    %pad3A_47 = vector.broadcast %convert_element_type3A_46 : f32 to vector<128x80xf32>
    %pad3A_48 = tpu.concatenate %pad3A_47, %get3A_44 in 1 : vector<128x80xf32>, vector<128x16xf32> -> vector<128x96xf32>
    %pad3A_49 = vector.broadcast %convert_element_type3A_46 : f32 to vector<128x32xf32>
    %pad3A_50 = tpu.concatenate %pad3A_48, %pad3A_49 in 1 : vector<128x96xf32>, vector<128x32xf32> -> vector<128x128xf32>
    %get3A_51 = arith.constant 0 : index
    %get3A_52 = arith.constant 0 : index
    %get3A_53 = vector.load %arg1[%get3A_51, %get3A_52] : memref<128x16xf32, #tpu.memory_space<vmem>>, vector<128x16xf32>
    %jit3A_54 = arith.constant 0 : i32
    %convert_element_type3A_55 = arith.sitofp %jit3A_54 : i32 to f32
    %pad3A_56 = vector.broadcast %convert_element_type3A_55 : f32 to vector<128x96xf32>
    %pad3A_57 = tpu.concatenate %pad3A_56, %get3A_53 in 1 : vector<128x96xf32>, vector<128x16xf32> -> vector<128x112xf32>
    %pad3A_58 = vector.broadcast %convert_element_type3A_55 : f32 to vector<128x16xf32>
    %pad3A_59 = tpu.concatenate %pad3A_57, %pad3A_58 in 1 : vector<128x112xf32>, vector<128x16xf32> -> vector<128x128xf32>
    %get3A_60 = arith.constant 0 : index
    %get3A_61 = arith.constant 0 : index
    %get3A_62 = vector.load %arg1[%get3A_60, %get3A_61] : memref<128x16xf32, #tpu.memory_space<vmem>>, vector<128x16xf32>
    %jit3A_63 = arith.constant 0 : i32
    %convert_element_type3A_64 = arith.sitofp %jit3A_63 : i32 to f32
    %pad3A_65 = vector.broadcast %convert_element_type3A_64 : f32 to vector<128x112xf32>
    %pad3A_66 = tpu.concatenate %pad3A_65, %get3A_62 in 1 : vector<128x112xf32>, vector<128x16xf32> -> vector<128x128xf32>
    %concatenate3A = tpu.concatenate %pad3A_5, %pad3A_14, %pad3A_23, %pad3A_32, %pad3A_41, %pad3A_50, %pad3A_59, %pad3A_66 in 0 : vector<128x128xf32>, vector<128x128xf32>, vector<128x128xf32>, vector<128x128xf32>, vector<128x128xf32>, vector<128x128xf32>, vector<128x128xf32>, vector<128x128xf32> -> vector<1024x128xf32>
    %dot_general3A = arith.constant dense<0.000000e+00> : vector<1250x128xf32>
    %dot_general3A_67 = tpu.matmul %get3A_1, %concatenate3A, %dot_general3A {dimension_numbers = #tpu.dot_dimension_numbers<[1], [0], [0], [1], [0, 0, 1, 1], [], []>, precision = #tpu.contract_precision<fp32>, transpose_lhs_hint = false} : vector<1250x1024xf32>, vector<1024x128xf32>, vector<1250x128xf32> -> vector<1250x128xf32>
    %swap3A = arith.constant 0 : index
    %swap3A_68 = arith.constant 0 : index
    %swap3A_69 = vector.load %arg2[%swap3A, %swap3A_68] : memref<1250x128xf32, #tpu.memory_space<vmem>>, vector<1250x128xf32>
    tpu.vector_store %arg2[%swap3A, %swap3A_68], %dot_general3A_67 {strides = array<i32>} : memref<1250x128xf32, #tpu.memory_space<vmem>>, vector<1250x128xf32>,
    return
  }
}

module attributes {stable_mosaic.version = 14 : i64} {
  func.func @_mlp2_body(%arg0: memref<1250x128xf32, #tpu.memory_space<vmem>>, %arg1: memref<2x1264x128xf32, #tpu.memory_space<vmem>>, %arg2: memref<16x16xf32, #tpu.memory_space<vmem>>, %arg3: memref<1x16xf32, #tpu.memory_space<vmem>>, %arg4: memref<1x16xf32, #tpu.memory_space<vmem>>, %arg5: memref<1x1xf32, #tpu.memory_space<vmem>>, %arg6: memref<1250x128xf32, #tpu.memory_space<vmem>>) attributes {dimension_semantics = [], scalar_prefetch = 0 : i64, scratch_operands = 0 : i64, tpu.core_type = #tpu.core_type<tc>} {
    %get3A = arith.constant 0 : index
    %get3A_0 = arith.constant 0 : index
    %get3A_1 = vector.load %arg3[%get3A, %get3A_0] : memref<1x16xf32, #tpu.memory_space<vmem>>, vector<1x16xf32>
    %concatenate3A = tpu.concatenate %get3A_1, %get3A_1, %get3A_1, %get3A_1, %get3A_1, %get3A_1, %get3A_1, %get3A_1 in 1 : vector<1x16xf32>, vector<1x16xf32>, vector<1x16xf32>, vector<1x16xf32>, vector<1x16xf32>, vector<1x16xf32>, vector<1x16xf32>, vector<1x16xf32> -> vector<1x128xf32>
    %get3A_2 = arith.constant 0 : index
    %get3A_3 = arith.constant 0 : index
    %get3A_4 = vector.load %arg4[%get3A_2, %get3A_3] : memref<1x16xf32, #tpu.memory_space<vmem>>, vector<1x16xf32>
    %concatenate3A_5 = tpu.concatenate %get3A_4, %get3A_4, %get3A_4, %get3A_4, %get3A_4, %get3A_4, %get3A_4, %get3A_4 in 1 : vector<1x16xf32>, vector<1x16xf32>, vector<1x16xf32>, vector<1x16xf32>, vector<1x16xf32>, vector<1x16xf32>, vector<1x16xf32>, vector<1x16xf32> -> vector<1x128xf32>
    %get3A_6 = arith.constant 0 : index
    %get3A_7 = arith.constant 0 : index
    %get3A_8 = vector.load %arg5[%get3A_6, %get3A_7] : memref<1x1xf32, #tpu.memory_space<vmem>>, vector<1x1xf32>
    %add3A = arith.constant 1.000000e+00 : f32
    %add3A_9 = vector.broadcast %add3A : f32 to vector<1x1xf32>
    %add3A_10 = arith.addf %add3A_9, %get3A_8 : vector<1x1xf32>
    %get3A_11 = arith.constant 0 : index
    %get3A_12 = arith.constant 0 : index
    %get3A_13 = vector.load %arg0[%get3A_11, %get3A_12] : memref<1250x128xf32, #tpu.memory_space<vmem>>, vector<1250x128xf32>
    %mul3A = vector.broadcast %add3A_10 : vector<1x1xf32> to vector<1250x128xf32>
    %mul3A_14 = arith.mulf %mul3A, %get3A_13 : vector<1250x128xf32>
    %get3A_15 = arith.constant 0 : index
    %get3A_16 = arith.constant 0 : index
    %get3A_17 = arith.constant 0 : index
    %get3A_18 = vector.load %arg1[%get3A_15, %get3A_16, %get3A_17] : memref<2x1264x128xf32, #tpu.memory_space<vmem>>, vector<1x1250x128xf32>
    %get3A_19 = vector.shape_cast %get3A_18 : vector<1x1250x128xf32> to vector<1250x128xf32>
    %add3A_20 = arith.addf %mul3A_14, %get3A_19 : vector<1250x128xf32>
    %get3A_21 = arith.constant 1 : index
    %get3A_22 = arith.constant 0 : index
    %get3A_23 = arith.constant 0 : index
    %get3A_24 = vector.load %arg1[%get3A_21, %get3A_22, %get3A_23] : memref<2x1264x128xf32, #tpu.memory_space<vmem>>, vector<1x1250x128xf32>
    %get3A_25 = vector.shape_cast %get3A_24 : vector<1x1250x128xf32> to vector<1250x128xf32>
    %add3A_26 = arith.addf %add3A_20, %get3A_25 : vector<1250x128xf32>
    %add3A_27 = vector.broadcast %concatenate3A : vector<1x128xf32> to vector<1250x128xf32>
    %add3A_28 = arith.addf %add3A_26, %add3A_27 : vector<1250x128xf32>
    %max3A = arith.constant 0.000000e+00 : f32
    %max3A_29 = vector.broadcast %max3A : f32 to vector<1250x128xf32>
    %max3A_30 = arith.maximumf %add3A_28, %max3A_29 : vector<1250x128xf32>
    %get3A_31 = arith.constant 0 : index
    %get3A_32 = arith.constant 0 : index
    %get3A_33 = vector.load %arg2[%get3A_31, %get3A_32] : memref<16x16xf32, #tpu.memory_space<vmem>>, vector<16x16xf32>
    %jit3A = arith.constant 0 : i32
    %convert_element_type3A = arith.sitofp %jit3A : i32 to f32
    %pad3A = vector.broadcast %convert_element_type3A : f32 to vector<16x112xf32>
    %pad3A_34 = tpu.concatenate %get3A_33, %pad3A in 1 : vector<16x16xf32>, vector<16x112xf32> -> vector<16x128xf32>
    %get3A_35 = arith.constant 0 : index
    %get3A_36 = arith.constant 0 : index
    %get3A_37 = vector.load %arg2[%get3A_35, %get3A_36] : memref<16x16xf32, #tpu.memory_space<vmem>>, vector<16x16xf32>
    %jit3A_38 = arith.constant 0 : i32
    %convert_element_type3A_39 = arith.sitofp %jit3A_38 : i32 to f32
    %pad3A_40 = vector.broadcast %convert_element_type3A_39 : f32 to vector<16x16xf32>
    %pad3A_41 = tpu.concatenate %pad3A_40, %get3A_37 in 1 : vector<16x16xf32>, vector<16x16xf32> -> vector<16x32xf32>
    %pad3A_42 = vector.broadcast %convert_element_type3A_39 : f32 to vector<16x96xf32>
    %pad3A_43 = tpu.concatenate %pad3A_41, %pad3A_42 in 1 : vector<16x32xf32>, vector<16x96xf32> -> vector<16x128xf32>
    %get3A_44 = arith.constant 0 : index
    %get3A_45 = arith.constant 0 : index
    %get3A_46 = vector.load %arg2[%get3A_44, %get3A_45] : memref<16x16xf32, #tpu.memory_space<vmem>>, vector<16x16xf32>
    %jit3A_47 = arith.constant 0 : i32
    %convert_element_type3A_48 = arith.sitofp %jit3A_47 : i32 to f32
    %pad3A_49 = vector.broadcast %convert_element_type3A_48 : f32 to vector<16x32xf32>
    %pad3A_50 = tpu.concatenate %pad3A_49, %get3A_46 in 1 : vector<16x32xf32>, vector<16x16xf32> -> vector<16x48xf32>
    %pad3A_51 = vector.broadcast %convert_element_type3A_48 : f32 to vector<16x80xf32>
    %pad3A_52 = tpu.concatenate %pad3A_50, %pad3A_51 in 1 : vector<16x48xf32>, vector<16x80xf32> -> vector<16x128xf32>
    %get3A_53 = arith.constant 0 : index
    %get3A_54 = arith.constant 0 : index
    %get3A_55 = vector.load %arg2[%get3A_53, %get3A_54] : memref<16x16xf32, #tpu.memory_space<vmem>>, vector<16x16xf32>
    %jit3A_56 = arith.constant 0 : i32
    %convert_element_type3A_57 = arith.sitofp %jit3A_56 : i32 to f32
    %pad3A_58 = vector.broadcast %convert_element_type3A_57 : f32 to vector<16x48xf32>
    %pad3A_59 = tpu.concatenate %pad3A_58, %get3A_55 in 1 : vector<16x48xf32>, vector<16x16xf32> -> vector<16x64xf32>
    %pad3A_60 = vector.broadcast %convert_element_type3A_57 : f32 to vector<16x64xf32>
    %pad3A_61 = tpu.concatenate %pad3A_59, %pad3A_60 in 1 : vector<16x64xf32>, vector<16x64xf32> -> vector<16x128xf32>
    %get3A_62 = arith.constant 0 : index
    %get3A_63 = arith.constant 0 : index
    %get3A_64 = vector.load %arg2[%get3A_62, %get3A_63] : memref<16x16xf32, #tpu.memory_space<vmem>>, vector<16x16xf32>
    %jit3A_65 = arith.constant 0 : i32
    %convert_element_type3A_66 = arith.sitofp %jit3A_65 : i32 to f32
    %pad3A_67 = vector.broadcast %convert_element_type3A_66 : f32 to vector<16x64xf32>
    %pad3A_68 = tpu.concatenate %pad3A_67, %get3A_64 in 1 : vector<16x64xf32>, vector<16x16xf32> -> vector<16x80xf32>
    %pad3A_69 = vector.broadcast %convert_element_type3A_66 : f32 to vector<16x48xf32>
    %pad3A_70 = tpu.concatenate %pad3A_68, %pad3A_69 in 1 : vector<16x80xf32>, vector<16x48xf32> -> vector<16x128xf32>
    %get3A_71 = arith.constant 0 : index
    %get3A_72 = arith.constant 0 : index
    %get3A_73 = vector.load %arg2[%get3A_71, %get3A_72] : memref<16x16xf32, #tpu.memory_space<vmem>>, vector<16x16xf32>
    %jit3A_74 = arith.constant 0 : i32
    %convert_element_type3A_75 = arith.sitofp %jit3A_74 : i32 to f32
    %pad3A_76 = vector.broadcast %convert_element_type3A_75 : f32 to vector<16x80xf32>
    %pad3A_77 = tpu.concatenate %pad3A_76, %get3A_73 in 1 : vector<16x80xf32>, vector<16x16xf32> -> vector<16x96xf32>
    %pad3A_78 = vector.broadcast %convert_element_type3A_75 : f32 to vector<16x32xf32>
    %pad3A_79 = tpu.concatenate %pad3A_77, %pad3A_78 in 1 : vector<16x96xf32>, vector<16x32xf32> -> vector<16x128xf32>
    %get3A_80 = arith.constant 0 : index
    %get3A_81 = arith.constant 0 : index
    %get3A_82 = vector.load %arg2[%get3A_80, %get3A_81] : memref<16x16xf32, #tpu.memory_space<vmem>>, vector<16x16xf32>
    %jit3A_83 = arith.constant 0 : i32
    %convert_element_type3A_84 = arith.sitofp %jit3A_83 : i32 to f32
    %pad3A_85 = vector.broadcast %convert_element_type3A_84 : f32 to vector<16x96xf32>
    %pad3A_86 = tpu.concatenate %pad3A_85, %get3A_82 in 1 : vector<16x96xf32>, vector<16x16xf32> -> vector<16x112xf32>
    %pad3A_87 = vector.broadcast %convert_element_type3A_84 : f32 to vector<16x16xf32>
    %pad3A_88 = tpu.concatenate %pad3A_86, %pad3A_87 in 1 : vector<16x112xf32>, vector<16x16xf32> -> vector<16x128xf32>
    %get3A_89 = arith.constant 0 : index
    %get3A_90 = arith.constant 0 : index
    %get3A_91 = vector.load %arg2[%get3A_89, %get3A_90] : memref<16x16xf32, #tpu.memory_space<vmem>>, vector<16x16xf32>
    %jit3A_92 = arith.constant 0 : i32
    %convert_element_type3A_93 = arith.sitofp %jit3A_92 : i32 to f32
    %pad3A_94 = vector.broadcast %convert_element_type3A_93 : f32 to vector<16x112xf32>
    %pad3A_95 = tpu.concatenate %pad3A_94, %get3A_91 in 1 : vector<16x112xf32>, vector<16x16xf32> -> vector<16x128xf32>
    %concatenate3A_96 = tpu.concatenate %pad3A_34, %pad3A_43, %pad3A_52, %pad3A_61, %pad3A_70, %pad3A_79, %pad3A_88, %pad3A_95 in 0 : vector<16x128xf32>, vector<16x128xf32>, vector<16x128xf32>, vector<16x128xf32>, vector<16x128xf32>, vector<16x128xf32>, vector<16x128xf32>, vector<16x128xf32> -> vector<128x128xf32>
    %dot_general3A = arith.constant dense<0.000000e+00> : vector<1250x128xf32>
    %dot_general3A_97 = tpu.matmul %max3A_30, %concatenate3A_96, %dot_general3A {dimension_numbers = #tpu.dot_dimension_numbers<[1], [0], [0], [1], [0, 0, 1, 1], [], []>, precision = #tpu.contract_precision<fp32>, transpose_lhs_hint = false} : vector<1250x128xf32>, vector<128x128xf32>, vector<1250x128xf32> -> vector<1250x128xf32>
    %add3A_98 = vector.broadcast %concatenate3A_5 : vector<1x128xf32> to vector<1250x128xf32>
    %add3A_99 = arith.addf %dot_general3A_97, %add3A_98 : vector<1250x128xf32>
    %max3A_100 = arith.constant 0.000000e+00 : f32
    %max3A_101 = vector.broadcast %max3A_100 : f32 to vector<1250x128xf32>
    %max3A_102 = arith.maximumf %add3A_99, %max3A_101 : vector<1250x128xf32>
    %swap3A = arith.constant 0 : index
    %swap3A_103 = arith.constant 0 : index
    %swap3A_104 = vector.load %arg6[%swap3A, %swap3A_103] : memref<1250x128xf32, #tpu.memory_space<vmem>>, vector<1250x128xf32>
    tpu.vector_store %arg6[%swap3A, %swap3A_103], %max3A_102 {strides = array<i32>} : memref<1250x128xf32, #tpu.memory_space<vmem>>, vector<1250x128xf32>,
    return
  }
}

</mosaic_0001>

<sc_bundles>
// kernel: kernel.5.cloned.1.call-start
scs
__scs_entry_jumppad:
0x0: {  	(pc) =	sbr.rel $0x88, $3  }
0x1: {  	(tag) =	ssettag $0x0;
	lr =	simm.s32 $0x1  }
0x2: {  	[smem:$0x3F9A] =	sst lr;
	_ =	strace $0xD0000000  }
0x3: {  	_ = 	snop  }
0x4: {  	_ = 	snop  }
0x5: {  	_ = 	snop  }
0x6: {  	_ = 	snop  }
0x7: {  	_ = 	snop  }
__scs_overlays_trampoline_lowered:
0x8: {  	[smem:$0x3FA9] =	sst s0  }
0x9: {  	[smem:$0x3FAA] =	sst s1  }
0xa: {  	[smem:$0x3FAB] =	sst s2  }
0xb: {  	[smem:$0x3FAC] =	sst s3  }
0xc: {  	[smem:$0x3FAD] =	sst s4  }
0xd: {  	[smem:$0x3FAE] =	sst s5  }
0xe: {  	[smem:$0x3FAF] =	sst s6  }
0xf: {  	[smem:$0x3FB0] =	sst s7  }
0x10: {  	[smem:$0x3FB1] =	sst s8  }
0x11: {  	[smem:$0x3FB2] =	sst s9;
	s0 =	simm.s32 @!p0 $0x0  }
0x12: {  	s1 =	sld [smem:$0x3F98];
	s0 =	simm.s32 @p0 $0x1  }
0x13: {  	[smem:$0x3FB3] =	sst s0;
	s0 =	simm.s32 @!p1 $0x0  }
0x14: {  	s2 =	sld [smem:$0x3F97];
	s0 =	simm.s32 @p1 $0x1  }
0x15: {  	[smem:$0x3FB4] =	sst s0;
	s0 =	simm.s32 @!p2 $0x0  }
0x16: {  	s3 =	sld [smem:$0x3FDB];
	s0 =	simm.s32 @p2 $0x1  }
0x17: {  	s4 =	simm.s32 $0x1BF5;
	[smem:$0x3FB6] =	sst s0  }
0x18: {  	s0 =	sld [smem:$0x3F99];
	_ =	swait.ge [sflag:s4], $0x0  }
0x19: {  	s7 =	sld [smem:$0x3F9A]  }
0x1a: {  	s8 =	sadd.s32 $0xFFFFE003, lr  }
0x1b: {  	s9 =	sadd.s32 $0xFFFFFEF7, lr;
	s5 =	simm.s32 $0xFFFFFFFF;
	p2 =	slt.u32 s8, $0xFFFFF086  }
0x1c: {  	p1 =	slt.u32 s9, $0xF7A;
	s5 =	simm.s32 @!p2 $0x0  }
0x1d: {  	s5 =	simm.s32 @p1 $0x1;
	p0 =	seq.s32 s7, s2  }
0x1e: {  	s7 =	smul.u32 @!p0 $0xF7A, s2;
	p2 =	seq.s32 @!p0 s5, $0x0  }
0x1f: {  	s9 =	smul.u32 $0xF7A, s1;
	s8 =	simm.s32 @!p0 $0x1BF5;
	p2 =	por !p2, p0  }
0x20: {  	[sflag:s8] =	ssyncset.s32 @!p0 $0xFFFFF086;
	s6 =	sadd.s32 @!p0 s3, s7;
	s7 =	simm.s32 @!p0 $0x108  }
0x21: {  	s3 =	sadd.s32 s3, s9;
	s6 =	sadd.s32 @!p0 $0x88, s6;
	s7 =	simm.s32 @p2 $0x1082  }
0x22: {  	[simem:s7], [sflag:s8] =	dma.local @!p0 [hbm:s6], $0xF7A  }
0x23: {  	s9 =	sor.u32 $0xD0000000, s2;
	s6 =	simm.s32 $0x108;
	_ =	swait.ge @!p0 [sflag:s8], $0x0  }
0x24: {  	s3 =	sadd.s32 $0x88, s3;
	s6 =	simm.s32 @!p1 $0x1082;
	[sflag:s4] =	ssyncset.s32 $0xFFFFF086  }
0x25: {  	[simem:s6], [sflag:s4] =	dma.local [hbm:s3], $0xF7A  }
0x26: {  	[smem:$0x3F9A] =	sst s1;
	(tag) =	ssettag s2;
	_ =	strace s9  }
0x27: {  	s1 =	sld [smem:$0x3FAA]  }
0x28: {  	s2 =	sld [smem:$0x3FAB]  }
0x29: {  	s4 =	sld [smem:$0x3FAD]  }
0x2a: {  	p0 =	seq.s32 s5, $0x0;
	s5 =	sld [smem:$0x3FAE]  }
0x2b: {  	s6 =	sld [smem:$0x3FAF]  }
0x2c: {  	s7 =	sld [smem:$0x3FB0]  }
0x2d: {  	s3 =	simm.s32 $0x108;
	s8 =	sld [smem:$0x3FB1]  }
0x2e: {  	s3 =	simm.s32 @!p0 $0x1082;
	s9 =	sld [smem:$0x3FB2]  }
0x2f: {  	lr =	sadd.s32 s0, s3;
	s0 =	sld [smem:$0x3FA9]  }
0x30: {  	s3 =	sld [smem:$0x3FAC]  }
0x31: {  	[smem:$0x3FB5] =	sst s10  }
0x32: {  	s10 =	sld [smem:$0x3FB3];
	_ =	sdelay $0x3  }
0x33: {  	p0 =	seq.s32 s10, $0x1;
	s10 =	sld [smem:$0x3FB5];
	_ =	sdelay $0x3  }
0x34: {  	[smem:$0x3FB5] =	sst s10  }
0x35: {  	s10 =	sld [smem:$0x3FB4];
	_ =	sdelay $0x3  }
0x36: {  	p1 =	seq.s32 s10, $0x1;
	s10 =	sld [smem:$0x3FB5];
	_ =	sdelay $0x3  }
0x37: {  	[smem:$0x3FB5] =	sst s10  }
0x38: {  	s10 =	sld [smem:$0x3FB6]  }
0x39: {  	_ = 	snop;
	(pc) =	sbr.ind lr, $3  }
0x3a: {  	_ = 	snop  }
0x3b: {  	_ = 	snop  }
0x3c: {  	p2 =	seq.s32 s10, $0x1;
	s10 =	sld [smem:$0x3FB5]  }
0x3d: {  	_ =	shalt  }
0x3e: {  	_ =	shalt  }
0x3f: {  	_ =	shalt  }
0x40: {  	_ =	shalt  }
0x41: {  	_ =	shalt  }
0x42: {  	_ =	shalt  }
0x43: {  	_ =	shalt  }
0x44: {  	_ =	shalt  }
0x45: {  	_ =	shalt  }
0x46: {  	_ =	shalt  }
0x47: {  	_ =	shalt  }
0x48: {  	_ =	shalt  }
0x49: {  	_ =	shalt  }
0x4a: {  	_ =	shalt  }
0x4b: {  	_ =	shalt  }
0x4c: {  	_ =	shalt  }
0x4d: {  	_ =	shalt  }
0x4e: {  	_ =	shalt  }
0x4f: {  	_ =	shalt  }
0x50: {  	_ =	shalt  }
0x51: {  	_ =	shalt  }
0x52: {  	_ =	shalt  }
0x53: {  	_ =	shalt  }
0x54: {  	_ =	shalt  }
0x55: {  	_ =	shalt  }
0x56: {  	_ =	shalt  }
0x57: {  	_ =	shalt  }
0x58: {  	_ =	shalt  }
0x59: {  	_ =	shalt  }
0x5a: {  	_ =	shalt  }
0x5b: {  	_ =	shalt  }
0x5c: {  	_ =	shalt  }
0x5d: {  	_ =	shalt  }
0x5e: {  	_ =	shalt  }
0x5f: {  	_ =	shalt  }
0x60: {  	_ =	shalt  }
0x61: {  	_ =	shalt  }
0x62: {  	_ =	shalt  }
0x63: {  	_ =	shalt  }
0x64: {  	_ =	shalt  }
0x65: {  	_ =	shalt  }
0x66: {  	_ =	shalt  }
0x67: {  	_ =	shalt  }
0x68: {  	_ =	shalt  }
0x69: {  	_ =	shalt  }
0x6a: {  	_ =	shalt  }
0x6b: {  	_ =	shalt  }
0x6c: {  	_ =	shalt  }
0x6d: {  	_ =	shalt  }
0x6e: {  	_ =	shalt  }
0x6f: {  	_ =	shalt  }
0x70: {  	_ =	shalt  }
0x71: {  	_ =	shalt  }
0x72: {  	_ =	shalt  }
0x73: {  	_ =	shalt  }
0x74: {  	_ =	shalt  }
0x75: {  	_ =	shalt  }
0x76: {  	_ =	shalt  }
0x77: {  	_ =	shalt  }
0x78: {  	_ =	shalt  }
0x79: {  	_ =	shalt  }
0x7a: {  	_ =	shalt  }
0x7b: {  	_ =	shalt  }
0x7c: {  	_ =	shalt  }
0x7d: {  	_ =	shalt  }
0x7e: {  	_ =	shalt  }
0x7f: {  	_ =	shalt  }
0x80: {  	_ =	shalt  }
0x81: {  	_ =	shalt  }
0x82: {  	_ =	shalt  }
0x83: {  	_ =	shalt  }
0x84: {  	_ =	shalt  }
0x85: {  	_ =	shalt  }
0x86: {  	_ =	shalt  }
0x87: {  	_ =	shalt  }
.Lfunc_end0:
.L_simem_size_0:
called_computation_lowered:
.L_overlay_start_0:
0x88: {  	s2 =	sld [smem:$0x3FD9]  }
0x89: {  	s3 =	sld [smem:$0x3FFE];
	_ =	sdelay $0x1  }
0x8a: {  	s1 =	srdreg.scid  }
0x8b: {  	s0 =	sand.u32 $0x1, s1  }
0x8c: {  	s17 =	sshll.u32 s0, $0xA;
	s2 =	sadd.s32 s3, s2  }
0x8d: {  	s2 =	sadd.s32 s2, s17  }
0x8e: {  	[smem:$0x3FC1] =	sst s2  }
0x8f: {  	_ = 	snop  }
0x90: {  	s2 =	sld [smem:$0x3FD0];
	(tm) =	ssettm $0x1  }
0x91: {  	s18 =	sld [smem:$0x3FFB];
	_ =	sdelay $0x3  }
0x92: {  	_ =	strace s18  }
0x93: {  	s3 =	sld [smem:$0x3FFC];
	_ =	sdelay $0x3  }
0x94: {  	_ =	strace s3  }
0x95: {  	s3 =	sld [smem:$0x3FFD];
	_ =	sdelay $0x3  }
0x96: {  	_ =	strace s3  }
0x97: {  	_ =	strace $0x8FFFFFFF  }
0x98: {  	s19 =	sld [smem:$0x3FDB];
	_ =	sdelay $0x1  }
0x99: {  	s4 =	simm.s32 $_scs_section_size  }
0x9a: {  	s5 =	simm.s32 $_size__tile_overlayer_lowered;
	s6 =	simm.s32 $_tile_overlayer_lowered  }
0x9b: {  	s22 =	simm.s32 $0x1BFF;
	s21 =	sshll.u32 s6, $0x1;
	s3 =	sadd.s32 s4, s19  }
0x9c: {  	s7 =	simm.s32 $0x0;
	s20 =	sshll.u32 s5, $0x1;
	s5 =	sadd.s32 s21, s3  }
0x9d: {  	[timem:s7], [sflag:s22] =	dma.local [hbm:s5], s20  }
0x9e: {  	_ =	swait.ge [sflag:s22], s20  }
0x9f: {  	s4 =	ssub.s32 $0x0, s20;
	[sflag:s22] =	ssyncset.done $0x0  }
0xa0: {  	[sflag:s22] =	ssyncadd.s32 s4;
	_ =	sdelay $0x1  }
0xa1: {  	s23 =	simm.s32 $0x1B8B  }
0xa2: {  	_ =	swait.ge [sflag:s23], $0x1  }
0xa3: {  	[sflag:s23] =	ssyncset.done $0x0  }
0xa4: {  	s25 =	simm.s32 $0x1B8E;
	s24 =	sld [smem:$0x3FFE];
	[sflag:s23] =	ssyncadd.s32 $0xFFFFFFFF  }
0xa5: {  	s26 =	simm.s32 $execute0_lowered;
	[smem:$0x3FD2] =	sst s25  }
0xa6: {  	s5 =	sshll.u32 s26, $0x1;
	_ =	strace $0x80000046;
	[dreg:$0x1] =	wrdreg $0xFFFFFFFF  }
0xa7: {  	s28 =	simm.s32 $_size_execute0_lowered;
	s3 =	sadd.s32 s3, s5;
	[dreg:$0x0] =	wrdreg $0x0  }
0xa8: {  	s5 =	sshll.u32 s28, $0x1;
	[dreg:$0x2] =	wrdreg s3  }
0xa9: {  	[dreg:$0x3] =	wrdreg s5  }
0xaa: {  	[dreg:$0x4] =	wrdreg $0xC0  }
0xab: {  	_ =	task [dreg:s7], $0x5FFFF  }
0xac: {  	[dreg:$0x1] =	wrdreg $0xFFFFFFFF  }
0xad: {  	[dreg:$0x0] =	wrdreg $0x60  }
0xae: {  	[dreg:$0x2] =	wrdreg s24  }
0xaf: {  	[dreg:$0x3] =	wrdreg s2  }
0xb0: {  	[dreg:$0x4] =	wrdreg $0x193200  }
0xb1: {  	[dreg:$0x5] =	wrdreg $0x1BAA00  }
0xb2: {  	[dreg:$0x6] =	wrdreg $0x9  }
0xb3: {  	_ =	task.clear_ibuf [dreg:s7], $0x7FFFF;
	_ =	strace $0x90000046  }
0xb4: {  	s29 =	simm.s32 $0x9;
	_ =	strace $0x80000048  }
0xb5: {  	_ =	swait.ge [sflag:s29], $0x1  }
0xb6: {  	[sflag:s29] =	ssyncadd.s32 $0xFFFFFFFF  }
0xb7: {  	_ =	strace $0x90000048  }
0xb8: {  	_ =	sfence  }
0xb9: {  	s30 =	sld [smem:$0x0];
	_ =	sdelay $0x2  }
0xba: {  	s31 =	sshll.u32 s1, $0xD;
	s1 =	sshrl.u32 s1, $0x2  }
0xbb: {  	s3 =	sand.u32 $0x4000, s31;
	s1 =	sadd.s32 s1, s30  }
0xbc: {  	s0 =	sor.u32 s3, s0;
	s1 =	sshll.u32 s1, $0x11  }
0xbd: {  	s0 =	sor.u32 s1, s0  }
0xbe: {  	s0 =	sadd.s32 $0x8F2B, s0  }
0xbf: {  	[sflag:s0] =	ssyncadd.remote.s32 $0x1  }
0xc0: {  	_ =	sfence.sel $0xFFFF  }
0xc1: {  	[dreg:$0x0] =	wrdreg $0xFFFFFFFF;
	(pc) =	sbr.abs _section_cstart, $3  }
0xc2: {  	[dreg:$0x1] =	wrdreg $0xFFFFFFFF  }
0xc3: {  	_ =	task.clear_ibuf [dreg:s7], $0x2FFFF;
	_ =	strace $0x9FFFFFFF  }
0xc4: {  	(tm) =	ssettm $0x7FFFFFFF  }
0xc5: {  	_ =	shalt  }
tec
execute0_lowered:
.L_overlay_start_1:
0x0: {  	(tag) =	ssettag $0x1  }
0x1: {  	s4 =	rddreg [dreg:$0x0];
	s10 =	stileid.u32  }
0x2: {  	s0 =	srdreg.scid;
	s7 =	rddreg [dreg:$0x1]  }
0x3: {  	s2 =	rddreg [dreg:$0x2];
	s5 =	sand.u32 $0x1, s0;
	s11 =	sshll.u32 s10, $0x1  }
0x4: {  	s3 =	rddreg [dreg:$0x3];
	s0 =	sor.u32 s5, s11;
	s11 =	simm.s32 $0x0  }
0x5: {  	s24 =	simm.s32 $0x6720;
	s26 =	simm.s32 $0x8020;
	[smem:$0x7FF] =	sst s11  }
0x6: {  	s1 =	smul.u32 $0x7D0, s10;
	_ =	strace $0x80000047;
	[dreg:$0x5] =	wrdreg s24  }
0x7: {  	s29 =	simm.s32 $0xB220;
	s6 =	smul.u32 $0x2710, s0;
	[dreg:$0x6] =	wrdreg s26  }
0x8: {  	s30 =	simm.s32 $0xCB20;
	s0 =	smul.u32 $0x2780, s10;
	[dreg:$0x7] =	wrdreg s29  }
0x9: {  	s1 =	sadd.s32 s1, s4;
	[dreg:$0x8] =	wrdreg s30  }
0xa: {  	s1 =	sadd.s32 $0x14E00, s1;
	s6 =	sshrl.u32 s6, $0x3;
	s28 =	sshrl.u32 s0, $0x3  }
0xb: {  	[smem:$0x7F9] =	sst s1;
	s6 =	sadd.s32 s6, s4;
	s7 =	sadd.s32 s7, s28  }
0xc: {  	s12 =	sadd.s32 $0x1400, s6;
	[dreg:$0x17] =	wrdreg s7  }
0xd: {  	s13 =	sadd.s32 $0xB040, s6;
	[dreg:$0xa] =	wrdreg s12  }
0xe: {  	s14 =	sadd.s32 $0x1432, s6;
	[dreg:$0xb] =	wrdreg s13  }
0xf: {  	s15 =	sadd.s32 $0xB072, s6;
	[dreg:$0xc] =	wrdreg s14  }
0x10: {  	s16 =	sadd.s32 $0x1464, s6;
	[dreg:$0xd] =	wrdreg s15  }
0x11: {  	s17 =	sadd.s32 $0xB0A4, s6;
	[dreg:$0xe] =	wrdreg s16  }
0x12: {  	s18 =	sadd.s32 $0x1496, s6;
	[dreg:$0xf] =	wrdreg s17  }
0x13: {  	s19 =	sadd.s32 $0xB0D6, s6;
	[dreg:$0x10] =	wrdreg s18  }
0x14: {  	s20 =	sadd.s32 $0x14C8, s6;
	[dreg:$0x11] =	wrdreg s19  }
0x15: {  	s8 =	smul.u32 $0x27800, s5;
	s21 =	sadd.s32 $0xB108, s6;
	[dreg:$0x12] =	wrdreg s20  }
0x16: {  	s5 =	ssub.s32 $0x2, s5;
	s22 =	sadd.s32 $0x14FA, s6;
	[dreg:$0x13] =	wrdreg s21  }
0x17: {  	s9 =	sshrl.u32 s5, $0x1;
	s23 =	sadd.s32 $0xB13A, s6;
	[dreg:$0x14] =	wrdreg s22  }
0x18: {  	s8 =	sadd.s32 s0, s8;
	s25 =	sadd.s32 $0x152C, s6;
	[dreg:$0x15] =	wrdreg s23  }
0x19: {  	s8 =	sshrl.u32 s8, $0x3;
	s31 =	sadd.s32 $0xB16C, s6;
	[dreg:$0x16] =	wrdreg s25  }
0x1a: {  	s4 =	sadd.s32 s8, s4;
	s8 =	simm.s32 $0xE420;
	[dreg:$0x18] =	wrdreg s31  }
0x1b: {  	s5 =	ssub.s32 s5, s9;
	s9 =	sadd.s32 $0x155E, s6;
	[dreg:$0x9] =	wrdreg s8  }
0x1c: {  	s24 =	sadd.s32 $0xB2CA, s6;
	[dreg:$0x19] =	wrdreg s9  }
0x1d: {  	s26 =	sadd.s32 $0xB2FC, s6;
	[smem:$0x7E1] =	sst s24  }
0x1e: {  	s28 =	sadd.s32 $0x16EE, s6;
	[smem:$0x7E3] =	sst s26  }
0x1f: {  	s29 =	sadd.s32 $0xB32E, s6;
	[smem:$0x7E4] =	sst s28  }
0x20: {  	s30 =	sadd.s32 $0x1720, s6;
	[smem:$0x7E5] =	sst s29  }
0x21: {  	s12 =	sadd.s32 $0xB19E, s6;
	[smem:$0x7E6] =	sst s30  }
0x22: {  	s13 =	sadd.s32 $0x1590, s6;
	[dreg:$0x1a] =	wrdreg s12  }
0x23: {  	s14 =	sadd.s32 $0xB1D0, s6;
	[dreg:$0x1b] =	wrdreg s13  }
0x24: {  	s15 =	sadd.s32 $0x15C2, s6;
	[dreg:$0x1c] =	wrdreg s14  }
0x25: {  	s16 =	sadd.s32 $0xB202, s6;
	[dreg:$0x1d] =	wrdreg s15  }
0x26: {  	s17 =	sadd.s32 $0x15F4, s6;
	[dreg:$0x1e] =	wrdreg s16  }
0x27: {  	s18 =	sadd.s32 $0xB234, s6;
	[dreg:$0x1f] =	wrdreg s17  }
0x28: {  	s19 =	sadd.s32 $0x1626, s6;
	[smem:$0x7DB] =	sst s18  }
0x29: {  	s20 =	sadd.s32 $0xB266, s6;
	[smem:$0x7DC] =	sst s19  }
0x2a: {  	s21 =	sadd.s32 $0x1658, s6;
	[smem:$0x7DD] =	sst s20  }
0x2b: {  	s22 =	sadd.s32 $0xB298, s6;
	[smem:$0x7DE] =	sst s21  }
0x2c: {  	s23 =	sadd.s32 $0x168A, s6;
	[smem:$0x7DF] =	sst s22  }
0x2d: {  	s25 =	sadd.s32 $0x16BC, s6;
	[smem:$0x7E0] =	sst s23  }
0x2e: {  	s31 =	sadd.s32 $0xB360, s6;
	[smem:$0x7E2] =	sst s25  }
0x2f: {  	s8 =	sadd.s32 $0x1752, s6;
	[smem:$0x7E7] =	sst s31  }
0x30: {  	s9 =	sadd.s32 $0xB392, s6;
	[smem:$0x7E8] =	sst s8  }
0x31: {  	s30 =	sadd.s32 $0x19E00, s4;
	[smem:$0x7E9] =	sst s9  }
0x32: {  	s12 =	sadd.s32 $0x1784, s6;
	[smem:$0x7FB] =	sst s30  }
0x33: {  	s13 =	sadd.s32 $0xB3C4, s6;
	[smem:$0x7EA] =	sst s12  }
0x34: {  	s14 =	sadd.s32 $0x17B6, s6;
	[smem:$0x7EB] =	sst s13  }
0x35: {  	s15 =	sadd.s32 $0xB3F6, s6;
	[smem:$0x7EC] =	sst s14  }
0x36: {  	s16 =	sadd.s32 $0x17E8, s6;
	[smem:$0x7ED] =	sst s15  }
0x37: {  	s17 =	sadd.s32 $0xB428, s6;
	[smem:$0x7EE] =	sst s16  }
0x38: {  	s18 =	sadd.s32 $0x181A, s6;
	[smem:$0x7EF] =	sst s17  }
0x39: {  	s19 =	sadd.s32 $0xB45A, s6;
	[smem:$0x7F0] =	sst s18  }
0x3a: {  	p0 =	sgt.u32 s10, $0x9;
	s20 =	sadd.s32 $0x184C, s6;
	[smem:$0x7F1] =	sst s19  }
0x3b: {  	s7 =	simm.s32 $0x4C90;
	s21 =	sadd.s32 $0xB48C, s6;
	[smem:$0x7F2] =	sst s20  }
0x3c: {  	s24 =	smul.u32 $0xFA00, s10;
	s22 =	sadd.s32 $0x187E, s6;
	[smem:$0x7F3] =	sst s21  }
0x3d: {  	s26 =	sshll.u32 s10, $0x6;
	s23 =	sadd.s32 $0xB4BE, s6;
	[smem:$0x7F4] =	sst s22  }
0x3e: {  	s10 =	simm.s32 $0x1;
	s25 =	sadd.s32 $0x18B0, s6;
	[smem:$0x7F5] =	sst s23  }
0x3f: {  	s4 =	simm.s32 $0x0;
	s6 =	sadd.s32 $0xB4F0, s6;
	[smem:$0x7F6] =	sst s25  }
0x40: {  	s8 =	sadd.s32 s0, s2;
	s28 =	sor.u32 $0x1C12, s26;
	[smem:$0x7F7] =	sst s6  }
0x41: {  	s31 =	smax.u32 s5, $0x1;
	s9 =	simm.s32 $0x12;
	[smem:$0x7F8] =	sst s28  }
0x42: {  	s29 =	sshrl.u32 s24, $0x2;
	[smem:$0x7FC] =	sst s31;
	s6 =	simm.s32 $0x2580  }
0x43: {  	s20 =	simm.s32 $0x9920;
	s15 =	simm.s32 $0x4E20;
	s12 =	simm.s32 $0x2  }
0x44: {  	s13 =	simm.s32 $0x3;
	s14 =	simm.s32 $0x4;
	s24 =	simm.s32 $0xFD20  }
0x45: {  	s25 =	simm.s32 $0x5;
	s17 =	simm.s32 $0x6;
	s18 =	simm.s32 $0x7  }
0x46: {  	s19 =	simm.s32 $0x8;
	[smem:$0x7FD] =	sst s8;
	s0 =	sadd.s32 s29, s3  }
0x47: {  	s16 =	simm.s32 $0x4;
	[smem:$0x7FA] =	sst s0;
	s0 =	simm.s32 $0x190  }
.LBB2_1:
0x48: {  	[smem:$0x7DA] =	sst s4  }
0x49: {  	s1 =	rddreg [dreg:$0xa]  }
0x4a: {  	s22 =	rddreg [dreg:$0xb]  }
0x4b: {  	[tilespmem:s11], [sflag:$0x11] =	stream.linear.gather [hbm4b:s1+s11], $0x190, $0x38;
	[tilespmem:$0x1E1B0] =	vst v63  }
0x4c: {  	s23 =	simm.s32 $0x2710;
	s26 =	rddreg [dreg:$0xc]  }
0x4d: {  	[tilespmem:s23], [sflag:$0x11] =	stream.linear.gather [hbm4b:s22+s11], $0x190, $0x38;
	[tilespmem:$0x1E1B0] =	vst v63  }
0x4e: {  	s28 =	rddreg [dreg:$0xd]  }
0x4f: {  	[tilespmem:s0], [sflag:$0x11] =	stream.linear.gather [hbm4b:s26+s11], $0x190, $0x38;
	[tilespmem:$0x1E1B0] =	vst v63  }
0x50: {  	s29 =	simm.s32 $0x28A0;
	s30 =	rddreg [dreg:$0xe]  }
0x51: {  	[tilespmem:s29], [sflag:$0x11] =	stream.linear.gather [hbm4b:s28+s11], $0x190, $0x38;
	[tilespmem:$0x1E1B0] =	vst v63  }
0x52: {  	s31 =	simm.s32 $0x320;
	s4 =	rddreg [dreg:$0xf]  }
0x53: {  	[tilespmem:s31], [sflag:$0x11] =	stream.linear.gather [hbm4b:s30+s11], $0x190, $0x38;
	[tilespmem:$0x1E1B0] =	vst v63  }
0x54: {  	s5 =	simm.s32 $0x2A30;
	s21 =	rddreg [dreg:$0x10]  }
0x55: {  	[tilespmem:s5], [sflag:$0x11] =	stream.linear.gather [hbm4b:s4+s11], $0x190, $0x38;
	[tilespmem:$0x1E1B0] =	vst v63  }
0x56: {  	s22 =	simm.s32 $0x4B0;
	s23 =	rddreg [dreg:$0x11]  }
0x57: {  	[tilespmem:s22], [sflag:$0x11] =	stream.linear.gather [hbm4b:s21+s11], $0x190, $0x38;
	[tilespmem:$0x1E1B0] =	vst v63  }
0x58: {  	s26 =	simm.s32 $0x2BC0;
	s28 =	rddreg [dreg:$0x12]  }
0x59: {  	[tilespmem:s26], [sflag:$0x11] =	stream.linear.gather [hbm4b:s23+s11], $0x190, $0x38;
	[tilespmem:$0x1E1B0] =	vst v63  }
0x5a: {  	s29 =	simm.s32 $0x640;
	s30 =	rddreg [dreg:$0x13]  }
0x5b: {  	[tilespmem:s29], [sflag:$0x11] =	stream.linear.gather [hbm4b:s28+s11], $0x190, $0x38;
	[tilespmem:$0x1E1B0] =	vst v63  }
0x5c: {  	s31 =	simm.s32 $0x2D50;
	s4 =	rddreg [dreg:$0x14]  }
0x5d: {  	[tilespmem:s31], [sflag:$0x11] =	stream.linear.gather [hbm4b:s30+s11], $0x190, $0x38;
	[tilespmem:$0x1E1B0] =	vst v63  }
0x5e: {  	s5 =	simm.s32 $0x7D0;
	s21 =	rddreg [dreg:$0x15]  }
0x5f: {  	[tilespmem:s5], [sflag:$0x11] =	stream.linear.gather [hbm4b:s4+s11], $0x190, $0x38;
	[tilespmem:$0x1E1B0] =	vst v63  }
0x60: {  	s22 =	simm.s32 $0x2EE0;
	s23 =	rddreg [dreg:$0x16]  }
0x61: {  	[tilespmem:s22], [sflag:$0x11] =	stream.linear.gather [hbm4b:s21+s11], $0x190, $0x38;
	[tilespmem:$0x1E1B0] =	vst v63  }
0x62: {  	s26 =	simm.s32 $0x960;
	s28 =	rddreg [dreg:$0x18]  }
0x63: {  	[tilespmem:s26], [sflag:$0x11] =	stream.linear.gather [hbm4b:s23+s11], $0x190, $0x38;
	[tilespmem:$0x1E1B0] =	vst v63  }
0x64: {  	s29 =	simm.s32 $0x3070;
	s30 =	rddreg [dreg:$0x19]  }
0x65: {  	[tilespmem:s29], [sflag:$0x11] =	stream.linear.gather [hbm4b:s28+s11], $0x190, $0x38;
	[tilespmem:$0x1E1B0] =	vst v63  }
0x66: {  	s31 =	simm.s32 $0xAF0;
	s4 =	rddreg [dreg:$0x1a]  }
0x67: {  	[tilespmem:s31], [sflag:$0x11] =	stream.linear.gather [hbm4b:s30+s11], $0x190, $0x38;
	[tilespmem:$0x1E1B0] =	vst v63  }
0x68: {  	s5 =	simm.s32 $0x3200;
	s21 =	rddreg [dreg:$0x1b]  }
0x69: {  	[tilespmem:s5], [sflag:$0x11] =	stream.linear.gather [hbm4b:s4+s11], $0x190, $0x38;
	[tilespmem:$0x1E1B0] =	vst v63  }
0x6a: {  	s22 =	simm.s32 $0xC80;
	s23 =	rddreg [dreg:$0x1c]  }
0x6b: {  	[tilespmem:s22], [sflag:$0x11] =	stream.linear.gather [hbm4b:s21+s11], $0x190, $0x38;
	[tilespmem:$0x1E1B0] =	vst v63  }
0x6c: {  	s26 =	simm.s32 $0x3390;
	s28 =	rddreg [dreg:$0x1d]  }
0x6d: {  	[tilespmem:s26], [sflag:$0x11] =	stream.linear.gather [hbm4b:s23+s11], $0x190, $0x38;
	[tilespmem:$0x1E1B0] =	vst v63  }
0x6e: {  	s29 =	simm.s32 $0xE10;
	s30 =	rddreg [dreg:$0x1e]  }
0x6f: {  	[tilespmem:s29], [sflag:$0x11] =	stream.linear.gather [hbm4b:s28+s11], $0x190, $0x38;
	[tilespmem:$0x1E1B0] =	vst v63  }
0x70: {  	s31 =	simm.s32 $0x3520;
	s4 =	rddreg [dreg:$0x1f]  }
0x71: {  	[tilespmem:s31], [sflag:$0x11] =	stream.linear.gather [hbm4b:s30+s11], $0x190, $0x38;
	[tilespmem:$0x1E1B0] =	vst v63  }
0x72: {  	s5 =	simm.s32 $0xFA0;
	s21 =	sld [smem:$0x7DB]  }
0x73: {  	[tilespmem:s5], [sflag:$0x11] =	stream.linear.gather [hbm4b:s4+s11], $0x190, $0x38;
	[tilespmem:$0x1E1B0] =	vst v63  }
0x74: {  	s22 =	simm.s32 $0x36B0;
	s23 =	sld [smem:$0x7DC]  }
0x75: {  	[tilespmem:s22], [sflag:$0x11] =	stream.linear.gather [hbm4b:s21+s11], $0x190, $0x38;
	[tilespmem:$0x1E1B0] =	vst v63  }
0x76: {  	s26 =	simm.s32 $0x1130;
	s28 =	sld [smem:$0x7DD]  }
0x77: {  	[tilespmem:s26], [sflag:$0x11] =	stream.linear.gather [hbm4b:s23+s11], $0x190, $0x38;
	[tilespmem:$0x1E1B0] =	vst v63  }
0x78: {  	s29 =	simm.s32 $0x3840;
	s30 =	sld [smem:$0x7DE]  }
0x79: {  	[tilespmem:s29], [sflag:$0x11] =	stream.linear.gather [hbm4b:s28+s11], $0x190, $0x38;
	[tilespmem:$0x1E1B0] =	vst v63  }
0x7a: {  	s31 =	simm.s32 $0x12C0;
	s4 =	sld [smem:$0x7DF]  }
0x7b: {  	[tilespmem:s31], [sflag:$0x11] =	stream.linear.gather [hbm4b:s30+s11], $0x190, $0x38;
	[tilespmem:$0x1E1B0] =	vst v63  }
0x7c: {  	s5 =	simm.s32 $0x39D0;
	s21 =	sld [smem:$0x7E0]  }
0x7d: {  	[tilespmem:s5], [sflag:$0x11] =	stream.linear.gather [hbm4b:s4+s11], $0x190, $0x38;
	[tilespmem:$0x1E1B0] =	vst v63  }
0x7e: {  	s22 =	simm.s32 $0x1450;
	s23 =	sld [smem:$0x7E1]  }
0x7f: {  	[tilespmem:s22], [sflag:$0x11] =	stream.linear.gather [hbm4b:s21+s11], $0x190, $0x38;
	[tilespmem:$0x1E1B0] =	vst v63  }
0x80: {  	s26 =	simm.s32 $0x3B60;
	s28 =	sld [smem:$0x7E2]  }
0x81: {  	[tilespmem:s26], [sflag:$0x11] =	stream.linear.gather [hbm4b:s23+s11], $0x190, $0x38;
	[tilespmem:$0x1E1B0] =	vst v63  }
0x82: {  	s29 =	simm.s32 $0x15E0;
	s30 =	sld [smem:$0x7E3]  }
0x83: {  	[tilespmem:s29], [sflag:$0x11] =	stream.linear.gather [hbm4b:s28+s11], $0x190, $0x38;
	[tilespmem:$0x1E1B0] =	vst v63  }
0x84: {  	s31 =	simm.s32 $0x3CF0;
	s4 =	sld [smem:$0x7E4]  }
0x85: {  	[tilespmem:s31], [sflag:$0x11] =	stream.linear.gather [hbm4b:s30+s11], $0x190, $0x38;
	[tilespmem:$0x1E1B0] =	vst v63  }
0x86: {  	s5 =	simm.s32 $0x1770;
	s21 =	sld [smem:$0x7E5]  }
0x87: {  	[tilespmem:s5], [sflag:$0x11] =	stream.linear.gather [hbm4b:s4+s11], $0x190, $0x38;
	[tilespmem:$0x1E1B0] =	vst v63  }
0x88: {  	s22 =	simm.s32 $0x3E80;
	s23 =	sld [smem:$0x7E6]  }
0x89: {  	[tilespmem:s22], [sflag:$0x11] =	stream.linear.gather [hbm4b:s21+s11], $0x190, $0x38;
	[tilespmem:$0x1E1B0] =	vst v63  }
0x8a: {  	s26 =	simm.s32 $0x1900;
	s28 =	sld [smem:$0x7E7]  }
0x8b: {  	[tilespmem:s26], [sflag:$0x11] =	stream.linear.gather [hbm4b:s23+s11], $0x190, $0x38;
	[tilespmem:$0x1E1B0] =	vst v63  }
0x8c: {  	s29 =	simm.s32 $0x4010;
	s30 =	sld [smem:$0x7E8]  }
0x8d: {  	[tilespmem:s29], [sflag:$0x11] =	stream.linear.gather [hbm4b:s28+s11], $0x190, $0x38;
	[tilespmem:$0x1E1B0] =	vst v63  }
0x8e: {  	s31 =	simm.s32 $0x1A90;
	s4 =	sld [smem:$0x7E9]  }
0x8f: {  	[tilespmem:s31], [sflag:$0x11] =	stream.linear.gather [hbm4b:s30+s11], $0x190, $0x38;
	[tilespmem:$0x1E1B0] =	vst v63  }
0x90: {  	s5 =	simm.s32 $0x41A0;
	s21 =	sld [smem:$0x7EA]  }
0x91: {  	[tilespmem:s5], [sflag:$0x11] =	stream.linear.gather [hbm4b:s4+s11], $0x190, $0x38;
	[tilespmem:$0x1E1B0] =	vst v63  }
0x92: {  	s22 =	simm.s32 $0x1C20;
	s23 =	sld [smem:$0x7EB]  }
0x93: {  	[tilespmem:s22], [sflag:$0x11] =	stream.linear.gather [hbm4b:s21+s11], $0x190, $0x38;
	[tilespmem:$0x1E1B0] =	vst v63  }
0x94: {  	s26 =	simm.s32 $0x4330;
	s28 =	sld [smem:$0x7EC]  }
0x95: {  	[tilespmem:s26], [sflag:$0x11] =	stream.linear.gather [hbm4b:s23+s11], $0x190, $0x38;
	[tilespmem:$0x1E1B0] =	vst v63  }
0x96: {  	s29 =	simm.s32 $0x1DB0;
	s30 =	sld [smem:$0x7ED]  }
0x97: {  	[tilespmem:s29], [sflag:$0x11] =	stream.linear.gather [hbm4b:s28+s11], $0x190, $0x38;
	[tilespmem:$0x1E1B0] =	vst v63  }
0x98: {  	s31 =	simm.s32 $0x44C0;
	s4 =	sld [smem:$0x7EE]  }
0x99: {  	[tilespmem:s31], [sflag:$0x11] =	stream.linear.gather [hbm4b:s30+s11], $0x190, $0x38;
	[tilespmem:$0x1E1B0] =	vst v63  }
0x9a: {  	s5 =	simm.s32 $0x1F40;
	s21 =	sld [smem:$0x7EF]  }
0x9b: {  	[tilespmem:s5], [sflag:$0x11] =	stream.linear.gather [hbm4b:s4+s11], $0x190, $0x38;
	[tilespmem:$0x1E1B0] =	vst v63  }
0x9c: {  	s22 =	simm.s32 $0x4650;
	s23 =	sld [smem:$0x7F0]  }
0x9d: {  	[tilespmem:s22], [sflag:$0x11] =	stream.linear.gather [hbm4b:s21+s11], $0x190, $0x38;
	[tilespmem:$0x1E1B0] =	vst v63  }
0x9e: {  	s26 =	simm.s32 $0x20D0;
	s28 =	sld [smem:$0x7F1]  }
0x9f: {  	[tilespmem:s26], [sflag:$0x11] =	stream.linear.gather [hbm4b:s23+s11], $0x190, $0x38;
	[tilespmem:$0x1E1B0] =	vst v63  }
0xa0: {  	s29 =	simm.s32 $0x47E0;
	s30 =	sld [smem:$0x7F2]  }
0xa1: {  	[tilespmem:s29], [sflag:$0x11] =	stream.linear.gather [hbm4b:s28+s11], $0x190, $0x38;
	[tilespmem:$0x1E1B0] =	vst v63  }
0xa2: {  	s31 =	simm.s32 $0x2260;
	s4 =	sld [smem:$0x7F3]  }
0xa3: {  	[tilespmem:s31], [sflag:$0x11] =	stream.linear.gather [hbm4b:s30+s11], $0x190, $0x38;
	[tilespmem:$0x1E1B0] =	vst v63  }
0xa4: {  	s5 =	simm.s32 $0x4970;
	s21 =	sld [smem:$0x7F4]  }
0xa5: {  	[tilespmem:s5], [sflag:$0x11] =	stream.linear.gather [hbm4b:s4+s11], $0x190, $0x38;
	[tilespmem:$0x1E1B0] =	vst v63  }
0xa6: {  	s22 =	simm.s32 $0x23F0;
	s23 =	sld [smem:$0x7F5]  }
0xa7: {  	[tilespmem:s22], [sflag:$0x11] =	stream.linear.gather [hbm4b:s21+s11], $0x190, $0x38;
	[tilespmem:$0x1E1B0] =	vst v63  }
0xa8: {  	s26 =	simm.s32 $0x4B00;
	s28 =	sld [smem:$0x7F6]  }
0xa9: {  	[tilespmem:s26], [sflag:$0x11] =	stream.linear.gather [hbm4b:s23+s11], $0x190, $0x38;
	[tilespmem:$0x1E1B0] =	vst v63  }
0xaa: {  	s29 =	sld [smem:$0x7F7]  }
0xab: {  	[tilespmem:s6], [sflag:$0x11] =	stream.linear.gather [hbm4b:s28+s11], $0x190, $0x38;
	[tilespmem:$0x1E1B0] =	vst v63  }
0xac: {  	s5 =	sld [smem:$0x7F8]  }
0xad: {  	[tilespmem:s7], [sflag:$0x11] =	stream.linear.gather [hbm4b:s29+s11], $0x190, $0x38;
	[tilespmem:$0x1E1B0] =	vst v63  }
.Ltmp0:
0xae: {  	s30 =	sshrl.u32 s8, $0x3;
	s31 =	rddreg [dreg:$0x17];
	(pc) =	sbr.rel @p0 .LBB2_5-.Ltmp0, $4  }
0xaf: {  	[spmem:s30], [sflag:s5] =	dma.local [hbm:s31], $0x4F0  }
0xb0: {  	_ =	swait.ge [sflag:s9], $0x4F0  }
0xb1: {  	[sflag:s9] =	ssyncset.done $0x0  }
0xb2: {  	[sflag:s9] =	ssyncadd.s32 $0xFFFFFB10  }
0xb3: {  	s4 =	sld [smem:$0x7F9];
	_ =	sdelay $0x1  }
0xb4: {  	s1 =	simm.s32 $0x0;
	s5 =	simm.s32 $0x11620  }
0xb5: {  	[tilespmem:s5], [sflag:$0x12] =	stream.linear.gather [hbm4b:s4+s1], $0x3E80, $0x38;
	[tilespmem:$0x1E1B0] =	vst v63  }
0xb6: {  	_ =	swait.ge [sflag:s9], $0x3E80  }
0xb7: {  	[sflag:s9] =	ssyncset.done $0x0  }
0xb8: {  	s1 =	simm.s32 $0x0;
	[sflag:s9] =	ssyncadd.s32 $0xFFFFC180  }
0xb9: {  	v0 =	vld [tilespmem:s1+$0x11890]  }
0xba: {  	v1 =	vld [tilespmem:s1+$0x11620]  }
0xbb: {  	v2 =	vld [tilespmem:s1+$0x11630]  }
0xbc: {  	v3 =	vld [tilespmem:s1+$0x11640]  }
0xbd: {  	v4 =	vld [tilespmem:s1+$0x11650]  }
0xbe: {  	v5 =	vld [tilespmem:s1+$0x11660];
	[tilespmem:s1+$0x15710] =	vst v0  }
0xbf: {  	v6 =	vld [tilespmem:s1+$0x11810];
	[tilespmem:s1+$0x154A0] =	vst v1  }
0xc0: {  	v7 =	vld [tilespmem:s1+$0x11820];
	[tilespmem:s1+$0x154B0] =	vst v2  }
0xc1: {  	v8 =	vld [tilespmem:s1+$0x11830];
	[tilespmem:s1+$0x154C0] =	vst v3  }
0xc2: {  	v0 =	vld [tilespmem:s1+$0x11670];
	[tilespmem:s1+$0x154D0] =	vst v4  }
0xc3: {  	v1 =	vld [tilespmem:s1+$0x11680];
	[tilespmem:s1+$0x154E0] =	vst v5  }
0xc4: {  	v2 =	vld [tilespmem:s1+$0x11690];
	[tilespmem:s1+$0x15690] =	vst v6  }
0xc5: {  	v3 =	vld [tilespmem:s1+$0x116A0];
	[tilespmem:s1+$0x156A0] =	vst v7  }
0xc6: {  	v4 =	vld [tilespmem:s1+$0x116B0];
	[tilespmem:s1+$0x156B0] =	vst v8  }
0xc7: {  	v5 =	vld [tilespmem:s1+$0x11800];
	[tilespmem:s1+$0x154F0] =	vst v0  }
0xc8: {  	v0 =	vld [tilespmem:s1+$0x116C0];
	[tilespmem:s1+$0x15500] =	vst v1  }
0xc9: {  	v1 =	vld [tilespmem:s1+$0x116D0];
	[tilespmem:s1+$0x15510] =	vst v2  }
0xca: {  	v2 =	vld [tilespmem:s1+$0x116E0];
	[tilespmem:s1+$0x15520] =	vst v3  }
0xcb: {  	v3 =	vld [tilespmem:s1+$0x116F0];
	[tilespmem:s1+$0x15530] =	vst v4  }
0xcc: {  	v4 =	vld [tilespmem:s1+$0x11700];
	[tilespmem:s1+$0x15680] =	vst v5  }
0xcd: {  	[tilespmem:s1+$0x15540] =	vst v0;
	v0 =	vld [tilespmem:s1+$0x11710]  }
0xce: {  	[tilespmem:s1+$0x15550] =	vst v1;
	v1 =	vld [tilespmem:s1+$0x11720]  }
0xcf: {  	[tilespmem:s1+$0x15560] =	vst v2;
	v2 =	vld [tilespmem:s1+$0x11730]  }
0xd0: {  	[tilespmem:s1+$0x15570] =	vst v3;
	v3 =	vld [tilespmem:s1+$0x11740]  }
0xd1: {  	[tilespmem:s1+$0x15580] =	vst v4;
	v4 =	vld [tilespmem:s1+$0x11750]  }
0xd2: {  	[tilespmem:s1+$0x15590] =	vst v0;
	v0 =	vld [tilespmem:s1+$0x11760]  }
0xd3: {  	[tilespmem:s1+$0x155A0] =	vst v1;
	v1 =	vld [tilespmem:s1+$0x11770]  }
0xd4: {  	[tilespmem:s1+$0x155B0] =	vst v2;
	v2 =	vld [tilespmem:s1+$0x11780]  }
0xd5: {  	[tilespmem:s1+$0x155C0] =	vst v3;
	v3 =	vld [tilespmem:s1+$0x11790]  }
0xd6: {  	[tilespmem:s1+$0x155D0] =	vst v4;
	v4 =	vld [tilespmem:s1+$0x117A0]  }
0xd7: {  	[tilespmem:s1+$0x155E0] =	vst v0;
	v0 =	vld [tilespmem:s1+$0x117B0]  }
0xd8: {  	[tilespmem:s1+$0x155F0] =	vst v1;
	v1 =	vld [tilespmem:s1+$0x117C0]  }
0xd9: {  	[tilespmem:s1+$0x15600] =	vst v2;
	v2 =	vld [tilespmem:s1+$0x117D0]  }
0xda: {  	[tilespmem:s1+$0x15610] =	vst v3;
	v3 =	vld [tilespmem:s1+$0x117E0]  }
0xdb: {  	[tilespmem:s1+$0x15620] =	vst v4;
	v4 =	vld [tilespmem:s1+$0x117F0]  }
0xdc: {  	[tilespmem:s1+$0x15630] =	vst v0;
	v0 =	vld [tilespmem:s1+$0x11840]  }
0xdd: {  	[tilespmem:s1+$0x15640] =	vst v1;
	v1 =	vld [tilespmem:s1+$0x11850]  }
0xde: {  	[tilespmem:s1+$0x15650] =	vst v2;
	v2 =	vld [tilespmem:s1+$0x11860]  }
0xdf: {  	[tilespmem:s1+$0x15660] =	vst v3;
	v3 =	vld [tilespmem:s1+$0x11870]  }
0xe0: {  	s6 =	simm.s32 $0x280;
	s5 =	simm.s32 $0x1400;
	[tilespmem:s1+$0x15670] =	vst v4;
	v4 =	vld [tilespmem:s1+$0x11880]  }
.LBB2_3:
0xe1: {  	p1 =	sne.s32 s5, $0xF000;
	v5 =	vld [tilespmem:s6+$0x11890];
	[tilespmem:s1+$0x156C0] =	vst v0  }
0xe2: {  	v0 =	vld [tilespmem:s6+$0x11620];
	[tilespmem:s1+$0x156D0] =	vst v1  }
0xe3: {  	v1 =	vld [tilespmem:s6+$0x11630];
	[tilespmem:s1+$0x156E0] =	vst v2  }
0xe4: {  	v2 =	vld [tilespmem:s6+$0x11640];
	[tilespmem:s1+$0x156F0] =	vst v3  }
0xe5: {  	v3 =	vld [tilespmem:s6+$0x11650];
	[tilespmem:s1+$0x15700] =	vst v4;
	s1 =	smov.u32 s6  }
0xe6: {  	v4 =	vld [tilespmem:s1+$0x11660];
	[tilespmem:s1+$0x15710] =	vst v5  }
0xe7: {  	[tilespmem:s1+$0x154A0] =	vst v0;
	v0 =	vld [tilespmem:s1+$0x11670]  }
0xe8: {  	[tilespmem:s1+$0x154B0] =	vst v1;
	v1 =	vld [tilespmem:s1+$0x11680]  }
0xe9: {  	[tilespmem:s1+$0x154C0] =	vst v2;
	v2 =	vld [tilespmem:s1+$0x11690]  }
0xea: {  	[tilespmem:s1+$0x154D0] =	vst v3;
	v3 =	vld [tilespmem:s1+$0x116A0]  }
0xeb: {  	[tilespmem:s1+$0x154E0] =	vst v4;
	v4 =	vld [tilespmem:s1+$0x116B0]  }
0xec: {  	[tilespmem:s1+$0x154F0] =	vst v0;
	v0 =	vld [tilespmem:s1+$0x116C0]  }
0xed: {  	[tilespmem:s1+$0x15500] =	vst v1;
	v1 =	vld [tilespmem:s1+$0x116D0]  }
0xee: {  	[tilespmem:s1+$0x15510] =	vst v2;
	v2 =	vld [tilespmem:s1+$0x116E0]  }
0xef: {  	[tilespmem:s1+$0x15520] =	vst v3;
	v3 =	vld [tilespmem:s1+$0x116F0]  }
0xf0: {  	[tilespmem:s1+$0x15530] =	vst v4;
	v4 =	vld [tilespmem:s1+$0x11700]  }
0xf1: {  	[tilespmem:s1+$0x15540] =	vst v0;
	v0 =	vld [tilespmem:s1+$0x11710]  }
0xf2: {  	[tilespmem:s1+$0x15550] =	vst v1;
	v1 =	vld [tilespmem:s1+$0x11720]  }
0xf3: {  	[tilespmem:s1+$0x15560] =	vst v2;
	v2 =	vld [tilespmem:s1+$0x11730]  }
0xf4: {  	[tilespmem:s1+$0x15570] =	vst v3;
	v3 =	vld [tilespmem:s1+$0x11740]  }
0xf5: {  	[tilespmem:s1+$0x15580] =	vst v4;
	v4 =	vld [tilespmem:s1+$0x11750]  }
0xf6: {  	[tilespmem:s1+$0x15590] =	vst v0;
	v0 =	vld [tilespmem:s1+$0x11760]  }
0xf7: {  	[tilespmem:s1+$0x155A0] =	vst v1;
	v1 =	vld [tilespmem:s1+$0x11770]  }
0xf8: {  	[tilespmem:s1+$0x155B0] =	vst v2;
	v2 =	vld [tilespmem:s1+$0x11780]  }
0xf9: {  	[tilespmem:s1+$0x155C0] =	vst v3;
	v3 =	vld [tilespmem:s1+$0x11790]  }
0xfa: {  	[tilespmem:s1+$0x155D0] =	vst v4;
	v4 =	vld [tilespmem:s1+$0x117A0]  }
0xfb: {  	[tilespmem:s1+$0x155E0] =	vst v0;
	v0 =	vld [tilespmem:s1+$0x117B0]  }
0xfc: {  	[tilespmem:s1+$0x155F0] =	vst v1;
	v1 =	vld [tilespmem:s1+$0x117C0]  }
0xfd: {  	[tilespmem:s1+$0x15600] =	vst v2;
	v2 =	vld [tilespmem:s1+$0x117D0]  }
0xfe: {  	[tilespmem:s1+$0x15610] =	vst v3;
	v3 =	vld [tilespmem:s1+$0x117E0]  }
0xff: {  	[tilespmem:s1+$0x15620] =	vst v4;
	v4 =	vld [tilespmem:s1+$0x117F0]  }
0x100: {  	[tilespmem:s1+$0x15630] =	vst v0;
	v5 =	vld [tilespmem:s1+$0x11800]  }
0x101: {  	[tilespmem:s1+$0x15640] =	vst v1;
	v6 =	vld [tilespmem:s1+$0x11810]  }
0x102: {  	[tilespmem:s1+$0x15650] =	vst v2;
	v7 =	vld [tilespmem:s1+$0x11820]  }
0x103: {  	[tilespmem:s1+$0x15660] =	vst v3;
	v8 =	vld [tilespmem:s1+$0x11830]  }
.Ltmp1:
0x104: {  	[tilespmem:s1+$0x15670] =	vst v4;
	v0 =	vld [tilespmem:s1+$0x11840];
	(pc) =	sbr.rel @p1 .LBB2_3-.Ltmp1, $4  }
0x105: {  	[tilespmem:s1+$0x15680] =	vst v5;
	v1 =	vld [tilespmem:s1+$0x11850]  }
0x106: {  	[tilespmem:s1+$0x15690] =	vst v6;
	v2 =	vld [tilespmem:s1+$0x11860]  }
0x107: {  	[tilespmem:s1+$0x156A0] =	vst v7;
	v3 =	vld [tilespmem:s1+$0x11870]  }
0x108: {  	s6 =	sshra.s32 s5, $0x2;
	s5 =	sadd.s32 $0xA00, s5;
	[tilespmem:s1+$0x156B0] =	vst v8;
	v4 =	vld [tilespmem:s1+$0x11880]  }
0x109: {  	v5 =	vld [tilespmem:s6+$0x11890];
	[tilespmem:s1+$0x156C0] =	vst v0  }
0x10a: {  	v0 =	vld [tilespmem:s6+$0x11620];
	[tilespmem:s1+$0x156D0] =	vst v1  }
0x10b: {  	v1 =	vld [tilespmem:s6+$0x11630];
	[tilespmem:s1+$0x156E0] =	vst v2  }
0x10c: {  	v2 =	vld [tilespmem:s6+$0x11640];
	[tilespmem:s1+$0x156F0] =	vst v3  }
0x10d: {  	v3 =	vld [tilespmem:s6+$0x11650];
	[tilespmem:s1+$0x15700] =	vst v4  }
0x10e: {  	v4 =	vld [tilespmem:s6+$0x11660];
	[tilespmem:s6+$0x15710] =	vst v5  }
0x10f: {  	v30 =	vld [tilespmem:s6+$0x11670];
	[tilespmem:s6+$0x154A0] =	vst v0  }
0x110: {  	v31 =	vld [tilespmem:s6+$0x11680];
	[tilespmem:s6+$0x154B0] =	vst v1  }
0x111: {  	v32 =	vld [tilespmem:s6+$0x11690];
	[tilespmem:s6+$0x154C0] =	vst v2  }
0x112: {  	v33 =	vld [tilespmem:s6+$0x116A0];
	[tilespmem:s6+$0x154D0] =	vst v3  }
0x113: {  	v34 =	vld [tilespmem:s6+$0x116B0];
	[tilespmem:s6+$0x154E0] =	vst v4  }
0x114: {  	v35 =	vld [tilespmem:s6+$0x116C0];
	[tilespmem:s6+$0x154F0] =	vst v30  }
0x115: {  	v36 =	vld [tilespmem:s6+$0x116D0];
	[tilespmem:s6+$0x15500] =	vst v31  }
0x116: {  	v37 =	vld [tilespmem:s6+$0x116E0];
	[tilespmem:s6+$0x15510] =	vst v32  }
0x117: {  	v38 =	vld [tilespmem:s6+$0x116F0];
	[tilespmem:s6+$0x15520] =	vst v33  }
0x118: {  	v39 =	vld [tilespmem:s6+$0x11700];
	[tilespmem:s6+$0x15530] =	vst v34  }
0x119: {  	v40 =	vld [tilespmem:s6+$0x11710];
	[tilespmem:s6+$0x15540] =	vst v35  }
0x11a: {  	v41 =	vld [tilespmem:s6+$0x11720];
	[tilespmem:s6+$0x15550] =	vst v36  }
0x11b: {  	v42 =	vld [tilespmem:s6+$0x11730];
	[tilespmem:s6+$0x15560] =	vst v37  }
0x11c: {  	v43 =	vld [tilespmem:s6+$0x11740];
	[tilespmem:s6+$0x15570] =	vst v38  }
0x11d: {  	v44 =	vld [tilespmem:s6+$0x11750];
	[tilespmem:s6+$0x15580] =	vst v39  }
0x11e: {  	v45 =	vld [tilespmem:s6+$0x11760];
	[tilespmem:s6+$0x15590] =	vst v40  }
0x11f: {  	v46 =	vld [tilespmem:s6+$0x11770];
	[tilespmem:s6+$0x155A0] =	vst v41  }
0x120: {  	v47 =	vld [tilespmem:s6+$0x11780];
	[tilespmem:s6+$0x155B0] =	vst v42  }
0x121: {  	v48 =	vld [tilespmem:s6+$0x11790];
	[tilespmem:s6+$0x155C0] =	vst v43  }
0x122: {  	v49 =	vld [tilespmem:s6+$0x117A0];
	[tilespmem:s6+$0x155D0] =	vst v44  }
0x123: {  	v50 =	vld [tilespmem:s6+$0x117B0];
	[tilespmem:s6+$0x155E0] =	vst v45  }
0x124: {  	v51 =	vld [tilespmem:s6+$0x117C0];
	[tilespmem:s6+$0x155F0] =	vst v46  }
0x125: {  	v52 =	vld [tilespmem:s6+$0x117D0];
	[tilespmem:s6+$0x15600] =	vst v47  }
0x126: {  	v53 =	vld [tilespmem:s6+$0x117E0];
	[tilespmem:s6+$0x15610] =	vst v48  }
0x127: {  	v54 =	vld [tilespmem:s6+$0x117F0];
	[tilespmem:s6+$0x15620] =	vst v49  }
0x128: {  	v55 =	vld [tilespmem:s6+$0x11800];
	[tilespmem:s6+$0x15630] =	vst v50  }
0x129: {  	v56 =	vld [tilespmem:s6+$0x11810];
	[tilespmem:s6+$0x15640] =	vst v51  }
0x12a: {  	v57 =	vld [tilespmem:s6+$0x11820];
	[tilespmem:s6+$0x15650] =	vst v52  }
0x12b: {  	v58 =	vld [tilespmem:s6+$0x11830];
	[tilespmem:s6+$0x15660] =	vst v53  }
0x12c: {  	v59 =	vld [tilespmem:s6+$0x11840];
	[tilespmem:s6+$0x15670] =	vst v54  }
0x12d: {  	v60 =	vld [tilespmem:s6+$0x11850];
	[tilespmem:s6+$0x15680] =	vst v55  }
0x12e: {  	v61 =	vld [tilespmem:s6+$0x11860];
	[tilespmem:s6+$0x15690] =	vst v56  }
0x12f: {  	v62 =	vld [tilespmem:s6+$0x11870];
	[tilespmem:s6+$0x156A0] =	vst v57  }
0x130: {  	v63 =	vld [tilespmem:s6+$0x11880];
	[tilespmem:s6+$0x156B0] =	vst v58  }
0x131: {  	[tilespmem:s6+$0x156C0] =	vst v59  }
0x132: {  	[tilespmem:s6+$0x156D0] =	vst v60  }
0x133: {  	s31 =	sld [smem:$0x7FA];
	[tilespmem:s6+$0x156E0] =	vst v61  }
0x134: {  	[tilespmem:s6+$0x156F0] =	vst v62  }
0x135: {  	s4 =	simm.s32 $0x154A0;
	[tilespmem:s6+$0x15700] =	vst v63  }
0x136: {  	[spmem:s31] =	stream.linear.scatter [tilespmem:s4], [sflag:$0x12], $0x3E80, $0x38;
	[tilespmem:$0x1E1B0] =	vst v63  }
0x137: {  	_ =	swait.ge [sflag:s9], $0x3E80  }
0x138: {  	[sflag:s9] =	ssyncset.done $0x0  }
0x139: {  	[sflag:s9] =	ssyncadd.s32 $0xFFFFC180  }
.LBB2_5:
0x13a: {  	s1 =	simm.s32 $0x11  }
0x13b: {  	_ =	swait.ge [sflag:s1], $0x190  }
0x13c: {  	[sflag:s1] =	ssyncset.done $0x0  }
0x13d: {  	[sflag:s1] =	ssyncadd.s32 $0xFFFFFE70  }
0x13e: {  	_ =	swait.ge [sflag:s1], $0x190  }
0x13f: {  	[sflag:s1] =	ssyncset.done $0x0  }
0x140: {  	[sflag:s1] =	ssyncadd.s32 $0xFFFFFE70  }
0x141: {  	_ =	swait.ge [sflag:s1], $0x190  }
0x142: {  	[sflag:s1] =	ssyncset.done $0x0  }
0x143: {  	[sflag:s1] =	ssyncadd.s32 $0xFFFFFE70  }
0x144: {  	_ =	swait.ge [sflag:s1], $0x190  }
0x145: {  	[sflag:s1] =	ssyncset.done $0x0  }
0x146: {  	[sflag:s1] =	ssyncadd.s32 $0xFFFFFE70  }
0x147: {  	_ =	swait.ge [sflag:s1], $0x190  }
0x148: {  	[sflag:s1] =	ssyncset.done $0x0  }
0x149: {  	[sflag:s1] =	ssyncadd.s32 $0xFFFFFE70  }
0x14a: {  	_ =	swait.ge [sflag:s1], $0x190  }
0x14b: {  	[sflag:s1] =	ssyncset.done $0x0  }
0x14c: {  	[sflag:s1] =	ssyncadd.s32 $0xFFFFFE70  }
0x14d: {  	_ =	swait.ge [sflag:s1], $0x190  }
0x14e: {  	[sflag:s1] =	ssyncset.done $0x0  }
0x14f: {  	[sflag:s1] =	ssyncadd.s32 $0xFFFFFE70  }
0x150: {  	_ =	swait.ge [sflag:s1], $0x190  }
0x151: {  	[sflag:s1] =	ssyncset.done $0x0  }
0x152: {  	[sflag:s1] =	ssyncadd.s32 $0xFFFFFE70  }
0x153: {  	_ =	swait.ge [sflag:s1], $0x190  }
0x154: {  	[sflag:s1] =	ssyncset.done $0x0  }
0x155: {  	[sflag:s1] =	ssyncadd.s32 $0xFFFFFE70  }
0x156: {  	_ =	swait.ge [sflag:s1], $0x190  }
0x157: {  	[sflag:s1] =	ssyncset.done $0x0  }
0x158: {  	[sflag:s1] =	ssyncadd.s32 $0xFFFFFE70  }
0x159: {  	_ =	swait.ge [sflag:s1], $0x190  }
0x15a: {  	[sflag:s1] =	ssyncset.done $0x0  }
0x15b: {  	[sflag:s1] =	ssyncadd.s32 $0xFFFFFE70  }
0x15c: {  	_ =	swait.ge [sflag:s1], $0x190  }
0x15d: {  	[sflag:s1] =	ssyncset.done $0x0  }
0x15e: {  	[sflag:s1] =	ssyncadd.s32 $0xFFFFFE70  }
0x15f: {  	_ =	swait.ge [sflag:s1], $0x190  }
0x160: {  	[sflag:s1] =	ssyncset.done $0x0  }
0x161: {  	[sflag:s1] =	ssyncadd.s32 $0xFFFFFE70  }
0x162: {  	_ =	swait.ge [sflag:s1], $0x190  }
0x163: {  	[sflag:s1] =	ssyncset.done $0x0  }
0x164: {  	[sflag:s1] =	ssyncadd.s32 $0xFFFFFE70  }
0x165: {  	_ =	swait.ge [sflag:s1], $0x190  }
0x166: {  	[sflag:s1] =	ssyncset.done $0x0  }
0x167: {  	[sflag:s1] =	ssyncadd.s32 $0xFFFFFE70  }
0x168: {  	_ =	swait.ge [sflag:s1], $0x190  }
0x169: {  	[sflag:s1] =	ssyncset.done $0x0  }
0x16a: {  	[sflag:s1] =	ssyncadd.s32 $0xFFFFFE70  }
0x16b: {  	_ =	swait.ge [sflag:s1], $0x190  }
0x16c: {  	[sflag:s1] =	ssyncset.done $0x0  }
0x16d: {  	[sflag:s1] =	ssyncadd.s32 $0xFFFFFE70  }
0x16e: {  	_ =	swait.ge [sflag:s1], $0x190  }
0x16f: {  	[sflag:s1] =	ssyncset.done $0x0  }
0x170: {  	[sflag:s1] =	ssyncadd.s32 $0xFFFFFE70  }
0x171: {  	_ =	swait.ge [sflag:s1], $0x190  }
0x172: {  	[sflag:s1] =	ssyncset.done $0x0  }
0x173: {  	[sflag:s1] =	ssyncadd.s32 $0xFFFFFE70  }
0x174: {  	_ =	swait.ge [sflag:s1], $0x190  }
0x175: {  	[sflag:s1] =	ssyncset.done $0x0  }
0x176: {  	[sflag:s1] =	ssyncadd.s32 $0xFFFFFE70  }
0x177: {  	_ =	swait.ge [sflag:s1], $0x190  }
0x178: {  	[sflag:s1] =	ssyncset.done $0x0  }
0x179: {  	[sflag:s1] =	ssyncadd.s32 $0xFFFFFE70  }
0x17a: {  	_ =	swait.ge [sflag:s1], $0x190  }
0x17b: {  	[sflag:s1] =	ssyncset.done $0x0  }
0x17c: {  	[sflag:s1] =	ssyncadd.s32 $0xFFFFFE70  }
0x17d: {  	_ =	swait.ge [sflag:s1], $0x190  }
0x17e: {  	[sflag:s1] =	ssyncset.done $0x0  }
0x17f: {  	[sflag:s1] =	ssyncadd.s32 $0xFFFFFE70  }
0x180: {  	_ =	swait.ge [sflag:s1], $0x190  }
0x181: {  	[sflag:s1] =	ssyncset.done $0x0  }
0x182: {  	[sflag:s1] =	ssyncadd.s32 $0xFFFFFE70  }
0x183: {  	_ =	swait.ge [sflag:s1], $0x190  }
0x184: {  	[sflag:s1] =	ssyncset.done $0x0  }
0x185: {  	[sflag:s1] =	ssyncadd.s32 $0xFFFFFE70  }
0x186: {  	_ =	swait.ge [sflag:s1], $0x190  }
0x187: {  	[sflag:s1] =	ssyncset.done $0x0  }
0x188: {  	[sflag:s1] =	ssyncadd.s32 $0xFFFFFE70  }
0x189: {  	_ =	swait.ge [sflag:s1], $0x190  }
0x18a: {  	[sflag:s1] =	ssyncset.done $0x0  }
0x18b: {  	[sflag:s1] =	ssyncadd.s32 $0xFFFFFE70  }
0x18c: {  	_ =	swait.ge [sflag:s1], $0x190  }
0x18d: {  	[sflag:s1] =	ssyncset.done $0x0  }
0x18e: {  	[sflag:s1] =	ssyncadd.s32 $0xFFFFFE70  }
0x18f: {  	_ =	swait.ge [sflag:s1], $0x190  }
0x190: {  	[sflag:s1] =	ssyncset.done $0x0  }
0x191: {  	[sflag:s1] =	ssyncadd.s32 $0xFFFFFE70  }
0x192: {  	_ =	swait.ge [sflag:s1], $0x190  }
0x193: {  	[sflag:s1] =	ssyncset.done $0x0  }
0x194: {  	[sflag:s1] =	ssyncadd.s32 $0xFFFFFE70  }
0x195: {  	_ =	swait.ge [sflag:s1], $0x190  }
0x196: {  	[sflag:s1] =	ssyncset.done $0x0  }
0x197: {  	[sflag:s1] =	ssyncadd.s32 $0xFFFFFE70  }
0x198: {  	_ =	swait.ge [sflag:s1], $0x190  }
0x199: {  	[sflag:s1] =	ssyncset.done $0x0  }
0x19a: {  	[sflag:s1] =	ssyncadd.s32 $0xFFFFFE70  }
0x19b: {  	_ =	swait.ge [sflag:s1], $0x190  }
0x19c: {  	[sflag:s1] =	ssyncset.done $0x0  }
0x19d: {  	[sflag:s1] =	ssyncadd.s32 $0xFFFFFE70  }
0x19e: {  	_ =	swait.ge [sflag:s1], $0x190  }
0x19f: {  	[sflag:s1] =	ssyncset.done $0x0  }
0x1a0: {  	[sflag:s1] =	ssyncadd.s32 $0xFFFFFE70  }
0x1a1: {  	_ =	swait.ge [sflag:s1], $0x190  }
0x1a2: {  	[sflag:s1] =	ssyncset.done $0x0  }
0x1a3: {  	[sflag:s1] =	ssyncadd.s32 $0xFFFFFE70  }
0x1a4: {  	_ =	swait.ge [sflag:s1], $0x190  }
0x1a5: {  	[sflag:s1] =	ssyncset.done $0x0  }
0x1a6: {  	[sflag:s1] =	ssyncadd.s32 $0xFFFFFE70  }
0x1a7: {  	_ =	swait.ge [sflag:s1], $0x190  }
0x1a8: {  	[sflag:s1] =	ssyncset.done $0x0  }
0x1a9: {  	[sflag:s1] =	ssyncadd.s32 $0xFFFFFE70  }
0x1aa: {  	_ =	swait.ge [sflag:s1], $0x190  }
0x1ab: {  	[sflag:s1] =	ssyncset.done $0x0  }
0x1ac: {  	[sflag:s1] =	ssyncadd.s32 $0xFFFFFE70  }
0x1ad: {  	_ =	swait.ge [sflag:s1], $0x190  }
0x1ae: {  	[sflag:s1] =	ssyncset.done $0x0  }
0x1af: {  	[sflag:s1] =	ssyncadd.s32 $0xFFFFFE70  }
0x1b0: {  	_ =	swait.ge [sflag:s1], $0x190  }
0x1b1: {  	[sflag:s1] =	ssyncset.done $0x0  }
0x1b2: {  	[sflag:s1] =	ssyncadd.s32 $0xFFFFFE70  }
0x1b3: {  	_ =	swait.ge [sflag:s1], $0x190  }
0x1b4: {  	[sflag:s1] =	ssyncset.done $0x0  }
0x1b5: {  	[sflag:s1] =	ssyncadd.s32 $0xFFFFFE70  }
0x1b6: {  	_ =	swait.ge [sflag:s1], $0x190  }
0x1b7: {  	[sflag:s1] =	ssyncset.done $0x0  }
0x1b8: {  	[sflag:s1] =	ssyncadd.s32 $0xFFFFFE70  }
0x1b9: {  	_ =	swait.ge [sflag:s1], $0x190  }
0x1ba: {  	[sflag:s1] =	ssyncset.done $0x0  }
0x1bb: {  	[sflag:s1] =	ssyncadd.s32 $0xFFFFFE70  }
0x1bc: {  	_ =	swait.ge [sflag:s1], $0x190  }
0x1bd: {  	[sflag:s1] =	ssyncset.done $0x0  }
0x1be: {  	[sflag:s1] =	ssyncadd.s32 $0xFFFFFE70  }
0x1bf: {  	_ =	swait.ge [sflag:s1], $0x190  }
0x1c0: {  	[sflag:s1] =	ssyncset.done $0x0  }
0x1c1: {  	[sflag:s1] =	ssyncadd.s32 $0xFFFFFE70  }
0x1c2: {  	_ =	swait.ge [sflag:s1], $0x190  }
0x1c3: {  	[sflag:s1] =	ssyncset.done $0x0  }
0x1c4: {  	[sflag:s1] =	ssyncadd.s32 $0xFFFFFE70  }
0x1c5: {  	_ =	swait.ge [sflag:s1], $0x190  }
0x1c6: {  	[sflag:s1] =	ssyncset.done $0x0  }
0x1c7: {  	[sflag:s1] =	ssyncadd.s32 $0xFFFFFE70  }
0x1c8: {  	_ =	swait.ge [sflag:s1], $0x190  }
0x1c9: {  	[sflag:s1] =	ssyncset.done $0x0  }
0x1ca: {  	[sflag:s1] =	ssyncadd.s32 $0xFFFFFE70  }
0x1cb: {  	_ =	swait.ge [sflag:s1], $0x190  }
0x1cc: {  	[sflag:s1] =	ssyncset.done $0x0  }
0x1cd: {  	[sflag:s1] =	ssyncadd.s32 $0xFFFFFE70  }
0x1ce: {  	_ =	swait.ge [sflag:s1], $0x190  }
0x1cf: {  	[sflag:s1] =	ssyncset.done $0x0  }
0x1d0: {  	p1 =	por $0x0, $0x0;
	[sflag:s1] =	ssyncadd.s32 $0xFFFFFE70  }
0x1d1: {  	s1 =	simm.s32 @p1 $0x9;
	[bflag:$0x0] =	sbarrier.arrive $0xFFFF  }
0x1d2: {  	_ =	swait.ge @p1 [sflag:s1], $0x1900  }
0x1d3: {  	s5 =	simm.s32 @p1 $0x0;
	s4 =	simm.s32 @p1 $0x190;
	[sflag:s1] =	ssyncset.done @p1 $0x0  }
0x1d4: {  	s6 =	simm.s32 @p1 $0xA;
	[sflag:s1] =	ssyncadd.s32 @p1 $0xFFFFE700;
	s1 =	simm.s32 @p1 $0x4E20  }
0x1d5: {  	[tilespmem:s1], [sflag:$0x1] =	stream.indirect.gather @p1 [spmem:s3], $0x10, s5, s4, $0xb8;
	[tilespmem:$0x1E1B0] =	vst v63  }
0x1d6: {  	_ =	swait.ge @p1 [sflag:s6], $0x1900  }
0x1d7: {  	s1 =	simm.s32 @p1 $0x190;
	[sflag:s6] =	ssyncset.done @p1 $0x0  }
0x1d8: {  	s5 =	simm.s32 @p1 $0x6720;
	[sflag:s6] =	ssyncadd.s32 @p1 $0xFFFFE700;
	s6 =	simm.s32 @p1 $0xB  }
0x1d9: {  	[tilespmem:s5], [sflag:$0x2] =	stream.indirect.gather @p1 [spmem:s3], $0x10, s1, s4, $0xb8;
	[tilespmem:$0x1E1B0] =	vst v63  }
0x1da: {  	_ =	swait.ge @p1 [sflag:s6], $0x1900  }
0x1db: {  	s7 =	simm.s32 @p1 $0xC;
	[sflag:s6] =	ssyncset.done @p1 $0x0  }
0x1dc: {  	s1 =	simm.s32 $0x320;
	s5 =	simm.s32 @p1 $0x8020;
	[sflag:s6] =	ssyncadd.s32 @p1 $0xFFFFE700  }
0x1dd: {  	[tilespmem:s5], [sflag:$0x3] =	stream.indirect.gather @p1 [spmem:s3], $0x10, s1, s4, $0xb8;
	[tilespmem:$0x1E1B0] =	vst v63  }
0x1de: {  	_ =	swait.ge @p1 [sflag:s7], $0x1900  }
0x1df: {  	s6 =	simm.s32 @!p1 $0x4E20;
	[sflag:s7] =	ssyncset.done @p1 $0x0  }
0x1e0: {  	s5 =	simm.s32 @!p1 $0x190;
	s1 =	simm.s32 @!p1 $0x0;
	[sflag:s7] =	ssyncadd.s32 @p1 $0xFFFFE700  }
0x1e1: {  	[tilespmem:s6], [sflag:$0x1] =	stream.indirect.gather @!p1 [spmem:s3], $0x10, s1, s5, $0xb8;
	[tilespmem:$0x1E1B0] =	vst v63  }
0x1e2: {  	s1 =	simm.s32 @p1 $0x0;
	s6 =	simm.s32 @!p1 $0x6720  }
0x1e3: {  	[tilespmem:s6], [sflag:$0x2] =	stream.indirect.gather @!p1 [spmem:s3], $0x10, s5, s5, $0xb8;
	[tilespmem:$0x1E1B0] =	vst v63  }
0x1e4: {  	s7 =	simm.s32 @!p1 $0x8020;
	s1 =	simm.s32 @!p1 $0x0;
	s6 =	simm.s32 @!p1 $0x320  }
0x1e5: {  	[tilespmem:s7], [sflag:$0x3] =	stream.indirect.gather @!p1 [spmem:s3], $0x10, s6, s5, $0xb8;
	[tilespmem:$0x1E1B0] =	vst v63  }
0x1e6: {  	s8 =	sadd.s32 $0x4B0, s1  }
0x1e7: {  	[tilespmem:s20], [sflag:$0x4] =	stream.indirect.gather [spmem:s3], $0x10, s8, s0, $0xb8;
	[tilespmem:$0x1E1B0] =	vst v63  }
0x1e8: {  	_ =	swait.ge [sflag:s10], $0x1900  }
0x1e9: {  	[sflag:s10] =	ssyncset.done $0x0  }
0x1ea: {  	s9 =	sadd.s32 $0x2710, s1;
	[sflag:s10] =	ssyncadd.s32 $0xFFFFE700  }
0x1eb: {  	[spmem:s2] =	stream.indirect.scatter.add.f32 [tilespmem:s15], [sflag:$0x9], $0x10, s9, s0, $0xb8;
	[tilespmem:$0x1E1B0] =	vst v63  }
0x1ec: {  	s6 =	simm.s32 @p1 $0x190;
	_ =	swait.ge [sflag:s12], $0x1900  }
0x1ed: {  	s6 =	simm.s32 @!p1 $0x190;
	[sflag:s12] =	ssyncset.done $0x0  }
0x1ee: {  	s6 =	sadd.s32 $0x2710, s6;
	s11 =	rddreg [dreg:$0x5];
	[sflag:s12] =	ssyncadd.s32 $0xFFFFE700  }
0x1ef: {  	[spmem:s2] =	stream.indirect.scatter.add.f32 [tilespmem:s11], [sflag:$0xA], $0x10, s6, s0, $0xb8;
	[tilespmem:$0x1E1B0] =	vst v63  }
0x1f0: {  	s6 =	simm.s32 $0x320;
	_ =	swait.ge [sflag:s13], $0x1900  }
0x1f1: {  	s6 =	simm.s32 @!p1 $0x320;
	[sflag:s13] =	ssyncset.done $0x0  }
0x1f2: {  	s15 =	rddreg [dreg:$0x6];
	s6 =	sadd.s32 $0x2710, s6;
	[sflag:s13] =	ssyncadd.s32 $0xFFFFE700  }
0x1f3: {  	[spmem:s2] =	stream.indirect.scatter.add.f32 [tilespmem:s15], [sflag:$0xB], $0x10, s6, s0, $0xb8;
	[tilespmem:$0x1E1B0] =	vst v63  }
0x1f4: {  	_ =	swait.ge [sflag:s14], $0x1900  }
0x1f5: {  	[sflag:s14] =	ssyncset.done $0x0  }
0x1f6: {  	s21 =	sadd.s32 $0x2BC0, s1;
	s7 =	simm.s32 @p1 $0xD;
	[sflag:s14] =	ssyncadd.s32 $0xFFFFE700  }
0x1f7: {  	[spmem:s2] =	stream.indirect.scatter.add.f32 [tilespmem:s20], [sflag:$0xC], $0x10, s21, s0, $0xb8;
	[tilespmem:$0x1E1B0] =	vst v63  }
0x1f8: {  	_ =	swait.ge @p1 [sflag:s7], $0x1900  }
0x1f9: {  	s8 =	simm.s32 @p1 $0xB220;
	[sflag:s7] =	ssyncset.done @p1 $0x0  }
0x1fa: {  	s6 =	sadd.s32 @p1 $0x640, s1;
	[sflag:s7] =	ssyncadd.s32 @p1 $0xFFFFE700;
	s7 =	simm.s32 @p1 $0xE  }
0x1fb: {  	[tilespmem:s8], [sflag:$0x5] =	stream.indirect.gather @p1 [spmem:s3], $0x10, s6, s4, $0xb8;
	[tilespmem:$0x1E1B0] =	vst v63  }
0x1fc: {  	_ =	swait.ge @p1 [sflag:s7], $0x1900  }
0x1fd: {  	s20 =	simm.s32 @p1 $0xCB20;
	[sflag:s7] =	ssyncset.done @p1 $0x0  }
0x1fe: {  	s8 =	sadd.s32 @p1 $0x7D0, s1;
	[sflag:s7] =	ssyncadd.s32 @p1 $0xFFFFE700;
	s7 =	simm.s32 @p1 $0xF  }
0x1ff: {  	[tilespmem:s20], [sflag:$0x6] =	stream.indirect.gather @p1 [spmem:s3], $0x10, s8, s4, $0xb8;
	[tilespmem:$0x1E1B0] =	vst v63  }
0x200: {  	_ =	swait.ge @p1 [sflag:s7], $0x1900  }
0x201: {  	s21 =	simm.s32 @p1 $0xE420;
	[sflag:s7] =	ssyncset.done @p1 $0x0  }
0x202: {  	s20 =	sadd.s32 @p1 $0x960, s1;
	[sflag:s7] =	ssyncadd.s32 @p1 $0xFFFFE700;
	s7 =	simm.s32 @p1 $0x10  }
0x203: {  	[tilespmem:s21], [sflag:$0x7] =	stream.indirect.gather @p1 [spmem:s3], $0x10, s20, s4, $0xb8;
	[tilespmem:$0x1E1B0] =	vst v63  }
0x204: {  	_ =	swait.ge @p1 [sflag:s7], $0x1900  }
0x205: {  	[sflag:s7] =	ssyncset.done @p1 $0x0  }
0x206: {  	s4 =	sadd.s32 @!p1 $0x640, s1;
	s21 =	simm.s32 @!p1 $0xB220;
	[sflag:s7] =	ssyncadd.s32 @p1 $0xFFFFE700  }
0x207: {  	[tilespmem:s21], [sflag:$0x5] =	stream.indirect.gather @!p1 [spmem:s3], $0x10, s4, s5, $0xb8;
	[tilespmem:$0x1E1B0] =	vst v63  }
0x208: {  	s7 =	sadd.s32 @!p1 $0x7D0, s1;
	s21 =	simm.s32 @!p1 $0xCB20  }
0x209: {  	[tilespmem:s21], [sflag:$0x6] =	stream.indirect.gather @!p1 [spmem:s3], $0x10, s7, s5, $0xb8;
	[tilespmem:$0x1E1B0] =	vst v63  }
0x20a: {  	s22 =	simm.s32 @!p1 $0xE420;
	s21 =	sadd.s32 @!p1 $0x960, s1  }
0x20b: {  	[tilespmem:s22], [sflag:$0x7] =	stream.indirect.gather @!p1 [spmem:s3], $0x10, s21, s5, $0xb8;
	[tilespmem:$0x1E1B0] =	vst v63  }
0x20c: {  	s31 =	simm.s32 $0xFA0;
	s22 =	sadd.s32 $0xAF0, s1  }
0x20d: {  	[tilespmem:s24], [sflag:$0x8] =	stream.indirect.gather [spmem:s3], $0x10, s22, s0, $0xb8;
	[tilespmem:$0x1E1B0] =	vst v63  }
0x20e: {  	s10 =	simm.s32 $0x4E20;
	s12 =	simm.s32 $0x1;
	_ =	swait.ge [sflag:s25], $0x1900  }
0x20f: {  	s13 =	simm.s32 $0x2;
	s4 =	smov.u32 @p1 s6;
	[sflag:s25] =	ssyncset.done $0x0  }
0x210: {  	s4 =	sadd.s32 $0x2710, s4;
	s23 =	rddreg [dreg:$0x7];
	[sflag:s25] =	ssyncadd.s32 $0xFFFFE700  }
0x211: {  	[spmem:s2] =	stream.indirect.scatter.add.f32 [tilespmem:s23], [sflag:$0xD], $0x10, s4, s0, $0xb8;
	[tilespmem:$0x1E1B0] =	vst v63  }
0x212: {  	s15 =	simm.s32 $0x9920;
	s7 =	smov.u32 @p1 s8;
	_ =	swait.ge [sflag:s17], $0x1900  }
0x213: {  	s14 =	simm.s32 $0x3;
	s28 =	sadd.s32 $0x2710, s7;
	[sflag:s17] =	ssyncset.done $0x0  }
0x214: {  	s7 =	sadd.s32 $0x3200, s1;
	s26 =	rddreg [dreg:$0x8];
	[sflag:s17] =	ssyncadd.s32 $0xFFFFE700  }
0x215: {  	[spmem:s2] =	stream.indirect.scatter.add.f32 [tilespmem:s26], [sflag:$0xE], $0x10, s28, s0, $0xb8;
	[tilespmem:$0x1E1B0] =	vst v63  }
0x216: {  	s21 =	smov.u32 @p1 s20;
	s5 =	simm.s32 $0x1C20;
	_ =	swait.ge [sflag:s18], $0x1900  }
0x217: {  	p1 =	por $0x1, $0x1;
	s30 =	sadd.s32 $0x2710, s21;
	[sflag:s18] =	ssyncset.done $0x0  }
0x218: {  	s4 =	simm.s32 $0xFA0;
	s29 =	rddreg [dreg:$0x9];
	[sflag:s18] =	ssyncadd.s32 $0xFFFFE700  }
0x219: {  	[spmem:s2] =	stream.indirect.scatter.add.f32 [tilespmem:s29], [sflag:$0xF], $0x10, s30, s0, $0xb8;
	[tilespmem:$0x1E1B0] =	vst v63  }
.LBB2_6:
0x21a: {  	_ =	swait.ge [sflag:s19], $0x1900  }
0x21b: {  	[sflag:s19] =	ssyncset.done $0x0  }
0x21c: {  	s20 =	simm.s32 @p1 $0x9;
	s6 =	sadd.s32 @p1 $0xFFFFFCE0, s4;
	[sflag:s19] =	ssyncadd.s32 $0xFFFFE700  }
0x21d: {  	[spmem:s2] =	stream.indirect.scatter.add.f32 [tilespmem:s24], [sflag:$0x10], $0x10, s7, s0, $0xb8;
	[tilespmem:$0x1E1B0] =	vst v63  }
0x21e: {  	s8 =	sadd.s32 @p1 $0xFFFFFE70, s4;
	s1 =	smov.u32 s4;
	_ =	swait.ge @p1 [sflag:s20], $0x1900  }
0x21f: {  	s4 =	sadd.s32 @p1 $0xFFFFFCE0, s31;
	s22 =	simm.s32 @p1 $0x190;
	[sflag:s20] =	ssyncset.done @p1 $0x0  }
0x220: {  	s7 =	simm.s32 @p1 $0x4E20;
	[sflag:s20] =	ssyncadd.s32 @p1 $0xFFFFE700;
	s20 =	simm.s32 @p1 $0xA  }
0x221: {  	[tilespmem:s7], [sflag:$0x1] =	stream.indirect.gather @p1 [spmem:s3], $0x10, s4, s22, $0xb8;
	[tilespmem:$0x1E1B0] =	vst v63  }
0x222: {  	_ =	swait.ge @p1 [sflag:s20], $0x1900  }
0x223: {  	s4 =	sadd.s32 @p1 $0xFFFFFE70, s31;
	[sflag:s20] =	ssyncset.done @p1 $0x0  }
0x224: {  	s7 =	simm.s32 @p1 $0x6720;
	[sflag:s20] =	ssyncadd.s32 @p1 $0xFFFFE700;
	s20 =	simm.s32 @p1 $0xB  }
0x225: {  	[tilespmem:s7], [sflag:$0x2] =	stream.indirect.gather @p1 [spmem:s3], $0x10, s4, s22, $0xb8;
	[tilespmem:$0x1E1B0] =	vst v63  }
0x226: {  	_ =	swait.ge @p1 [sflag:s20], $0x1900  }
0x227: {  	[sflag:s20] =	ssyncset.done @p1 $0x0  }
0x228: {  	s11 =	simm.s32 @p1 $0xC;
	s4 =	simm.s32 @p1 $0x8020;
	[sflag:s20] =	ssyncadd.s32 @p1 $0xFFFFE700  }
0x229: {  	[tilespmem:s4], [sflag:$0x3] =	stream.indirect.gather @p1 [spmem:s3], $0x10, s31, s22, $0xb8;
	[tilespmem:$0x1E1B0] =	vst v63  }
0x22a: {  	_ =	swait.ge @p1 [sflag:s11], $0x1900  }
0x22b: {  	s9 =	simm.s32 @!p1 $0x0;
	[sflag:s11] =	ssyncset.done @p1 $0x0  }
0x22c: {  	s7 =	simm.s32 @!p1 $0x190;
	[sflag:s11] =	ssyncadd.s32 @p1 $0xFFFFE700;
	s11 =	simm.s32 @!p1 $0x4E20  }
0x22d: {  	[tilespmem:s11], [sflag:$0x1] =	stream.indirect.gather @!p1 [spmem:s3], $0x10, s9, s7, $0xb8;
	[tilespmem:$0x1E1B0] =	vst v63  }
0x22e: {  	s9 =	simm.s32 @!p1 $0x6720  }
0x22f: {  	[tilespmem:s9], [sflag:$0x2] =	stream.indirect.gather @!p1 [spmem:s3], $0x10, s7, s7, $0xb8;
	[tilespmem:$0x1E1B0] =	vst v63  }
0x230: {  	s6 =	simm.s32 @!p1 $0x0;
	s11 =	simm.s32 @!p1 $0x8020;
	s9 =	simm.s32 @!p1 $0x320  }
0x231: {  	[tilespmem:s11], [sflag:$0x3] =	stream.indirect.gather @!p1 [spmem:s3], $0x10, s9, s7, $0xb8;
	[tilespmem:$0x1E1B0] =	vst v63  }
0x232: {  	s11 =	sadd.s32 $0x4B0, s6  }
0x233: {  	[tilespmem:s15], [sflag:$0x4] =	stream.indirect.gather [spmem:s3], $0x10, s11, s0, $0xb8;
	[tilespmem:$0x1E1B0] =	vst v63  }
0x234: {  	_ =	swait.ge [sflag:s12], $0x1900  }
0x235: {  	[sflag:s12] =	ssyncset.done $0x0  }
0x236: {  	s11 =	sadd.s32 $0x2710, s6;
	[sflag:s12] =	ssyncadd.s32 $0xFFFFE700  }
0x237: {  	[spmem:s2] =	stream.indirect.scatter.add.f32 [tilespmem:s10], [sflag:$0x9], $0x10, s11, s0, $0xb8;
	[tilespmem:$0x1E1B0] =	vst v63  }
0x238: {  	_ =	swait.ge [sflag:s13], $0x1900  }
0x239: {  	s8 =	simm.s32 @!p1 $0x190;
	[sflag:s13] =	ssyncset.done $0x0  }
0x23a: {  	s8 =	sadd.s32 $0x2710, s8;
	s11 =	rddreg [dreg:$0x5];
	[sflag:s13] =	ssyncadd.s32 $0xFFFFE700  }
0x23b: {  	[spmem:s2] =	stream.indirect.scatter.add.f32 [tilespmem:s11], [sflag:$0xA], $0x10, s8, s0, $0xb8;
	[tilespmem:$0x1E1B0] =	vst v63  }
0x23c: {  	_ =	swait.ge [sflag:s14], $0x1900  }
0x23d: {  	s1 =	simm.s32 @!p1 $0x320;
	[sflag:s14] =	ssyncset.done $0x0  }
0x23e: {  	s1 =	sadd.s32 $0x2710, s1;
	s11 =	rddreg [dreg:$0x6];
	[sflag:s14] =	ssyncadd.s32 $0xFFFFE700  }
0x23f: {  	[spmem:s2] =	stream.indirect.scatter.add.f32 [tilespmem:s11], [sflag:$0xB], $0x10, s1, s0, $0xb8;
	[tilespmem:$0x1E1B0] =	vst v63  }
0x240: {  	_ =	swait.ge [sflag:s16], $0x1900  }
0x241: {  	[sflag:s16] =	ssyncset.done $0x0  }
0x242: {  	s9 =	sadd.s32 $0x2BC0, s6;
	s8 =	simm.s32 @p1 $0xD;
	[sflag:s16] =	ssyncadd.s32 $0xFFFFE700  }
0x243: {  	[spmem:s2] =	stream.indirect.scatter.add.f32 [tilespmem:s15], [sflag:$0xC], $0x10, s9, s0, $0xb8;
	[tilespmem:$0x1E1B0] =	vst v63  }
0x244: {  	_ =	swait.ge @p1 [sflag:s8], $0x1900  }
0x245: {  	s30 =	sadd.s32 @p1 $0x640, s6;
	[sflag:s8] =	ssyncset.done @p1 $0x0  }
0x246: {  	s1 =	simm.s32 @p1 $0xB220;
	[sflag:s8] =	ssyncadd.s32 @p1 $0xFFFFE700;
	s8 =	simm.s32 @p1 $0xE  }
0x247: {  	[tilespmem:s1], [sflag:$0x5] =	stream.indirect.gather @p1 [spmem:s3], $0x10, s30, s22, $0xb8;
	[tilespmem:$0x1E1B0] =	vst v63  }
0x248: {  	_ =	swait.ge @p1 [sflag:s8], $0x1900  }
0x249: {  	s28 =	sadd.s32 @p1 $0x7D0, s6;
	[sflag:s8] =	ssyncset.done @p1 $0x0  }
0x24a: {  	s1 =	simm.s32 @p1 $0xCB20;
	[sflag:s8] =	ssyncadd.s32 @p1 $0xFFFFE700;
	s8 =	simm.s32 @p1 $0xF  }
0x24b: {  	[tilespmem:s1], [sflag:$0x6] =	stream.indirect.gather @p1 [spmem:s3], $0x10, s28, s22, $0xb8;
	[tilespmem:$0x1E1B0] =	vst v63  }
0x24c: {  	_ =	swait.ge @p1 [sflag:s8], $0x1900  }
0x24d: {  	s29 =	sadd.s32 @p1 $0x960, s6;
	[sflag:s8] =	ssyncset.done @p1 $0x0  }
0x24e: {  	s1 =	simm.s32 @p1 $0xE420;
	[sflag:s8] =	ssyncadd.s32 @p1 $0xFFFFE700;
	s8 =	simm.s32 @p1 $0x10  }
0x24f: {  	[tilespmem:s1], [sflag:$0x7] =	stream.indirect.gather @p1 [spmem:s3], $0x10, s29, s22, $0xb8;
	[tilespmem:$0x1E1B0] =	vst v63  }
0x250: {  	_ =	swait.ge @p1 [sflag:s8], $0x1900  }
0x251: {  	[sflag:s8] =	ssyncset.done @p1 $0x0  }
0x252: {  	s24 =	sadd.s32 @!p1 $0x640, s6;
	s1 =	simm.s32 @!p1 $0xB220;
	[sflag:s8] =	ssyncadd.s32 @p1 $0xFFFFE700  }
0x253: {  	[tilespmem:s1], [sflag:$0x5] =	stream.indirect.gather @!p1 [spmem:s3], $0x10, s24, s7, $0xb8;
	[tilespmem:$0x1E1B0] =	vst v63  }
0x254: {  	s25 =	sadd.s32 @!p1 $0x7D0, s6;
	s26 =	sadd.s32 @!p1 $0x960, s6;
	s8 =	simm.s32 @!p1 $0xCB20  }
0x255: {  	[tilespmem:s8], [sflag:$0x6] =	stream.indirect.gather @!p1 [spmem:s3], $0x10, s25, s7, $0xb8;
	[tilespmem:$0x1E1B0] =	vst v63  }
0x256: {  	s21 =	smov.u32 s25;
	s23 =	smov.u32 s24;
	s1 =	simm.s32 @!p1 $0xE420  }
0x257: {  	[tilespmem:s1], [sflag:$0x7] =	stream.indirect.gather @!p1 [spmem:s3], $0x10, s26, s7, $0xb8;
	[tilespmem:$0x1E1B0] =	vst v63  }
0x258: {  	s11 =	sadd.s32 $0xAF0, s6;
	s24 =	simm.s32 $0xFD20;
	s25 =	simm.s32 $0x5  }
0x259: {  	[tilespmem:s24], [sflag:$0x8] =	stream.indirect.gather [spmem:s3], $0x10, s11, s0, $0xb8;
	[tilespmem:$0x1E1B0] =	vst v63  }
0x25a: {  	_ =	swait.ge [sflag:s25], $0x1900  }
0x25b: {  	s21 =	smov.u32 @p1 s28;
	s23 =	smov.u32 @p1 s30;
	[sflag:s25] =	ssyncset.done $0x0  }
0x25c: {  	s23 =	sadd.s32 $0x2710, s23;
	s22 =	rddreg [dreg:$0x7];
	[sflag:s25] =	ssyncadd.s32 $0xFFFFE700  }
0x25d: {  	[spmem:s2] =	stream.indirect.scatter.add.f32 [tilespmem:s22], [sflag:$0xD], $0x10, s23, s0, $0xb8;
	[tilespmem:$0x1E1B0] =	vst v63  }
0x25e: {  	s4 =	smov.u32 s5;
	s5 =	sadd.s32 $0xC80, s5;
	_ =	swait.ge [sflag:s17], $0x1900  }
0x25f: {  	s20 =	smov.u32 s26;
	p2 =	sne.s32 s5, $0x28A0;
	[sflag:s17] =	ssyncset.done $0x0  }
0x260: {  	s28 =	sadd.s32 $0x2710, s21;
	s26 =	rddreg [dreg:$0x8];
	[sflag:s17] =	ssyncadd.s32 $0xFFFFE700  }
0x261: {  	[spmem:s2] =	stream.indirect.scatter.add.f32 [tilespmem:s26], [sflag:$0xE], $0x10, s28, s0, $0xb8;
	[tilespmem:$0x1E1B0] =	vst v63  }
.Ltmp2:
0x262: {  	_ = 	snop;
	(pc) =	sbr.rel @p2 .LBB2_6-.Ltmp2, $4  }
0x263: {  	s20 =	smov.u32 @p1 s29;
	s31 =	sadd.s32 $0xC80, s31;
	_ =	swait.ge [sflag:s18], $0x1900  }
0x264: {  	s30 =	sadd.s32 $0x2710, s20;
	p1 =	sne.s32 s4, $0x320;
	[sflag:s18] =	ssyncset.done $0x0  }
0x265: {  	s7 =	sadd.s32 $0x3200, s6;
	s29 =	rddreg [dreg:$0x9];
	[sflag:s18] =	ssyncadd.s32 $0xFFFFE700  }
0x266: {  	[spmem:s2] =	stream.indirect.scatter.add.f32 [tilespmem:s29], [sflag:$0xF], $0x10, s30, s0, $0xb8;
	[tilespmem:$0x1E1B0] =	vst v63  }
0x267: {  	_ =	swait.ge [sflag:s19], $0x1900  }
0x268: {  	[sflag:s19] =	ssyncset.done $0x0  }
0x269: {  	s1 =	simm.s32 @p1 $0x9;
	[sflag:s19] =	ssyncadd.s32 $0xFFFFE700  }
0x26a: {  	[spmem:s2] =	stream.indirect.scatter.add.f32 [tilespmem:s24], [sflag:$0x10], $0x10, s7, s0, $0xb8;
	[tilespmem:$0x1E1B0] =	vst v63  }
0x26b: {  	_ =	swait.ge @p1 [sflag:s1], $0x1900  }
0x26c: {  	s6 =	sadd.s32 @p1 $0xFFFFFCE0, s31;
	s5 =	simm.s32 @p1 $0x190;
	[sflag:s1] =	ssyncset.done @p1 $0x0  }
0x26d: {  	s7 =	simm.s32 @p1 $0xA;
	[sflag:s1] =	ssyncadd.s32 @p1 $0xFFFFE700;
	s1 =	simm.s32 @p1 $0x4E20  }
0x26e: {  	[tilespmem:s1], [sflag:$0x1] =	stream.indirect.gather @p1 [spmem:s3], $0x10, s6, s5, $0xb8;
	[tilespmem:$0x1E1B0] =	vst v63  }
0x26f: {  	_ =	swait.ge @p1 [sflag:s7], $0x1900  }
0x270: {  	s1 =	sadd.s32 @p1 $0xFFFFFE70, s31;
	[sflag:s7] =	ssyncset.done @p1 $0x0  }
0x271: {  	s6 =	simm.s32 @p1 $0x6720;
	[sflag:s7] =	ssyncadd.s32 @p1 $0xFFFFE700;
	s7 =	simm.s32 @p1 $0xB  }
0x272: {  	[tilespmem:s6], [sflag:$0x2] =	stream.indirect.gather @p1 [spmem:s3], $0x10, s1, s5, $0xb8;
	[tilespmem:$0x1E1B0] =	vst v63  }
0x273: {  	_ =	swait.ge @p1 [sflag:s7], $0x1900  }
0x274: {  	[sflag:s7] =	ssyncset.done @p1 $0x0  }
0x275: {  	s8 =	simm.s32 @p1 $0xC;
	s1 =	simm.s32 @p1 $0x8020;
	[sflag:s7] =	ssyncadd.s32 @p1 $0xFFFFE700  }
0x276: {  	[tilespmem:s1], [sflag:$0x3] =	stream.indirect.gather @p1 [spmem:s3], $0x10, s31, s5, $0xb8;
	[tilespmem:$0x1E1B0] =	vst v63  }
0x277: {  	_ =	swait.ge @p1 [sflag:s8], $0x1900  }
0x278: {  	s6 =	simm.s32 @!p1 $0x190;
	[sflag:s8] =	ssyncset.done @p1 $0x0  }
0x279: {  	s7 =	simm.s32 @!p1 $0x4E20;
	s1 =	simm.s32 @!p1 $0x0;
	[sflag:s8] =	ssyncadd.s32 @p1 $0xFFFFE700  }
0x27a: {  	[tilespmem:s7], [sflag:$0x1] =	stream.indirect.gather @!p1 [spmem:s3], $0x10, s1, s6, $0xb8;
	[tilespmem:$0x1E1B0] =	vst v63  }
0x27b: {  	s1 =	sadd.s32 @p1 $0xFFFFFCE0, s4;
	s7 =	simm.s32 @!p1 $0x6720  }
0x27c: {  	[tilespmem:s7], [sflag:$0x2] =	stream.indirect.gather @!p1 [spmem:s3], $0x10, s6, s6, $0xb8;
	[tilespmem:$0x1E1B0] =	vst v63  }
0x27d: {  	s8 =	simm.s32 @!p1 $0x8020;
	s1 =	simm.s32 @!p1 $0x0;
	s7 =	simm.s32 @!p1 $0x320  }
0x27e: {  	[tilespmem:s8], [sflag:$0x3] =	stream.indirect.gather @!p1 [spmem:s3], $0x10, s7, s6, $0xb8;
	[tilespmem:$0x1E1B0] =	vst v63  }
0x27f: {  	s22 =	sadd.s32 $0x4B0, s1  }
0x280: {  	[tilespmem:s15], [sflag:$0x4] =	stream.indirect.gather [spmem:s3], $0x10, s22, s0, $0xb8;
	[tilespmem:$0x1E1B0] =	vst v63  }
0x281: {  	_ =	swait.ge [sflag:s12], $0x1900  }
0x282: {  	[sflag:s12] =	ssyncset.done $0x0  }
0x283: {  	s10 =	simm.s32 $0x4E20;
	s23 =	sadd.s32 $0x2710, s1;
	[sflag:s12] =	ssyncadd.s32 $0xFFFFE700  }
0x284: {  	[spmem:s2] =	stream.indirect.scatter.add.f32 [tilespmem:s10], [sflag:$0x9], $0x10, s23, s0, $0xb8;
	[tilespmem:$0x1E1B0] =	vst v63  }
0x285: {  	s7 =	sadd.s32 @p1 $0xFFFFFE70, s4;
	_ =	swait.ge [sflag:s13], $0x1900  }
0x286: {  	s7 =	simm.s32 @!p1 $0x190;
	[sflag:s13] =	ssyncset.done $0x0  }
0x287: {  	s7 =	sadd.s32 $0x2710, s7;
	s26 =	rddreg [dreg:$0x5];
	[sflag:s13] =	ssyncadd.s32 $0xFFFFE700  }
0x288: {  	[spmem:s2] =	stream.indirect.scatter.add.f32 [tilespmem:s26], [sflag:$0xA], $0x10, s7, s0, $0xb8;
	[tilespmem:$0x1E1B0] =	vst v63  }
0x289: {  	_ =	swait.ge [sflag:s14], $0x1900  }
0x28a: {  	s4 =	simm.s32 @!p1 $0x320;
	[sflag:s14] =	ssyncset.done $0x0  }
0x28b: {  	s4 =	sadd.s32 $0x2710, s4;
	s28 =	rddreg [dreg:$0x6];
	[sflag:s14] =	ssyncadd.s32 $0xFFFFE700  }
0x28c: {  	[spmem:s2] =	stream.indirect.scatter.add.f32 [tilespmem:s28], [sflag:$0xB], $0x10, s4, s0, $0xb8;
	[tilespmem:$0x1E1B0] =	vst v63  }
0x28d: {  	_ =	swait.ge [sflag:s16], $0x1900  }
0x28e: {  	[sflag:s16] =	ssyncset.done $0x0  }
0x28f: {  	s29 =	sadd.s32 $0x2BC0, s1;
	s7 =	simm.s32 @p1 $0xD;
	[sflag:s16] =	ssyncadd.s32 $0xFFFFE700  }
0x290: {  	[spmem:s2] =	stream.indirect.scatter.add.f32 [tilespmem:s15], [sflag:$0xC], $0x10, s29, s0, $0xb8;
	[tilespmem:$0x1E1B0] =	vst v63  }
0x291: {  	_ =	swait.ge @p1 [sflag:s7], $0x1900  }
0x292: {  	s8 =	simm.s32 @p1 $0xB220;
	[sflag:s7] =	ssyncset.done @p1 $0x0  }
0x293: {  	s4 =	sadd.s32 @p1 $0x640, s1;
	[sflag:s7] =	ssyncadd.s32 @p1 $0xFFFFE700;
	s7 =	simm.s32 @p1 $0xE  }
0x294: {  	[tilespmem:s8], [sflag:$0x5] =	stream.indirect.gather @p1 [spmem:s3], $0x10, s4, s5, $0xb8;
	[tilespmem:$0x1E1B0] =	vst v63  }
0x295: {  	_ =	swait.ge @p1 [sflag:s7], $0x1900  }
0x296: {  	s9 =	simm.s32 @p1 $0xCB20;
	[sflag:s7] =	ssyncset.done @p1 $0x0  }
0x297: {  	s8 =	sadd.s32 @p1 $0x7D0, s1;
	[sflag:s7] =	ssyncadd.s32 @p1 $0xFFFFE700;
	s7 =	simm.s32 @p1 $0xF  }
0x298: {  	[tilespmem:s9], [sflag:$0x6] =	stream.indirect.gather @p1 [spmem:s3], $0x10, s8, s5, $0xb8;
	[tilespmem:$0x1E1B0] =	vst v63  }
0x299: {  	_ =	swait.ge @p1 [sflag:s7], $0x1900  }
0x29a: {  	s11 =	simm.s32 @p1 $0xE420;
	[sflag:s7] =	ssyncset.done @p1 $0x0  }
0x29b: {  	s9 =	sadd.s32 @p1 $0x960, s1;
	[sflag:s7] =	ssyncadd.s32 @p1 $0xFFFFE700;
	s7 =	simm.s32 @p1 $0x10  }
0x29c: {  	[tilespmem:s11], [sflag:$0x7] =	stream.indirect.gather @p1 [spmem:s3], $0x10, s9, s5, $0xb8;
	[tilespmem:$0x1E1B0] =	vst v63  }
0x29d: {  	_ =	swait.ge @p1 [sflag:s7], $0x1900  }
0x29e: {  	[sflag:s7] =	ssyncset.done @p1 $0x0  }
0x29f: {  	s5 =	sadd.s32 @!p1 $0x640, s1;
	s11 =	simm.s32 @!p1 $0xB220;
	[sflag:s7] =	ssyncadd.s32 @p1 $0xFFFFE700  }
0x2a0: {  	[tilespmem:s11], [sflag:$0x5] =	stream.indirect.gather @!p1 [spmem:s3], $0x10, s5, s6, $0xb8;
	[tilespmem:$0x1E1B0] =	vst v63  }
0x2a1: {  	s7 =	sadd.s32 @!p1 $0x7D0, s1;
	s11 =	simm.s32 @!p1 $0xCB20  }
0x2a2: {  	[tilespmem:s11], [sflag:$0x6] =	stream.indirect.gather @!p1 [spmem:s3], $0x10, s7, s6, $0xb8;
	[tilespmem:$0x1E1B0] =	vst v63  }
0x2a3: {  	s20 =	simm.s32 @!p1 $0xE420;
	s11 =	sadd.s32 @!p1 $0x960, s1  }
0x2a4: {  	[tilespmem:s20], [sflag:$0x7] =	stream.indirect.gather @!p1 [spmem:s3], $0x10, s11, s6, $0xb8;
	[tilespmem:$0x1E1B0] =	vst v63  }
0x2a5: {  	s30 =	sadd.s32 $0xAF0, s1  }
0x2a6: {  	[tilespmem:s24], [sflag:$0x8] =	stream.indirect.gather [spmem:s3], $0x10, s30, s0, $0xb8;
	[tilespmem:$0x1E1B0] =	vst v63  }
0x2a7: {  	_ =	swait.ge [sflag:s25], $0x1900  }
0x2a8: {  	s5 =	smov.u32 @p1 s4;
	[sflag:s25] =	ssyncset.done $0x0  }
0x2a9: {  	s4 =	sadd.s32 $0x2710, s5;
	s31 =	rddreg [dreg:$0x7];
	[sflag:s25] =	ssyncadd.s32 $0xFFFFE700  }
0x2aa: {  	[spmem:s2] =	stream.indirect.scatter.add.f32 [tilespmem:s31], [sflag:$0xD], $0x10, s4, s0, $0xb8;
	[tilespmem:$0x1E1B0] =	vst v63  }
0x2ab: {  	_ =	swait.ge [sflag:s17], $0x1900  }
0x2ac: {  	s7 =	smov.u32 @p1 s8;
	[sflag:s17] =	ssyncset.done $0x0  }
0x2ad: {  	s13 =	sadd.s32 $0x2710, s7;
	s6 =	rddreg [dreg:$0x8];
	[sflag:s17] =	ssyncadd.s32 $0xFFFFE700  }
0x2ae: {  	[spmem:s2] =	stream.indirect.scatter.add.f32 [tilespmem:s6], [sflag:$0xE], $0x10, s13, s0, $0xb8;
	[tilespmem:$0x1E1B0] =	vst v63  }
0x2af: {  	_ =	swait.ge [sflag:s18], $0x1900  }
0x2b0: {  	s11 =	smov.u32 @p1 s9;
	[sflag:s18] =	ssyncset.done $0x0  }
0x2b1: {  	s15 =	sadd.s32 $0x2710, s11;
	s14 =	rddreg [dreg:$0x9];
	[sflag:s18] =	ssyncadd.s32 $0xFFFFE700  }
0x2b2: {  	[spmem:s2] =	stream.indirect.scatter.add.f32 [tilespmem:s14], [sflag:$0xF], $0x10, s15, s0, $0xb8;
	[tilespmem:$0x1E1B0] =	vst v63  }
0x2b3: {  	_ =	swait.ge [sflag:s19], $0x1900  }
0x2b4: {  	[sflag:s19] =	ssyncset.done $0x0  }
0x2b5: {  	s1 =	sadd.s32 $0x3200, s1;
	s20 =	simm.s32 $0x9;
	[sflag:s19] =	ssyncadd.s32 $0xFFFFE700  }
0x2b6: {  	[spmem:s2] =	stream.indirect.scatter.add.f32 [tilespmem:s24], [sflag:$0x10], $0x10, s1, s0, $0xb8;
	[tilespmem:$0x1E1B0] =	vst v63  }
0x2b7: {  	_ =	swait.ge [sflag:s20], $0x1900  }
0x2b8: {  	[sflag:s20] =	ssyncset.done $0x0  }
0x2b9: {  	s21 =	simm.s32 $0xA;
	[sflag:s20] =	ssyncadd.s32 $0xFFFFE700  }
0x2ba: {  	_ =	swait.ge [sflag:s21], $0x1900  }
0x2bb: {  	[sflag:s21] =	ssyncset.done $0x0  }
0x2bc: {  	s22 =	simm.s32 $0xB;
	[sflag:s21] =	ssyncadd.s32 $0xFFFFE700  }
0x2bd: {  	_ =	swait.ge [sflag:s22], $0x1900  }
0x2be: {  	[sflag:s22] =	ssyncset.done $0x0  }
0x2bf: {  	s23 =	simm.s32 $0xC;
	[sflag:s22] =	ssyncadd.s32 $0xFFFFE700  }
0x2c0: {  	_ =	swait.ge [sflag:s23], $0x1900  }
0x2c1: {  	[sflag:s23] =	ssyncset.done $0x0  }
0x2c2: {  	s26 =	simm.s32 $0xD;
	[sflag:s23] =	ssyncadd.s32 $0xFFFFE700  }
0x2c3: {  	_ =	swait.ge [sflag:s26], $0x1900  }
0x2c4: {  	[sflag:s26] =	ssyncset.done $0x0  }
0x2c5: {  	s28 =	simm.s32 $0xE;
	[sflag:s26] =	ssyncadd.s32 $0xFFFFE700  }
0x2c6: {  	_ =	swait.ge [sflag:s28], $0x1900  }
0x2c7: {  	[sflag:s28] =	ssyncset.done $0x0  }
0x2c8: {  	s29 =	simm.s32 $0xF;
	[sflag:s28] =	ssyncadd.s32 $0xFFFFE700  }
0x2c9: {  	_ =	swait.ge [sflag:s29], $0x1900  }
0x2ca: {  	[sflag:s29] =	ssyncset.done $0x0  }
0x2cb: {  	s30 =	simm.s32 $0x10;
	[sflag:s29] =	ssyncadd.s32 $0xFFFFE700  }
0x2cc: {  	_ =	swait.ge [sflag:s30], $0x1900  }
0x2cd: {  	[sflag:s30] =	ssyncset.done $0x0  }
0x2ce: {  	s6 =	simm.s32 $0x2580;
	[sflag:s30] =	ssyncadd.s32 $0xFFFFE700  }
0x2cf: {  	[tilespmem:s10], [sflag:$0x1] =	stream.indirect.gather [spmem:s3], $0x10, s6, s0, $0xb8;
	[tilespmem:$0x1E1B0] =	vst v63  }
0x2d0: {  	_ =	swait.ge [sflag:s12], $0x1900  }
0x2d1: {  	[sflag:s12] =	ssyncset.done $0x0  }
0x2d2: {  	s7 =	simm.s32 $0x4C90;
	s9 =	simm.s32 $0x12;
	[sflag:s12] =	ssyncadd.s32 $0xFFFFE700  }
0x2d3: {  	[spmem:s2] =	stream.indirect.scatter.add.f32 [tilespmem:s10], [sflag:$0x12], $0x10, s7, s0, $0xb8;
	[tilespmem:$0x1E1B0] =	vst v63  }
0x2d4: {  	_ =	swait.ge [sflag:s9], $0x1900  }
0x2d5: {  	[sflag:s9] =	ssyncset.done $0x0  }
0x2d6: {  	[sflag:s9] =	ssyncadd.s32 $0xFFFFE700  }
0x2d7: {  	[bflag:$0x0] =	sbarrier.arrive $0xFFFF  }
0x2d8: {  	s8 =	sld [smem:$0x7FD];
	_ =	sdelay $0x1  }
0x2d9: {  	s31 =	simm.s32 $0x154A0  }
0x2da: {  	[tilespmem:s31], [sflag:$0x12] =	stream.linear.gather [spmem:s8], $0x2780, $0x38;
	[tilespmem:$0x1E1B0] =	vst v63  }
0x2db: {  	_ =	swait.ge [sflag:s9], $0x2780  }
0x2dc: {  	[sflag:s9] =	ssyncset.done $0x0  }
0x2dd: {  	s1 =	simm.s32 $0x0;
	[sflag:s9] =	ssyncadd.s32 $0xFFFFD880  }
0x2de: {  	v3 =	vld [tilespmem:s1+$0x15510]  }
0x2df: {  	v4 =	vld [tilespmem:s1+$0x154A0]  }
0x2e0: {  	v5 =	vld [tilespmem:s1+$0x154B0]  }
0x2e1: {  	v2 =	vld [tilespmem:s1+$0x154C0]  }
0x2e2: {  	v0 =	vld [tilespmem:s1+$0x154D0]  }
0x2e3: {  	s5 =	simm.s32 $0x400;
	s4 =	simm.s32 $0x80;
	v1 =	vld [tilespmem:s1+$0x154E0];
	[tilespmem:s1+$0x11690] =	vst v3  }
0x2e4: {  	s13 =	simm.s32 $0x3;
	s15 =	simm.s32 $0x4E20;
	s14 =	simm.s32 $0x4;
	[tilespmem:s1+$0x11620] =	vst v4;
	v3 =	vld [tilespmem:s1+$0x154F0]  }
0x2e5: {  	s20 =	simm.s32 $0x9920;
	s12 =	simm.s32 $0x2;
	s10 =	simm.s32 $0x1;
	[tilespmem:s1+$0x11630] =	vst v5;
	v4 =	vld [tilespmem:s1+$0x15500]  }
.LBB2_8:
0x2e6: {  	p1 =	sne.s32 s5, $0x9C00;
	v5 =	vld [tilespmem:s4+$0x15510];
	[tilespmem:s1+$0x11640] =	vst v2  }
0x2e7: {  	v6 =	vld [tilespmem:s4+$0x154A0];
	[tilespmem:s1+$0x11650] =	vst v0  }
0x2e8: {  	v7 =	vld [tilespmem:s4+$0x154B0];
	[tilespmem:s1+$0x11660] =	vst v1  }
.Ltmp3:
0x2e9: {  	v2 =	vld [tilespmem:s4+$0x154C0];
	[tilespmem:s1+$0x11670] =	vst v3;
	(pc) =	sbr.rel @p1 .LBB2_8-.Ltmp3, $4  }
0x2ea: {  	v0 =	vld [tilespmem:s4+$0x154D0];
	[tilespmem:s1+$0x11680] =	vst v4;
	s1 =	smov.u32 s4  }
0x2eb: {  	v1 =	vld [tilespmem:s1+$0x154E0];
	[tilespmem:s1+$0x11690] =	vst v5  }
0x2ec: {  	[tilespmem:s1+$0x11620] =	vst v6;
	v3 =	vld [tilespmem:s1+$0x154F0]  }
0x2ed: {  	s4 =	sshra.s32 s5, $0x2;
	s5 =	sadd.s32 $0x200, s5;
	[tilespmem:s1+$0x11630] =	vst v7;
	v4 =	vld [tilespmem:s1+$0x15500]  }
0x2ee: {  	v5 =	vld [tilespmem:s4+$0x15510];
	[tilespmem:s1+$0x11640] =	vst v2  }
0x2ef: {  	v2 =	vld [tilespmem:s4+$0x154A0];
	[tilespmem:s1+$0x11650] =	vst v0  }
0x2f0: {  	v0 =	vld [tilespmem:s4+$0x154B0];
	[tilespmem:s1+$0x11660] =	vst v1  }
0x2f1: {  	v1 =	vld [tilespmem:s4+$0x154C0];
	[tilespmem:s1+$0x11670] =	vst v3  }
0x2f2: {  	v3 =	vld [tilespmem:s4+$0x154D0];
	[tilespmem:s1+$0x11680] =	vst v4  }
0x2f3: {  	v4 =	vld [tilespmem:s4+$0x154E0];
	[tilespmem:s4+$0x11690] =	vst v5  }
0x2f4: {  	v62 =	vld [tilespmem:s4+$0x154F0];
	[tilespmem:s4+$0x11620] =	vst v2  }
0x2f5: {  	v63 =	vld [tilespmem:s4+$0x15500];
	[tilespmem:s4+$0x11630] =	vst v0  }
0x2f6: {  	[tilespmem:s4+$0x11640] =	vst v1  }
0x2f7: {  	[tilespmem:s4+$0x11650] =	vst v3  }
0x2f8: {  	s28 =	sld [smem:$0x7FB];
	[tilespmem:s4+$0x11660] =	vst v4  }
0x2f9: {  	[tilespmem:s4+$0x11670] =	vst v62  }
0x2fa: {  	s11 =	simm.s32 $0x0;
	s29 =	simm.s32 $0x11620;
	[tilespmem:s4+$0x11680] =	vst v63  }
0x2fb: {  	[hbm4b:s28+s11] =	stream.linear.scatter [tilespmem:s29], [sflag:$0x12], $0x2780, $0x38;
	[tilespmem:$0x1E1B0] =	vst v63  }
0x2fc: {  	_ =	swait.ge [sflag:s9], $0x2780  }
0x2fd: {  	s30 =	sld [smem:$0x7DA]  }
0x2fe: {  	s31 =	sld [smem:$0x7FC];
	_ =	sdelay $0x1  }
0x2ff: {  	s4 =	sadd.s32 $0x1, s30  }
0x300: {  	p1 =	sne.s32 s4, s31  }
.Ltmp4:
0x301: {  	_ = 	snop;
	(pc) =	sbr.rel @p1 .LBB2_1-.Ltmp4, $3  }
0x302: {  	_ =	sdelay $0x1  }
0x303: {  	[sflag:s9] =	ssyncset.done $0x0  }
0x304: {  	[sflag:s9] =	ssyncadd.s32 $0xFFFFD880  }
0x305: {  	_ =	sfence.sel $0x180000  }
0x306: {  	[bflag:$0x0] =	sbarrier.arrive $0xFFFF  }
0x307: {  	_ =	strace $0x90000047  }
0x308: {  	s0 =	stileid.u32;
	[bflag:$0x2] =	sbarrier.arrive $0xFFFF  }
0x309: {  	p0 =	sne.s32 s0, $0x0;
	s0 =	rddreg [dreg:$0x4]  }
0x30a: {  	s0 =	sadd.s32 @!p0 $0x100000, s0  }
0x30b: {  	[sflag:s0] =	ssyncadd.tile.s32 @!p0 $0x1;
	_ =	shalt  }
.Lfunc_end2:
_tile_overlayer_lowered:
.L_overlay_start_2:
0x30c: {  	(tag) =	ssettag $0x2  }
0x30d: {  	s0 =	rddreg [dreg:$0x0];
	s2 =	stileid.u32  }
0x30e: {  	s1 =	rddreg [dreg:$0x1];
	p0 =	sne.s32 s2, $0x0  }
0x30f: {  	s3 =	rddreg [dreg:$0x2];
	[bflag:$0x3] =	sbarrier.arrive $0xFFFF;
	s2 =	simm.s32 @!p0 $0x1C12  }
0x310: {  	[timem:s3], [sflag:s2] =	dma.local @!p0 [hbm:s0], s1  }
0x311: {  	s0 =	simm.s32 @!p0 $0x12  }
0x312: {  	_ =	swait.ge @!p0 [sflag:s0], s1  }
0x313: {  	s1 =	ssub.s32 @!p0 $0x0, s1;
	[sflag:s0] =	ssyncset.done @!p0 $0x0  }
0x314: {  	[sflag:s0] =	ssyncadd.s32 @!p0 s1  }
0x315: {  	[bflag:$0x3] =	sbarrier.arrive $0xFFFF  }
0x316: {  	_ =	shalt  }

</sc_bundles>
